<compile_context>
chip_gen: v7x
topology: tpu7x:2x2x1
jax: 0.10.2.dev20260603
libtpu: 0.0.44.dev20260713+nightly
codegen_flags: <defaults>
</compile_context>

<pallas_src>
import functools

import jax
import jax.numpy as jnp
from jax import lax
from jax.experimental import pallas as pl
from jax.experimental.pallas import tpu as pltpu
from jax.experimental.pallas import tpu_sc as plsc

_N = 10000
_E = 320000
_D = 128
_NP = 10240
_EP = 327680
_ER = _EP // 128
_CT = _ER // 16
_IC = 32
_IC2 = 32
_NT = _NP // 16 // 128
_RB = 1280
_GRID = _NP // _RB

_mesh = plsc.VectorSubcoreMesh(core_axis_name="c", subcore_axis_name="s")


@functools.partial(
    pl.kernel,
    mesh=_mesh,
    out_type=jax.ShapeDtypeStruct((2, _NP, 128), jnp.float32),
    scratch_types=[
        pltpu.VMEM((_IC, 128), jnp.int32),
        pltpu.VMEM((128, 128), jnp.float32),
        pltpu.VMEM((128, 128), jnp.float32),
        pltpu.VMEM_SHARED((_NP, 128), jnp.float32),
    ],
)
def _sc_degrees(eidx_hbm, ones_hbm, zeros_hbm, deg_hbm,
                sidx, ones_v, tmp, acc):
    core = lax.axis_index("c")
    sub = lax.axis_index("s")
    nrow0 = sub * (_NT * 128)
    erow0 = sub * _CT

    pltpu.sync_copy(zeros_hbm, tmp)
    for k in range(_NT):
        pltpu.sync_copy(tmp, acc.at[pl.ds(nrow0 + k * 128, 128)])
    pltpu.sync_copy(ones_hbm, ones_v)

    plsc.subcore_barrier()

    for m in range(_CT // _IC):
        pltpu.sync_copy(
            eidx_hbm.at[core].at[pl.ds(erow0 + m * _IC, _IC)], sidx)

        def body(j, carry):
            pltpu.sync_copy(ones_v, acc.at[sidx.at[j]], add=True)
            return carry

        lax.fori_loop(0, _IC, body, 0)

    plsc.subcore_barrier()

    for k in range(_NT):
        pltpu.sync_copy(acc.at[pl.ds(nrow0 + k * 128, 128)], tmp)
        pltpu.sync_copy(
            tmp, deg_hbm.at[core].at[pl.ds(nrow0 + k * 128, 128)])


@functools.partial(
    pl.kernel,
    mesh=_mesh,
    out_type=jax.ShapeDtypeStruct((2, _NP, 128), jnp.float32),
    scratch_types=[
        pltpu.VMEM((_IC2, 128), jnp.int32),
        pltpu.VMEM((_IC2, 128), jnp.int32),
        pltpu.VMEM((128, 128), jnp.float32),
        pltpu.VMEM((128, 128), jnp.float32),
        pltpu.VMEM_SHARED((_NP, 128), jnp.float32),
        pltpu.SemaphoreType.DMA,
        pltpu.SemaphoreType.DMA,
    ],
)
def _sc_segsum(s2_hbm, gidx_hbm, sidx_hbm, zeros_hbm, tx_hbm,
               ga, sc, buf_a, buf_b, acc, sem, sem_b):
    core = lax.axis_index("c")
    sub = lax.axis_index("s")
    nrow0 = sub * (_NT * 128)
    erow0 = sub * _CT

    pltpu.sync_copy(zeros_hbm, buf_a)
    for k in range(_NT):
        pltpu.sync_copy(buf_a, acc.at[pl.ds(nrow0 + k * 128, 128)])

    plsc.subcore_barrier()

    for m in range(_CT // _IC2):
        pltpu.sync_copy(
            gidx_hbm.at[core].at[pl.ds(erow0 + m * _IC2, _IC2)], ga)
        pltpu.sync_copy(
            sidx_hbm.at[core].at[pl.ds(erow0 + m * _IC2, _IC2)], sc)

        pltpu.async_copy(s2_hbm.at[ga.at[0]], buf_a, sem)

        def body(t, carry):
            j = 2 * t
            pltpu.make_async_copy(s2_hbm.at[ga.at[j]], buf_a, sem).wait()
            pltpu.async_copy(s2_hbm.at[ga.at[j + 1]], buf_b, sem_b)
            pltpu.sync_copy(buf_a, acc.at[sc.at[j]], add=True)
            pltpu.make_async_copy(
                s2_hbm.at[ga.at[j + 1]], buf_b, sem_b).wait()
            pltpu.async_copy(s2_hbm.at[ga.at[j + 2]], buf_a, sem)
            pltpu.sync_copy(buf_b, acc.at[sc.at[j + 1]], add=True)
            return carry
        lax.fori_loop(0, _IC2 // 2 - 1, body, 0)

        jl = _IC2 - 2
        pltpu.make_async_copy(s2_hbm.at[ga.at[jl]], buf_a, sem).wait()
        pltpu.async_copy(s2_hbm.at[ga.at[jl + 1]], buf_b, sem_b)
        pltpu.sync_copy(buf_a, acc.at[sc.at[jl]], add=True)
        pltpu.make_async_copy(s2_hbm.at[ga.at[jl + 1]], buf_b, sem_b).wait()
        pltpu.sync_copy(buf_b, acc.at[sc.at[jl + 1]], add=True)

    plsc.subcore_barrier()

    for k in range(_NT):
        pltpu.sync_copy(acc.at[pl.ds(nrow0 + k * 128, 128)], buf_a)
        pltpu.sync_copy(
            buf_a, tx_hbm.at[core].at[pl.ds(nrow0 + k * 128, 128)])


def _tc_scale_body(x_ref, deg_ref, s_ref):
    x = x_ref[...]
    s_ref[0] = x / deg_ref[0, :, 0:1]
    s_ref[1] = x / deg_ref[1, :, 0:1]


def _tc_scale(x_pad, deg):
    return pl.pallas_call(
        _tc_scale_body,
        grid=(_GRID,),
        in_specs=[
            pl.BlockSpec((_RB, 128), lambda i: (i, 0)),
            pl.BlockSpec((2, _RB, 128), lambda i: (0, i, 0)),
        ],
        out_specs=pl.BlockSpec((2, _RB, 128), lambda i: (0, i, 0)),
        out_shape=jax.ShapeDtypeStruct((2, _NP, 128), jnp.float32),
    )(x_pad, deg)


def _tc_gate_body(o_ref, tx_ref, wz_ref, wh_ref, bz_ref, bh_ref,
                  deg_ref, h_ref, s_ref):
    x3 = jnp.concatenate([o_ref[...], tx_ref[0], tx_ref[1]], axis=1)
    zlin = jnp.dot(x3, wz_ref[...], preferred_element_type=jnp.float32)
    hlin = jnp.dot(x3, wh_ref[...], preferred_element_type=jnp.float32)
    z = jax.nn.sigmoid(zlin + bz_ref[...])
    ht = jnp.tanh(hlin + bh_ref[...])
    h = (1.0 - z) * ht
    h_ref[...] = h
    s_ref[0] = h / deg_ref[0, :, 0:1]
    s_ref[1] = h / deg_ref[1, :, 0:1]


def _tc_gate(o, tx, wz, wh, bz, bh, deg):
    return pl.pallas_call(
        _tc_gate_body,
        grid=(_GRID,),
        in_specs=[
            pl.BlockSpec((_RB, 128), lambda i: (i, 0)),
            pl.BlockSpec((2, _RB, 128), lambda i: (0, i, 0)),
            pl.BlockSpec((384, 128), lambda i: (0, 0)),
            pl.BlockSpec((384, 128), lambda i: (0, 0)),
            pl.BlockSpec((1, 128), lambda i: (0, 0)),
            pl.BlockSpec((1, 128), lambda i: (0, 0)),
            pl.BlockSpec((2, _RB, 128), lambda i: (0, i, 0)),
        ],
        out_specs=[
            pl.BlockSpec((_RB, 128), lambda i: (i, 0)),
            pl.BlockSpec((2, _RB, 128), lambda i: (0, i, 0)),
        ],
        out_shape=[
            jax.ShapeDtypeStruct((_NP, 128), jnp.float32),
            jax.ShapeDtypeStruct((2, _NP, 128), jnp.float32),
        ],
    )(o, tx, wz, wh, bz, bh, deg)


def kernel(x, edge_index, Wz, Wr, Wh, bz, br, bh):
    del Wr, br
    src = edge_index[0]
    dst = edge_index[1]
    pad = jnp.full((_EP - _E,), _N, dtype=jnp.int32)
    src2d = jnp.concatenate([src, pad]).reshape(_ER, 128)
    dst2d = jnp.concatenate([dst, pad]).reshape(_ER, 128)
    eidx = jnp.stack([src2d, dst2d])
    gidx = jnp.stack([src2d, dst2d + _NP])
    sidx = jnp.stack([dst2d, src2d])
    x_pad = jnp.concatenate(
        [x, jnp.zeros((_NP - _N, _D), dtype=jnp.float32)], axis=0)
    ones128 = jnp.ones((128, 128), dtype=jnp.float32)
    zeros128 = jnp.zeros((128, 128), dtype=jnp.float32)

    def wcat(W, l):
        return jnp.concatenate(
            [W[l, 0, 0, :_D] + W[l, 1, 0, :_D], W[l, 0, 1, :_D],
             W[l, 1, 1, :_D]], axis=0)

    deg = _sc_degrees(eidx, ones128, zeros128)

    out = x_pad
    s2 = _tc_scale(x_pad, deg)
    hs = []
    for l in range(2):
        tx = _sc_segsum(s2.reshape(2 * _NP, 128), gidx, sidx, zeros128)
        out, s2 = _tc_gate(out, tx, wcat(Wz, l), wcat(Wh, l),
                           bz[l].reshape(1, 128), bh[l].reshape(1, 128),
                           deg)
        hs.append(out[:_N])
    return jnp.stack(hs)

# --- scband reference (transcript-rebuilt; emitter-appended) ---
"""Pipeline reference for scband-dcrnn-67319317397931 (READ-ONLY COPY).

The authoritative reference and input builder live on the scoring server;
editing this copy changes nothing except your own understanding.
"""

import jax, jax.numpy as jnp
import numpy as np

N = 10000
E = 320000
D = 128
HID = 128
L = 2
K = 2


def setup_inputs(seed: int = 0) -> dict:
    key = jax.random.key(seed)
    ks = jax.random.split(key, 10)
    x = jax.random.normal(ks[0], (N, D), dtype=jnp.float32)
    edge_index = jax.random.randint(ks[1], (2, E), 0, N, dtype=jnp.int32)
    # DCRNN cell params: 3 diffusion convs (z, r, h) per layer.
    # Each DConv weight: [2 directions, K, in_channels+out_channels, out_channels]
    Wz = jax.random.normal(ks[2], (L, 2, K, D + HID, HID), dtype=jnp.float32) * 0.05
    Wr = jax.random.normal(ks[3], (L, 2, K, D + HID, HID), dtype=jnp.float32) * 0.05
    Wh = jax.random.normal(ks[4], (L, 2, K, D + HID, HID), dtype=jnp.float32) * 0.05
    bz = jax.random.normal(ks[5], (L, HID), dtype=jnp.float32) * 0.05
    br = jax.random.normal(ks[6], (L, HID), dtype=jnp.float32) * 0.05
    bh = jax.random.normal(ks[7], (L, HID), dtype=jnp.float32) * 0.05
    return {"x": x, "edge_index": edge_index, "Wz": Wz, "Wr": Wr, "Wh": Wh,
            "bz": bz, "br": br, "bh": bh}


def _dconv(X, W, b, src, dst, deg_out_inv, deg_in_inv):
    # Bidirectional diffusion convolution (K hops, out- and in- transition matrices)
    H = X @ W[0, 0] + X @ W[1, 0]
    Tx_o = X
    Tx_i = X
    for k in range(1, K):
        # out-direction: D_O^{-1} normalization at source, scatter-add to dst
        Tx_o = jax.ops.segment_sum(deg_out_inv[src][:, None] * Tx_o[src], dst, num_segments=N)
        # in-direction: D_I^{-1} normalization at dst, scatter-add to src (reversed edges)
        Tx_i = jax.ops.segment_sum(deg_in_inv[dst][:, None] * Tx_i[dst], src, num_segments=N)
        H = H + Tx_o @ W[0, k] + Tx_i @ W[1, k]
    return H + b


def reference(x, edge_index, Wz, Wr, Wh, bz, br, bh):
    src = edge_index[0]
    dst = edge_index[1]
    ones_e = jnp.ones((E,), dtype=jnp.float32)  # weight_matrix=None -> unit edge weights
    deg_out = jax.ops.segment_sum(ones_e, src, num_segments=N)
    deg_in = jax.ops.segment_sum(ones_e, dst, num_segments=N)
    deg_out_inv = 1.0 / deg_out
    deg_in_inv = 1.0 / deg_in
    out = x
    hidden_states = []
    for l in range(L):
        Hst = jnp.zeros((N, HID), dtype=jnp.float32)  # hidden_state=None -> zeros
        Z = jax.nn.sigmoid(_dconv(jnp.concatenate([out, Hst], axis=1), Wz[l], bz[l], src, dst, deg_out_inv, deg_in_inv))
        R = jax.nn.sigmoid(_dconv(jnp.concatenate([out, Hst], axis=1), Wr[l], br[l], src, dst, deg_out_inv, deg_in_inv))
        H_tilde = jnp.tanh(_dconv(jnp.concatenate([out, Hst * R], axis=1), Wh[l], bh[l], src, dst, deg_out_inv, deg_in_inv))
        Hnew = Z * Hst + (1.0 - Z) * H_tilde
        hidden_states.append(Hnew)
        out = Hnew
    return jnp.stack(hidden_states)

if __name__ == "__main__":
    import jax
    _d = setup_inputs()
    print(jax.jit(kernel)(*tuple(_d.values())))

</pallas_src>

<mosaic_0001>
#map = affine_map<(d0, d1) -> (0, 0)>
#map1 = affine_map<(d0, d1) -> (0, 0, 0)>
module attributes {stable_mosaic.version = 14 : i64} {
  func.func @_sc_segsum(%arg0: i32, %arg1: i32, %arg2: memref<20480x128xf32, #tpu.memory_space<hbm>>, %arg3: memref<2x2560x128xi32, #tpu.memory_space<hbm>>, %arg4: memref<2x2560x128xi32, #tpu.memory_space<hbm>>, %arg5: memref<128x128xf32, #tpu.memory_space<hbm>>, %arg6: memref<2x10240x128xf32, #tpu.memory_space<hbm>>, %arg7: memref<32x128xi32, #tpu.memory_space<vmem>>, %arg8: memref<32x128xi32, #tpu.memory_space<vmem>>, %arg9: memref<128x128xf32, #tpu.memory_space<vmem>>, %arg10: memref<128x128xf32, #tpu.memory_space<vmem>>, %arg11: memref<10240x128xf32, #tpu.memory_space<vmem_shared>>, %arg12: memref<!tpu.dma_semaphore, #tpu.memory_space<semaphore_mem>>, %arg13: memref<!tpu.dma_semaphore, #tpu.memory_space<semaphore_mem>>) attributes {dimension_semantics = [#tpu.dimension_semantics<core_parallel>, #tpu.dimension_semantics<subcore_parallel>], iteration_bounds = array<i64: 2, 16>, scalar_prefetch = 0 : i64, scratch_operands = 7 : i64, tpu.core_type = #tpu.core_type<sc_vector_subcore>, window_params = [{transform_indices = #map}, {transform_indices = #map1}, {transform_indices = #map1}, {transform_indices = #map}, {transform_indices = #map1}]} {
    %mul3A = arith.constant 640 : i32
    %mul3A_0 = arith.muli %arg1, %mul3A : i32
    %mul3A_1 = arith.constant 160 : i32
    %mul3A_2 = arith.muli %arg1, %mul3A_1 : i32
    "tpu.region"() ({
      %run_scoped3A_229 = tpu.sem_alloc : memref<!tpu.dma_semaphore, #tpu.memory_space<semaphore_mem>>
      tpu.enqueue_dma source(%arg5 : memref<128x128xf32, #tpu.memory_space<hbm>>) target(%arg9 : memref<128x128xf32, #tpu.memory_space<vmem>>) target_semaphore(%run_scoped3A_229 : memref<!tpu.dma_semaphore, #tpu.memory_space<semaphore_mem>>)
      tpu.wait_dma2 semaphore(%run_scoped3A_229 : memref<!tpu.dma_semaphore, #tpu.memory_space<semaphore_mem>>) src(%arg5 : memref<128x128xf32, #tpu.memory_space<hbm>>) dst(%arg9 : memref<128x128xf32, #tpu.memory_space<vmem>>)
      tpu.yield
    }) : () -> ()
    %add3A = arith.constant 0 : i32
    %add3A_3 = arith.addi %mul3A_0, %add3A : i32
    "tpu.region"() ({
      %run_scoped3A_229 = tpu.sem_alloc : memref<!tpu.dma_semaphore, #tpu.memory_space<semaphore_mem>>
      %dma_start3A_230 = arith.constant 0 : i32
      %dma_start3A_231 = tpu.memref_slice %arg11[%add3A_3, %dma_start3A_230] : memref<10240x128xf32, #tpu.memory_space<vmem_shared>> -> memref<128x128xf32, #tpu.memory_space<vmem_shared>>
      %dma_start3A_232 = arith.constant 0 : i32
      %dma_start3A_233 = tpu.memref_slice %arg11[%add3A_3, %dma_start3A_232] : memref<10240x128xf32, #tpu.memory_space<vmem_shared>> -> memref<128x128xf32, #tpu.memory_space<vmem_shared>>
      tpu.enqueue_dma source(%arg9 : memref<128x128xf32, #tpu.memory_space<vmem>>) target(%dma_start3A_233 : memref<128x128xf32, #tpu.memory_space<vmem_shared>>) target_semaphore(%run_scoped3A_229 : memref<!tpu.dma_semaphore, #tpu.memory_space<semaphore_mem>>)
      %dma_wait3A_234 = arith.constant 0 : i32
      %dma_wait3A_235 = tpu.memref_slice %arg11[%add3A_3, %dma_wait3A_234] : memref<10240x128xf32, #tpu.memory_space<vmem_shared>> -> memref<128x128xf32, #tpu.memory_space<vmem_shared>>
      %dma_wait3A_236 = arith.constant 0 : i32
      %dma_wait3A_237 = tpu.memref_slice %arg11[%add3A_3, %dma_wait3A_236] : memref<10240x128xf32, #tpu.memory_space<vmem_shared>> -> memref<128x128xf32, #tpu.memory_space<vmem_shared>>
      tpu.wait_dma2 semaphore(%run_scoped3A_229 : memref<!tpu.dma_semaphore, #tpu.memory_space<semaphore_mem>>) src(%arg9 : memref<128x128xf32, #tpu.memory_space<vmem>>) dst(%dma_wait3A_237 : memref<128x128xf32, #tpu.memory_space<vmem_shared>>)
      tpu.yield
    }) : () -> ()
    %add3A_4 = arith.constant 128 : i32
    %add3A_5 = arith.addi %mul3A_0, %add3A_4 : i32
    "tpu.region"() ({
      %run_scoped3A_229 = tpu.sem_alloc : memref<!tpu.dma_semaphore, #tpu.memory_space<semaphore_mem>>
      %dma_start3A_230 = arith.constant 0 : i32
      %dma_start3A_231 = tpu.memref_slice %arg11[%add3A_5, %dma_start3A_230] : memref<10240x128xf32, #tpu.memory_space<vmem_shared>> -> memref<128x128xf32, #tpu.memory_space<vmem_shared>>
      %dma_start3A_232 = arith.constant 0 : i32
      %dma_start3A_233 = tpu.memref_slice %arg11[%add3A_5, %dma_start3A_232] : memref<10240x128xf32, #tpu.memory_space<vmem_shared>> -> memref<128x128xf32, #tpu.memory_space<vmem_shared>>
      tpu.enqueue_dma source(%arg9 : memref<128x128xf32, #tpu.memory_space<vmem>>) target(%dma_start3A_233 : memref<128x128xf32, #tpu.memory_space<vmem_shared>>) target_semaphore(%run_scoped3A_229 : memref<!tpu.dma_semaphore, #tpu.memory_space<semaphore_mem>>)
      %dma_wait3A_234 = arith.constant 0 : i32
      %dma_wait3A_235 = tpu.memref_slice %arg11[%add3A_5, %dma_wait3A_234] : memref<10240x128xf32, #tpu.memory_space<vmem_shared>> -> memref<128x128xf32, #tpu.memory_space<vmem_shared>>
      %dma_wait3A_236 = arith.constant 0 : i32
      %dma_wait3A_237 = tpu.memref_slice %arg11[%add3A_5, %dma_wait3A_236] : memref<10240x128xf32, #tpu.memory_space<vmem_shared>> -> memref<128x128xf32, #tpu.memory_space<vmem_shared>>
      tpu.wait_dma2 semaphore(%run_scoped3A_229 : memref<!tpu.dma_semaphore, #tpu.memory_space<semaphore_mem>>) src(%arg9 : memref<128x128xf32, #tpu.memory_space<vmem>>) dst(%dma_wait3A_237 : memref<128x128xf32, #tpu.memory_space<vmem_shared>>)
      tpu.yield
    }) : () -> ()
    %add3A_6 = arith.constant 256 : i32
    %add3A_7 = arith.addi %mul3A_0, %add3A_6 : i32
    "tpu.region"() ({
      %run_scoped3A_229 = tpu.sem_alloc : memref<!tpu.dma_semaphore, #tpu.memory_space<semaphore_mem>>
      %dma_start3A_230 = arith.constant 0 : i32
      %dma_start3A_231 = tpu.memref_slice %arg11[%add3A_7, %dma_start3A_230] : memref<10240x128xf32, #tpu.memory_space<vmem_shared>> -> memref<128x128xf32, #tpu.memory_space<vmem_shared>>
      %dma_start3A_232 = arith.constant 0 : i32
      %dma_start3A_233 = tpu.memref_slice %arg11[%add3A_7, %dma_start3A_232] : memref<10240x128xf32, #tpu.memory_space<vmem_shared>> -> memref<128x128xf32, #tpu.memory_space<vmem_shared>>
      tpu.enqueue_dma source(%arg9 : memref<128x128xf32, #tpu.memory_space<vmem>>) target(%dma_start3A_233 : memref<128x128xf32, #tpu.memory_space<vmem_shared>>) target_semaphore(%run_scoped3A_229 : memref<!tpu.dma_semaphore, #tpu.memory_space<semaphore_mem>>)
      %dma_wait3A_234 = arith.constant 0 : i32
      %dma_wait3A_235 = tpu.memref_slice %arg11[%add3A_7, %dma_wait3A_234] : memref<10240x128xf32, #tpu.memory_space<vmem_shared>> -> memref<128x128xf32, #tpu.memory_space<vmem_shared>>
      %dma_wait3A_236 = arith.constant 0 : i32
      %dma_wait3A_237 = tpu.memref_slice %arg11[%add3A_7, %dma_wait3A_236] : memref<10240x128xf32, #tpu.memory_space<vmem_shared>> -> memref<128x128xf32, #tpu.memory_space<vmem_shared>>
      tpu.wait_dma2 semaphore(%run_scoped3A_229 : memref<!tpu.dma_semaphore, #tpu.memory_space<semaphore_mem>>) src(%arg9 : memref<128x128xf32, #tpu.memory_space<vmem>>) dst(%dma_wait3A_237 : memref<128x128xf32, #tpu.memory_space<vmem_shared>>)
      tpu.yield
    }) : () -> ()
    %add3A_8 = arith.constant 384 : i32
    %add3A_9 = arith.addi %mul3A_0, %add3A_8 : i32
    "tpu.region"() ({
      %run_scoped3A_229 = tpu.sem_alloc : memref<!tpu.dma_semaphore, #tpu.memory_space<semaphore_mem>>
      %dma_start3A_230 = arith.constant 0 : i32
      %dma_start3A_231 = tpu.memref_slice %arg11[%add3A_9, %dma_start3A_230] : memref<10240x128xf32, #tpu.memory_space<vmem_shared>> -> memref<128x128xf32, #tpu.memory_space<vmem_shared>>
      %dma_start3A_232 = arith.constant 0 : i32
      %dma_start3A_233 = tpu.memref_slice %arg11[%add3A_9, %dma_start3A_232] : memref<10240x128xf32, #tpu.memory_space<vmem_shared>> -> memref<128x128xf32, #tpu.memory_space<vmem_shared>>
      tpu.enqueue_dma source(%arg9 : memref<128x128xf32, #tpu.memory_space<vmem>>) target(%dma_start3A_233 : memref<128x128xf32, #tpu.memory_space<vmem_shared>>) target_semaphore(%run_scoped3A_229 : memref<!tpu.dma_semaphore, #tpu.memory_space<semaphore_mem>>)
      %dma_wait3A_234 = arith.constant 0 : i32
      %dma_wait3A_235 = tpu.memref_slice %arg11[%add3A_9, %dma_wait3A_234] : memref<10240x128xf32, #tpu.memory_space<vmem_shared>> -> memref<128x128xf32, #tpu.memory_space<vmem_shared>>
      %dma_wait3A_236 = arith.constant 0 : i32
      %dma_wait3A_237 = tpu.memref_slice %arg11[%add3A_9, %dma_wait3A_236] : memref<10240x128xf32, #tpu.memory_space<vmem_shared>> -> memref<128x128xf32, #tpu.memory_space<vmem_shared>>
      tpu.wait_dma2 semaphore(%run_scoped3A_229 : memref<!tpu.dma_semaphore, #tpu.memory_space<semaphore_mem>>) src(%arg9 : memref<128x128xf32, #tpu.memory_space<vmem>>) dst(%dma_wait3A_237 : memref<128x128xf32, #tpu.memory_space<vmem_shared>>)
      tpu.yield
    }) : () -> ()
    %add3A_10 = arith.constant 512 : i32
    %add3A_11 = arith.addi %mul3A_0, %add3A_10 : i32
    "tpu.region"() ({
      %run_scoped3A_229 = tpu.sem_alloc : memref<!tpu.dma_semaphore, #tpu.memory_space<semaphore_mem>>
      %dma_start3A_230 = arith.constant 0 : i32
      %dma_start3A_231 = tpu.memref_slice %arg11[%add3A_11, %dma_start3A_230] : memref<10240x128xf32, #tpu.memory_space<vmem_shared>> -> memref<128x128xf32, #tpu.memory_space<vmem_shared>>
      %dma_start3A_232 = arith.constant 0 : i32
      %dma_start3A_233 = tpu.memref_slice %arg11[%add3A_11, %dma_start3A_232] : memref<10240x128xf32, #tpu.memory_space<vmem_shared>> -> memref<128x128xf32, #tpu.memory_space<vmem_shared>>
      tpu.enqueue_dma source(%arg9 : memref<128x128xf32, #tpu.memory_space<vmem>>) target(%dma_start3A_233 : memref<128x128xf32, #tpu.memory_space<vmem_shared>>) target_semaphore(%run_scoped3A_229 : memref<!tpu.dma_semaphore, #tpu.memory_space<semaphore_mem>>)
      %dma_wait3A_234 = arith.constant 0 : i32
      %dma_wait3A_235 = tpu.memref_slice %arg11[%add3A_11, %dma_wait3A_234] : memref<10240x128xf32, #tpu.memory_space<vmem_shared>> -> memref<128x128xf32, #tpu.memory_space<vmem_shared>>
      %dma_wait3A_236 = arith.constant 0 : i32
      %dma_wait3A_237 = tpu.memref_slice %arg11[%add3A_11, %dma_wait3A_236] : memref<10240x128xf32, #tpu.memory_space<vmem_shared>> -> memref<128x128xf32, #tpu.memory_space<vmem_shared>>
      tpu.wait_dma2 semaphore(%run_scoped3A_229 : memref<!tpu.dma_semaphore, #tpu.memory_space<semaphore_mem>>) src(%arg9 : memref<128x128xf32, #tpu.memory_space<vmem>>) dst(%dma_wait3A_237 : memref<128x128xf32, #tpu.memory_space<vmem_shared>>)
      tpu.yield
    }) : () -> ()
    %barrier3A = arith.constant 0 : index
    tpu.barrier barrier_id(%barrier3A)
    %add3A_12 = arith.constant 0 : i32
    %add3A_13 = arith.addi %mul3A_2, %add3A_12 : i32
    "tpu.region"() ({
      %run_scoped3A_229 = tpu.sem_alloc : memref<!tpu.dma_semaphore, #tpu.memory_space<semaphore_mem>>
      %dma_start3A_230 = arith.constant 0 : i32
      %dma_start3A_231 = arith.constant 0 : i32
      %dma_start3A_232 = tpu.memref_slice %arg3[%arg0, %dma_start3A_230, %dma_start3A_231] : memref<2x2560x128xi32, #tpu.memory_space<hbm>> -> memref<1x2560x128xi32, #tpu.memory_space<hbm>>
      %dma_start3A_233 = tpu.memref_squeeze %dma_start3A_232 : memref<1x2560x128xi32, #tpu.memory_space<hbm>> -> memref<2560x128xi32, #tpu.memory_space<hbm>>
      %dma_start3A_234 = arith.constant 0 : i32
      %dma_start3A_235 = tpu.memref_slice %dma_start3A_233[%add3A_13, %dma_start3A_234] : memref<2560x128xi32, #tpu.memory_space<hbm>> -> memref<32x128xi32, #tpu.memory_space<hbm>>
      %dma_start3A_236 = arith.constant 0 : i32
      %dma_start3A_237 = arith.constant 0 : i32
      %dma_start3A_238 = tpu.memref_slice %arg3[%arg0, %dma_start3A_236, %dma_start3A_237] : memref<2x2560x128xi32, #tpu.memory_space<hbm>> -> memref<1x2560x128xi32, #tpu.memory_space<hbm>>
      %dma_start3A_239 = tpu.memref_squeeze %dma_start3A_238 : memref<1x2560x128xi32, #tpu.memory_space<hbm>> -> memref<2560x128xi32, #tpu.memory_space<hbm>>
      %dma_start3A_240 = arith.constant 0 : i32
      %dma_start3A_241 = tpu.memref_slice %dma_start3A_239[%add3A_13, %dma_start3A_240] : memref<2560x128xi32, #tpu.memory_space<hbm>> -> memref<32x128xi32, #tpu.memory_space<hbm>>
      tpu.enqueue_dma source(%dma_start3A_241 : memref<32x128xi32, #tpu.memory_space<hbm>>) target(%arg7 : memref<32x128xi32, #tpu.memory_space<vmem>>) target_semaphore(%run_scoped3A_229 : memref<!tpu.dma_semaphore, #tpu.memory_space<semaphore_mem>>)
      %dma_wait3A_242 = arith.constant 0 : i32
      %dma_wait3A_243 = arith.constant 0 : i32
      %dma_wait3A_244 = tpu.memref_slice %arg3[%arg0, %dma_wait3A_242, %dma_wait3A_243] : memref<2x2560x128xi32, #tpu.memory_space<hbm>> -> memref<1x2560x128xi32, #tpu.memory_space<hbm>>
      %dma_wait3A_245 = tpu.memref_squeeze %dma_wait3A_244 : memref<1x2560x128xi32, #tpu.memory_space<hbm>> -> memref<2560x128xi32, #tpu.memory_space<hbm>>
      %dma_wait3A_246 = arith.constant 0 : i32
      %dma_wait3A_247 = tpu.memref_slice %dma_wait3A_245[%add3A_13, %dma_wait3A_246] : memref<2560x128xi32, #tpu.memory_space<hbm>> -> memref<32x128xi32, #tpu.memory_space<hbm>>
      %dma_wait3A_248 = arith.constant 0 : i32
      %dma_wait3A_249 = arith.constant 0 : i32
      %dma_wait3A_250 = tpu.memref_slice %arg3[%arg0, %dma_wait3A_248, %dma_wait3A_249] : memref<2x2560x128xi32, #tpu.memory_space<hbm>> -> memref<1x2560x128xi32, #tpu.memory_space<hbm>>
      %dma_wait3A_251 = tpu.memref_squeeze %dma_wait3A_250 : memref<1x2560x128xi32, #tpu.memory_space<hbm>> -> memref<2560x128xi32, #tpu.memory_space<hbm>>
      %dma_wait3A_252 = arith.constant 0 : i32
      %dma_wait3A_253 = tpu.memref_slice %dma_wait3A_251[%add3A_13, %dma_wait3A_252] : memref<2560x128xi32, #tpu.memory_space<hbm>> -> memref<32x128xi32, #tpu.memory_space<hbm>>
      tpu.wait_dma2 semaphore(%run_scoped3A_229 : memref<!tpu.dma_semaphore, #tpu.memory_space<semaphore_mem>>) src(%dma_wait3A_253 : memref<32x128xi32, #tpu.memory_space<hbm>>) dst(%arg7 : memref<32x128xi32, #tpu.memory_space<vmem>>)
      tpu.yield
    }) : () -> ()
    %add3A_14 = arith.constant 0 : i32
    %add3A_15 = arith.addi %mul3A_2, %add3A_14 : i32
    "tpu.region"() ({
      %run_scoped3A_229 = tpu.sem_alloc : memref<!tpu.dma_semaphore, #tpu.memory_space<semaphore_mem>>
      %dma_start3A_230 = arith.constant 0 : i32
      %dma_start3A_231 = arith.constant 0 : i32
      %dma_start3A_232 = tpu.memref_slice %arg4[%arg0, %dma_start3A_230, %dma_start3A_231] : memref<2x2560x128xi32, #tpu.memory_space<hbm>> -> memref<1x2560x128xi32, #tpu.memory_space<hbm>>
      %dma_start3A_233 = tpu.memref_squeeze %dma_start3A_232 : memref<1x2560x128xi32, #tpu.memory_space<hbm>> -> memref<2560x128xi32, #tpu.memory_space<hbm>>
      %dma_start3A_234 = arith.constant 0 : i32
      %dma_start3A_235 = tpu.memref_slice %dma_start3A_233[%add3A_15, %dma_start3A_234] : memref<2560x128xi32, #tpu.memory_space<hbm>> -> memref<32x128xi32, #tpu.memory_space<hbm>>
      %dma_start3A_236 = arith.constant 0 : i32
      %dma_start3A_237 = arith.constant 0 : i32
      %dma_start3A_238 = tpu.memref_slice %arg4[%arg0, %dma_start3A_236, %dma_start3A_237] : memref<2x2560x128xi32, #tpu.memory_space<hbm>> -> memref<1x2560x128xi32, #tpu.memory_space<hbm>>
      %dma_start3A_239 = tpu.memref_squeeze %dma_start3A_238 : memref<1x2560x128xi32, #tpu.memory_space<hbm>> -> memref<2560x128xi32, #tpu.memory_space<hbm>>
      %dma_start3A_240 = arith.constant 0 : i32
      %dma_start3A_241 = tpu.memref_slice %dma_start3A_239[%add3A_15, %dma_start3A_240] : memref<2560x128xi32, #tpu.memory_space<hbm>> -> memref<32x128xi32, #tpu.memory_space<hbm>>
      tpu.enqueue_dma source(%dma_start3A_241 : memref<32x128xi32, #tpu.memory_space<hbm>>) target(%arg8 : memref<32x128xi32, #tpu.memory_space<vmem>>) target_semaphore(%run_scoped3A_229 : memref<!tpu.dma_semaphore, #tpu.memory_space<semaphore_mem>>)
      %dma_wait3A_242 = arith.constant 0 : i32
      %dma_wait3A_243 = arith.constant 0 : i32
      %dma_wait3A_244 = tpu.memref_slice %arg4[%arg0, %dma_wait3A_242, %dma_wait3A_243] : memref<2x2560x128xi32, #tpu.memory_space<hbm>> -> memref<1x2560x128xi32, #tpu.memory_space<hbm>>
      %dma_wait3A_245 = tpu.memref_squeeze %dma_wait3A_244 : memref<1x2560x128xi32, #tpu.memory_space<hbm>> -> memref<2560x128xi32, #tpu.memory_space<hbm>>
      %dma_wait3A_246 = arith.constant 0 : i32
      %dma_wait3A_247 = tpu.memref_slice %dma_wait3A_245[%add3A_15, %dma_wait3A_246] : memref<2560x128xi32, #tpu.memory_space<hbm>> -> memref<32x128xi32, #tpu.memory_space<hbm>>
      %dma_wait3A_248 = arith.constant 0 : i32
      %dma_wait3A_249 = arith.constant 0 : i32
      %dma_wait3A_250 = tpu.memref_slice %arg4[%arg0, %dma_wait3A_248, %dma_wait3A_249] : memref<2x2560x128xi32, #tpu.memory_space<hbm>> -> memref<1x2560x128xi32, #tpu.memory_space<hbm>>
      %dma_wait3A_251 = tpu.memref_squeeze %dma_wait3A_250 : memref<1x2560x128xi32, #tpu.memory_space<hbm>> -> memref<2560x128xi32, #tpu.memory_space<hbm>>
      %dma_wait3A_252 = arith.constant 0 : i32
      %dma_wait3A_253 = tpu.memref_slice %dma_wait3A_251[%add3A_15, %dma_wait3A_252] : memref<2560x128xi32, #tpu.memory_space<hbm>> -> memref<32x128xi32, #tpu.memory_space<hbm>>
      tpu.wait_dma2 semaphore(%run_scoped3A_229 : memref<!tpu.dma_semaphore, #tpu.memory_space<semaphore_mem>>) src(%dma_wait3A_253 : memref<32x128xi32, #tpu.memory_space<hbm>>) dst(%arg8 : memref<32x128xi32, #tpu.memory_space<vmem>>)
      tpu.yield
    }) : () -> ()
    %dma_start3A = arith.constant 0 : i32
    %dma_start3A_16 = arith.constant 0 : i32
    %dma_start3A_17 = tpu.memref_slice %arg7[%dma_start3A, %dma_start3A_16] : memref<32x128xi32, #tpu.memory_space<vmem>> -> memref<1x128xi32, #tpu.memory_space<vmem>>
    %dma_start3A_18 = tpu.memref_squeeze %dma_start3A_17 : memref<1x128xi32, #tpu.memory_space<vmem>> -> memref<128xi32, #tpu.memory_space<vmem>>
    %dma_start3A_19 = arith.constant 0 : i32
    %dma_start3A_20 = arith.constant 0 : i32
    %dma_start3A_21 = tpu.memref_slice %arg2[%dma_start3A_19, %dma_start3A_20] : memref<20480x128xf32, #tpu.memory_space<hbm>> -> memref<20480x128xf32, #tpu.memory_space<hbm>>
    tpu.enqueue_indirect_dma source(%dma_start3A_21 : memref<20480x128xf32, #tpu.memory_space<hbm>>) target(%arg9 : memref<128x128xf32, #tpu.memory_space<vmem>>) offsets(%dma_start3A_18 : memref<128xi32, #tpu.memory_space<vmem>>) semaphore(%arg12 : memref<!tpu.dma_semaphore, #tpu.memory_space<semaphore_mem>>)
    %scan3A = arith.constant 0 : i32
    %scan3A_22 = arith.constant 0 : i32
    %scan3A_23 = arith.constant 15 : i32
    %scan3A_24 = arith.addi %scan3A_22, %scan3A_23 : i32
    %scan3A_25 = arith.constant 1 : i32
    scf.for %scan3A_229 = %scan3A_22 to %scan3A_24 step %scan3A_25  : i32 {
      %mul3A_230 = arith.constant 2 : i32
      %mul3A_231 = arith.muli %mul3A_230, %scan3A_229 : i32
      %dma_wait3A_232 = arith.constant 0 : i32
      %dma_wait3A_233 = tpu.memref_slice %arg7[%mul3A_231, %dma_wait3A_232] : memref<32x128xi32, #tpu.memory_space<vmem>> -> memref<1x128xi32, #tpu.memory_space<vmem>>
      %dma_wait3A_234 = tpu.memref_squeeze %dma_wait3A_233 : memref<1x128xi32, #tpu.memory_space<vmem>> -> memref<128xi32, #tpu.memory_space<vmem>>
      %dma_wait3A_235 = arith.constant 0 : i32
      %dma_wait3A_236 = arith.constant 0 : i32
      %dma_wait3A_237 = tpu.memref_slice %arg2[%dma_wait3A_235, %dma_wait3A_236] : memref<20480x128xf32, #tpu.memory_space<hbm>> -> memref<20480x128xf32, #tpu.memory_space<hbm>>
      tpu.wait_indirect_dma semaphore(%arg12 : memref<!tpu.dma_semaphore, #tpu.memory_space<semaphore_mem>>) src(%dma_wait3A_237 : memref<20480x128xf32, #tpu.memory_space<hbm>>) dst(%arg9 : memref<128x128xf32, #tpu.memory_space<vmem>>)
      %add3A_238 = arith.constant 1 : i32
      %add3A_239 = arith.addi %mul3A_231, %add3A_238 : i32
      %dma_start3A_240 = arith.constant 0 : i32
      %dma_start3A_241 = tpu.memref_slice %arg7[%add3A_239, %dma_start3A_240] : memref<32x128xi32, #tpu.memory_space<vmem>> -> memref<1x128xi32, #tpu.memory_space<vmem>>
      %dma_start3A_242 = tpu.memref_squeeze %dma_start3A_241 : memref<1x128xi32, #tpu.memory_space<vmem>> -> memref<128xi32, #tpu.memory_space<vmem>>
      %dma_start3A_243 = arith.constant 0 : i32
      %dma_start3A_244 = arith.constant 0 : i32
      %dma_start3A_245 = tpu.memref_slice %arg2[%dma_start3A_243, %dma_start3A_244] : memref<20480x128xf32, #tpu.memory_space<hbm>> -> memref<20480x128xf32, #tpu.memory_space<hbm>>
      tpu.enqueue_indirect_dma source(%dma_start3A_245 : memref<20480x128xf32, #tpu.memory_space<hbm>>) target(%arg10 : memref<128x128xf32, #tpu.memory_space<vmem>>) offsets(%dma_start3A_242 : memref<128xi32, #tpu.memory_space<vmem>>) semaphore(%arg13 : memref<!tpu.dma_semaphore, #tpu.memory_space<semaphore_mem>>)
      "tpu.region"() ({
        %run_scoped3A_264 = tpu.sem_alloc : memref<!tpu.dma_semaphore, #tpu.memory_space<semaphore_mem>>
        %dma_start3A_265 = arith.constant 0 : i32
        %dma_start3A_266 = tpu.memref_slice %arg8[%mul3A_231, %dma_start3A_265] : memref<32x128xi32, #tpu.memory_space<vmem>> -> memref<1x128xi32, #tpu.memory_space<vmem>>
        %dma_start3A_267 = tpu.memref_squeeze %dma_start3A_266 : memref<1x128xi32, #tpu.memory_space<vmem>> -> memref<128xi32, #tpu.memory_space<vmem>>
        %dma_start3A_268 = arith.constant 0 : i32
        %dma_start3A_269 = arith.constant 0 : i32
        %dma_start3A_270 = tpu.memref_slice %arg11[%dma_start3A_268, %dma_start3A_269] : memref<10240x128xf32, #tpu.memory_space<vmem_shared>> -> memref<10240x128xf32, #tpu.memory_space<vmem_shared>>
        tpu.enqueue_indirect_dma source(%arg9 : memref<128x128xf32, #tpu.memory_space<vmem>>) target(%dma_start3A_270 : memref<10240x128xf32, #tpu.memory_space<vmem_shared>>) offsets(%dma_start3A_267 : memref<128xi32, #tpu.memory_space<vmem>>) semaphore(%run_scoped3A_264 : memref<!tpu.dma_semaphore, #tpu.memory_space<semaphore_mem>>) {add = true}
        %dma_wait3A_271 = arith.constant 0 : i32
        %dma_wait3A_272 = tpu.memref_slice %arg8[%mul3A_231, %dma_wait3A_271] : memref<32x128xi32, #tpu.memory_space<vmem>> -> memref<1x128xi32, #tpu.memory_space<vmem>>
        %dma_wait3A_273 = tpu.memref_squeeze %dma_wait3A_272 : memref<1x128xi32, #tpu.memory_space<vmem>> -> memref<128xi32, #tpu.memory_space<vmem>>
        %dma_wait3A_274 = arith.constant 0 : i32
        %dma_wait3A_275 = arith.constant 0 : i32
        %dma_wait3A_276 = tpu.memref_slice %arg11[%dma_wait3A_274, %dma_wait3A_275] : memref<10240x128xf32, #tpu.memory_space<vmem_shared>> -> memref<10240x128xf32, #tpu.memory_space<vmem_shared>>
        tpu.wait_indirect_dma semaphore(%run_scoped3A_264 : memref<!tpu.dma_semaphore, #tpu.memory_space<semaphore_mem>>) src(%arg9 : memref<128x128xf32, #tpu.memory_space<vmem>>) dst(%dma_wait3A_276 : memref<10240x128xf32, #tpu.memory_space<vmem_shared>>)
        tpu.yield
      }) : () -> ()
      %add3A_246 = arith.constant 1 : i32
      %add3A_247 = arith.addi %mul3A_231, %add3A_246 : i32
      %dma_wait3A_248 = arith.constant 0 : i32
      %dma_wait3A_249 = tpu.memref_slice %arg7[%add3A_247, %dma_wait3A_248] : memref<32x128xi32, #tpu.memory_space<vmem>> -> memref<1x128xi32, #tpu.memory_space<vmem>>
      %dma_wait3A_250 = tpu.memref_squeeze %dma_wait3A_249 : memref<1x128xi32, #tpu.memory_space<vmem>> -> memref<128xi32, #tpu.memory_space<vmem>>
      %dma_wait3A_251 = arith.constant 0 : i32
      %dma_wait3A_252 = arith.constant 0 : i32
      %dma_wait3A_253 = tpu.memref_slice %arg2[%dma_wait3A_251, %dma_wait3A_252] : memref<20480x128xf32, #tpu.memory_space<hbm>> -> memref<20480x128xf32, #tpu.memory_space<hbm>>
      tpu.wait_indirect_dma semaphore(%arg13 : memref<!tpu.dma_semaphore, #tpu.memory_space<semaphore_mem>>) src(%dma_wait3A_253 : memref<20480x128xf32, #tpu.memory_space<hbm>>) dst(%arg10 : memref<128x128xf32, #tpu.memory_space<vmem>>)
      %add3A_254 = arith.constant 2 : i32
      %add3A_255 = arith.addi %mul3A_231, %add3A_254 : i32
      %dma_start3A_256 = arith.constant 0 : i32
      %dma_start3A_257 = tpu.memref_slice %arg7[%add3A_255, %dma_start3A_256] : memref<32x128xi32, #tpu.memory_space<vmem>> -> memref<1x128xi32, #tpu.memory_space<vmem>>
      %dma_start3A_258 = tpu.memref_squeeze %dma_start3A_257 : memref<1x128xi32, #tpu.memory_space<vmem>> -> memref<128xi32, #tpu.memory_space<vmem>>
      %dma_start3A_259 = arith.constant 0 : i32
      %dma_start3A_260 = arith.constant 0 : i32
      %dma_start3A_261 = tpu.memref_slice %arg2[%dma_start3A_259, %dma_start3A_260] : memref<20480x128xf32, #tpu.memory_space<hbm>> -> memref<20480x128xf32, #tpu.memory_space<hbm>>
      tpu.enqueue_indirect_dma source(%dma_start3A_261 : memref<20480x128xf32, #tpu.memory_space<hbm>>) target(%arg9 : memref<128x128xf32, #tpu.memory_space<vmem>>) offsets(%dma_start3A_258 : memref<128xi32, #tpu.memory_space<vmem>>) semaphore(%arg12 : memref<!tpu.dma_semaphore, #tpu.memory_space<semaphore_mem>>)
      %add3A_262 = arith.constant 1 : i32
      %add3A_263 = arith.addi %mul3A_231, %add3A_262 : i32
      "tpu.region"() ({
        %run_scoped3A_264 = tpu.sem_alloc : memref<!tpu.dma_semaphore, #tpu.memory_space<semaphore_mem>>
        %dma_start3A_265 = arith.constant 0 : i32
        %dma_start3A_266 = tpu.memref_slice %arg8[%add3A_263, %dma_start3A_265] : memref<32x128xi32, #tpu.memory_space<vmem>> -> memref<1x128xi32, #tpu.memory_space<vmem>>
        %dma_start3A_267 = tpu.memref_squeeze %dma_start3A_266 : memref<1x128xi32, #tpu.memory_space<vmem>> -> memref<128xi32, #tpu.memory_space<vmem>>
        %dma_start3A_268 = arith.constant 0 : i32
        %dma_start3A_269 = arith.constant 0 : i32
        %dma_start3A_270 = tpu.memref_slice %arg11[%dma_start3A_268, %dma_start3A_269] : memref<10240x128xf32, #tpu.memory_space<vmem_shared>> -> memref<10240x128xf32, #tpu.memory_space<vmem_shared>>
        tpu.enqueue_indirect_dma source(%arg10 : memref<128x128xf32, #tpu.memory_space<vmem>>) target(%dma_start3A_270 : memref<10240x128xf32, #tpu.memory_space<vmem_shared>>) offsets(%dma_start3A_267 : memref<128xi32, #tpu.memory_space<vmem>>) semaphore(%run_scoped3A_264 : memref<!tpu.dma_semaphore, #tpu.memory_space<semaphore_mem>>) {add = true}
        %dma_wait3A_271 = arith.constant 0 : i32
        %dma_wait3A_272 = tpu.memref_slice %arg8[%add3A_263, %dma_wait3A_271] : memref<32x128xi32, #tpu.memory_space<vmem>> -> memref<1x128xi32, #tpu.memory_space<vmem>>
        %dma_wait3A_273 = tpu.memref_squeeze %dma_wait3A_272 : memref<1x128xi32, #tpu.memory_space<vmem>> -> memref<128xi32, #tpu.memory_space<vmem>>
        %dma_wait3A_274 = arith.constant 0 : i32
        %dma_wait3A_275 = arith.constant 0 : i32
        %dma_wait3A_276 = tpu.memref_slice %arg11[%dma_wait3A_274, %dma_wait3A_275] : memref<10240x128xf32, #tpu.memory_space<vmem_shared>> -> memref<10240x128xf32, #tpu.memory_space<vmem_shared>>
        tpu.wait_indirect_dma semaphore(%run_scoped3A_264 : memref<!tpu.dma_semaphore, #tpu.memory_space<semaphore_mem>>) src(%arg10 : memref<128x128xf32, #tpu.memory_space<vmem>>) dst(%dma_wait3A_276 : memref<10240x128xf32, #tpu.memory_space<vmem_shared>>)
        tpu.yield
      }) : () -> ()
    }
    %scan3A_26 = arith.constant 15 : i32
    %dma_wait3A = arith.constant 30 : i32
    %dma_wait3A_27 = arith.constant 0 : i32
    %dma_wait3A_28 = tpu.memref_slice %arg7[%dma_wait3A, %dma_wait3A_27] : memref<32x128xi32, #tpu.memory_space<vmem>> -> memref<1x128xi32, #tpu.memory_space<vmem>>
    %dma_wait3A_29 = tpu.memref_squeeze %dma_wait3A_28 : memref<1x128xi32, #tpu.memory_space<vmem>> -> memref<128xi32, #tpu.memory_space<vmem>>
    %dma_wait3A_30 = arith.constant 0 : i32
    %dma_wait3A_31 = arith.constant 0 : i32
    %dma_wait3A_32 = tpu.memref_slice %arg2[%dma_wait3A_30, %dma_wait3A_31] : memref<20480x128xf32, #tpu.memory_space<hbm>> -> memref<20480x128xf32, #tpu.memory_space<hbm>>
    tpu.wait_indirect_dma semaphore(%arg12 : memref<!tpu.dma_semaphore, #tpu.memory_space<semaphore_mem>>) src(%dma_wait3A_32 : memref<20480x128xf32, #tpu.memory_space<hbm>>) dst(%arg9 : memref<128x128xf32, #tpu.memory_space<vmem>>)
    %dma_start3A_33 = arith.constant 31 : i32
    %dma_start3A_34 = arith.constant 0 : i32
    %dma_start3A_35 = tpu.memref_slice %arg7[%dma_start3A_33, %dma_start3A_34] : memref<32x128xi32, #tpu.memory_space<vmem>> -> memref<1x128xi32, #tpu.memory_space<vmem>>
    %dma_start3A_36 = tpu.memref_squeeze %dma_start3A_35 : memref<1x128xi32, #tpu.memory_space<vmem>> -> memref<128xi32, #tpu.memory_space<vmem>>
    %dma_start3A_37 = arith.constant 0 : i32
    %dma_start3A_38 = arith.constant 0 : i32
    %dma_start3A_39 = tpu.memref_slice %arg2[%dma_start3A_37, %dma_start3A_38] : memref<20480x128xf32, #tpu.memory_space<hbm>> -> memref<20480x128xf32, #tpu.memory_space<hbm>>
    tpu.enqueue_indirect_dma source(%dma_start3A_39 : memref<20480x128xf32, #tpu.memory_space<hbm>>) target(%arg10 : memref<128x128xf32, #tpu.memory_space<vmem>>) offsets(%dma_start3A_36 : memref<128xi32, #tpu.memory_space<vmem>>) semaphore(%arg13 : memref<!tpu.dma_semaphore, #tpu.memory_space<semaphore_mem>>)
    %run_scoped3A = arith.constant 30 : i32
    "tpu.region"() ({
      %run_scoped3A_229 = tpu.sem_alloc : memref<!tpu.dma_semaphore, #tpu.memory_space<semaphore_mem>>
      %dma_start3A_230 = arith.constant 0 : i32
      %dma_start3A_231 = tpu.memref_slice %arg8[%run_scoped3A, %dma_start3A_230] : memref<32x128xi32, #tpu.memory_space<vmem>> -> memref<1x128xi32, #tpu.memory_space<vmem>>
      %dma_start3A_232 = tpu.memref_squeeze %dma_start3A_231 : memref<1x128xi32, #tpu.memory_space<vmem>> -> memref<128xi32, #tpu.memory_space<vmem>>
      %dma_start3A_233 = arith.constant 0 : i32
      %dma_start3A_234 = arith.constant 0 : i32
      %dma_start3A_235 = tpu.memref_slice %arg11[%dma_start3A_233, %dma_start3A_234] : memref<10240x128xf32, #tpu.memory_space<vmem_shared>> -> memref<10240x128xf32, #tpu.memory_space<vmem_shared>>
      tpu.enqueue_indirect_dma source(%arg9 : memref<128x128xf32, #tpu.memory_space<vmem>>) target(%dma_start3A_235 : memref<10240x128xf32, #tpu.memory_space<vmem_shared>>) offsets(%dma_start3A_232 : memref<128xi32, #tpu.memory_space<vmem>>) semaphore(%run_scoped3A_229 : memref<!tpu.dma_semaphore, #tpu.memory_space<semaphore_mem>>) {add = true}
      %dma_wait3A_236 = arith.constant 0 : i32
      %dma_wait3A_237 = tpu.memref_slice %arg8[%run_scoped3A, %dma_wait3A_236] : memref<32x128xi32, #tpu.memory_space<vmem>> -> memref<1x128xi32, #tpu.memory_space<vmem>>
      %dma_wait3A_238 = tpu.memref_squeeze %dma_wait3A_237 : memref<1x128xi32, #tpu.memory_space<vmem>> -> memref<128xi32, #tpu.memory_space<vmem>>
      %dma_wait3A_239 = arith.constant 0 : i32
      %dma_wait3A_240 = arith.constant 0 : i32
      %dma_wait3A_241 = tpu.memref_slice %arg11[%dma_wait3A_239, %dma_wait3A_240] : memref<10240x128xf32, #tpu.memory_space<vmem_shared>> -> memref<10240x128xf32, #tpu.memory_space<vmem_shared>>
      tpu.wait_indirect_dma semaphore(%run_scoped3A_229 : memref<!tpu.dma_semaphore, #tpu.memory_space<semaphore_mem>>) src(%arg9 : memref<128x128xf32, #tpu.memory_space<vmem>>) dst(%dma_wait3A_241 : memref<10240x128xf32, #tpu.memory_space<vmem_shared>>)
      tpu.yield
    }) : () -> ()
    %dma_wait3A_40 = arith.constant 31 : i32
    %dma_wait3A_41 = arith.constant 0 : i32
    %dma_wait3A_42 = tpu.memref_slice %arg7[%dma_wait3A_40, %dma_wait3A_41] : memref<32x128xi32, #tpu.memory_space<vmem>> -> memref<1x128xi32, #tpu.memory_space<vmem>>
    %dma_wait3A_43 = tpu.memref_squeeze %dma_wait3A_42 : memref<1x128xi32, #tpu.memory_space<vmem>> -> memref<128xi32, #tpu.memory_space<vmem>>
    %dma_wait3A_44 = arith.constant 0 : i32
    %dma_wait3A_45 = arith.constant 0 : i32
    %dma_wait3A_46 = tpu.memref_slice %arg2[%dma_wait3A_44, %dma_wait3A_45] : memref<20480x128xf32, #tpu.memory_space<hbm>> -> memref<20480x128xf32, #tpu.memory_space<hbm>>
    tpu.wait_indirect_dma semaphore(%arg13 : memref<!tpu.dma_semaphore, #tpu.memory_space<semaphore_mem>>) src(%dma_wait3A_46 : memref<20480x128xf32, #tpu.memory_space<hbm>>) dst(%arg10 : memref<128x128xf32, #tpu.memory_space<vmem>>)
    %run_scoped3A_47 = arith.constant 31 : i32
    "tpu.region"() ({
      %run_scoped3A_229 = tpu.sem_alloc : memref<!tpu.dma_semaphore, #tpu.memory_space<semaphore_mem>>
      %dma_start3A_230 = arith.constant 0 : i32
      %dma_start3A_231 = tpu.memref_slice %arg8[%run_scoped3A_47, %dma_start3A_230] : memref<32x128xi32, #tpu.memory_space<vmem>> -> memref<1x128xi32, #tpu.memory_space<vmem>>
      %dma_start3A_232 = tpu.memref_squeeze %dma_start3A_231 : memref<1x128xi32, #tpu.memory_space<vmem>> -> memref<128xi32, #tpu.memory_space<vmem>>
      %dma_start3A_233 = arith.constant 0 : i32
      %dma_start3A_234 = arith.constant 0 : i32
      %dma_start3A_235 = tpu.memref_slice %arg11[%dma_start3A_233, %dma_start3A_234] : memref<10240x128xf32, #tpu.memory_space<vmem_shared>> -> memref<10240x128xf32, #tpu.memory_space<vmem_shared>>
      tpu.enqueue_indirect_dma source(%arg10 : memref<128x128xf32, #tpu.memory_space<vmem>>) target(%dma_start3A_235 : memref<10240x128xf32, #tpu.memory_space<vmem_shared>>) offsets(%dma_start3A_232 : memref<128xi32, #tpu.memory_space<vmem>>) semaphore(%run_scoped3A_229 : memref<!tpu.dma_semaphore, #tpu.memory_space<semaphore_mem>>) {add = true}
      %dma_wait3A_236 = arith.constant 0 : i32
      %dma_wait3A_237 = tpu.memref_slice %arg8[%run_scoped3A_47, %dma_wait3A_236] : memref<32x128xi32, #tpu.memory_space<vmem>> -> memref<1x128xi32, #tpu.memory_space<vmem>>
      %dma_wait3A_238 = tpu.memref_squeeze %dma_wait3A_237 : memref<1x128xi32, #tpu.memory_space<vmem>> -> memref<128xi32, #tpu.memory_space<vmem>>
      %dma_wait3A_239 = arith.constant 0 : i32
      %dma_wait3A_240 = arith.constant 0 : i32
      %dma_wait3A_241 = tpu.memref_slice %arg11[%dma_wait3A_239, %dma_wait3A_240] : memref<10240x128xf32, #tpu.memory_space<vmem_shared>> -> memref<10240x128xf32, #tpu.memory_space<vmem_shared>>
      tpu.wait_indirect_dma semaphore(%run_scoped3A_229 : memref<!tpu.dma_semaphore, #tpu.memory_space<semaphore_mem>>) src(%arg10 : memref<128x128xf32, #tpu.memory_space<vmem>>) dst(%dma_wait3A_241 : memref<10240x128xf32, #tpu.memory_space<vmem_shared>>)
      tpu.yield
    }) : () -> ()
    %add3A_48 = arith.constant 32 : i32
    %add3A_49 = arith.addi %mul3A_2, %add3A_48 : i32
    "tpu.region"() ({
      %run_scoped3A_229 = tpu.sem_alloc : memref<!tpu.dma_semaphore, #tpu.memory_space<semaphore_mem>>
      %dma_start3A_230 = arith.constant 0 : i32
      %dma_start3A_231 = arith.constant 0 : i32
      %dma_start3A_232 = tpu.memref_slice %arg3[%arg0, %dma_start3A_230, %dma_start3A_231] : memref<2x2560x128xi32, #tpu.memory_space<hbm>> -> memref<1x2560x128xi32, #tpu.memory_space<hbm>>
      %dma_start3A_233 = tpu.memref_squeeze %dma_start3A_232 : memref<1x2560x128xi32, #tpu.memory_space<hbm>> -> memref<2560x128xi32, #tpu.memory_space<hbm>>
      %dma_start3A_234 = arith.constant 0 : i32
      %dma_start3A_235 = tpu.memref_slice %dma_start3A_233[%add3A_49, %dma_start3A_234] : memref<2560x128xi32, #tpu.memory_space<hbm>> -> memref<32x128xi32, #tpu.memory_space<hbm>>
      %dma_start3A_236 = arith.constant 0 : i32
      %dma_start3A_237 = arith.constant 0 : i32
      %dma_start3A_238 = tpu.memref_slice %arg3[%arg0, %dma_start3A_236, %dma_start3A_237] : memref<2x2560x128xi32, #tpu.memory_space<hbm>> -> memref<1x2560x128xi32, #tpu.memory_space<hbm>>
      %dma_start3A_239 = tpu.memref_squeeze %dma_start3A_238 : memref<1x2560x128xi32, #tpu.memory_space<hbm>> -> memref<2560x128xi32, #tpu.memory_space<hbm>>
      %dma_start3A_240 = arith.constant 0 : i32
      %dma_start3A_241 = tpu.memref_slice %dma_start3A_239[%add3A_49, %dma_start3A_240] : memref<2560x128xi32, #tpu.memory_space<hbm>> -> memref<32x128xi32, #tpu.memory_space<hbm>>
      tpu.enqueue_dma source(%dma_start3A_241 : memref<32x128xi32, #tpu.memory_space<hbm>>) target(%arg7 : memref<32x128xi32, #tpu.memory_space<vmem>>) target_semaphore(%run_scoped3A_229 : memref<!tpu.dma_semaphore, #tpu.memory_space<semaphore_mem>>)
      %dma_wait3A_242 = arith.constant 0 : i32
      %dma_wait3A_243 = arith.constant 0 : i32
      %dma_wait3A_244 = tpu.memref_slice %arg3[%arg0, %dma_wait3A_242, %dma_wait3A_243] : memref<2x2560x128xi32, #tpu.memory_space<hbm>> -> memref<1x2560x128xi32, #tpu.memory_space<hbm>>
      %dma_wait3A_245 = tpu.memref_squeeze %dma_wait3A_244 : memref<1x2560x128xi32, #tpu.memory_space<hbm>> -> memref<2560x128xi32, #tpu.memory_space<hbm>>
      %dma_wait3A_246 = arith.constant 0 : i32
      %dma_wait3A_247 = tpu.memref_slice %dma_wait3A_245[%add3A_49, %dma_wait3A_246] : memref<2560x128xi32, #tpu.memory_space<hbm>> -> memref<32x128xi32, #tpu.memory_space<hbm>>
      %dma_wait3A_248 = arith.constant 0 : i32
      %dma_wait3A_249 = arith.constant 0 : i32
      %dma_wait3A_250 = tpu.memref_slice %arg3[%arg0, %dma_wait3A_248, %dma_wait3A_249] : memref<2x2560x128xi32, #tpu.memory_space<hbm>> -> memref<1x2560x128xi32, #tpu.memory_space<hbm>>
      %dma_wait3A_251 = tpu.memref_squeeze %dma_wait3A_250 : memref<1x2560x128xi32, #tpu.memory_space<hbm>> -> memref<2560x128xi32, #tpu.memory_space<hbm>>
      %dma_wait3A_252 = arith.constant 0 : i32
      %dma_wait3A_253 = tpu.memref_slice %dma_wait3A_251[%add3A_49, %dma_wait3A_252] : memref<2560x128xi32, #tpu.memory_space<hbm>> -> memref<32x128xi32, #tpu.memory_space<hbm>>
      tpu.wait_dma2 semaphore(%run_scoped3A_229 : memref<!tpu.dma_semaphore, #tpu.memory_space<semaphore_mem>>) src(%dma_wait3A_253 : memref<32x128xi32, #tpu.memory_space<hbm>>) dst(%arg7 : memref<32x128xi32, #tpu.memory_space<vmem>>)
      tpu.yield
    }) : () -> ()
    %add3A_50 = arith.constant 32 : i32
    %add3A_51 = arith.addi %mul3A_2, %add3A_50 : i32
    "tpu.region"() ({
      %run_scoped3A_229 = tpu.sem_alloc : memref<!tpu.dma_semaphore, #tpu.memory_space<semaphore_mem>>
      %dma_start3A_230 = arith.constant 0 : i32
      %dma_start3A_231 = arith.constant 0 : i32
      %dma_start3A_232 = tpu.memref_slice %arg4[%arg0, %dma_start3A_230, %dma_start3A_231] : memref<2x2560x128xi32, #tpu.memory_space<hbm>> -> memref<1x2560x128xi32, #tpu.memory_space<hbm>>
      %dma_start3A_233 = tpu.memref_squeeze %dma_start3A_232 : memref<1x2560x128xi32, #tpu.memory_space<hbm>> -> memref<2560x128xi32, #tpu.memory_space<hbm>>
      %dma_start3A_234 = arith.constant 0 : i32
      %dma_start3A_235 = tpu.memref_slice %dma_start3A_233[%add3A_51, %dma_start3A_234] : memref<2560x128xi32, #tpu.memory_space<hbm>> -> memref<32x128xi32, #tpu.memory_space<hbm>>
      %dma_start3A_236 = arith.constant 0 : i32
      %dma_start3A_237 = arith.constant 0 : i32
      %dma_start3A_238 = tpu.memref_slice %arg4[%arg0, %dma_start3A_236, %dma_start3A_237] : memref<2x2560x128xi32, #tpu.memory_space<hbm>> -> memref<1x2560x128xi32, #tpu.memory_space<hbm>>
      %dma_start3A_239 = tpu.memref_squeeze %dma_start3A_238 : memref<1x2560x128xi32, #tpu.memory_space<hbm>> -> memref<2560x128xi32, #tpu.memory_space<hbm>>
      %dma_start3A_240 = arith.constant 0 : i32
      %dma_start3A_241 = tpu.memref_slice %dma_start3A_239[%add3A_51, %dma_start3A_240] : memref<2560x128xi32, #tpu.memory_space<hbm>> -> memref<32x128xi32, #tpu.memory_space<hbm>>
      tpu.enqueue_dma source(%dma_start3A_241 : memref<32x128xi32, #tpu.memory_space<hbm>>) target(%arg8 : memref<32x128xi32, #tpu.memory_space<vmem>>) target_semaphore(%run_scoped3A_229 : memref<!tpu.dma_semaphore, #tpu.memory_space<semaphore_mem>>)
      %dma_wait3A_242 = arith.constant 0 : i32
      %dma_wait3A_243 = arith.constant 0 : i32
      %dma_wait3A_244 = tpu.memref_slice %arg4[%arg0, %dma_wait3A_242, %dma_wait3A_243] : memref<2x2560x128xi32, #tpu.memory_space<hbm>> -> memref<1x2560x128xi32, #tpu.memory_space<hbm>>
      %dma_wait3A_245 = tpu.memref_squeeze %dma_wait3A_244 : memref<1x2560x128xi32, #tpu.memory_space<hbm>> -> memref<2560x128xi32, #tpu.memory_space<hbm>>
      %dma_wait3A_246 = arith.constant 0 : i32
      %dma_wait3A_247 = tpu.memref_slice %dma_wait3A_245[%add3A_51, %dma_wait3A_246] : memref<2560x128xi32, #tpu.memory_space<hbm>> -> memref<32x128xi32, #tpu.memory_space<hbm>>
      %dma_wait3A_248 = arith.constant 0 : i32
      %dma_wait3A_249 = arith.constant 0 : i32
      %dma_wait3A_250 = tpu.memref_slice %arg4[%arg0, %dma_wait3A_248, %dma_wait3A_249] : memref<2x2560x128xi32, #tpu.memory_space<hbm>> -> memref<1x2560x128xi32, #tpu.memory_space<hbm>>
      %dma_wait3A_251 = tpu.memref_squeeze %dma_wait3A_250 : memref<1x2560x128xi32, #tpu.memory_space<hbm>> -> memref<2560x128xi32, #tpu.memory_space<hbm>>
      %dma_wait3A_252 = arith.constant 0 : i32
      %dma_wait3A_253 = tpu.memref_slice %dma_wait3A_251[%add3A_51, %dma_wait3A_252] : memref<2560x128xi32, #tpu.memory_space<hbm>> -> memref<32x128xi32, #tpu.memory_space<hbm>>
      tpu.wait_dma2 semaphore(%run_scoped3A_229 : memref<!tpu.dma_semaphore, #tpu.memory_space<semaphore_mem>>) src(%dma_wait3A_253 : memref<32x128xi32, #tpu.memory_space<hbm>>) dst(%arg8 : memref<32x128xi32, #tpu.memory_space<vmem>>)
      tpu.yield
    }) : () -> ()
    %dma_start3A_52 = arith.constant 0 : i32
    %dma_start3A_53 = arith.constant 0 : i32
    %dma_start3A_54 = tpu.memref_slice %arg7[%dma_start3A_52, %dma_start3A_53] : memref<32x128xi32, #tpu.memory_space<vmem>> -> memref<1x128xi32, #tpu.memory_space<vmem>>
    %dma_start3A_55 = tpu.memref_squeeze %dma_start3A_54 : memref<1x128xi32, #tpu.memory_space<vmem>> -> memref<128xi32, #tpu.memory_space<vmem>>
    %dma_start3A_56 = arith.constant 0 : i32
    %dma_start3A_57 = arith.constant 0 : i32
    %dma_start3A_58 = tpu.memref_slice %arg2[%dma_start3A_56, %dma_start3A_57] : memref<20480x128xf32, #tpu.memory_space<hbm>> -> memref<20480x128xf32, #tpu.memory_space<hbm>>
    tpu.enqueue_indirect_dma source(%dma_start3A_58 : memref<20480x128xf32, #tpu.memory_space<hbm>>) target(%arg9 : memref<128x128xf32, #tpu.memory_space<vmem>>) offsets(%dma_start3A_55 : memref<128xi32, #tpu.memory_space<vmem>>) semaphore(%arg12 : memref<!tpu.dma_semaphore, #tpu.memory_space<semaphore_mem>>)
    %scan3A_59 = arith.constant 0 : i32
    %scan3A_60 = arith.constant 0 : i32
    %scan3A_61 = arith.constant 15 : i32
    %scan3A_62 = arith.addi %scan3A_60, %scan3A_61 : i32
    %scan3A_63 = arith.constant 1 : i32
    scf.for %scan3A_229 = %scan3A_60 to %scan3A_62 step %scan3A_63  : i32 {
      %mul3A_230 = arith.constant 2 : i32
      %mul3A_231 = arith.muli %mul3A_230, %scan3A_229 : i32
      %dma_wait3A_232 = arith.constant 0 : i32
      %dma_wait3A_233 = tpu.memref_slice %arg7[%mul3A_231, %dma_wait3A_232] : memref<32x128xi32, #tpu.memory_space<vmem>> -> memref<1x128xi32, #tpu.memory_space<vmem>>
      %dma_wait3A_234 = tpu.memref_squeeze %dma_wait3A_233 : memref<1x128xi32, #tpu.memory_space<vmem>> -> memref<128xi32, #tpu.memory_space<vmem>>
      %dma_wait3A_235 = arith.constant 0 : i32
      %dma_wait3A_236 = arith.constant 0 : i32
      %dma_wait3A_237 = tpu.memref_slice %arg2[%dma_wait3A_235, %dma_wait3A_236] : memref<20480x128xf32, #tpu.memory_space<hbm>> -> memref<20480x128xf32, #tpu.memory_space<hbm>>
      tpu.wait_indirect_dma semaphore(%arg12 : memref<!tpu.dma_semaphore, #tpu.memory_space<semaphore_mem>>) src(%dma_wait3A_237 : memref<20480x128xf32, #tpu.memory_space<hbm>>) dst(%arg9 : memref<128x128xf32, #tpu.memory_space<vmem>>)
      %add3A_238 = arith.constant 1 : i32
      %add3A_239 = arith.addi %mul3A_231, %add3A_238 : i32
      %dma_start3A_240 = arith.constant 0 : i32
      %dma_start3A_241 = tpu.memref_slice %arg7[%add3A_239, %dma_start3A_240] : memref<32x128xi32, #tpu.memory_space<vmem>> -> memref<1x128xi32, #tpu.memory_space<vmem>>
      %dma_start3A_242 = tpu.memref_squeeze %dma_start3A_241 : memref<1x128xi32, #tpu.memory_space<vmem>> -> memref<128xi32, #tpu.memory_space<vmem>>
      %dma_start3A_243 = arith.constant 0 : i32
      %dma_start3A_244 = arith.constant 0 : i32
      %dma_start3A_245 = tpu.memref_slice %arg2[%dma_start3A_243, %dma_start3A_244] : memref<20480x128xf32, #tpu.memory_space<hbm>> -> memref<20480x128xf32, #tpu.memory_space<hbm>>
      tpu.enqueue_indirect_dma source(%dma_start3A_245 : memref<20480x128xf32, #tpu.memory_space<hbm>>) target(%arg10 : memref<128x128xf32, #tpu.memory_space<vmem>>) offsets(%dma_start3A_242 : memref<128xi32, #tpu.memory_space<vmem>>) semaphore(%arg13 : memref<!tpu.dma_semaphore, #tpu.memory_space<semaphore_mem>>)
      "tpu.region"() ({
        %run_scoped3A_264 = tpu.sem_alloc : memref<!tpu.dma_semaphore, #tpu.memory_space<semaphore_mem>>
        %dma_start3A_265 = arith.constant 0 : i32
        %dma_start3A_266 = tpu.memref_slice %arg8[%mul3A_231, %dma_start3A_265] : memref<32x128xi32, #tpu.memory_space<vmem>> -> memref<1x128xi32, #tpu.memory_space<vmem>>
        %dma_start3A_267 = tpu.memref_squeeze %dma_start3A_266 : memref<1x128xi32, #tpu.memory_space<vmem>> -> memref<128xi32, #tpu.memory_space<vmem>>
        %dma_start3A_268 = arith.constant 0 : i32
        %dma_start3A_269 = arith.constant 0 : i32
        %dma_start3A_270 = tpu.memref_slice %arg11[%dma_start3A_268, %dma_start3A_269] : memref<10240x128xf32, #tpu.memory_space<vmem_shared>> -> memref<10240x128xf32, #tpu.memory_space<vmem_shared>>
        tpu.enqueue_indirect_dma source(%arg9 : memref<128x128xf32, #tpu.memory_space<vmem>>) target(%dma_start3A_270 : memref<10240x128xf32, #tpu.memory_space<vmem_shared>>) offsets(%dma_start3A_267 : memref<128xi32, #tpu.memory_space<vmem>>) semaphore(%run_scoped3A_264 : memref<!tpu.dma_semaphore, #tpu.memory_space<semaphore_mem>>) {add = true}
        %dma_wait3A_271 = arith.constant 0 : i32
        %dma_wait3A_272 = tpu.memref_slice %arg8[%mul3A_231, %dma_wait3A_271] : memref<32x128xi32, #tpu.memory_space<vmem>> -> memref<1x128xi32, #tpu.memory_space<vmem>>
        %dma_wait3A_273 = tpu.memref_squeeze %dma_wait3A_272 : memref<1x128xi32, #tpu.memory_space<vmem>> -> memref<128xi32, #tpu.memory_space<vmem>>
        %dma_wait3A_274 = arith.constant 0 : i32
        %dma_wait3A_275 = arith.constant 0 : i32
        %dma_wait3A_276 = tpu.memref_slice %arg11[%dma_wait3A_274, %dma_wait3A_275] : memref<10240x128xf32, #tpu.memory_space<vmem_shared>> -> memref<10240x128xf32, #tpu.memory_space<vmem_shared>>
        tpu.wait_indirect_dma semaphore(%run_scoped3A_264 : memref<!tpu.dma_semaphore, #tpu.memory_space<semaphore_mem>>) src(%arg9 : memref<128x128xf32, #tpu.memory_space<vmem>>) dst(%dma_wait3A_276 : memref<10240x128xf32, #tpu.memory_space<vmem_shared>>)
        tpu.yield
      }) : () -> ()
      %add3A_246 = arith.constant 1 : i32
      %add3A_247 = arith.addi %mul3A_231, %add3A_246 : i32
      %dma_wait3A_248 = arith.constant 0 : i32
      %dma_wait3A_249 = tpu.memref_slice %arg7[%add3A_247, %dma_wait3A_248] : memref<32x128xi32, #tpu.memory_space<vmem>> -> memref<1x128xi32, #tpu.memory_space<vmem>>
      %dma_wait3A_250 = tpu.memref_squeeze %dma_wait3A_249 : memref<1x128xi32, #tpu.memory_space<vmem>> -> memref<128xi32, #tpu.memory_space<vmem>>
      %dma_wait3A_251 = arith.constant 0 : i32
      %dma_wait3A_252 = arith.constant 0 : i32
      %dma_wait3A_253 = tpu.memref_slice %arg2[%dma_wait3A_251, %dma_wait3A_252] : memref<20480x128xf32, #tpu.memory_space<hbm>> -> memref<20480x128xf32, #tpu.memory_space<hbm>>
      tpu.wait_indirect_dma semaphore(%arg13 : memref<!tpu.dma_semaphore, #tpu.memory_space<semaphore_mem>>) src(%dma_wait3A_253 : memref<20480x128xf32, #tpu.memory_space<hbm>>) dst(%arg10 : memref<128x128xf32, #tpu.memory_space<vmem>>)
      %add3A_254 = arith.constant 2 : i32
      %add3A_255 = arith.addi %mul3A_231, %add3A_254 : i32
      %dma_start3A_256 = arith.constant 0 : i32
      %dma_start3A_257 = tpu.memref_slice %arg7[%add3A_255, %dma_start3A_256] : memref<32x128xi32, #tpu.memory_space<vmem>> -> memref<1x128xi32, #tpu.memory_space<vmem>>
      %dma_start3A_258 = tpu.memref_squeeze %dma_start3A_257 : memref<1x128xi32, #tpu.memory_space<vmem>> -> memref<128xi32, #tpu.memory_space<vmem>>
      %dma_start3A_259 = arith.constant 0 : i32
      %dma_start3A_260 = arith.constant 0 : i32
      %dma_start3A_261 = tpu.memref_slice %arg2[%dma_start3A_259, %dma_start3A_260] : memref<20480x128xf32, #tpu.memory_space<hbm>> -> memref<20480x128xf32, #tpu.memory_space<hbm>>
      tpu.enqueue_indirect_dma source(%dma_start3A_261 : memref<20480x128xf32, #tpu.memory_space<hbm>>) target(%arg9 : memref<128x128xf32, #tpu.memory_space<vmem>>) offsets(%dma_start3A_258 : memref<128xi32, #tpu.memory_space<vmem>>) semaphore(%arg12 : memref<!tpu.dma_semaphore, #tpu.memory_space<semaphore_mem>>)
      %add3A_262 = arith.constant 1 : i32
      %add3A_263 = arith.addi %mul3A_231, %add3A_262 : i32
      "tpu.region"() ({
        %run_scoped3A_264 = tpu.sem_alloc : memref<!tpu.dma_semaphore, #tpu.memory_space<semaphore_mem>>
        %dma_start3A_265 = arith.constant 0 : i32
        %dma_start3A_266 = tpu.memref_slice %arg8[%add3A_263, %dma_start3A_265] : memref<32x128xi32, #tpu.memory_space<vmem>> -> memref<1x128xi32, #tpu.memory_space<vmem>>
        %dma_start3A_267 = tpu.memref_squeeze %dma_start3A_266 : memref<1x128xi32, #tpu.memory_space<vmem>> -> memref<128xi32, #tpu.memory_space<vmem>>
        %dma_start3A_268 = arith.constant 0 : i32
        %dma_start3A_269 = arith.constant 0 : i32
        %dma_start3A_270 = tpu.memref_slice %arg11[%dma_start3A_268, %dma_start3A_269] : memref<10240x128xf32, #tpu.memory_space<vmem_shared>> -> memref<10240x128xf32, #tpu.memory_space<vmem_shared>>
        tpu.enqueue_indirect_dma source(%arg10 : memref<128x128xf32, #tpu.memory_space<vmem>>) target(%dma_start3A_270 : memref<10240x128xf32, #tpu.memory_space<vmem_shared>>) offsets(%dma_start3A_267 : memref<128xi32, #tpu.memory_space<vmem>>) semaphore(%run_scoped3A_264 : memref<!tpu.dma_semaphore, #tpu.memory_space<semaphore_mem>>) {add = true}
        %dma_wait3A_271 = arith.constant 0 : i32
        %dma_wait3A_272 = tpu.memref_slice %arg8[%add3A_263, %dma_wait3A_271] : memref<32x128xi32, #tpu.memory_space<vmem>> -> memref<1x128xi32, #tpu.memory_space<vmem>>
        %dma_wait3A_273 = tpu.memref_squeeze %dma_wait3A_272 : memref<1x128xi32, #tpu.memory_space<vmem>> -> memref<128xi32, #tpu.memory_space<vmem>>
        %dma_wait3A_274 = arith.constant 0 : i32
        %dma_wait3A_275 = arith.constant 0 : i32
        %dma_wait3A_276 = tpu.memref_slice %arg11[%dma_wait3A_274, %dma_wait3A_275] : memref<10240x128xf32, #tpu.memory_space<vmem_shared>> -> memref<10240x128xf32, #tpu.memory_space<vmem_shared>>
        tpu.wait_indirect_dma semaphore(%run_scoped3A_264 : memref<!tpu.dma_semaphore, #tpu.memory_space<semaphore_mem>>) src(%arg10 : memref<128x128xf32, #tpu.memory_space<vmem>>) dst(%dma_wait3A_276 : memref<10240x128xf32, #tpu.memory_space<vmem_shared>>)
        tpu.yield
      }) : () -> ()
    }
    %scan3A_64 = arith.constant 15 : i32
    %dma_wait3A_65 = arith.constant 30 : i32
    %dma_wait3A_66 = arith.constant 0 : i32
    %dma_wait3A_67 = tpu.memref_slice %arg7[%dma_wait3A_65, %dma_wait3A_66] : memref<32x128xi32, #tpu.memory_space<vmem>> -> memref<1x128xi32, #tpu.memory_space<vmem>>
    %dma_wait3A_68 = tpu.memref_squeeze %dma_wait3A_67 : memref<1x128xi32, #tpu.memory_space<vmem>> -> memref<128xi32, #tpu.memory_space<vmem>>
    %dma_wait3A_69 = arith.constant 0 : i32
    %dma_wait3A_70 = arith.constant 0 : i32
    %dma_wait3A_71 = tpu.memref_slice %arg2[%dma_wait3A_69, %dma_wait3A_70] : memref<20480x128xf32, #tpu.memory_space<hbm>> -> memref<20480x128xf32, #tpu.memory_space<hbm>>
    tpu.wait_indirect_dma semaphore(%arg12 : memref<!tpu.dma_semaphore, #tpu.memory_space<semaphore_mem>>) src(%dma_wait3A_71 : memref<20480x128xf32, #tpu.memory_space<hbm>>) dst(%arg9 : memref<128x128xf32, #tpu.memory_space<vmem>>)
    %dma_start3A_72 = arith.constant 31 : i32
    %dma_start3A_73 = arith.constant 0 : i32
    %dma_start3A_74 = tpu.memref_slice %arg7[%dma_start3A_72, %dma_start3A_73] : memref<32x128xi32, #tpu.memory_space<vmem>> -> memref<1x128xi32, #tpu.memory_space<vmem>>
    %dma_start3A_75 = tpu.memref_squeeze %dma_start3A_74 : memref<1x128xi32, #tpu.memory_space<vmem>> -> memref<128xi32, #tpu.memory_space<vmem>>
    %dma_start3A_76 = arith.constant 0 : i32
    %dma_start3A_77 = arith.constant 0 : i32
    %dma_start3A_78 = tpu.memref_slice %arg2[%dma_start3A_76, %dma_start3A_77] : memref<20480x128xf32, #tpu.memory_space<hbm>> -> memref<20480x128xf32, #tpu.memory_space<hbm>>
    tpu.enqueue_indirect_dma source(%dma_start3A_78 : memref<20480x128xf32, #tpu.memory_space<hbm>>) target(%arg10 : memref<128x128xf32, #tpu.memory_space<vmem>>) offsets(%dma_start3A_75 : memref<128xi32, #tpu.memory_space<vmem>>) semaphore(%arg13 : memref<!tpu.dma_semaphore, #tpu.memory_space<semaphore_mem>>)
    %run_scoped3A_79 = arith.constant 30 : i32
    "tpu.region"() ({
      %run_scoped3A_229 = tpu.sem_alloc : memref<!tpu.dma_semaphore, #tpu.memory_space<semaphore_mem>>
      %dma_start3A_230 = arith.constant 0 : i32
      %dma_start3A_231 = tpu.memref_slice %arg8[%run_scoped3A_79, %dma_start3A_230] : memref<32x128xi32, #tpu.memory_space<vmem>> -> memref<1x128xi32, #tpu.memory_space<vmem>>
      %dma_start3A_232 = tpu.memref_squeeze %dma_start3A_231 : memref<1x128xi32, #tpu.memory_space<vmem>> -> memref<128xi32, #tpu.memory_space<vmem>>
      %dma_start3A_233 = arith.constant 0 : i32
      %dma_start3A_234 = arith.constant 0 : i32
      %dma_start3A_235 = tpu.memref_slice %arg11[%dma_start3A_233, %dma_start3A_234] : memref<10240x128xf32, #tpu.memory_space<vmem_shared>> -> memref<10240x128xf32, #tpu.memory_space<vmem_shared>>
      tpu.enqueue_indirect_dma source(%arg9 : memref<128x128xf32, #tpu.memory_space<vmem>>) target(%dma_start3A_235 : memref<10240x128xf32, #tpu.memory_space<vmem_shared>>) offsets(%dma_start3A_232 : memref<128xi32, #tpu.memory_space<vmem>>) semaphore(%run_scoped3A_229 : memref<!tpu.dma_semaphore, #tpu.memory_space<semaphore_mem>>) {add = true}
      %dma_wait3A_236 = arith.constant 0 : i32
      %dma_wait3A_237 = tpu.memref_slice %arg8[%run_scoped3A_79, %dma_wait3A_236] : memref<32x128xi32, #tpu.memory_space<vmem>> -> memref<1x128xi32, #tpu.memory_space<vmem>>
      %dma_wait3A_238 = tpu.memref_squeeze %dma_wait3A_237 : memref<1x128xi32, #tpu.memory_space<vmem>> -> memref<128xi32, #tpu.memory_space<vmem>>
      %dma_wait3A_239 = arith.constant 0 : i32
      %dma_wait3A_240 = arith.constant 0 : i32
      %dma_wait3A_241 = tpu.memref_slice %arg11[%dma_wait3A_239, %dma_wait3A_240] : memref<10240x128xf32, #tpu.memory_space<vmem_shared>> -> memref<10240x128xf32, #tpu.memory_space<vmem_shared>>
      tpu.wait_indirect_dma semaphore(%run_scoped3A_229 : memref<!tpu.dma_semaphore, #tpu.memory_space<semaphore_mem>>) src(%arg9 : memref<128x128xf32, #tpu.memory_space<vmem>>) dst(%dma_wait3A_241 : memref<10240x128xf32, #tpu.memory_space<vmem_shared>>)
      tpu.yield
    }) : () -> ()
    %dma_wait3A_80 = arith.constant 31 : i32
    %dma_wait3A_81 = arith.constant 0 : i32
    %dma_wait3A_82 = tpu.memref_slice %arg7[%dma_wait3A_80, %dma_wait3A_81] : memref<32x128xi32, #tpu.memory_space<vmem>> -> memref<1x128xi32, #tpu.memory_space<vmem>>
    %dma_wait3A_83 = tpu.memref_squeeze %dma_wait3A_82 : memref<1x128xi32, #tpu.memory_space<vmem>> -> memref<128xi32, #tpu.memory_space<vmem>>
    %dma_wait3A_84 = arith.constant 0 : i32
    %dma_wait3A_85 = arith.constant 0 : i32
    %dma_wait3A_86 = tpu.memref_slice %arg2[%dma_wait3A_84, %dma_wait3A_85] : memref<20480x128xf32, #tpu.memory_space<hbm>> -> memref<20480x128xf32, #tpu.memory_space<hbm>>
    tpu.wait_indirect_dma semaphore(%arg13 : memref<!tpu.dma_semaphore, #tpu.memory_space<semaphore_mem>>) src(%dma_wait3A_86 : memref<20480x128xf32, #tpu.memory_space<hbm>>) dst(%arg10 : memref<128x128xf32, #tpu.memory_space<vmem>>)
    %run_scoped3A_87 = arith.constant 31 : i32
    "tpu.region"() ({
      %run_scoped3A_229 = tpu.sem_alloc : memref<!tpu.dma_semaphore, #tpu.memory_space<semaphore_mem>>
      %dma_start3A_230 = arith.constant 0 : i32
      %dma_start3A_231 = tpu.memref_slice %arg8[%run_scoped3A_87, %dma_start3A_230] : memref<32x128xi32, #tpu.memory_space<vmem>> -> memref<1x128xi32, #tpu.memory_space<vmem>>
      %dma_start3A_232 = tpu.memref_squeeze %dma_start3A_231 : memref<1x128xi32, #tpu.memory_space<vmem>> -> memref<128xi32, #tpu.memory_space<vmem>>
      %dma_start3A_233 = arith.constant 0 : i32
      %dma_start3A_234 = arith.constant 0 : i32
      %dma_start3A_235 = tpu.memref_slice %arg11[%dma_start3A_233, %dma_start3A_234] : memref<10240x128xf32, #tpu.memory_space<vmem_shared>> -> memref<10240x128xf32, #tpu.memory_space<vmem_shared>>
      tpu.enqueue_indirect_dma source(%arg10 : memref<128x128xf32, #tpu.memory_space<vmem>>) target(%dma_start3A_235 : memref<10240x128xf32, #tpu.memory_space<vmem_shared>>) offsets(%dma_start3A_232 : memref<128xi32, #tpu.memory_space<vmem>>) semaphore(%run_scoped3A_229 : memref<!tpu.dma_semaphore, #tpu.memory_space<semaphore_mem>>) {add = true}
      %dma_wait3A_236 = arith.constant 0 : i32
      %dma_wait3A_237 = tpu.memref_slice %arg8[%run_scoped3A_87, %dma_wait3A_236] : memref<32x128xi32, #tpu.memory_space<vmem>> -> memref<1x128xi32, #tpu.memory_space<vmem>>
      %dma_wait3A_238 = tpu.memref_squeeze %dma_wait3A_237 : memref<1x128xi32, #tpu.memory_space<vmem>> -> memref<128xi32, #tpu.memory_space<vmem>>
      %dma_wait3A_239 = arith.constant 0 : i32
      %dma_wait3A_240 = arith.constant 0 : i32
      %dma_wait3A_241 = tpu.memref_slice %arg11[%dma_wait3A_239, %dma_wait3A_240] : memref<10240x128xf32, #tpu.memory_space<vmem_shared>> -> memref<10240x128xf32, #tpu.memory_space<vmem_shared>>
      tpu.wait_indirect_dma semaphore(%run_scoped3A_229 : memref<!tpu.dma_semaphore, #tpu.memory_space<semaphore_mem>>) src(%arg10 : memref<128x128xf32, #tpu.memory_space<vmem>>) dst(%dma_wait3A_241 : memref<10240x128xf32, #tpu.memory_space<vmem_shared>>)
      tpu.yield
    }) : () -> ()
    %add3A_88 = arith.constant 64 : i32
    %add3A_89 = arith.addi %mul3A_2, %add3A_88 : i32
    "tpu.region"() ({
      %run_scoped3A_229 = tpu.sem_alloc : memref<!tpu.dma_semaphore, #tpu.memory_space<semaphore_mem>>
      %dma_start3A_230 = arith.constant 0 : i32
      %dma_start3A_231 = arith.constant 0 : i32
      %dma_start3A_232 = tpu.memref_slice %arg3[%arg0, %dma_start3A_230, %dma_start3A_231] : memref<2x2560x128xi32, #tpu.memory_space<hbm>> -> memref<1x2560x128xi32, #tpu.memory_space<hbm>>
      %dma_start3A_233 = tpu.memref_squeeze %dma_start3A_232 : memref<1x2560x128xi32, #tpu.memory_space<hbm>> -> memref<2560x128xi32, #tpu.memory_space<hbm>>
      %dma_start3A_234 = arith.constant 0 : i32
      %dma_start3A_235 = tpu.memref_slice %dma_start3A_233[%add3A_89, %dma_start3A_234] : memref<2560x128xi32, #tpu.memory_space<hbm>> -> memref<32x128xi32, #tpu.memory_space<hbm>>
      %dma_start3A_236 = arith.constant 0 : i32
      %dma_start3A_237 = arith.constant 0 : i32
      %dma_start3A_238 = tpu.memref_slice %arg3[%arg0, %dma_start3A_236, %dma_start3A_237] : memref<2x2560x128xi32, #tpu.memory_space<hbm>> -> memref<1x2560x128xi32, #tpu.memory_space<hbm>>
      %dma_start3A_239 = tpu.memref_squeeze %dma_start3A_238 : memref<1x2560x128xi32, #tpu.memory_space<hbm>> -> memref<2560x128xi32, #tpu.memory_space<hbm>>
      %dma_start3A_240 = arith.constant 0 : i32
      %dma_start3A_241 = tpu.memref_slice %dma_start3A_239[%add3A_89, %dma_start3A_240] : memref<2560x128xi32, #tpu.memory_space<hbm>> -> memref<32x128xi32, #tpu.memory_space<hbm>>
      tpu.enqueue_dma source(%dma_start3A_241 : memref<32x128xi32, #tpu.memory_space<hbm>>) target(%arg7 : memref<32x128xi32, #tpu.memory_space<vmem>>) target_semaphore(%run_scoped3A_229 : memref<!tpu.dma_semaphore, #tpu.memory_space<semaphore_mem>>)
      %dma_wait3A_242 = arith.constant 0 : i32
      %dma_wait3A_243 = arith.constant 0 : i32
      %dma_wait3A_244 = tpu.memref_slice %arg3[%arg0, %dma_wait3A_242, %dma_wait3A_243] : memref<2x2560x128xi32, #tpu.memory_space<hbm>> -> memref<1x2560x128xi32, #tpu.memory_space<hbm>>
      %dma_wait3A_245 = tpu.memref_squeeze %dma_wait3A_244 : memref<1x2560x128xi32, #tpu.memory_space<hbm>> -> memref<2560x128xi32, #tpu.memory_space<hbm>>
      %dma_wait3A_246 = arith.constant 0 : i32
      %dma_wait3A_247 = tpu.memref_slice %dma_wait3A_245[%add3A_89, %dma_wait3A_246] : memref<2560x128xi32, #tpu.memory_space<hbm>> -> memref<32x128xi32, #tpu.memory_space<hbm>>
      %dma_wait3A_248 = arith.constant 0 : i32
      %dma_wait3A_249 = arith.constant 0 : i32
      %dma_wait3A_250 = tpu.memref_slice %arg3[%arg0, %dma_wait3A_248, %dma_wait3A_249] : memref<2x2560x128xi32, #tpu.memory_space<hbm>> -> memref<1x2560x128xi32, #tpu.memory_space<hbm>>
      %dma_wait3A_251 = tpu.memref_squeeze %dma_wait3A_250 : memref<1x2560x128xi32, #tpu.memory_space<hbm>> -> memref<2560x128xi32, #tpu.memory_space<hbm>>
      %dma_wait3A_252 = arith.constant 0 : i32
      %dma_wait3A_253 = tpu.memref_slice %dma_wait3A_251[%add3A_89, %dma_wait3A_252] : memref<2560x128xi32, #tpu.memory_space<hbm>> -> memref<32x128xi32, #tpu.memory_space<hbm>>
      tpu.wait_dma2 semaphore(%run_scoped3A_229 : memref<!tpu.dma_semaphore, #tpu.memory_space<semaphore_mem>>) src(%dma_wait3A_253 : memref<32x128xi32, #tpu.memory_space<hbm>>) dst(%arg7 : memref<32x128xi32, #tpu.memory_space<vmem>>)
      tpu.yield
    }) : () -> ()
    %add3A_90 = arith.constant 64 : i32
    %add3A_91 = arith.addi %mul3A_2, %add3A_90 : i32
    "tpu.region"() ({
      %run_scoped3A_229 = tpu.sem_alloc : memref<!tpu.dma_semaphore, #tpu.memory_space<semaphore_mem>>
      %dma_start3A_230 = arith.constant 0 : i32
      %dma_start3A_231 = arith.constant 0 : i32
      %dma_start3A_232 = tpu.memref_slice %arg4[%arg0, %dma_start3A_230, %dma_start3A_231] : memref<2x2560x128xi32, #tpu.memory_space<hbm>> -> memref<1x2560x128xi32, #tpu.memory_space<hbm>>
      %dma_start3A_233 = tpu.memref_squeeze %dma_start3A_232 : memref<1x2560x128xi32, #tpu.memory_space<hbm>> -> memref<2560x128xi32, #tpu.memory_space<hbm>>
      %dma_start3A_234 = arith.constant 0 : i32
      %dma_start3A_235 = tpu.memref_slice %dma_start3A_233[%add3A_91, %dma_start3A_234] : memref<2560x128xi32, #tpu.memory_space<hbm>> -> memref<32x128xi32, #tpu.memory_space<hbm>>
      %dma_start3A_236 = arith.constant 0 : i32
      %dma_start3A_237 = arith.constant 0 : i32
      %dma_start3A_238 = tpu.memref_slice %arg4[%arg0, %dma_start3A_236, %dma_start3A_237] : memref<2x2560x128xi32, #tpu.memory_space<hbm>> -> memref<1x2560x128xi32, #tpu.memory_space<hbm>>
      %dma_start3A_239 = tpu.memref_squeeze %dma_start3A_238 : memref<1x2560x128xi32, #tpu.memory_space<hbm>> -> memref<2560x128xi32, #tpu.memory_space<hbm>>
      %dma_start3A_240 = arith.constant 0 : i32
      %dma_start3A_241 = tpu.memref_slice %dma_start3A_239[%add3A_91, %dma_start3A_240] : memref<2560x128xi32, #tpu.memory_space<hbm>> -> memref<32x128xi32, #tpu.memory_space<hbm>>
      tpu.enqueue_dma source(%dma_start3A_241 : memref<32x128xi32, #tpu.memory_space<hbm>>) target(%arg8 : memref<32x128xi32, #tpu.memory_space<vmem>>) target_semaphore(%run_scoped3A_229 : memref<!tpu.dma_semaphore, #tpu.memory_space<semaphore_mem>>)
      %dma_wait3A_242 = arith.constant 0 : i32
      %dma_wait3A_243 = arith.constant 0 : i32
      %dma_wait3A_244 = tpu.memref_slice %arg4[%arg0, %dma_wait3A_242, %dma_wait3A_243] : memref<2x2560x128xi32, #tpu.memory_space<hbm>> -> memref<1x2560x128xi32, #tpu.memory_space<hbm>>
      %dma_wait3A_245 = tpu.memref_squeeze %dma_wait3A_244 : memref<1x2560x128xi32, #tpu.memory_space<hbm>> -> memref<2560x128xi32, #tpu.memory_space<hbm>>
      %dma_wait3A_246 = arith.constant 0 : i32
      %dma_wait3A_247 = tpu.memref_slice %dma_wait3A_245[%add3A_91, %dma_wait3A_246] : memref<2560x128xi32, #tpu.memory_space<hbm>> -> memref<32x128xi32, #tpu.memory_space<hbm>>
      %dma_wait3A_248 = arith.constant 0 : i32
      %dma_wait3A_249 = arith.constant 0 : i32
      %dma_wait3A_250 = tpu.memref_slice %arg4[%arg0, %dma_wait3A_248, %dma_wait3A_249] : memref<2x2560x128xi32, #tpu.memory_space<hbm>> -> memref<1x2560x128xi32, #tpu.memory_space<hbm>>
      %dma_wait3A_251 = tpu.memref_squeeze %dma_wait3A_250 : memref<1x2560x128xi32, #tpu.memory_space<hbm>> -> memref<2560x128xi32, #tpu.memory_space<hbm>>
      %dma_wait3A_252 = arith.constant 0 : i32
      %dma_wait3A_253 = tpu.memref_slice %dma_wait3A_251[%add3A_91, %dma_wait3A_252] : memref<2560x128xi32, #tpu.memory_space<hbm>> -> memref<32x128xi32, #tpu.memory_space<hbm>>
      tpu.wait_dma2 semaphore(%run_scoped3A_229 : memref<!tpu.dma_semaphore, #tpu.memory_space<semaphore_mem>>) src(%dma_wait3A_253 : memref<32x128xi32, #tpu.memory_space<hbm>>) dst(%arg8 : memref<32x128xi32, #tpu.memory_space<vmem>>)
      tpu.yield
    }) : () -> ()
    %dma_start3A_92 = arith.constant 0 : i32
    %dma_start3A_93 = arith.constant 0 : i32
    %dma_start3A_94 = tpu.memref_slice %arg7[%dma_start3A_92, %dma_start3A_93] : memref<32x128xi32, #tpu.memory_space<vmem>> -> memref<1x128xi32, #tpu.memory_space<vmem>>
    %dma_start3A_95 = tpu.memref_squeeze %dma_start3A_94 : memref<1x128xi32, #tpu.memory_space<vmem>> -> memref<128xi32, #tpu.memory_space<vmem>>
    %dma_start3A_96 = arith.constant 0 : i32
    %dma_start3A_97 = arith.constant 0 : i32
    %dma_start3A_98 = tpu.memref_slice %arg2[%dma_start3A_96, %dma_start3A_97] : memref<20480x128xf32, #tpu.memory_space<hbm>> -> memref<20480x128xf32, #tpu.memory_space<hbm>>
    tpu.enqueue_indirect_dma source(%dma_start3A_98 : memref<20480x128xf32, #tpu.memory_space<hbm>>) target(%arg9 : memref<128x128xf32, #tpu.memory_space<vmem>>) offsets(%dma_start3A_95 : memref<128xi32, #tpu.memory_space<vmem>>) semaphore(%arg12 : memref<!tpu.dma_semaphore, #tpu.memory_space<semaphore_mem>>)
    %scan3A_99 = arith.constant 0 : i32
    %scan3A_100 = arith.constant 0 : i32
    %scan3A_101 = arith.constant 15 : i32
    %scan3A_102 = arith.addi %scan3A_100, %scan3A_101 : i32
    %scan3A_103 = arith.constant 1 : i32
    scf.for %scan3A_229 = %scan3A_100 to %scan3A_102 step %scan3A_103  : i32 {
      %mul3A_230 = arith.constant 2 : i32
      %mul3A_231 = arith.muli %mul3A_230, %scan3A_229 : i32
      %dma_wait3A_232 = arith.constant 0 : i32
      %dma_wait3A_233 = tpu.memref_slice %arg7[%mul3A_231, %dma_wait3A_232] : memref<32x128xi32, #tpu.memory_space<vmem>> -> memref<1x128xi32, #tpu.memory_space<vmem>>
      %dma_wait3A_234 = tpu.memref_squeeze %dma_wait3A_233 : memref<1x128xi32, #tpu.memory_space<vmem>> -> memref<128xi32, #tpu.memory_space<vmem>>
      %dma_wait3A_235 = arith.constant 0 : i32
      %dma_wait3A_236 = arith.constant 0 : i32
      %dma_wait3A_237 = tpu.memref_slice %arg2[%dma_wait3A_235, %dma_wait3A_236] : memref<20480x128xf32, #tpu.memory_space<hbm>> -> memref<20480x128xf32, #tpu.memory_space<hbm>>
      tpu.wait_indirect_dma semaphore(%arg12 : memref<!tpu.dma_semaphore, #tpu.memory_space<semaphore_mem>>) src(%dma_wait3A_237 : memref<20480x128xf32, #tpu.memory_space<hbm>>) dst(%arg9 : memref<128x128xf32, #tpu.memory_space<vmem>>)
      %add3A_238 = arith.constant 1 : i32
      %add3A_239 = arith.addi %mul3A_231, %add3A_238 : i32
      %dma_start3A_240 = arith.constant 0 : i32
      %dma_start3A_241 = tpu.memref_slice %arg7[%add3A_239, %dma_start3A_240] : memref<32x128xi32, #tpu.memory_space<vmem>> -> memref<1x128xi32, #tpu.memory_space<vmem>>
      %dma_start3A_242 = tpu.memref_squeeze %dma_start3A_241 : memref<1x128xi32, #tpu.memory_space<vmem>> -> memref<128xi32, #tpu.memory_space<vmem>>
      %dma_start3A_243 = arith.constant 0 : i32
      %dma_start3A_244 = arith.constant 0 : i32
      %dma_start3A_245 = tpu.memref_slice %arg2[%dma_start3A_243, %dma_start3A_244] : memref<20480x128xf32, #tpu.memory_space<hbm>> -> memref<20480x128xf32, #tpu.memory_space<hbm>>
      tpu.enqueue_indirect_dma source(%dma_start3A_245 : memref<20480x128xf32, #tpu.memory_space<hbm>>) target(%arg10 : memref<128x128xf32, #tpu.memory_space<vmem>>) offsets(%dma_start3A_242 : memref<128xi32, #tpu.memory_space<vmem>>) semaphore(%arg13 : memref<!tpu.dma_semaphore, #tpu.memory_space<semaphore_mem>>)
      "tpu.region"() ({
        %run_scoped3A_264 = tpu.sem_alloc : memref<!tpu.dma_semaphore, #tpu.memory_space<semaphore_mem>>
        %dma_start3A_265 = arith.constant 0 : i32
        %dma_start3A_266 = tpu.memref_slice %arg8[%mul3A_231, %dma_start3A_265] : memref<32x128xi32, #tpu.memory_space<vmem>> -> memref<1x128xi32, #tpu.memory_space<vmem>>
        %dma_start3A_267 = tpu.memref_squeeze %dma_start3A_266 : memref<1x128xi32, #tpu.memory_space<vmem>> -> memref<128xi32, #tpu.memory_space<vmem>>
        %dma_start3A_268 = arith.constant 0 : i32
        %dma_start3A_269 = arith.constant 0 : i32
        %dma_start3A_270 = tpu.memref_slice %arg11[%dma_start3A_268, %dma_start3A_269] : memref<10240x128xf32, #tpu.memory_space<vmem_shared>> -> memref<10240x128xf32, #tpu.memory_space<vmem_shared>>
        tpu.enqueue_indirect_dma source(%arg9 : memref<128x128xf32, #tpu.memory_space<vmem>>) target(%dma_start3A_270 : memref<10240x128xf32, #tpu.memory_space<vmem_shared>>) offsets(%dma_start3A_267 : memref<128xi32, #tpu.memory_space<vmem>>) semaphore(%run_scoped3A_264 : memref<!tpu.dma_semaphore, #tpu.memory_space<semaphore_mem>>) {add = true}
        %dma_wait3A_271 = arith.constant 0 : i32
        %dma_wait3A_272 = tpu.memref_slice %arg8[%mul3A_231, %dma_wait3A_271] : memref<32x128xi32, #tpu.memory_space<vmem>> -> memref<1x128xi32, #tpu.memory_space<vmem>>
        %dma_wait3A_273 = tpu.memref_squeeze %dma_wait3A_272 : memref<1x128xi32, #tpu.memory_space<vmem>> -> memref<128xi32, #tpu.memory_space<vmem>>
        %dma_wait3A_274 = arith.constant 0 : i32
        %dma_wait3A_275 = arith.constant 0 : i32
        %dma_wait3A_276 = tpu.memref_slice %arg11[%dma_wait3A_274, %dma_wait3A_275] : memref<10240x128xf32, #tpu.memory_space<vmem_shared>> -> memref<10240x128xf32, #tpu.memory_space<vmem_shared>>
        tpu.wait_indirect_dma semaphore(%run_scoped3A_264 : memref<!tpu.dma_semaphore, #tpu.memory_space<semaphore_mem>>) src(%arg9 : memref<128x128xf32, #tpu.memory_space<vmem>>) dst(%dma_wait3A_276 : memref<10240x128xf32, #tpu.memory_space<vmem_shared>>)
        tpu.yield
      }) : () -> ()
      %add3A_246 = arith.constant 1 : i32
      %add3A_247 = arith.addi %mul3A_231, %add3A_246 : i32
      %dma_wait3A_248 = arith.constant 0 : i32
      %dma_wait3A_249 = tpu.memref_slice %arg7[%add3A_247, %dma_wait3A_248] : memref<32x128xi32, #tpu.memory_space<vmem>> -> memref<1x128xi32, #tpu.memory_space<vmem>>
      %dma_wait3A_250 = tpu.memref_squeeze %dma_wait3A_249 : memref<1x128xi32, #tpu.memory_space<vmem>> -> memref<128xi32, #tpu.memory_space<vmem>>
      %dma_wait3A_251 = arith.constant 0 : i32
      %dma_wait3A_252 = arith.constant 0 : i32
      %dma_wait3A_253 = tpu.memref_slice %arg2[%dma_wait3A_251, %dma_wait3A_252] : memref<20480x128xf32, #tpu.memory_space<hbm>> -> memref<20480x128xf32, #tpu.memory_space<hbm>>
      tpu.wait_indirect_dma semaphore(%arg13 : memref<!tpu.dma_semaphore, #tpu.memory_space<semaphore_mem>>) src(%dma_wait3A_253 : memref<20480x128xf32, #tpu.memory_space<hbm>>) dst(%arg10 : memref<128x128xf32, #tpu.memory_space<vmem>>)
      %add3A_254 = arith.constant 2 : i32
      %add3A_255 = arith.addi %mul3A_231, %add3A_254 : i32
      %dma_start3A_256 = arith.constant 0 : i32
      %dma_start3A_257 = tpu.memref_slice %arg7[%add3A_255, %dma_start3A_256] : memref<32x128xi32, #tpu.memory_space<vmem>> -> memref<1x128xi32, #tpu.memory_space<vmem>>
      %dma_start3A_258 = tpu.memref_squeeze %dma_start3A_257 : memref<1x128xi32, #tpu.memory_space<vmem>> -> memref<128xi32, #tpu.memory_space<vmem>>
      %dma_start3A_259 = arith.constant 0 : i32
      %dma_start3A_260 = arith.constant 0 : i32
      %dma_start3A_261 = tpu.memref_slice %arg2[%dma_start3A_259, %dma_start3A_260] : memref<20480x128xf32, #tpu.memory_space<hbm>> -> memref<20480x128xf32, #tpu.memory_space<hbm>>
      tpu.enqueue_indirect_dma source(%dma_start3A_261 : memref<20480x128xf32, #tpu.memory_space<hbm>>) target(%arg9 : memref<128x128xf32, #tpu.memory_space<vmem>>) offsets(%dma_start3A_258 : memref<128xi32, #tpu.memory_space<vmem>>) semaphore(%arg12 : memref<!tpu.dma_semaphore, #tpu.memory_space<semaphore_mem>>)
      %add3A_262 = arith.constant 1 : i32
      %add3A_263 = arith.addi %mul3A_231, %add3A_262 : i32
      "tpu.region"() ({
        %run_scoped3A_264 = tpu.sem_alloc : memref<!tpu.dma_semaphore, #tpu.memory_space<semaphore_mem>>
        %dma_start3A_265 = arith.constant 0 : i32
        %dma_start3A_266 = tpu.memref_slice %arg8[%add3A_263, %dma_start3A_265] : memref<32x128xi32, #tpu.memory_space<vmem>> -> memref<1x128xi32, #tpu.memory_space<vmem>>
        %dma_start3A_267 = tpu.memref_squeeze %dma_start3A_266 : memref<1x128xi32, #tpu.memory_space<vmem>> -> memref<128xi32, #tpu.memory_space<vmem>>
        %dma_start3A_268 = arith.constant 0 : i32
        %dma_start3A_269 = arith.constant 0 : i32
        %dma_start3A_270 = tpu.memref_slice %arg11[%dma_start3A_268, %dma_start3A_269] : memref<10240x128xf32, #tpu.memory_space<vmem_shared>> -> memref<10240x128xf32, #tpu.memory_space<vmem_shared>>
        tpu.enqueue_indirect_dma source(%arg10 : memref<128x128xf32, #tpu.memory_space<vmem>>) target(%dma_start3A_270 : memref<10240x128xf32, #tpu.memory_space<vmem_shared>>) offsets(%dma_start3A_267 : memref<128xi32, #tpu.memory_space<vmem>>) semaphore(%run_scoped3A_264 : memref<!tpu.dma_semaphore, #tpu.memory_space<semaphore_mem>>) {add = true}
        %dma_wait3A_271 = arith.constant 0 : i32
        %dma_wait3A_272 = tpu.memref_slice %arg8[%add3A_263, %dma_wait3A_271] : memref<32x128xi32, #tpu.memory_space<vmem>> -> memref<1x128xi32, #tpu.memory_space<vmem>>
        %dma_wait3A_273 = tpu.memref_squeeze %dma_wait3A_272 : memref<1x128xi32, #tpu.memory_space<vmem>> -> memref<128xi32, #tpu.memory_space<vmem>>
        %dma_wait3A_274 = arith.constant 0 : i32
        %dma_wait3A_275 = arith.constant 0 : i32
        %dma_wait3A_276 = tpu.memref_slice %arg11[%dma_wait3A_274, %dma_wait3A_275] : memref<10240x128xf32, #tpu.memory_space<vmem_shared>> -> memref<10240x128xf32, #tpu.memory_space<vmem_shared>>
        tpu.wait_indirect_dma semaphore(%run_scoped3A_264 : memref<!tpu.dma_semaphore, #tpu.memory_space<semaphore_mem>>) src(%arg10 : memref<128x128xf32, #tpu.memory_space<vmem>>) dst(%dma_wait3A_276 : memref<10240x128xf32, #tpu.memory_space<vmem_shared>>)
        tpu.yield
      }) : () -> ()
    }
    %scan3A_104 = arith.constant 15 : i32
    %dma_wait3A_105 = arith.constant 30 : i32
    %dma_wait3A_106 = arith.constant 0 : i32
    %dma_wait3A_107 = tpu.memref_slice %arg7[%dma_wait3A_105, %dma_wait3A_106] : memref<32x128xi32, #tpu.memory_space<vmem>> -> memref<1x128xi32, #tpu.memory_space<vmem>>
    %dma_wait3A_108 = tpu.memref_squeeze %dma_wait3A_107 : memref<1x128xi32, #tpu.memory_space<vmem>> -> memref<128xi32, #tpu.memory_space<vmem>>
    %dma_wait3A_109 = arith.constant 0 : i32
    %dma_wait3A_110 = arith.constant 0 : i32
    %dma_wait3A_111 = tpu.memref_slice %arg2[%dma_wait3A_109, %dma_wait3A_110] : memref<20480x128xf32, #tpu.memory_space<hbm>> -> memref<20480x128xf32, #tpu.memory_space<hbm>>
    tpu.wait_indirect_dma semaphore(%arg12 : memref<!tpu.dma_semaphore, #tpu.memory_space<semaphore_mem>>) src(%dma_wait3A_111 : memref<20480x128xf32, #tpu.memory_space<hbm>>) dst(%arg9 : memref<128x128xf32, #tpu.memory_space<vmem>>)
    %dma_start3A_112 = arith.constant 31 : i32
    %dma_start3A_113 = arith.constant 0 : i32
    %dma_start3A_114 = tpu.memref_slice %arg7[%dma_start3A_112, %dma_start3A_113] : memref<32x128xi32, #tpu.memory_space<vmem>> -> memref<1x128xi32, #tpu.memory_space<vmem>>
    %dma_start3A_115 = tpu.memref_squeeze %dma_start3A_114 : memref<1x128xi32, #tpu.memory_space<vmem>> -> memref<128xi32, #tpu.memory_space<vmem>>
    %dma_start3A_116 = arith.constant 0 : i32
    %dma_start3A_117 = arith.constant 0 : i32
    %dma_start3A_118 = tpu.memref_slice %arg2[%dma_start3A_116, %dma_start3A_117] : memref<20480x128xf32, #tpu.memory_space<hbm>> -> memref<20480x128xf32, #tpu.memory_space<hbm>>
    tpu.enqueue_indirect_dma source(%dma_start3A_118 : memref<20480x128xf32, #tpu.memory_space<hbm>>) target(%arg10 : memref<128x128xf32, #tpu.memory_space<vmem>>) offsets(%dma_start3A_115 : memref<128xi32, #tpu.memory_space<vmem>>) semaphore(%arg13 : memref<!tpu.dma_semaphore, #tpu.memory_space<semaphore_mem>>)
    %run_scoped3A_119 = arith.constant 30 : i32
    "tpu.region"() ({
      %run_scoped3A_229 = tpu.sem_alloc : memref<!tpu.dma_semaphore, #tpu.memory_space<semaphore_mem>>
      %dma_start3A_230 = arith.constant 0 : i32
      %dma_start3A_231 = tpu.memref_slice %arg8[%run_scoped3A_119, %dma_start3A_230] : memref<32x128xi32, #tpu.memory_space<vmem>> -> memref<1x128xi32, #tpu.memory_space<vmem>>
      %dma_start3A_232 = tpu.memref_squeeze %dma_start3A_231 : memref<1x128xi32, #tpu.memory_space<vmem>> -> memref<128xi32, #tpu.memory_space<vmem>>
      %dma_start3A_233 = arith.constant 0 : i32
      %dma_start3A_234 = arith.constant 0 : i32
      %dma_start3A_235 = tpu.memref_slice %arg11[%dma_start3A_233, %dma_start3A_234] : memref<10240x128xf32, #tpu.memory_space<vmem_shared>> -> memref<10240x128xf32, #tpu.memory_space<vmem_shared>>
      tpu.enqueue_indirect_dma source(%arg9 : memref<128x128xf32, #tpu.memory_space<vmem>>) target(%dma_start3A_235 : memref<10240x128xf32, #tpu.memory_space<vmem_shared>>) offsets(%dma_start3A_232 : memref<128xi32, #tpu.memory_space<vmem>>) semaphore(%run_scoped3A_229 : memref<!tpu.dma_semaphore, #tpu.memory_space<semaphore_mem>>) {add = true}
      %dma_wait3A_236 = arith.constant 0 : i32
      %dma_wait3A_237 = tpu.memref_slice %arg8[%run_scoped3A_119, %dma_wait3A_236] : memref<32x128xi32, #tpu.memory_space<vmem>> -> memref<1x128xi32, #tpu.memory_space<vmem>>
      %dma_wait3A_238 = tpu.memref_squeeze %dma_wait3A_237 : memref<1x128xi32, #tpu.memory_space<vmem>> -> memref<128xi32, #tpu.memory_space<vmem>>
      %dma_wait3A_239 = arith.constant 0 : i32
      %dma_wait3A_240 = arith.constant 0 : i32
      %dma_wait3A_241 = tpu.memref_slice %arg11[%dma_wait3A_239, %dma_wait3A_240] : memref<10240x128xf32, #tpu.memory_space<vmem_shared>> -> memref<10240x128xf32, #tpu.memory_space<vmem_shared>>
      tpu.wait_indirect_dma semaphore(%run_scoped3A_229 : memref<!tpu.dma_semaphore, #tpu.memory_space<semaphore_mem>>) src(%arg9 : memref<128x128xf32, #tpu.memory_space<vmem>>) dst(%dma_wait3A_241 : memref<10240x128xf32, #tpu.memory_space<vmem_shared>>)
      tpu.yield
    }) : () -> ()
    %dma_wait3A_120 = arith.constant 31 : i32
    %dma_wait3A_121 = arith.constant 0 : i32
    %dma_wait3A_122 = tpu.memref_slice %arg7[%dma_wait3A_120, %dma_wait3A_121] : memref<32x128xi32, #tpu.memory_space<vmem>> -> memref<1x128xi32, #tpu.memory_space<vmem>>
    %dma_wait3A_123 = tpu.memref_squeeze %dma_wait3A_122 : memref<1x128xi32, #tpu.memory_space<vmem>> -> memref<128xi32, #tpu.memory_space<vmem>>
    %dma_wait3A_124 = arith.constant 0 : i32
    %dma_wait3A_125 = arith.constant 0 : i32
    %dma_wait3A_126 = tpu.memref_slice %arg2[%dma_wait3A_124, %dma_wait3A_125] : memref<20480x128xf32, #tpu.memory_space<hbm>> -> memref<20480x128xf32, #tpu.memory_space<hbm>>
    tpu.wait_indirect_dma semaphore(%arg13 : memref<!tpu.dma_semaphore, #tpu.memory_space<semaphore_mem>>) src(%dma_wait3A_126 : memref<20480x128xf32, #tpu.memory_space<hbm>>) dst(%arg10 : memref<128x128xf32, #tpu.memory_space<vmem>>)
    %run_scoped3A_127 = arith.constant 31 : i32
    "tpu.region"() ({
      %run_scoped3A_229 = tpu.sem_alloc : memref<!tpu.dma_semaphore, #tpu.memory_space<semaphore_mem>>
      %dma_start3A_230 = arith.constant 0 : i32
      %dma_start3A_231 = tpu.memref_slice %arg8[%run_scoped3A_127, %dma_start3A_230] : memref<32x128xi32, #tpu.memory_space<vmem>> -> memref<1x128xi32, #tpu.memory_space<vmem>>
      %dma_start3A_232 = tpu.memref_squeeze %dma_start3A_231 : memref<1x128xi32, #tpu.memory_space<vmem>> -> memref<128xi32, #tpu.memory_space<vmem>>
      %dma_start3A_233 = arith.constant 0 : i32
      %dma_start3A_234 = arith.constant 0 : i32
      %dma_start3A_235 = tpu.memref_slice %arg11[%dma_start3A_233, %dma_start3A_234] : memref<10240x128xf32, #tpu.memory_space<vmem_shared>> -> memref<10240x128xf32, #tpu.memory_space<vmem_shared>>
      tpu.enqueue_indirect_dma source(%arg10 : memref<128x128xf32, #tpu.memory_space<vmem>>) target(%dma_start3A_235 : memref<10240x128xf32, #tpu.memory_space<vmem_shared>>) offsets(%dma_start3A_232 : memref<128xi32, #tpu.memory_space<vmem>>) semaphore(%run_scoped3A_229 : memref<!tpu.dma_semaphore, #tpu.memory_space<semaphore_mem>>) {add = true}
      %dma_wait3A_236 = arith.constant 0 : i32
      %dma_wait3A_237 = tpu.memref_slice %arg8[%run_scoped3A_127, %dma_wait3A_236] : memref<32x128xi32, #tpu.memory_space<vmem>> -> memref<1x128xi32, #tpu.memory_space<vmem>>
      %dma_wait3A_238 = tpu.memref_squeeze %dma_wait3A_237 : memref<1x128xi32, #tpu.memory_space<vmem>> -> memref<128xi32, #tpu.memory_space<vmem>>
      %dma_wait3A_239 = arith.constant 0 : i32
      %dma_wait3A_240 = arith.constant 0 : i32
      %dma_wait3A_241 = tpu.memref_slice %arg11[%dma_wait3A_239, %dma_wait3A_240] : memref<10240x128xf32, #tpu.memory_space<vmem_shared>> -> memref<10240x128xf32, #tpu.memory_space<vmem_shared>>
      tpu.wait_indirect_dma semaphore(%run_scoped3A_229 : memref<!tpu.dma_semaphore, #tpu.memory_space<semaphore_mem>>) src(%arg10 : memref<128x128xf32, #tpu.memory_space<vmem>>) dst(%dma_wait3A_241 : memref<10240x128xf32, #tpu.memory_space<vmem_shared>>)
      tpu.yield
    }) : () -> ()
    %add3A_128 = arith.constant 96 : i32
    %add3A_129 = arith.addi %mul3A_2, %add3A_128 : i32
    "tpu.region"() ({
      %run_scoped3A_229 = tpu.sem_alloc : memref<!tpu.dma_semaphore, #tpu.memory_space<semaphore_mem>>
      %dma_start3A_230 = arith.constant 0 : i32
      %dma_start3A_231 = arith.constant 0 : i32
      %dma_start3A_232 = tpu.memref_slice %arg3[%arg0, %dma_start3A_230, %dma_start3A_231] : memref<2x2560x128xi32, #tpu.memory_space<hbm>> -> memref<1x2560x128xi32, #tpu.memory_space<hbm>>
      %dma_start3A_233 = tpu.memref_squeeze %dma_start3A_232 : memref<1x2560x128xi32, #tpu.memory_space<hbm>> -> memref<2560x128xi32, #tpu.memory_space<hbm>>
      %dma_start3A_234 = arith.constant 0 : i32
      %dma_start3A_235 = tpu.memref_slice %dma_start3A_233[%add3A_129, %dma_start3A_234] : memref<2560x128xi32, #tpu.memory_space<hbm>> -> memref<32x128xi32, #tpu.memory_space<hbm>>
      %dma_start3A_236 = arith.constant 0 : i32
      %dma_start3A_237 = arith.constant 0 : i32
      %dma_start3A_238 = tpu.memref_slice %arg3[%arg0, %dma_start3A_236, %dma_start3A_237] : memref<2x2560x128xi32, #tpu.memory_space<hbm>> -> memref<1x2560x128xi32, #tpu.memory_space<hbm>>
      %dma_start3A_239 = tpu.memref_squeeze %dma_start3A_238 : memref<1x2560x128xi32, #tpu.memory_space<hbm>> -> memref<2560x128xi32, #tpu.memory_space<hbm>>
      %dma_start3A_240 = arith.constant 0 : i32
      %dma_start3A_241 = tpu.memref_slice %dma_start3A_239[%add3A_129, %dma_start3A_240] : memref<2560x128xi32, #tpu.memory_space<hbm>> -> memref<32x128xi32, #tpu.memory_space<hbm>>
      tpu.enqueue_dma source(%dma_start3A_241 : memref<32x128xi32, #tpu.memory_space<hbm>>) target(%arg7 : memref<32x128xi32, #tpu.memory_space<vmem>>) target_semaphore(%run_scoped3A_229 : memref<!tpu.dma_semaphore, #tpu.memory_space<semaphore_mem>>)
      %dma_wait3A_242 = arith.constant 0 : i32
      %dma_wait3A_243 = arith.constant 0 : i32
      %dma_wait3A_244 = tpu.memref_slice %arg3[%arg0, %dma_wait3A_242, %dma_wait3A_243] : memref<2x2560x128xi32, #tpu.memory_space<hbm>> -> memref<1x2560x128xi32, #tpu.memory_space<hbm>>
      %dma_wait3A_245 = tpu.memref_squeeze %dma_wait3A_244 : memref<1x2560x128xi32, #tpu.memory_space<hbm>> -> memref<2560x128xi32, #tpu.memory_space<hbm>>
      %dma_wait3A_246 = arith.constant 0 : i32
      %dma_wait3A_247 = tpu.memref_slice %dma_wait3A_245[%add3A_129, %dma_wait3A_246] : memref<2560x128xi32, #tpu.memory_space<hbm>> -> memref<32x128xi32, #tpu.memory_space<hbm>>
      %dma_wait3A_248 = arith.constant 0 : i32
      %dma_wait3A_249 = arith.constant 0 : i32
      %dma_wait3A_250 = tpu.memref_slice %arg3[%arg0, %dma_wait3A_248, %dma_wait3A_249] : memref<2x2560x128xi32, #tpu.memory_space<hbm>> -> memref<1x2560x128xi32, #tpu.memory_space<hbm>>
      %dma_wait3A_251 = tpu.memref_squeeze %dma_wait3A_250 : memref<1x2560x128xi32, #tpu.memory_space<hbm>> -> memref<2560x128xi32, #tpu.memory_space<hbm>>
      %dma_wait3A_252 = arith.constant 0 : i32
      %dma_wait3A_253 = tpu.memref_slice %dma_wait3A_251[%add3A_129, %dma_wait3A_252] : memref<2560x128xi32, #tpu.memory_space<hbm>> -> memref<32x128xi32, #tpu.memory_space<hbm>>
      tpu.wait_dma2 semaphore(%run_scoped3A_229 : memref<!tpu.dma_semaphore, #tpu.memory_space<semaphore_mem>>) src(%dma_wait3A_253 : memref<32x128xi32, #tpu.memory_space<hbm>>) dst(%arg7 : memref<32x128xi32, #tpu.memory_space<vmem>>)
      tpu.yield
    }) : () -> ()
    %add3A_130 = arith.constant 96 : i32
    %add3A_131 = arith.addi %mul3A_2, %add3A_130 : i32
    "tpu.region"() ({
      %run_scoped3A_229 = tpu.sem_alloc : memref<!tpu.dma_semaphore, #tpu.memory_space<semaphore_mem>>
      %dma_start3A_230 = arith.constant 0 : i32
      %dma_start3A_231 = arith.constant 0 : i32
      %dma_start3A_232 = tpu.memref_slice %arg4[%arg0, %dma_start3A_230, %dma_start3A_231] : memref<2x2560x128xi32, #tpu.memory_space<hbm>> -> memref<1x2560x128xi32, #tpu.memory_space<hbm>>
      %dma_start3A_233 = tpu.memref_squeeze %dma_start3A_232 : memref<1x2560x128xi32, #tpu.memory_space<hbm>> -> memref<2560x128xi32, #tpu.memory_space<hbm>>
      %dma_start3A_234 = arith.constant 0 : i32
      %dma_start3A_235 = tpu.memref_slice %dma_start3A_233[%add3A_131, %dma_start3A_234] : memref<2560x128xi32, #tpu.memory_space<hbm>> -> memref<32x128xi32, #tpu.memory_space<hbm>>
      %dma_start3A_236 = arith.constant 0 : i32
      %dma_start3A_237 = arith.constant 0 : i32
      %dma_start3A_238 = tpu.memref_slice %arg4[%arg0, %dma_start3A_236, %dma_start3A_237] : memref<2x2560x128xi32, #tpu.memory_space<hbm>> -> memref<1x2560x128xi32, #tpu.memory_space<hbm>>
      %dma_start3A_239 = tpu.memref_squeeze %dma_start3A_238 : memref<1x2560x128xi32, #tpu.memory_space<hbm>> -> memref<2560x128xi32, #tpu.memory_space<hbm>>
      %dma_start3A_240 = arith.constant 0 : i32
      %dma_start3A_241 = tpu.memref_slice %dma_start3A_239[%add3A_131, %dma_start3A_240] : memref<2560x128xi32, #tpu.memory_space<hbm>> -> memref<32x128xi32, #tpu.memory_space<hbm>>
      tpu.enqueue_dma source(%dma_start3A_241 : memref<32x128xi32, #tpu.memory_space<hbm>>) target(%arg8 : memref<32x128xi32, #tpu.memory_space<vmem>>) target_semaphore(%run_scoped3A_229 : memref<!tpu.dma_semaphore, #tpu.memory_space<semaphore_mem>>)
      %dma_wait3A_242 = arith.constant 0 : i32
      %dma_wait3A_243 = arith.constant 0 : i32
      %dma_wait3A_244 = tpu.memref_slice %arg4[%arg0, %dma_wait3A_242, %dma_wait3A_243] : memref<2x2560x128xi32, #tpu.memory_space<hbm>> -> memref<1x2560x128xi32, #tpu.memory_space<hbm>>
      %dma_wait3A_245 = tpu.memref_squeeze %dma_wait3A_244 : memref<1x2560x128xi32, #tpu.memory_space<hbm>> -> memref<2560x128xi32, #tpu.memory_space<hbm>>
      %dma_wait3A_246 = arith.constant 0 : i32
      %dma_wait3A_247 = tpu.memref_slice %dma_wait3A_245[%add3A_131, %dma_wait3A_246] : memref<2560x128xi32, #tpu.memory_space<hbm>> -> memref<32x128xi32, #tpu.memory_space<hbm>>
      %dma_wait3A_248 = arith.constant 0 : i32
      %dma_wait3A_249 = arith.constant 0 : i32
      %dma_wait3A_250 = tpu.memref_slice %arg4[%arg0, %dma_wait3A_248, %dma_wait3A_249] : memref<2x2560x128xi32, #tpu.memory_space<hbm>> -> memref<1x2560x128xi32, #tpu.memory_space<hbm>>
      %dma_wait3A_251 = tpu.memref_squeeze %dma_wait3A_250 : memref<1x2560x128xi32, #tpu.memory_space<hbm>> -> memref<2560x128xi32, #tpu.memory_space<hbm>>
      %dma_wait3A_252 = arith.constant 0 : i32
      %dma_wait3A_253 = tpu.memref_slice %dma_wait3A_251[%add3A_131, %dma_wait3A_252] : memref<2560x128xi32, #tpu.memory_space<hbm>> -> memref<32x128xi32, #tpu.memory_space<hbm>>
      tpu.wait_dma2 semaphore(%run_scoped3A_229 : memref<!tpu.dma_semaphore, #tpu.memory_space<semaphore_mem>>) src(%dma_wait3A_253 : memref<32x128xi32, #tpu.memory_space<hbm>>) dst(%arg8 : memref<32x128xi32, #tpu.memory_space<vmem>>)
      tpu.yield
    }) : () -> ()
    %dma_start3A_132 = arith.constant 0 : i32
    %dma_start3A_133 = arith.constant 0 : i32
    %dma_start3A_134 = tpu.memref_slice %arg7[%dma_start3A_132, %dma_start3A_133] : memref<32x128xi32, #tpu.memory_space<vmem>> -> memref<1x128xi32, #tpu.memory_space<vmem>>
    %dma_start3A_135 = tpu.memref_squeeze %dma_start3A_134 : memref<1x128xi32, #tpu.memory_space<vmem>> -> memref<128xi32, #tpu.memory_space<vmem>>
    %dma_start3A_136 = arith.constant 0 : i32
    %dma_start3A_137 = arith.constant 0 : i32
    %dma_start3A_138 = tpu.memref_slice %arg2[%dma_start3A_136, %dma_start3A_137] : memref<20480x128xf32, #tpu.memory_space<hbm>> -> memref<20480x128xf32, #tpu.memory_space<hbm>>
    tpu.enqueue_indirect_dma source(%dma_start3A_138 : memref<20480x128xf32, #tpu.memory_space<hbm>>) target(%arg9 : memref<128x128xf32, #tpu.memory_space<vmem>>) offsets(%dma_start3A_135 : memref<128xi32, #tpu.memory_space<vmem>>) semaphore(%arg12 : memref<!tpu.dma_semaphore, #tpu.memory_space<semaphore_mem>>)
    %scan3A_139 = arith.constant 0 : i32
    %scan3A_140 = arith.constant 0 : i32
    %scan3A_141 = arith.constant 15 : i32
    %scan3A_142 = arith.addi %scan3A_140, %scan3A_141 : i32
    %scan3A_143 = arith.constant 1 : i32
    scf.for %scan3A_229 = %scan3A_140 to %scan3A_142 step %scan3A_143  : i32 {
      %mul3A_230 = arith.constant 2 : i32
      %mul3A_231 = arith.muli %mul3A_230, %scan3A_229 : i32
      %dma_wait3A_232 = arith.constant 0 : i32
      %dma_wait3A_233 = tpu.memref_slice %arg7[%mul3A_231, %dma_wait3A_232] : memref<32x128xi32, #tpu.memory_space<vmem>> -> memref<1x128xi32, #tpu.memory_space<vmem>>
      %dma_wait3A_234 = tpu.memref_squeeze %dma_wait3A_233 : memref<1x128xi32, #tpu.memory_space<vmem>> -> memref<128xi32, #tpu.memory_space<vmem>>
      %dma_wait3A_235 = arith.constant 0 : i32
      %dma_wait3A_236 = arith.constant 0 : i32
      %dma_wait3A_237 = tpu.memref_slice %arg2[%dma_wait3A_235, %dma_wait3A_236] : memref<20480x128xf32, #tpu.memory_space<hbm>> -> memref<20480x128xf32, #tpu.memory_space<hbm>>
      tpu.wait_indirect_dma semaphore(%arg12 : memref<!tpu.dma_semaphore, #tpu.memory_space<semaphore_mem>>) src(%dma_wait3A_237 : memref<20480x128xf32, #tpu.memory_space<hbm>>) dst(%arg9 : memref<128x128xf32, #tpu.memory_space<vmem>>)
      %add3A_238 = arith.constant 1 : i32
      %add3A_239 = arith.addi %mul3A_231, %add3A_238 : i32
      %dma_start3A_240 = arith.constant 0 : i32
      %dma_start3A_241 = tpu.memref_slice %arg7[%add3A_239, %dma_start3A_240] : memref<32x128xi32, #tpu.memory_space<vmem>> -> memref<1x128xi32, #tpu.memory_space<vmem>>
      %dma_start3A_242 = tpu.memref_squeeze %dma_start3A_241 : memref<1x128xi32, #tpu.memory_space<vmem>> -> memref<128xi32, #tpu.memory_space<vmem>>
      %dma_start3A_243 = arith.constant 0 : i32
      %dma_start3A_244 = arith.constant 0 : i32
      %dma_start3A_245 = tpu.memref_slice %arg2[%dma_start3A_243, %dma_start3A_244] : memref<20480x128xf32, #tpu.memory_space<hbm>> -> memref<20480x128xf32, #tpu.memory_space<hbm>>
      tpu.enqueue_indirect_dma source(%dma_start3A_245 : memref<20480x128xf32, #tpu.memory_space<hbm>>) target(%arg10 : memref<128x128xf32, #tpu.memory_space<vmem>>) offsets(%dma_start3A_242 : memref<128xi32, #tpu.memory_space<vmem>>) semaphore(%arg13 : memref<!tpu.dma_semaphore, #tpu.memory_space<semaphore_mem>>)
      "tpu.region"() ({
        %run_scoped3A_264 = tpu.sem_alloc : memref<!tpu.dma_semaphore, #tpu.memory_space<semaphore_mem>>
        %dma_start3A_265 = arith.constant 0 : i32
        %dma_start3A_266 = tpu.memref_slice %arg8[%mul3A_231, %dma_start3A_265] : memref<32x128xi32, #tpu.memory_space<vmem>> -> memref<1x128xi32, #tpu.memory_space<vmem>>
        %dma_start3A_267 = tpu.memref_squeeze %dma_start3A_266 : memref<1x128xi32, #tpu.memory_space<vmem>> -> memref<128xi32, #tpu.memory_space<vmem>>
        %dma_start3A_268 = arith.constant 0 : i32
        %dma_start3A_269 = arith.constant 0 : i32
        %dma_start3A_270 = tpu.memref_slice %arg11[%dma_start3A_268, %dma_start3A_269] : memref<10240x128xf32, #tpu.memory_space<vmem_shared>> -> memref<10240x128xf32, #tpu.memory_space<vmem_shared>>
        tpu.enqueue_indirect_dma source(%arg9 : memref<128x128xf32, #tpu.memory_space<vmem>>) target(%dma_start3A_270 : memref<10240x128xf32, #tpu.memory_space<vmem_shared>>) offsets(%dma_start3A_267 : memref<128xi32, #tpu.memory_space<vmem>>) semaphore(%run_scoped3A_264 : memref<!tpu.dma_semaphore, #tpu.memory_space<semaphore_mem>>) {add = true}
        %dma_wait3A_271 = arith.constant 0 : i32
        %dma_wait3A_272 = tpu.memref_slice %arg8[%mul3A_231, %dma_wait3A_271] : memref<32x128xi32, #tpu.memory_space<vmem>> -> memref<1x128xi32, #tpu.memory_space<vmem>>
        %dma_wait3A_273 = tpu.memref_squeeze %dma_wait3A_272 : memref<1x128xi32, #tpu.memory_space<vmem>> -> memref<128xi32, #tpu.memory_space<vmem>>
        %dma_wait3A_274 = arith.constant 0 : i32
        %dma_wait3A_275 = arith.constant 0 : i32
        %dma_wait3A_276 = tpu.memref_slice %arg11[%dma_wait3A_274, %dma_wait3A_275] : memref<10240x128xf32, #tpu.memory_space<vmem_shared>> -> memref<10240x128xf32, #tpu.memory_space<vmem_shared>>
        tpu.wait_indirect_dma semaphore(%run_scoped3A_264 : memref<!tpu.dma_semaphore, #tpu.memory_space<semaphore_mem>>) src(%arg9 : memref<128x128xf32, #tpu.memory_space<vmem>>) dst(%dma_wait3A_276 : memref<10240x128xf32, #tpu.memory_space<vmem_shared>>)
        tpu.yield
      }) : () -> ()
      %add3A_246 = arith.constant 1 : i32
      %add3A_247 = arith.addi %mul3A_231, %add3A_246 : i32
      %dma_wait3A_248 = arith.constant 0 : i32
      %dma_wait3A_249 = tpu.memref_slice %arg7[%add3A_247, %dma_wait3A_248] : memref<32x128xi32, #tpu.memory_space<vmem>> -> memref<1x128xi32, #tpu.memory_space<vmem>>
      %dma_wait3A_250 = tpu.memref_squeeze %dma_wait3A_249 : memref<1x128xi32, #tpu.memory_space<vmem>> -> memref<128xi32, #tpu.memory_space<vmem>>
      %dma_wait3A_251 = arith.constant 0 : i32
      %dma_wait3A_252 = arith.constant 0 : i32
      %dma_wait3A_253 = tpu.memref_slice %arg2[%dma_wait3A_251, %dma_wait3A_252] : memref<20480x128xf32, #tpu.memory_space<hbm>> -> memref<20480x128xf32, #tpu.memory_space<hbm>>
      tpu.wait_indirect_dma semaphore(%arg13 : memref<!tpu.dma_semaphore, #tpu.memory_space<semaphore_mem>>) src(%dma_wait3A_253 : memref<20480x128xf32, #tpu.memory_space<hbm>>) dst(%arg10 : memref<128x128xf32, #tpu.memory_space<vmem>>)
      %add3A_254 = arith.constant 2 : i32
      %add3A_255 = arith.addi %mul3A_231, %add3A_254 : i32
      %dma_start3A_256 = arith.constant 0 : i32
      %dma_start3A_257 = tpu.memref_slice %arg7[%add3A_255, %dma_start3A_256] : memref<32x128xi32, #tpu.memory_space<vmem>> -> memref<1x128xi32, #tpu.memory_space<vmem>>
      %dma_start3A_258 = tpu.memref_squeeze %dma_start3A_257 : memref<1x128xi32, #tpu.memory_space<vmem>> -> memref<128xi32, #tpu.memory_space<vmem>>
      %dma_start3A_259 = arith.constant 0 : i32
      %dma_start3A_260 = arith.constant 0 : i32
      %dma_start3A_261 = tpu.memref_slice %arg2[%dma_start3A_259, %dma_start3A_260] : memref<20480x128xf32, #tpu.memory_space<hbm>> -> memref<20480x128xf32, #tpu.memory_space<hbm>>
      tpu.enqueue_indirect_dma source(%dma_start3A_261 : memref<20480x128xf32, #tpu.memory_space<hbm>>) target(%arg9 : memref<128x128xf32, #tpu.memory_space<vmem>>) offsets(%dma_start3A_258 : memref<128xi32, #tpu.memory_space<vmem>>) semaphore(%arg12 : memref<!tpu.dma_semaphore, #tpu.memory_space<semaphore_mem>>)
      %add3A_262 = arith.constant 1 : i32
      %add3A_263 = arith.addi %mul3A_231, %add3A_262 : i32
      "tpu.region"() ({
        %run_scoped3A_264 = tpu.sem_alloc : memref<!tpu.dma_semaphore, #tpu.memory_space<semaphore_mem>>
        %dma_start3A_265 = arith.constant 0 : i32
        %dma_start3A_266 = tpu.memref_slice %arg8[%add3A_263, %dma_start3A_265] : memref<32x128xi32, #tpu.memory_space<vmem>> -> memref<1x128xi32, #tpu.memory_space<vmem>>
        %dma_start3A_267 = tpu.memref_squeeze %dma_start3A_266 : memref<1x128xi32, #tpu.memory_space<vmem>> -> memref<128xi32, #tpu.memory_space<vmem>>
        %dma_start3A_268 = arith.constant 0 : i32
        %dma_start3A_269 = arith.constant 0 : i32
        %dma_start3A_270 = tpu.memref_slice %arg11[%dma_start3A_268, %dma_start3A_269] : memref<10240x128xf32, #tpu.memory_space<vmem_shared>> -> memref<10240x128xf32, #tpu.memory_space<vmem_shared>>
        tpu.enqueue_indirect_dma source(%arg10 : memref<128x128xf32, #tpu.memory_space<vmem>>) target(%dma_start3A_270 : memref<10240x128xf32, #tpu.memory_space<vmem_shared>>) offsets(%dma_start3A_267 : memref<128xi32, #tpu.memory_space<vmem>>) semaphore(%run_scoped3A_264 : memref<!tpu.dma_semaphore, #tpu.memory_space<semaphore_mem>>) {add = true}
        %dma_wait3A_271 = arith.constant 0 : i32
        %dma_wait3A_272 = tpu.memref_slice %arg8[%add3A_263, %dma_wait3A_271] : memref<32x128xi32, #tpu.memory_space<vmem>> -> memref<1x128xi32, #tpu.memory_space<vmem>>
        %dma_wait3A_273 = tpu.memref_squeeze %dma_wait3A_272 : memref<1x128xi32, #tpu.memory_space<vmem>> -> memref<128xi32, #tpu.memory_space<vmem>>
        %dma_wait3A_274 = arith.constant 0 : i32
        %dma_wait3A_275 = arith.constant 0 : i32
        %dma_wait3A_276 = tpu.memref_slice %arg11[%dma_wait3A_274, %dma_wait3A_275] : memref<10240x128xf32, #tpu.memory_space<vmem_shared>> -> memref<10240x128xf32, #tpu.memory_space<vmem_shared>>
        tpu.wait_indirect_dma semaphore(%run_scoped3A_264 : memref<!tpu.dma_semaphore, #tpu.memory_space<semaphore_mem>>) src(%arg10 : memref<128x128xf32, #tpu.memory_space<vmem>>) dst(%dma_wait3A_276 : memref<10240x128xf32, #tpu.memory_space<vmem_shared>>)
        tpu.yield
      }) : () -> ()
    }
    %scan3A_144 = arith.constant 15 : i32
    %dma_wait3A_145 = arith.constant 30 : i32
    %dma_wait3A_146 = arith.constant 0 : i32
    %dma_wait3A_147 = tpu.memref_slice %arg7[%dma_wait3A_145, %dma_wait3A_146] : memref<32x128xi32, #tpu.memory_space<vmem>> -> memref<1x128xi32, #tpu.memory_space<vmem>>
    %dma_wait3A_148 = tpu.memref_squeeze %dma_wait3A_147 : memref<1x128xi32, #tpu.memory_space<vmem>> -> memref<128xi32, #tpu.memory_space<vmem>>
    %dma_wait3A_149 = arith.constant 0 : i32
    %dma_wait3A_150 = arith.constant 0 : i32
    %dma_wait3A_151 = tpu.memref_slice %arg2[%dma_wait3A_149, %dma_wait3A_150] : memref<20480x128xf32, #tpu.memory_space<hbm>> -> memref<20480x128xf32, #tpu.memory_space<hbm>>
    tpu.wait_indirect_dma semaphore(%arg12 : memref<!tpu.dma_semaphore, #tpu.memory_space<semaphore_mem>>) src(%dma_wait3A_151 : memref<20480x128xf32, #tpu.memory_space<hbm>>) dst(%arg9 : memref<128x128xf32, #tpu.memory_space<vmem>>)
    %dma_start3A_152 = arith.constant 31 : i32
    %dma_start3A_153 = arith.constant 0 : i32
    %dma_start3A_154 = tpu.memref_slice %arg7[%dma_start3A_152, %dma_start3A_153] : memref<32x128xi32, #tpu.memory_space<vmem>> -> memref<1x128xi32, #tpu.memory_space<vmem>>
    %dma_start3A_155 = tpu.memref_squeeze %dma_start3A_154 : memref<1x128xi32, #tpu.memory_space<vmem>> -> memref<128xi32, #tpu.memory_space<vmem>>
    %dma_start3A_156 = arith.constant 0 : i32
    %dma_start3A_157 = arith.constant 0 : i32
    %dma_start3A_158 = tpu.memref_slice %arg2[%dma_start3A_156, %dma_start3A_157] : memref<20480x128xf32, #tpu.memory_space<hbm>> -> memref<20480x128xf32, #tpu.memory_space<hbm>>
    tpu.enqueue_indirect_dma source(%dma_start3A_158 : memref<20480x128xf32, #tpu.memory_space<hbm>>) target(%arg10 : memref<128x128xf32, #tpu.memory_space<vmem>>) offsets(%dma_start3A_155 : memref<128xi32, #tpu.memory_space<vmem>>) semaphore(%arg13 : memref<!tpu.dma_semaphore, #tpu.memory_space<semaphore_mem>>)
    %run_scoped3A_159 = arith.constant 30 : i32
    "tpu.region"() ({
      %run_scoped3A_229 = tpu.sem_alloc : memref<!tpu.dma_semaphore, #tpu.memory_space<semaphore_mem>>
      %dma_start3A_230 = arith.constant 0 : i32
      %dma_start3A_231 = tpu.memref_slice %arg8[%run_scoped3A_159, %dma_start3A_230] : memref<32x128xi32, #tpu.memory_space<vmem>> -> memref<1x128xi32, #tpu.memory_space<vmem>>
      %dma_start3A_232 = tpu.memref_squeeze %dma_start3A_231 : memref<1x128xi32, #tpu.memory_space<vmem>> -> memref<128xi32, #tpu.memory_space<vmem>>
      %dma_start3A_233 = arith.constant 0 : i32
      %dma_start3A_234 = arith.constant 0 : i32
      %dma_start3A_235 = tpu.memref_slice %arg11[%dma_start3A_233, %dma_start3A_234] : memref<10240x128xf32, #tpu.memory_space<vmem_shared>> -> memref<10240x128xf32, #tpu.memory_space<vmem_shared>>
      tpu.enqueue_indirect_dma source(%arg9 : memref<128x128xf32, #tpu.memory_space<vmem>>) target(%dma_start3A_235 : memref<10240x128xf32, #tpu.memory_space<vmem_shared>>) offsets(%dma_start3A_232 : memref<128xi32, #tpu.memory_space<vmem>>) semaphore(%run_scoped3A_229 : memref<!tpu.dma_semaphore, #tpu.memory_space<semaphore_mem>>) {add = true}
      %dma_wait3A_236 = arith.constant 0 : i32
      %dma_wait3A_237 = tpu.memref_slice %arg8[%run_scoped3A_159, %dma_wait3A_236] : memref<32x128xi32, #tpu.memory_space<vmem>> -> memref<1x128xi32, #tpu.memory_space<vmem>>
      %dma_wait3A_238 = tpu.memref_squeeze %dma_wait3A_237 : memref<1x128xi32, #tpu.memory_space<vmem>> -> memref<128xi32, #tpu.memory_space<vmem>>
      %dma_wait3A_239 = arith.constant 0 : i32
      %dma_wait3A_240 = arith.constant 0 : i32
      %dma_wait3A_241 = tpu.memref_slice %arg11[%dma_wait3A_239, %dma_wait3A_240] : memref<10240x128xf32, #tpu.memory_space<vmem_shared>> -> memref<10240x128xf32, #tpu.memory_space<vmem_shared>>
      tpu.wait_indirect_dma semaphore(%run_scoped3A_229 : memref<!tpu.dma_semaphore, #tpu.memory_space<semaphore_mem>>) src(%arg9 : memref<128x128xf32, #tpu.memory_space<vmem>>) dst(%dma_wait3A_241 : memref<10240x128xf32, #tpu.memory_space<vmem_shared>>)
      tpu.yield
    }) : () -> ()
    %dma_wait3A_160 = arith.constant 31 : i32
    %dma_wait3A_161 = arith.constant 0 : i32
    %dma_wait3A_162 = tpu.memref_slice %arg7[%dma_wait3A_160, %dma_wait3A_161] : memref<32x128xi32, #tpu.memory_space<vmem>> -> memref<1x128xi32, #tpu.memory_space<vmem>>
    %dma_wait3A_163 = tpu.memref_squeeze %dma_wait3A_162 : memref<1x128xi32, #tpu.memory_space<vmem>> -> memref<128xi32, #tpu.memory_space<vmem>>
    %dma_wait3A_164 = arith.constant 0 : i32
    %dma_wait3A_165 = arith.constant 0 : i32
    %dma_wait3A_166 = tpu.memref_slice %arg2[%dma_wait3A_164, %dma_wait3A_165] : memref<20480x128xf32, #tpu.memory_space<hbm>> -> memref<20480x128xf32, #tpu.memory_space<hbm>>
    tpu.wait_indirect_dma semaphore(%arg13 : memref<!tpu.dma_semaphore, #tpu.memory_space<semaphore_mem>>) src(%dma_wait3A_166 : memref<20480x128xf32, #tpu.memory_space<hbm>>) dst(%arg10 : memref<128x128xf32, #tpu.memory_space<vmem>>)
    %run_scoped3A_167 = arith.constant 31 : i32
    "tpu.region"() ({
      %run_scoped3A_229 = tpu.sem_alloc : memref<!tpu.dma_semaphore, #tpu.memory_space<semaphore_mem>>
      %dma_start3A_230 = arith.constant 0 : i32
      %dma_start3A_231 = tpu.memref_slice %arg8[%run_scoped3A_167, %dma_start3A_230] : memref<32x128xi32, #tpu.memory_space<vmem>> -> memref<1x128xi32, #tpu.memory_space<vmem>>
      %dma_start3A_232 = tpu.memref_squeeze %dma_start3A_231 : memref<1x128xi32, #tpu.memory_space<vmem>> -> memref<128xi32, #tpu.memory_space<vmem>>
      %dma_start3A_233 = arith.constant 0 : i32
      %dma_start3A_234 = arith.constant 0 : i32
      %dma_start3A_235 = tpu.memref_slice %arg11[%dma_start3A_233, %dma_start3A_234] : memref<10240x128xf32, #tpu.memory_space<vmem_shared>> -> memref<10240x128xf32, #tpu.memory_space<vmem_shared>>
      tpu.enqueue_indirect_dma source(%arg10 : memref<128x128xf32, #tpu.memory_space<vmem>>) target(%dma_start3A_235 : memref<10240x128xf32, #tpu.memory_space<vmem_shared>>) offsets(%dma_start3A_232 : memref<128xi32, #tpu.memory_space<vmem>>) semaphore(%run_scoped3A_229 : memref<!tpu.dma_semaphore, #tpu.memory_space<semaphore_mem>>) {add = true}
      %dma_wait3A_236 = arith.constant 0 : i32
      %dma_wait3A_237 = tpu.memref_slice %arg8[%run_scoped3A_167, %dma_wait3A_236] : memref<32x128xi32, #tpu.memory_space<vmem>> -> memref<1x128xi32, #tpu.memory_space<vmem>>
      %dma_wait3A_238 = tpu.memref_squeeze %dma_wait3A_237 : memref<1x128xi32, #tpu.memory_space<vmem>> -> memref<128xi32, #tpu.memory_space<vmem>>
      %dma_wait3A_239 = arith.constant 0 : i32
      %dma_wait3A_240 = arith.constant 0 : i32
      %dma_wait3A_241 = tpu.memref_slice %arg11[%dma_wait3A_239, %dma_wait3A_240] : memref<10240x128xf32, #tpu.memory_space<vmem_shared>> -> memref<10240x128xf32, #tpu.memory_space<vmem_shared>>
      tpu.wait_indirect_dma semaphore(%run_scoped3A_229 : memref<!tpu.dma_semaphore, #tpu.memory_space<semaphore_mem>>) src(%arg10 : memref<128x128xf32, #tpu.memory_space<vmem>>) dst(%dma_wait3A_241 : memref<10240x128xf32, #tpu.memory_space<vmem_shared>>)
      tpu.yield
    }) : () -> ()
    %add3A_168 = arith.constant 128 : i32
    %add3A_169 = arith.addi %mul3A_2, %add3A_168 : i32
    "tpu.region"() ({
      %run_scoped3A_229 = tpu.sem_alloc : memref<!tpu.dma_semaphore, #tpu.memory_space<semaphore_mem>>
      %dma_start3A_230 = arith.constant 0 : i32
      %dma_start3A_231 = arith.constant 0 : i32
      %dma_start3A_232 = tpu.memref_slice %arg3[%arg0, %dma_start3A_230, %dma_start3A_231] : memref<2x2560x128xi32, #tpu.memory_space<hbm>> -> memref<1x2560x128xi32, #tpu.memory_space<hbm>>
      %dma_start3A_233 = tpu.memref_squeeze %dma_start3A_232 : memref<1x2560x128xi32, #tpu.memory_space<hbm>> -> memref<2560x128xi32, #tpu.memory_space<hbm>>
      %dma_start3A_234 = arith.constant 0 : i32
      %dma_start3A_235 = tpu.memref_slice %dma_start3A_233[%add3A_169, %dma_start3A_234] : memref<2560x128xi32, #tpu.memory_space<hbm>> -> memref<32x128xi32, #tpu.memory_space<hbm>>
      %dma_start3A_236 = arith.constant 0 : i32
      %dma_start3A_237 = arith.constant 0 : i32
      %dma_start3A_238 = tpu.memref_slice %arg3[%arg0, %dma_start3A_236, %dma_start3A_237] : memref<2x2560x128xi32, #tpu.memory_space<hbm>> -> memref<1x2560x128xi32, #tpu.memory_space<hbm>>
      %dma_start3A_239 = tpu.memref_squeeze %dma_start3A_238 : memref<1x2560x128xi32, #tpu.memory_space<hbm>> -> memref<2560x128xi32, #tpu.memory_space<hbm>>
      %dma_start3A_240 = arith.constant 0 : i32
      %dma_start3A_241 = tpu.memref_slice %dma_start3A_239[%add3A_169, %dma_start3A_240] : memref<2560x128xi32, #tpu.memory_space<hbm>> -> memref<32x128xi32, #tpu.memory_space<hbm>>
      tpu.enqueue_dma source(%dma_start3A_241 : memref<32x128xi32, #tpu.memory_space<hbm>>) target(%arg7 : memref<32x128xi32, #tpu.memory_space<vmem>>) target_semaphore(%run_scoped3A_229 : memref<!tpu.dma_semaphore, #tpu.memory_space<semaphore_mem>>)
      %dma_wait3A_242 = arith.constant 0 : i32
      %dma_wait3A_243 = arith.constant 0 : i32
      %dma_wait3A_244 = tpu.memref_slice %arg3[%arg0, %dma_wait3A_242, %dma_wait3A_243] : memref<2x2560x128xi32, #tpu.memory_space<hbm>> -> memref<1x2560x128xi32, #tpu.memory_space<hbm>>
      %dma_wait3A_245 = tpu.memref_squeeze %dma_wait3A_244 : memref<1x2560x128xi32, #tpu.memory_space<hbm>> -> memref<2560x128xi32, #tpu.memory_space<hbm>>
      %dma_wait3A_246 = arith.constant 0 : i32
      %dma_wait3A_247 = tpu.memref_slice %dma_wait3A_245[%add3A_169, %dma_wait3A_246] : memref<2560x128xi32, #tpu.memory_space<hbm>> -> memref<32x128xi32, #tpu.memory_space<hbm>>
      %dma_wait3A_248 = arith.constant 0 : i32
      %dma_wait3A_249 = arith.constant 0 : i32
      %dma_wait3A_250 = tpu.memref_slice %arg3[%arg0, %dma_wait3A_248, %dma_wait3A_249] : memref<2x2560x128xi32, #tpu.memory_space<hbm>> -> memref<1x2560x128xi32, #tpu.memory_space<hbm>>
      %dma_wait3A_251 = tpu.memref_squeeze %dma_wait3A_250 : memref<1x2560x128xi32, #tpu.memory_space<hbm>> -> memref<2560x128xi32, #tpu.memory_space<hbm>>
      %dma_wait3A_252 = arith.constant 0 : i32
      %dma_wait3A_253 = tpu.memref_slice %dma_wait3A_251[%add3A_169, %dma_wait3A_252] : memref<2560x128xi32, #tpu.memory_space<hbm>> -> memref<32x128xi32, #tpu.memory_space<hbm>>
      tpu.wait_dma2 semaphore(%run_scoped3A_229 : memref<!tpu.dma_semaphore, #tpu.memory_space<semaphore_mem>>) src(%dma_wait3A_253 : memref<32x128xi32, #tpu.memory_space<hbm>>) dst(%arg7 : memref<32x128xi32, #tpu.memory_space<vmem>>)
      tpu.yield
    }) : () -> ()
    %add3A_170 = arith.constant 128 : i32
    %add3A_171 = arith.addi %mul3A_2, %add3A_170 : i32
    "tpu.region"() ({
      %run_scoped3A_229 = tpu.sem_alloc : memref<!tpu.dma_semaphore, #tpu.memory_space<semaphore_mem>>
      %dma_start3A_230 = arith.constant 0 : i32
      %dma_start3A_231 = arith.constant 0 : i32
      %dma_start3A_232 = tpu.memref_slice %arg4[%arg0, %dma_start3A_230, %dma_start3A_231] : memref<2x2560x128xi32, #tpu.memory_space<hbm>> -> memref<1x2560x128xi32, #tpu.memory_space<hbm>>
      %dma_start3A_233 = tpu.memref_squeeze %dma_start3A_232 : memref<1x2560x128xi32, #tpu.memory_space<hbm>> -> memref<2560x128xi32, #tpu.memory_space<hbm>>
      %dma_start3A_234 = arith.constant 0 : i32
      %dma_start3A_235 = tpu.memref_slice %dma_start3A_233[%add3A_171, %dma_start3A_234] : memref<2560x128xi32, #tpu.memory_space<hbm>> -> memref<32x128xi32, #tpu.memory_space<hbm>>
      %dma_start3A_236 = arith.constant 0 : i32
      %dma_start3A_237 = arith.constant 0 : i32
      %dma_start3A_238 = tpu.memref_slice %arg4[%arg0, %dma_start3A_236, %dma_start3A_237] : memref<2x2560x128xi32, #tpu.memory_space<hbm>> -> memref<1x2560x128xi32, #tpu.memory_space<hbm>>
      %dma_start3A_239 = tpu.memref_squeeze %dma_start3A_238 : memref<1x2560x128xi32, #tpu.memory_space<hbm>> -> memref<2560x128xi32, #tpu.memory_space<hbm>>
      %dma_start3A_240 = arith.constant 0 : i32
      %dma_start3A_241 = tpu.memref_slice %dma_start3A_239[%add3A_171, %dma_start3A_240] : memref<2560x128xi32, #tpu.memory_space<hbm>> -> memref<32x128xi32, #tpu.memory_space<hbm>>
      tpu.enqueue_dma source(%dma_start3A_241 : memref<32x128xi32, #tpu.memory_space<hbm>>) target(%arg8 : memref<32x128xi32, #tpu.memory_space<vmem>>) target_semaphore(%run_scoped3A_229 : memref<!tpu.dma_semaphore, #tpu.memory_space<semaphore_mem>>)
      %dma_wait3A_242 = arith.constant 0 : i32
      %dma_wait3A_243 = arith.constant 0 : i32
      %dma_wait3A_244 = tpu.memref_slice %arg4[%arg0, %dma_wait3A_242, %dma_wait3A_243] : memref<2x2560x128xi32, #tpu.memory_space<hbm>> -> memref<1x2560x128xi32, #tpu.memory_space<hbm>>
      %dma_wait3A_245 = tpu.memref_squeeze %dma_wait3A_244 : memref<1x2560x128xi32, #tpu.memory_space<hbm>> -> memref<2560x128xi32, #tpu.memory_space<hbm>>
      %dma_wait3A_246 = arith.constant 0 : i32
      %dma_wait3A_247 = tpu.memref_slice %dma_wait3A_245[%add3A_171, %dma_wait3A_246] : memref<2560x128xi32, #tpu.memory_space<hbm>> -> memref<32x128xi32, #tpu.memory_space<hbm>>
      %dma_wait3A_248 = arith.constant 0 : i32
      %dma_wait3A_249 = arith.constant 0 : i32
      %dma_wait3A_250 = tpu.memref_slice %arg4[%arg0, %dma_wait3A_248, %dma_wait3A_249] : memref<2x2560x128xi32, #tpu.memory_space<hbm>> -> memref<1x2560x128xi32, #tpu.memory_space<hbm>>
      %dma_wait3A_251 = tpu.memref_squeeze %dma_wait3A_250 : memref<1x2560x128xi32, #tpu.memory_space<hbm>> -> memref<2560x128xi32, #tpu.memory_space<hbm>>
      %dma_wait3A_252 = arith.constant 0 : i32
      %dma_wait3A_253 = tpu.memref_slice %dma_wait3A_251[%add3A_171, %dma_wait3A_252] : memref<2560x128xi32, #tpu.memory_space<hbm>> -> memref<32x128xi32, #tpu.memory_space<hbm>>
      tpu.wait_dma2 semaphore(%run_scoped3A_229 : memref<!tpu.dma_semaphore, #tpu.memory_space<semaphore_mem>>) src(%dma_wait3A_253 : memref<32x128xi32, #tpu.memory_space<hbm>>) dst(%arg8 : memref<32x128xi32, #tpu.memory_space<vmem>>)
      tpu.yield
    }) : () -> ()
    %dma_start3A_172 = arith.constant 0 : i32
    %dma_start3A_173 = arith.constant 0 : i32
    %dma_start3A_174 = tpu.memref_slice %arg7[%dma_start3A_172, %dma_start3A_173] : memref<32x128xi32, #tpu.memory_space<vmem>> -> memref<1x128xi32, #tpu.memory_space<vmem>>
    %dma_start3A_175 = tpu.memref_squeeze %dma_start3A_174 : memref<1x128xi32, #tpu.memory_space<vmem>> -> memref<128xi32, #tpu.memory_space<vmem>>
    %dma_start3A_176 = arith.constant 0 : i32
    %dma_start3A_177 = arith.constant 0 : i32
    %dma_start3A_178 = tpu.memref_slice %arg2[%dma_start3A_176, %dma_start3A_177] : memref<20480x128xf32, #tpu.memory_space<hbm>> -> memref<20480x128xf32, #tpu.memory_space<hbm>>
    tpu.enqueue_indirect_dma source(%dma_start3A_178 : memref<20480x128xf32, #tpu.memory_space<hbm>>) target(%arg9 : memref<128x128xf32, #tpu.memory_space<vmem>>) offsets(%dma_start3A_175 : memref<128xi32, #tpu.memory_space<vmem>>) semaphore(%arg12 : memref<!tpu.dma_semaphore, #tpu.memory_space<semaphore_mem>>)
    %scan3A_179 = arith.constant 0 : i32
    %scan3A_180 = arith.constant 0 : i32
    %scan3A_181 = arith.constant 15 : i32
    %scan3A_182 = arith.addi %scan3A_180, %scan3A_181 : i32
    %scan3A_183 = arith.constant 1 : i32
    scf.for %scan3A_229 = %scan3A_180 to %scan3A_182 step %scan3A_183  : i32 {
      %mul3A_230 = arith.constant 2 : i32
      %mul3A_231 = arith.muli %mul3A_230, %scan3A_229 : i32
      %dma_wait3A_232 = arith.constant 0 : i32
      %dma_wait3A_233 = tpu.memref_slice %arg7[%mul3A_231, %dma_wait3A_232] : memref<32x128xi32, #tpu.memory_space<vmem>> -> memref<1x128xi32, #tpu.memory_space<vmem>>
      %dma_wait3A_234 = tpu.memref_squeeze %dma_wait3A_233 : memref<1x128xi32, #tpu.memory_space<vmem>> -> memref<128xi32, #tpu.memory_space<vmem>>
      %dma_wait3A_235 = arith.constant 0 : i32
      %dma_wait3A_236 = arith.constant 0 : i32
      %dma_wait3A_237 = tpu.memref_slice %arg2[%dma_wait3A_235, %dma_wait3A_236] : memref<20480x128xf32, #tpu.memory_space<hbm>> -> memref<20480x128xf32, #tpu.memory_space<hbm>>
      tpu.wait_indirect_dma semaphore(%arg12 : memref<!tpu.dma_semaphore, #tpu.memory_space<semaphore_mem>>) src(%dma_wait3A_237 : memref<20480x128xf32, #tpu.memory_space<hbm>>) dst(%arg9 : memref<128x128xf32, #tpu.memory_space<vmem>>)
      %add3A_238 = arith.constant 1 : i32
      %add3A_239 = arith.addi %mul3A_231, %add3A_238 : i32
      %dma_start3A_240 = arith.constant 0 : i32
      %dma_start3A_241 = tpu.memref_slice %arg7[%add3A_239, %dma_start3A_240] : memref<32x128xi32, #tpu.memory_space<vmem>> -> memref<1x128xi32, #tpu.memory_space<vmem>>
      %dma_start3A_242 = tpu.memref_squeeze %dma_start3A_241 : memref<1x128xi32, #tpu.memory_space<vmem>> -> memref<128xi32, #tpu.memory_space<vmem>>
      %dma_start3A_243 = arith.constant 0 : i32
      %dma_start3A_244 = arith.constant 0 : i32
      %dma_start3A_245 = tpu.memref_slice %arg2[%dma_start3A_243, %dma_start3A_244] : memref<20480x128xf32, #tpu.memory_space<hbm>> -> memref<20480x128xf32, #tpu.memory_space<hbm>>
      tpu.enqueue_indirect_dma source(%dma_start3A_245 : memref<20480x128xf32, #tpu.memory_space<hbm>>) target(%arg10 : memref<128x128xf32, #tpu.memory_space<vmem>>) offsets(%dma_start3A_242 : memref<128xi32, #tpu.memory_space<vmem>>) semaphore(%arg13 : memref<!tpu.dma_semaphore, #tpu.memory_space<semaphore_mem>>)
      "tpu.region"() ({
        %run_scoped3A_264 = tpu.sem_alloc : memref<!tpu.dma_semaphore, #tpu.memory_space<semaphore_mem>>
        %dma_start3A_265 = arith.constant 0 : i32
        %dma_start3A_266 = tpu.memref_slice %arg8[%mul3A_231, %dma_start3A_265] : memref<32x128xi32, #tpu.memory_space<vmem>> -> memref<1x128xi32, #tpu.memory_space<vmem>>
        %dma_start3A_267 = tpu.memref_squeeze %dma_start3A_266 : memref<1x128xi32, #tpu.memory_space<vmem>> -> memref<128xi32, #tpu.memory_space<vmem>>
        %dma_start3A_268 = arith.constant 0 : i32
        %dma_start3A_269 = arith.constant 0 : i32
        %dma_start3A_270 = tpu.memref_slice %arg11[%dma_start3A_268, %dma_start3A_269] : memref<10240x128xf32, #tpu.memory_space<vmem_shared>> -> memref<10240x128xf32, #tpu.memory_space<vmem_shared>>
        tpu.enqueue_indirect_dma source(%arg9 : memref<128x128xf32, #tpu.memory_space<vmem>>) target(%dma_start3A_270 : memref<10240x128xf32, #tpu.memory_space<vmem_shared>>) offsets(%dma_start3A_267 : memref<128xi32, #tpu.memory_space<vmem>>) semaphore(%run_scoped3A_264 : memref<!tpu.dma_semaphore, #tpu.memory_space<semaphore_mem>>) {add = true}
        %dma_wait3A_271 = arith.constant 0 : i32
        %dma_wait3A_272 = tpu.memref_slice %arg8[%mul3A_231, %dma_wait3A_271] : memref<32x128xi32, #tpu.memory_space<vmem>> -> memref<1x128xi32, #tpu.memory_space<vmem>>
        %dma_wait3A_273 = tpu.memref_squeeze %dma_wait3A_272 : memref<1x128xi32, #tpu.memory_space<vmem>> -> memref<128xi32, #tpu.memory_space<vmem>>
        %dma_wait3A_274 = arith.constant 0 : i32
        %dma_wait3A_275 = arith.constant 0 : i32
        %dma_wait3A_276 = tpu.memref_slice %arg11[%dma_wait3A_274, %dma_wait3A_275] : memref<10240x128xf32, #tpu.memory_space<vmem_shared>> -> memref<10240x128xf32, #tpu.memory_space<vmem_shared>>
        tpu.wait_indirect_dma semaphore(%run_scoped3A_264 : memref<!tpu.dma_semaphore, #tpu.memory_space<semaphore_mem>>) src(%arg9 : memref<128x128xf32, #tpu.memory_space<vmem>>) dst(%dma_wait3A_276 : memref<10240x128xf32, #tpu.memory_space<vmem_shared>>)
        tpu.yield
      }) : () -> ()
      %add3A_246 = arith.constant 1 : i32
      %add3A_247 = arith.addi %mul3A_231, %add3A_246 : i32
      %dma_wait3A_248 = arith.constant 0 : i32
      %dma_wait3A_249 = tpu.memref_slice %arg7[%add3A_247, %dma_wait3A_248] : memref<32x128xi32, #tpu.memory_space<vmem>> -> memref<1x128xi32, #tpu.memory_space<vmem>>
      %dma_wait3A_250 = tpu.memref_squeeze %dma_wait3A_249 : memref<1x128xi32, #tpu.memory_space<vmem>> -> memref<128xi32, #tpu.memory_space<vmem>>
      %dma_wait3A_251 = arith.constant 0 : i32
      %dma_wait3A_252 = arith.constant 0 : i32
      %dma_wait3A_253 = tpu.memref_slice %arg2[%dma_wait3A_251, %dma_wait3A_252] : memref<20480x128xf32, #tpu.memory_space<hbm>> -> memref<20480x128xf32, #tpu.memory_space<hbm>>
      tpu.wait_indirect_dma semaphore(%arg13 : memref<!tpu.dma_semaphore, #tpu.memory_space<semaphore_mem>>) src(%dma_wait3A_253 : memref<20480x128xf32, #tpu.memory_space<hbm>>) dst(%arg10 : memref<128x128xf32, #tpu.memory_space<vmem>>)
      %add3A_254 = arith.constant 2 : i32
      %add3A_255 = arith.addi %mul3A_231, %add3A_254 : i32
      %dma_start3A_256 = arith.constant 0 : i32
      %dma_start3A_257 = tpu.memref_slice %arg7[%add3A_255, %dma_start3A_256] : memref<32x128xi32, #tpu.memory_space<vmem>> -> memref<1x128xi32, #tpu.memory_space<vmem>>
      %dma_start3A_258 = tpu.memref_squeeze %dma_start3A_257 : memref<1x128xi32, #tpu.memory_space<vmem>> -> memref<128xi32, #tpu.memory_space<vmem>>
      %dma_start3A_259 = arith.constant 0 : i32
      %dma_start3A_260 = arith.constant 0 : i32
      %dma_start3A_261 = tpu.memref_slice %arg2[%dma_start3A_259, %dma_start3A_260] : memref<20480x128xf32, #tpu.memory_space<hbm>> -> memref<20480x128xf32, #tpu.memory_space<hbm>>
      tpu.enqueue_indirect_dma source(%dma_start3A_261 : memref<20480x128xf32, #tpu.memory_space<hbm>>) target(%arg9 : memref<128x128xf32, #tpu.memory_space<vmem>>) offsets(%dma_start3A_258 : memref<128xi32, #tpu.memory_space<vmem>>) semaphore(%arg12 : memref<!tpu.dma_semaphore, #tpu.memory_space<semaphore_mem>>)
      %add3A_262 = arith.constant 1 : i32
      %add3A_263 = arith.addi %mul3A_231, %add3A_262 : i32
      "tpu.region"() ({
        %run_scoped3A_264 = tpu.sem_alloc : memref<!tpu.dma_semaphore, #tpu.memory_space<semaphore_mem>>
        %dma_start3A_265 = arith.constant 0 : i32
        %dma_start3A_266 = tpu.memref_slice %arg8[%add3A_263, %dma_start3A_265] : memref<32x128xi32, #tpu.memory_space<vmem>> -> memref<1x128xi32, #tpu.memory_space<vmem>>
        %dma_start3A_267 = tpu.memref_squeeze %dma_start3A_266 : memref<1x128xi32, #tpu.memory_space<vmem>> -> memref<128xi32, #tpu.memory_space<vmem>>
        %dma_start3A_268 = arith.constant 0 : i32
        %dma_start3A_269 = arith.constant 0 : i32
        %dma_start3A_270 = tpu.memref_slice %arg11[%dma_start3A_268, %dma_start3A_269] : memref<10240x128xf32, #tpu.memory_space<vmem_shared>> -> memref<10240x128xf32, #tpu.memory_space<vmem_shared>>
        tpu.enqueue_indirect_dma source(%arg10 : memref<128x128xf32, #tpu.memory_space<vmem>>) target(%dma_start3A_270 : memref<10240x128xf32, #tpu.memory_space<vmem_shared>>) offsets(%dma_start3A_267 : memref<128xi32, #tpu.memory_space<vmem>>) semaphore(%run_scoped3A_264 : memref<!tpu.dma_semaphore, #tpu.memory_space<semaphore_mem>>) {add = true}
        %dma_wait3A_271 = arith.constant 0 : i32
        %dma_wait3A_272 = tpu.memref_slice %arg8[%add3A_263, %dma_wait3A_271] : memref<32x128xi32, #tpu.memory_space<vmem>> -> memref<1x128xi32, #tpu.memory_space<vmem>>
        %dma_wait3A_273 = tpu.memref_squeeze %dma_wait3A_272 : memref<1x128xi32, #tpu.memory_space<vmem>> -> memref<128xi32, #tpu.memory_space<vmem>>
        %dma_wait3A_274 = arith.constant 0 : i32
        %dma_wait3A_275 = arith.constant 0 : i32
        %dma_wait3A_276 = tpu.memref_slice %arg11[%dma_wait3A_274, %dma_wait3A_275] : memref<10240x128xf32, #tpu.memory_space<vmem_shared>> -> memref<10240x128xf32, #tpu.memory_space<vmem_shared>>
        tpu.wait_indirect_dma semaphore(%run_scoped3A_264 : memref<!tpu.dma_semaphore, #tpu.memory_space<semaphore_mem>>) src(%arg10 : memref<128x128xf32, #tpu.memory_space<vmem>>) dst(%dma_wait3A_276 : memref<10240x128xf32, #tpu.memory_space<vmem_shared>>)
        tpu.yield
      }) : () -> ()
    }
    %scan3A_184 = arith.constant 15 : i32
    %dma_wait3A_185 = arith.constant 30 : i32
    %dma_wait3A_186 = arith.constant 0 : i32
    %dma_wait3A_187 = tpu.memref_slice %arg7[%dma_wait3A_185, %dma_wait3A_186] : memref<32x128xi32, #tpu.memory_space<vmem>> -> memref<1x128xi32, #tpu.memory_space<vmem>>
    %dma_wait3A_188 = tpu.memref_squeeze %dma_wait3A_187 : memref<1x128xi32, #tpu.memory_space<vmem>> -> memref<128xi32, #tpu.memory_space<vmem>>
    %dma_wait3A_189 = arith.constant 0 : i32
    %dma_wait3A_190 = arith.constant 0 : i32
    %dma_wait3A_191 = tpu.memref_slice %arg2[%dma_wait3A_189, %dma_wait3A_190] : memref<20480x128xf32, #tpu.memory_space<hbm>> -> memref<20480x128xf32, #tpu.memory_space<hbm>>
    tpu.wait_indirect_dma semaphore(%arg12 : memref<!tpu.dma_semaphore, #tpu.memory_space<semaphore_mem>>) src(%dma_wait3A_191 : memref<20480x128xf32, #tpu.memory_space<hbm>>) dst(%arg9 : memref<128x128xf32, #tpu.memory_space<vmem>>)
    %dma_start3A_192 = arith.constant 31 : i32
    %dma_start3A_193 = arith.constant 0 : i32
    %dma_start3A_194 = tpu.memref_slice %arg7[%dma_start3A_192, %dma_start3A_193] : memref<32x128xi32, #tpu.memory_space<vmem>> -> memref<1x128xi32, #tpu.memory_space<vmem>>
    %dma_start3A_195 = tpu.memref_squeeze %dma_start3A_194 : memref<1x128xi32, #tpu.memory_space<vmem>> -> memref<128xi32, #tpu.memory_space<vmem>>
    %dma_start3A_196 = arith.constant 0 : i32
    %dma_start3A_197 = arith.constant 0 : i32
    %dma_start3A_198 = tpu.memref_slice %arg2[%dma_start3A_196, %dma_start3A_197] : memref<20480x128xf32, #tpu.memory_space<hbm>> -> memref<20480x128xf32, #tpu.memory_space<hbm>>
    tpu.enqueue_indirect_dma source(%dma_start3A_198 : memref<20480x128xf32, #tpu.memory_space<hbm>>) target(%arg10 : memref<128x128xf32, #tpu.memory_space<vmem>>) offsets(%dma_start3A_195 : memref<128xi32, #tpu.memory_space<vmem>>) semaphore(%arg13 : memref<!tpu.dma_semaphore, #tpu.memory_space<semaphore_mem>>)
    %run_scoped3A_199 = arith.constant 30 : i32
    "tpu.region"() ({
      %run_scoped3A_229 = tpu.sem_alloc : memref<!tpu.dma_semaphore, #tpu.memory_space<semaphore_mem>>
      %dma_start3A_230 = arith.constant 0 : i32
      %dma_start3A_231 = tpu.memref_slice %arg8[%run_scoped3A_199, %dma_start3A_230] : memref<32x128xi32, #tpu.memory_space<vmem>> -> memref<1x128xi32, #tpu.memory_space<vmem>>
      %dma_start3A_232 = tpu.memref_squeeze %dma_start3A_231 : memref<1x128xi32, #tpu.memory_space<vmem>> -> memref<128xi32, #tpu.memory_space<vmem>>
      %dma_start3A_233 = arith.constant 0 : i32
      %dma_start3A_234 = arith.constant 0 : i32
      %dma_start3A_235 = tpu.memref_slice %arg11[%dma_start3A_233, %dma_start3A_234] : memref<10240x128xf32, #tpu.memory_space<vmem_shared>> -> memref<10240x128xf32, #tpu.memory_space<vmem_shared>>
      tpu.enqueue_indirect_dma source(%arg9 : memref<128x128xf32, #tpu.memory_space<vmem>>) target(%dma_start3A_235 : memref<10240x128xf32, #tpu.memory_space<vmem_shared>>) offsets(%dma_start3A_232 : memref<128xi32, #tpu.memory_space<vmem>>) semaphore(%run_scoped3A_229 : memref<!tpu.dma_semaphore, #tpu.memory_space<semaphore_mem>>) {add = true}
      %dma_wait3A_236 = arith.constant 0 : i32
      %dma_wait3A_237 = tpu.memref_slice %arg8[%run_scoped3A_199, %dma_wait3A_236] : memref<32x128xi32, #tpu.memory_space<vmem>> -> memref<1x128xi32, #tpu.memory_space<vmem>>
      %dma_wait3A_238 = tpu.memref_squeeze %dma_wait3A_237 : memref<1x128xi32, #tpu.memory_space<vmem>> -> memref<128xi32, #tpu.memory_space<vmem>>
      %dma_wait3A_239 = arith.constant 0 : i32
      %dma_wait3A_240 = arith.constant 0 : i32
      %dma_wait3A_241 = tpu.memref_slice %arg11[%dma_wait3A_239, %dma_wait3A_240] : memref<10240x128xf32, #tpu.memory_space<vmem_shared>> -> memref<10240x128xf32, #tpu.memory_space<vmem_shared>>
      tpu.wait_indirect_dma semaphore(%run_scoped3A_229 : memref<!tpu.dma_semaphore, #tpu.memory_space<semaphore_mem>>) src(%arg9 : memref<128x128xf32, #tpu.memory_space<vmem>>) dst(%dma_wait3A_241 : memref<10240x128xf32, #tpu.memory_space<vmem_shared>>)
      tpu.yield
    }) : () -> ()
    %dma_wait3A_200 = arith.constant 31 : i32
    %dma_wait3A_201 = arith.constant 0 : i32
    %dma_wait3A_202 = tpu.memref_slice %arg7[%dma_wait3A_200, %dma_wait3A_201] : memref<32x128xi32, #tpu.memory_space<vmem>> -> memref<1x128xi32, #tpu.memory_space<vmem>>
    %dma_wait3A_203 = tpu.memref_squeeze %dma_wait3A_202 : memref<1x128xi32, #tpu.memory_space<vmem>> -> memref<128xi32, #tpu.memory_space<vmem>>
    %dma_wait3A_204 = arith.constant 0 : i32
    %dma_wait3A_205 = arith.constant 0 : i32
    %dma_wait3A_206 = tpu.memref_slice %arg2[%dma_wait3A_204, %dma_wait3A_205] : memref<20480x128xf32, #tpu.memory_space<hbm>> -> memref<20480x128xf32, #tpu.memory_space<hbm>>
    tpu.wait_indirect_dma semaphore(%arg13 : memref<!tpu.dma_semaphore, #tpu.memory_space<semaphore_mem>>) src(%dma_wait3A_206 : memref<20480x128xf32, #tpu.memory_space<hbm>>) dst(%arg10 : memref<128x128xf32, #tpu.memory_space<vmem>>)
    %run_scoped3A_207 = arith.constant 31 : i32
    "tpu.region"() ({
      %run_scoped3A_229 = tpu.sem_alloc : memref<!tpu.dma_semaphore, #tpu.memory_space<semaphore_mem>>
      %dma_start3A_230 = arith.constant 0 : i32
      %dma_start3A_231 = tpu.memref_slice %arg8[%run_scoped3A_207, %dma_start3A_230] : memref<32x128xi32, #tpu.memory_space<vmem>> -> memref<1x128xi32, #tpu.memory_space<vmem>>
      %dma_start3A_232 = tpu.memref_squeeze %dma_start3A_231 : memref<1x128xi32, #tpu.memory_space<vmem>> -> memref<128xi32, #tpu.memory_space<vmem>>
      %dma_start3A_233 = arith.constant 0 : i32
      %dma_start3A_234 = arith.constant 0 : i32
      %dma_start3A_235 = tpu.memref_slice %arg11[%dma_start3A_233, %dma_start3A_234] : memref<10240x128xf32, #tpu.memory_space<vmem_shared>> -> memref<10240x128xf32, #tpu.memory_space<vmem_shared>>
      tpu.enqueue_indirect_dma source(%arg10 : memref<128x128xf32, #tpu.memory_space<vmem>>) target(%dma_start3A_235 : memref<10240x128xf32, #tpu.memory_space<vmem_shared>>) offsets(%dma_start3A_232 : memref<128xi32, #tpu.memory_space<vmem>>) semaphore(%run_scoped3A_229 : memref<!tpu.dma_semaphore, #tpu.memory_space<semaphore_mem>>) {add = true}
      %dma_wait3A_236 = arith.constant 0 : i32
      %dma_wait3A_237 = tpu.memref_slice %arg8[%run_scoped3A_207, %dma_wait3A_236] : memref<32x128xi32, #tpu.memory_space<vmem>> -> memref<1x128xi32, #tpu.memory_space<vmem>>
      %dma_wait3A_238 = tpu.memref_squeeze %dma_wait3A_237 : memref<1x128xi32, #tpu.memory_space<vmem>> -> memref<128xi32, #tpu.memory_space<vmem>>
      %dma_wait3A_239 = arith.constant 0 : i32
      %dma_wait3A_240 = arith.constant 0 : i32
      %dma_wait3A_241 = tpu.memref_slice %arg11[%dma_wait3A_239, %dma_wait3A_240] : memref<10240x128xf32, #tpu.memory_space<vmem_shared>> -> memref<10240x128xf32, #tpu.memory_space<vmem_shared>>
      tpu.wait_indirect_dma semaphore(%run_scoped3A_229 : memref<!tpu.dma_semaphore, #tpu.memory_space<semaphore_mem>>) src(%arg10 : memref<128x128xf32, #tpu.memory_space<vmem>>) dst(%dma_wait3A_241 : memref<10240x128xf32, #tpu.memory_space<vmem_shared>>)
      tpu.yield
    }) : () -> ()
    %barrier3A_208 = arith.constant 0 : index
    tpu.barrier barrier_id(%barrier3A_208)
    %add3A_209 = arith.constant 0 : i32
    %add3A_210 = arith.addi %mul3A_0, %add3A_209 : i32
    "tpu.region"() ({
      %run_scoped3A_229 = tpu.sem_alloc : memref<!tpu.dma_semaphore, #tpu.memory_space<semaphore_mem>>
      %dma_start3A_230 = arith.constant 0 : i32
      %dma_start3A_231 = tpu.memref_slice %arg11[%add3A_210, %dma_start3A_230] : memref<10240x128xf32, #tpu.memory_space<vmem_shared>> -> memref<128x128xf32, #tpu.memory_space<vmem_shared>>
      %dma_start3A_232 = arith.constant 0 : i32
      %dma_start3A_233 = tpu.memref_slice %arg11[%add3A_210, %dma_start3A_232] : memref<10240x128xf32, #tpu.memory_space<vmem_shared>> -> memref<128x128xf32, #tpu.memory_space<vmem_shared>>
      tpu.enqueue_dma source(%dma_start3A_233 : memref<128x128xf32, #tpu.memory_space<vmem_shared>>) target(%arg9 : memref<128x128xf32, #tpu.memory_space<vmem>>) target_semaphore(%run_scoped3A_229 : memref<!tpu.dma_semaphore, #tpu.memory_space<semaphore_mem>>)
      %dma_wait3A_234 = arith.constant 0 : i32
      %dma_wait3A_235 = tpu.memref_slice %arg11[%add3A_210, %dma_wait3A_234] : memref<10240x128xf32, #tpu.memory_space<vmem_shared>> -> memref<128x128xf32, #tpu.memory_space<vmem_shared>>
      %dma_wait3A_236 = arith.constant 0 : i32
      %dma_wait3A_237 = tpu.memref_slice %arg11[%add3A_210, %dma_wait3A_236] : memref<10240x128xf32, #tpu.memory_space<vmem_shared>> -> memref<128x128xf32, #tpu.memory_space<vmem_shared>>
      tpu.wait_dma2 semaphore(%run_scoped3A_229 : memref<!tpu.dma_semaphore, #tpu.memory_space<semaphore_mem>>) src(%dma_wait3A_237 : memref<128x128xf32, #tpu.memory_space<vmem_shared>>) dst(%arg9 : memref<128x128xf32, #tpu.memory_space<vmem>>)
      tpu.yield
    }) : () -> ()
    %add3A_211 = arith.constant 0 : i32
    %add3A_212 = arith.addi %mul3A_0, %add3A_211 : i32
    "tpu.region"() ({
      %run_scoped3A_229 = tpu.sem_alloc : memref<!tpu.dma_semaphore, #tpu.memory_space<semaphore_mem>>
      %dma_start3A_230 = arith.constant 0 : i32
      %dma_start3A_231 = arith.constant 0 : i32
      %dma_start3A_232 = tpu.memref_slice %arg6[%arg0, %dma_start3A_230, %dma_start3A_231] : memref<2x10240x128xf32, #tpu.memory_space<hbm>> -> memref<1x10240x128xf32, #tpu.memory_space<hbm>>
      %dma_start3A_233 = tpu.memref_squeeze %dma_start3A_232 : memref<1x10240x128xf32, #tpu.memory_space<hbm>> -> memref<10240x128xf32, #tpu.memory_space<hbm>>
      %dma_start3A_234 = arith.constant 0 : i32
      %dma_start3A_235 = tpu.memref_slice %dma_start3A_233[%add3A_212, %dma_start3A_234] : memref<10240x128xf32, #tpu.memory_space<hbm>> -> memref<128x128xf32, #tpu.memory_space<hbm>>
      %dma_start3A_236 = arith.constant 0 : i32
      %dma_start3A_237 = arith.constant 0 : i32
      %dma_start3A_238 = tpu.memref_slice %arg6[%arg0, %dma_start3A_236, %dma_start3A_237] : memref<2x10240x128xf32, #tpu.memory_space<hbm>> -> memref<1x10240x128xf32, #tpu.memory_space<hbm>>
      %dma_start3A_239 = tpu.memref_squeeze %dma_start3A_238 : memref<1x10240x128xf32, #tpu.memory_space<hbm>> -> memref<10240x128xf32, #tpu.memory_space<hbm>>
      %dma_start3A_240 = arith.constant 0 : i32
      %dma_start3A_241 = tpu.memref_slice %dma_start3A_239[%add3A_212, %dma_start3A_240] : memref<10240x128xf32, #tpu.memory_space<hbm>> -> memref<128x128xf32, #tpu.memory_space<hbm>>
      tpu.enqueue_dma source(%arg9 : memref<128x128xf32, #tpu.memory_space<vmem>>) target(%dma_start3A_241 : memref<128x128xf32, #tpu.memory_space<hbm>>) target_semaphore(%run_scoped3A_229 : memref<!tpu.dma_semaphore, #tpu.memory_space<semaphore_mem>>)
      %dma_wait3A_242 = arith.constant 0 : i32
      %dma_wait3A_243 = arith.constant 0 : i32
      %dma_wait3A_244 = tpu.memref_slice %arg6[%arg0, %dma_wait3A_242, %dma_wait3A_243] : memref<2x10240x128xf32, #tpu.memory_space<hbm>> -> memref<1x10240x128xf32, #tpu.memory_space<hbm>>
      %dma_wait3A_245 = tpu.memref_squeeze %dma_wait3A_244 : memref<1x10240x128xf32, #tpu.memory_space<hbm>> -> memref<10240x128xf32, #tpu.memory_space<hbm>>
      %dma_wait3A_246 = arith.constant 0 : i32
      %dma_wait3A_247 = tpu.memref_slice %dma_wait3A_245[%add3A_212, %dma_wait3A_246] : memref<10240x128xf32, #tpu.memory_space<hbm>> -> memref<128x128xf32, #tpu.memory_space<hbm>>
      %dma_wait3A_248 = arith.constant 0 : i32
      %dma_wait3A_249 = arith.constant 0 : i32
      %dma_wait3A_250 = tpu.memref_slice %arg6[%arg0, %dma_wait3A_248, %dma_wait3A_249] : memref<2x10240x128xf32, #tpu.memory_space<hbm>> -> memref<1x10240x128xf32, #tpu.memory_space<hbm>>
      %dma_wait3A_251 = tpu.memref_squeeze %dma_wait3A_250 : memref<1x10240x128xf32, #tpu.memory_space<hbm>> -> memref<10240x128xf32, #tpu.memory_space<hbm>>
      %dma_wait3A_252 = arith.constant 0 : i32
      %dma_wait3A_253 = tpu.memref_slice %dma_wait3A_251[%add3A_212, %dma_wait3A_252] : memref<10240x128xf32, #tpu.memory_space<hbm>> -> memref<128x128xf32, #tpu.memory_space<hbm>>
      tpu.wait_dma2 semaphore(%run_scoped3A_229 : memref<!tpu.dma_semaphore, #tpu.memory_space<semaphore_mem>>) src(%arg9 : memref<128x128xf32, #tpu.memory_space<vmem>>) dst(%dma_wait3A_253 : memref<128x128xf32, #tpu.memory_space<hbm>>)
      tpu.yield
    }) : () -> ()
    %add3A_213 = arith.constant 128 : i32
    %add3A_214 = arith.addi %mul3A_0, %add3A_213 : i32
    "tpu.region"() ({
      %run_scoped3A_229 = tpu.sem_alloc : memref<!tpu.dma_semaphore, #tpu.memory_space<semaphore_mem>>
      %dma_start3A_230 = arith.constant 0 : i32
      %dma_start3A_231 = tpu.memref_slice %arg11[%add3A_214, %dma_start3A_230] : memref<10240x128xf32, #tpu.memory_space<vmem_shared>> -> memref<128x128xf32, #tpu.memory_space<vmem_shared>>
      %dma_start3A_232 = arith.constant 0 : i32
      %dma_start3A_233 = tpu.memref_slice %arg11[%add3A_214, %dma_start3A_232] : memref<10240x128xf32, #tpu.memory_space<vmem_shared>> -> memref<128x128xf32, #tpu.memory_space<vmem_shared>>
      tpu.enqueue_dma source(%dma_start3A_233 : memref<128x128xf32, #tpu.memory_space<vmem_shared>>) target(%arg9 : memref<128x128xf32, #tpu.memory_space<vmem>>) target_semaphore(%run_scoped3A_229 : memref<!tpu.dma_semaphore, #tpu.memory_space<semaphore_mem>>)
      %dma_wait3A_234 = arith.constant 0 : i32
      %dma_wait3A_235 = tpu.memref_slice %arg11[%add3A_214, %dma_wait3A_234] : memref<10240x128xf32, #tpu.memory_space<vmem_shared>> -> memref<128x128xf32, #tpu.memory_space<vmem_shared>>
      %dma_wait3A_236 = arith.constant 0 : i32
      %dma_wait3A_237 = tpu.memref_slice %arg11[%add3A_214, %dma_wait3A_236] : memref<10240x128xf32, #tpu.memory_space<vmem_shared>> -> memref<128x128xf32, #tpu.memory_space<vmem_shared>>
      tpu.wait_dma2 semaphore(%run_scoped3A_229 : memref<!tpu.dma_semaphore, #tpu.memory_space<semaphore_mem>>) src(%dma_wait3A_237 : memref<128x128xf32, #tpu.memory_space<vmem_shared>>) dst(%arg9 : memref<128x128xf32, #tpu.memory_space<vmem>>)
      tpu.yield
    }) : () -> ()
    %add3A_215 = arith.constant 128 : i32
    %add3A_216 = arith.addi %mul3A_0, %add3A_215 : i32
    "tpu.region"() ({
      %run_scoped3A_229 = tpu.sem_alloc : memref<!tpu.dma_semaphore, #tpu.memory_space<semaphore_mem>>
      %dma_start3A_230 = arith.constant 0 : i32
      %dma_start3A_231 = arith.constant 0 : i32
      %dma_start3A_232 = tpu.memref_slice %arg6[%arg0, %dma_start3A_230, %dma_start3A_231] : memref<2x10240x128xf32, #tpu.memory_space<hbm>> -> memref<1x10240x128xf32, #tpu.memory_space<hbm>>
      %dma_start3A_233 = tpu.memref_squeeze %dma_start3A_232 : memref<1x10240x128xf32, #tpu.memory_space<hbm>> -> memref<10240x128xf32, #tpu.memory_space<hbm>>
      %dma_start3A_234 = arith.constant 0 : i32
      %dma_start3A_235 = tpu.memref_slice %dma_start3A_233[%add3A_216, %dma_start3A_234] : memref<10240x128xf32, #tpu.memory_space<hbm>> -> memref<128x128xf32, #tpu.memory_space<hbm>>
      %dma_start3A_236 = arith.constant 0 : i32
      %dma_start3A_237 = arith.constant 0 : i32
      %dma_start3A_238 = tpu.memref_slice %arg6[%arg0, %dma_start3A_236, %dma_start3A_237] : memref<2x10240x128xf32, #tpu.memory_space<hbm>> -> memref<1x10240x128xf32, #tpu.memory_space<hbm>>
      %dma_start3A_239 = tpu.memref_squeeze %dma_start3A_238 : memref<1x10240x128xf32, #tpu.memory_space<hbm>> -> memref<10240x128xf32, #tpu.memory_space<hbm>>
      %dma_start3A_240 = arith.constant 0 : i32
      %dma_start3A_241 = tpu.memref_slice %dma_start3A_239[%add3A_216, %dma_start3A_240] : memref<10240x128xf32, #tpu.memory_space<hbm>> -> memref<128x128xf32, #tpu.memory_space<hbm>>
      tpu.enqueue_dma source(%arg9 : memref<128x128xf32, #tpu.memory_space<vmem>>) target(%dma_start3A_241 : memref<128x128xf32, #tpu.memory_space<hbm>>) target_semaphore(%run_scoped3A_229 : memref<!tpu.dma_semaphore, #tpu.memory_space<semaphore_mem>>)
      %dma_wait3A_242 = arith.constant 0 : i32
      %dma_wait3A_243 = arith.constant 0 : i32
      %dma_wait3A_244 = tpu.memref_slice %arg6[%arg0, %dma_wait3A_242, %dma_wait3A_243] : memref<2x10240x128xf32, #tpu.memory_space<hbm>> -> memref<1x10240x128xf32, #tpu.memory_space<hbm>>
      %dma_wait3A_245 = tpu.memref_squeeze %dma_wait3A_244 : memref<1x10240x128xf32, #tpu.memory_space<hbm>> -> memref<10240x128xf32, #tpu.memory_space<hbm>>
      %dma_wait3A_246 = arith.constant 0 : i32
      %dma_wait3A_247 = tpu.memref_slice %dma_wait3A_245[%add3A_216, %dma_wait3A_246] : memref<10240x128xf32, #tpu.memory_space<hbm>> -> memref<128x128xf32, #tpu.memory_space<hbm>>
      %dma_wait3A_248 = arith.constant 0 : i32
      %dma_wait3A_249 = arith.constant 0 : i32
      %dma_wait3A_250 = tpu.memref_slice %arg6[%arg0, %dma_wait3A_248, %dma_wait3A_249] : memref<2x10240x128xf32, #tpu.memory_space<hbm>> -> memref<1x10240x128xf32, #tpu.memory_space<hbm>>
      %dma_wait3A_251 = tpu.memref_squeeze %dma_wait3A_250 : memref<1x10240x128xf32, #tpu.memory_space<hbm>> -> memref<10240x128xf32, #tpu.memory_space<hbm>>
      %dma_wait3A_252 = arith.constant 0 : i32
      %dma_wait3A_253 = tpu.memref_slice %dma_wait3A_251[%add3A_216, %dma_wait3A_252] : memref<10240x128xf32, #tpu.memory_space<hbm>> -> memref<128x128xf32, #tpu.memory_space<hbm>>
      tpu.wait_dma2 semaphore(%run_scoped3A_229 : memref<!tpu.dma_semaphore, #tpu.memory_space<semaphore_mem>>) src(%arg9 : memref<128x128xf32, #tpu.memory_space<vmem>>) dst(%dma_wait3A_253 : memref<128x128xf32, #tpu.memory_space<hbm>>)
      tpu.yield
    }) : () -> ()
    %add3A_217 = arith.constant 256 : i32
    %add3A_218 = arith.addi %mul3A_0, %add3A_217 : i32
    "tpu.region"() ({
      %run_scoped3A_229 = tpu.sem_alloc : memref<!tpu.dma_semaphore, #tpu.memory_space<semaphore_mem>>
      %dma_start3A_230 = arith.constant 0 : i32
      %dma_start3A_231 = tpu.memref_slice %arg11[%add3A_218, %dma_start3A_230] : memref<10240x128xf32, #tpu.memory_space<vmem_shared>> -> memref<128x128xf32, #tpu.memory_space<vmem_shared>>
      %dma_start3A_232 = arith.constant 0 : i32
      %dma_start3A_233 = tpu.memref_slice %arg11[%add3A_218, %dma_start3A_232] : memref<10240x128xf32, #tpu.memory_space<vmem_shared>> -> memref<128x128xf32, #tpu.memory_space<vmem_shared>>
      tpu.enqueue_dma source(%dma_start3A_233 : memref<128x128xf32, #tpu.memory_space<vmem_shared>>) target(%arg9 : memref<128x128xf32, #tpu.memory_space<vmem>>) target_semaphore(%run_scoped3A_229 : memref<!tpu.dma_semaphore, #tpu.memory_space<semaphore_mem>>)
      %dma_wait3A_234 = arith.constant 0 : i32
      %dma_wait3A_235 = tpu.memref_slice %arg11[%add3A_218, %dma_wait3A_234] : memref<10240x128xf32, #tpu.memory_space<vmem_shared>> -> memref<128x128xf32, #tpu.memory_space<vmem_shared>>
      %dma_wait3A_236 = arith.constant 0 : i32
      %dma_wait3A_237 = tpu.memref_slice %arg11[%add3A_218, %dma_wait3A_236] : memref<10240x128xf32, #tpu.memory_space<vmem_shared>> -> memref<128x128xf32, #tpu.memory_space<vmem_shared>>
      tpu.wait_dma2 semaphore(%run_scoped3A_229 : memref<!tpu.dma_semaphore, #tpu.memory_space<semaphore_mem>>) src(%dma_wait3A_237 : memref<128x128xf32, #tpu.memory_space<vmem_shared>>) dst(%arg9 : memref<128x128xf32, #tpu.memory_space<vmem>>)
      tpu.yield
    }) : () -> ()
    %add3A_219 = arith.constant 256 : i32
    %add3A_220 = arith.addi %mul3A_0, %add3A_219 : i32
    "tpu.region"() ({
      %run_scoped3A_229 = tpu.sem_alloc : memref<!tpu.dma_semaphore, #tpu.memory_space<semaphore_mem>>
      %dma_start3A_230 = arith.constant 0 : i32
      %dma_start3A_231 = arith.constant 0 : i32
      %dma_start3A_232 = tpu.memref_slice %arg6[%arg0, %dma_start3A_230, %dma_start3A_231] : memref<2x10240x128xf32, #tpu.memory_space<hbm>> -> memref<1x10240x128xf32, #tpu.memory_space<hbm>>
      %dma_start3A_233 = tpu.memref_squeeze %dma_start3A_232 : memref<1x10240x128xf32, #tpu.memory_space<hbm>> -> memref<10240x128xf32, #tpu.memory_space<hbm>>
      %dma_start3A_234 = arith.constant 0 : i32
      %dma_start3A_235 = tpu.memref_slice %dma_start3A_233[%add3A_220, %dma_start3A_234] : memref<10240x128xf32, #tpu.memory_space<hbm>> -> memref<128x128xf32, #tpu.memory_space<hbm>>
      %dma_start3A_236 = arith.constant 0 : i32
      %dma_start3A_237 = arith.constant 0 : i32
      %dma_start3A_238 = tpu.memref_slice %arg6[%arg0, %dma_start3A_236, %dma_start3A_237] : memref<2x10240x128xf32, #tpu.memory_space<hbm>> -> memref<1x10240x128xf32, #tpu.memory_space<hbm>>
      %dma_start3A_239 = tpu.memref_squeeze %dma_start3A_238 : memref<1x10240x128xf32, #tpu.memory_space<hbm>> -> memref<10240x128xf32, #tpu.memory_space<hbm>>
      %dma_start3A_240 = arith.constant 0 : i32
      %dma_start3A_241 = tpu.memref_slice %dma_start3A_239[%add3A_220, %dma_start3A_240] : memref<10240x128xf32, #tpu.memory_space<hbm>> -> memref<128x128xf32, #tpu.memory_space<hbm>>
      tpu.enqueue_dma source(%arg9 : memref<128x128xf32, #tpu.memory_space<vmem>>) target(%dma_start3A_241 : memref<128x128xf32, #tpu.memory_space<hbm>>) target_semaphore(%run_scoped3A_229 : memref<!tpu.dma_semaphore, #tpu.memory_space<semaphore_mem>>)
      %dma_wait3A_242 = arith.constant 0 : i32
      %dma_wait3A_243 = arith.constant 0 : i32
      %dma_wait3A_244 = tpu.memref_slice %arg6[%arg0, %dma_wait3A_242, %dma_wait3A_243] : memref<2x10240x128xf32, #tpu.memory_space<hbm>> -> memref<1x10240x128xf32, #tpu.memory_space<hbm>>
      %dma_wait3A_245 = tpu.memref_squeeze %dma_wait3A_244 : memref<1x10240x128xf32, #tpu.memory_space<hbm>> -> memref<10240x128xf32, #tpu.memory_space<hbm>>
      %dma_wait3A_246 = arith.constant 0 : i32
      %dma_wait3A_247 = tpu.memref_slice %dma_wait3A_245[%add3A_220, %dma_wait3A_246] : memref<10240x128xf32, #tpu.memory_space<hbm>> -> memref<128x128xf32, #tpu.memory_space<hbm>>
      %dma_wait3A_248 = arith.constant 0 : i32
      %dma_wait3A_249 = arith.constant 0 : i32
      %dma_wait3A_250 = tpu.memref_slice %arg6[%arg0, %dma_wait3A_248, %dma_wait3A_249] : memref<2x10240x128xf32, #tpu.memory_space<hbm>> -> memref<1x10240x128xf32, #tpu.memory_space<hbm>>
      %dma_wait3A_251 = tpu.memref_squeeze %dma_wait3A_250 : memref<1x10240x128xf32, #tpu.memory_space<hbm>> -> memref<10240x128xf32, #tpu.memory_space<hbm>>
      %dma_wait3A_252 = arith.constant 0 : i32
      %dma_wait3A_253 = tpu.memref_slice %dma_wait3A_251[%add3A_220, %dma_wait3A_252] : memref<10240x128xf32, #tpu.memory_space<hbm>> -> memref<128x128xf32, #tpu.memory_space<hbm>>
      tpu.wait_dma2 semaphore(%run_scoped3A_229 : memref<!tpu.dma_semaphore, #tpu.memory_space<semaphore_mem>>) src(%arg9 : memref<128x128xf32, #tpu.memory_space<vmem>>) dst(%dma_wait3A_253 : memref<128x128xf32, #tpu.memory_space<hbm>>)
      tpu.yield
    }) : () -> ()
    %add3A_221 = arith.constant 384 : i32
    %add3A_222 = arith.addi %mul3A_0, %add3A_221 : i32
    "tpu.region"() ({
      %run_scoped3A_229 = tpu.sem_alloc : memref<!tpu.dma_semaphore, #tpu.memory_space<semaphore_mem>>
      %dma_start3A_230 = arith.constant 0 : i32
      %dma_start3A_231 = tpu.memref_slice %arg11[%add3A_222, %dma_start3A_230] : memref<10240x128xf32, #tpu.memory_space<vmem_shared>> -> memref<128x128xf32, #tpu.memory_space<vmem_shared>>
      %dma_start3A_232 = arith.constant 0 : i32
      %dma_start3A_233 = tpu.memref_slice %arg11[%add3A_222, %dma_start3A_232] : memref<10240x128xf32, #tpu.memory_space<vmem_shared>> -> memref<128x128xf32, #tpu.memory_space<vmem_shared>>
      tpu.enqueue_dma source(%dma_start3A_233 : memref<128x128xf32, #tpu.memory_space<vmem_shared>>) target(%arg9 : memref<128x128xf32, #tpu.memory_space<vmem>>) target_semaphore(%run_scoped3A_229 : memref<!tpu.dma_semaphore, #tpu.memory_space<semaphore_mem>>)
      %dma_wait3A_234 = arith.constant 0 : i32
      %dma_wait3A_235 = tpu.memref_slice %arg11[%add3A_222, %dma_wait3A_234] : memref<10240x128xf32, #tpu.memory_space<vmem_shared>> -> memref<128x128xf32, #tpu.memory_space<vmem_shared>>
      %dma_wait3A_236 = arith.constant 0 : i32
      %dma_wait3A_237 = tpu.memref_slice %arg11[%add3A_222, %dma_wait3A_236] : memref<10240x128xf32, #tpu.memory_space<vmem_shared>> -> memref<128x128xf32, #tpu.memory_space<vmem_shared>>
      tpu.wait_dma2 semaphore(%run_scoped3A_229 : memref<!tpu.dma_semaphore, #tpu.memory_space<semaphore_mem>>) src(%dma_wait3A_237 : memref<128x128xf32, #tpu.memory_space<vmem_shared>>) dst(%arg9 : memref<128x128xf32, #tpu.memory_space<vmem>>)
      tpu.yield
    }) : () -> ()
    %add3A_223 = arith.constant 384 : i32
    %add3A_224 = arith.addi %mul3A_0, %add3A_223 : i32
    "tpu.region"() ({
      %run_scoped3A_229 = tpu.sem_alloc : memref<!tpu.dma_semaphore, #tpu.memory_space<semaphore_mem>>
      %dma_start3A_230 = arith.constant 0 : i32
      %dma_start3A_231 = arith.constant 0 : i32
      %dma_start3A_232 = tpu.memref_slice %arg6[%arg0, %dma_start3A_230, %dma_start3A_231] : memref<2x10240x128xf32, #tpu.memory_space<hbm>> -> memref<1x10240x128xf32, #tpu.memory_space<hbm>>
      %dma_start3A_233 = tpu.memref_squeeze %dma_start3A_232 : memref<1x10240x128xf32, #tpu.memory_space<hbm>> -> memref<10240x128xf32, #tpu.memory_space<hbm>>
      %dma_start3A_234 = arith.constant 0 : i32
      %dma_start3A_235 = tpu.memref_slice %dma_start3A_233[%add3A_224, %dma_start3A_234] : memref<10240x128xf32, #tpu.memory_space<hbm>> -> memref<128x128xf32, #tpu.memory_space<hbm>>
      %dma_start3A_236 = arith.constant 0 : i32
      %dma_start3A_237 = arith.constant 0 : i32
      %dma_start3A_238 = tpu.memref_slice %arg6[%arg0, %dma_start3A_236, %dma_start3A_237] : memref<2x10240x128xf32, #tpu.memory_space<hbm>> -> memref<1x10240x128xf32, #tpu.memory_space<hbm>>
      %dma_start3A_239 = tpu.memref_squeeze %dma_start3A_238 : memref<1x10240x128xf32, #tpu.memory_space<hbm>> -> memref<10240x128xf32, #tpu.memory_space<hbm>>
      %dma_start3A_240 = arith.constant 0 : i32
      %dma_start3A_241 = tpu.memref_slice %dma_start3A_239[%add3A_224, %dma_start3A_240] : memref<10240x128xf32, #tpu.memory_space<hbm>> -> memref<128x128xf32, #tpu.memory_space<hbm>>
      tpu.enqueue_dma source(%arg9 : memref<128x128xf32, #tpu.memory_space<vmem>>) target(%dma_start3A_241 : memref<128x128xf32, #tpu.memory_space<hbm>>) target_semaphore(%run_scoped3A_229 : memref<!tpu.dma_semaphore, #tpu.memory_space<semaphore_mem>>)
      %dma_wait3A_242 = arith.constant 0 : i32
      %dma_wait3A_243 = arith.constant 0 : i32
      %dma_wait3A_244 = tpu.memref_slice %arg6[%arg0, %dma_wait3A_242, %dma_wait3A_243] : memref<2x10240x128xf32, #tpu.memory_space<hbm>> -> memref<1x10240x128xf32, #tpu.memory_space<hbm>>
      %dma_wait3A_245 = tpu.memref_squeeze %dma_wait3A_244 : memref<1x10240x128xf32, #tpu.memory_space<hbm>> -> memref<10240x128xf32, #tpu.memory_space<hbm>>
      %dma_wait3A_246 = arith.constant 0 : i32
      %dma_wait3A_247 = tpu.memref_slice %dma_wait3A_245[%add3A_224, %dma_wait3A_246] : memref<10240x128xf32, #tpu.memory_space<hbm>> -> memref<128x128xf32, #tpu.memory_space<hbm>>
      %dma_wait3A_248 = arith.constant 0 : i32
      %dma_wait3A_249 = arith.constant 0 : i32
      %dma_wait3A_250 = tpu.memref_slice %arg6[%arg0, %dma_wait3A_248, %dma_wait3A_249] : memref<2x10240x128xf32, #tpu.memory_space<hbm>> -> memref<1x10240x128xf32, #tpu.memory_space<hbm>>
      %dma_wait3A_251 = tpu.memref_squeeze %dma_wait3A_250 : memref<1x10240x128xf32, #tpu.memory_space<hbm>> -> memref<10240x128xf32, #tpu.memory_space<hbm>>
      %dma_wait3A_252 = arith.constant 0 : i32
      %dma_wait3A_253 = tpu.memref_slice %dma_wait3A_251[%add3A_224, %dma_wait3A_252] : memref<10240x128xf32, #tpu.memory_space<hbm>> -> memref<128x128xf32, #tpu.memory_space<hbm>>
      tpu.wait_dma2 semaphore(%run_scoped3A_229 : memref<!tpu.dma_semaphore, #tpu.memory_space<semaphore_mem>>) src(%arg9 : memref<128x128xf32, #tpu.memory_space<vmem>>) dst(%dma_wait3A_253 : memref<128x128xf32, #tpu.memory_space<hbm>>)
      tpu.yield
    }) : () -> ()
    %add3A_225 = arith.constant 512 : i32
    %add3A_226 = arith.addi %mul3A_0, %add3A_225 : i32
    "tpu.region"() ({
      %run_scoped3A_229 = tpu.sem_alloc : memref<!tpu.dma_semaphore, #tpu.memory_space<semaphore_mem>>
      %dma_start3A_230 = arith.constant 0 : i32
      %dma_start3A_231 = tpu.memref_slice %arg11[%add3A_226, %dma_start3A_230] : memref<10240x128xf32, #tpu.memory_space<vmem_shared>> -> memref<128x128xf32, #tpu.memory_space<vmem_shared>>
      %dma_start3A_232 = arith.constant 0 : i32
      %dma_start3A_233 = tpu.memref_slice %arg11[%add3A_226, %dma_start3A_232] : memref<10240x128xf32, #tpu.memory_space<vmem_shared>> -> memref<128x128xf32, #tpu.memory_space<vmem_shared>>
      tpu.enqueue_dma source(%dma_start3A_233 : memref<128x128xf32, #tpu.memory_space<vmem_shared>>) target(%arg9 : memref<128x128xf32, #tpu.memory_space<vmem>>) target_semaphore(%run_scoped3A_229 : memref<!tpu.dma_semaphore, #tpu.memory_space<semaphore_mem>>)
      %dma_wait3A_234 = arith.constant 0 : i32
      %dma_wait3A_235 = tpu.memref_slice %arg11[%add3A_226, %dma_wait3A_234] : memref<10240x128xf32, #tpu.memory_space<vmem_shared>> -> memref<128x128xf32, #tpu.memory_space<vmem_shared>>
      %dma_wait3A_236 = arith.constant 0 : i32
      %dma_wait3A_237 = tpu.memref_slice %arg11[%add3A_226, %dma_wait3A_236] : memref<10240x128xf32, #tpu.memory_space<vmem_shared>> -> memref<128x128xf32, #tpu.memory_space<vmem_shared>>
      tpu.wait_dma2 semaphore(%run_scoped3A_229 : memref<!tpu.dma_semaphore, #tpu.memory_space<semaphore_mem>>) src(%dma_wait3A_237 : memref<128x128xf32, #tpu.memory_space<vmem_shared>>) dst(%arg9 : memref<128x128xf32, #tpu.memory_space<vmem>>)
      tpu.yield
    }) : () -> ()
    %add3A_227 = arith.constant 512 : i32
    %add3A_228 = arith.addi %mul3A_0, %add3A_227 : i32
    "tpu.region"() ({
      %run_scoped3A_229 = tpu.sem_alloc : memref<!tpu.dma_semaphore, #tpu.memory_space<semaphore_mem>>
      %dma_start3A_230 = arith.constant 0 : i32
      %dma_start3A_231 = arith.constant 0 : i32
      %dma_start3A_232 = tpu.memref_slice %arg6[%arg0, %dma_start3A_230, %dma_start3A_231] : memref<2x10240x128xf32, #tpu.memory_space<hbm>> -> memref<1x10240x128xf32, #tpu.memory_space<hbm>>
      %dma_start3A_233 = tpu.memref_squeeze %dma_start3A_232 : memref<1x10240x128xf32, #tpu.memory_space<hbm>> -> memref<10240x128xf32, #tpu.memory_space<hbm>>
      %dma_start3A_234 = arith.constant 0 : i32
      %dma_start3A_235 = tpu.memref_slice %dma_start3A_233[%add3A_228, %dma_start3A_234] : memref<10240x128xf32, #tpu.memory_space<hbm>> -> memref<128x128xf32, #tpu.memory_space<hbm>>
      %dma_start3A_236 = arith.constant 0 : i32
      %dma_start3A_237 = arith.constant 0 : i32
      %dma_start3A_238 = tpu.memref_slice %arg6[%arg0, %dma_start3A_236, %dma_start3A_237] : memref<2x10240x128xf32, #tpu.memory_space<hbm>> -> memref<1x10240x128xf32, #tpu.memory_space<hbm>>
      %dma_start3A_239 = tpu.memref_squeeze %dma_start3A_238 : memref<1x10240x128xf32, #tpu.memory_space<hbm>> -> memref<10240x128xf32, #tpu.memory_space<hbm>>
      %dma_start3A_240 = arith.constant 0 : i32
      %dma_start3A_241 = tpu.memref_slice %dma_start3A_239[%add3A_228, %dma_start3A_240] : memref<10240x128xf32, #tpu.memory_space<hbm>> -> memref<128x128xf32, #tpu.memory_space<hbm>>
      tpu.enqueue_dma source(%arg9 : memref<128x128xf32, #tpu.memory_space<vmem>>) target(%dma_start3A_241 : memref<128x128xf32, #tpu.memory_space<hbm>>) target_semaphore(%run_scoped3A_229 : memref<!tpu.dma_semaphore, #tpu.memory_space<semaphore_mem>>)
      %dma_wait3A_242 = arith.constant 0 : i32
      %dma_wait3A_243 = arith.constant 0 : i32
      %dma_wait3A_244 = tpu.memref_slice %arg6[%arg0, %dma_wait3A_242, %dma_wait3A_243] : memref<2x10240x128xf32, #tpu.memory_space<hbm>> -> memref<1x10240x128xf32, #tpu.memory_space<hbm>>
      %dma_wait3A_245 = tpu.memref_squeeze %dma_wait3A_244 : memref<1x10240x128xf32, #tpu.memory_space<hbm>> -> memref<10240x128xf32, #tpu.memory_space<hbm>>
      %dma_wait3A_246 = arith.constant 0 : i32
      %dma_wait3A_247 = tpu.memref_slice %dma_wait3A_245[%add3A_228, %dma_wait3A_246] : memref<10240x128xf32, #tpu.memory_space<hbm>> -> memref<128x128xf32, #tpu.memory_space<hbm>>
      %dma_wait3A_248 = arith.constant 0 : i32
      %dma_wait3A_249 = arith.constant 0 : i32
      %dma_wait3A_250 = tpu.memref_slice %arg6[%arg0, %dma_wait3A_248, %dma_wait3A_249] : memref<2x10240x128xf32, #tpu.memory_space<hbm>> -> memref<1x10240x128xf32, #tpu.memory_space<hbm>>
      %dma_wait3A_251 = tpu.memref_squeeze %dma_wait3A_250 : memref<1x10240x128xf32, #tpu.memory_space<hbm>> -> memref<10240x128xf32, #tpu.memory_space<hbm>>
      %dma_wait3A_252 = arith.constant 0 : i32
      %dma_wait3A_253 = tpu.memref_slice %dma_wait3A_251[%add3A_228, %dma_wait3A_252] : memref<10240x128xf32, #tpu.memory_space<hbm>> -> memref<128x128xf32, #tpu.memory_space<hbm>>
      tpu.wait_dma2 semaphore(%run_scoped3A_229 : memref<!tpu.dma_semaphore, #tpu.memory_space<semaphore_mem>>) src(%arg9 : memref<128x128xf32, #tpu.memory_space<vmem>>) dst(%dma_wait3A_253 : memref<128x128xf32, #tpu.memory_space<hbm>>)
      tpu.yield
    }) : () -> ()
    return
  }
}

#map = affine_map<(d0, d1) -> (0, 0, 0)>
#map1 = affine_map<(d0, d1) -> (0, 0)>
module attributes {stable_mosaic.version = 14 : i64} {
  func.func @_sc_degrees(%arg0: i32, %arg1: i32, %arg2: memref<2x2560x128xi32, #tpu.memory_space<hbm>>, %arg3: memref<128x128xf32, #tpu.memory_space<hbm>>, %arg4: memref<128x128xf32, #tpu.memory_space<hbm>>, %arg5: memref<2x10240x128xf32, #tpu.memory_space<hbm>>, %arg6: memref<32x128xi32, #tpu.memory_space<vmem>>, %arg7: memref<128x128xf32, #tpu.memory_space<vmem>>, %arg8: memref<128x128xf32, #tpu.memory_space<vmem>>, %arg9: memref<10240x128xf32, #tpu.memory_space<vmem_shared>>) attributes {dimension_semantics = [#tpu.dimension_semantics<core_parallel>, #tpu.dimension_semantics<subcore_parallel>], iteration_bounds = array<i64: 2, 16>, scalar_prefetch = 0 : i64, scratch_operands = 4 : i64, tpu.core_type = #tpu.core_type<sc_vector_subcore>, window_params = [{transform_indices = #map}, {transform_indices = #map1}, {transform_indices = #map1}, {transform_indices = #map}]} {
    %mul3A = arith.constant 640 : i32
    %mul3A_0 = arith.muli %arg1, %mul3A : i32
    %mul3A_1 = arith.constant 160 : i32
    %mul3A_2 = arith.muli %arg1, %mul3A_1 : i32
    "tpu.region"() ({
      %run_scoped3A = tpu.sem_alloc : memref<!tpu.dma_semaphore, #tpu.memory_space<semaphore_mem>>
      tpu.enqueue_dma source(%arg4 : memref<128x128xf32, #tpu.memory_space<hbm>>) target(%arg8 : memref<128x128xf32, #tpu.memory_space<vmem>>) target_semaphore(%run_scoped3A : memref<!tpu.dma_semaphore, #tpu.memory_space<semaphore_mem>>)
      tpu.wait_dma2 semaphore(%run_scoped3A : memref<!tpu.dma_semaphore, #tpu.memory_space<semaphore_mem>>) src(%arg4 : memref<128x128xf32, #tpu.memory_space<hbm>>) dst(%arg8 : memref<128x128xf32, #tpu.memory_space<vmem>>)
      tpu.yield
    }) : () -> ()
    %add3A = arith.constant 0 : i32
    %add3A_3 = arith.addi %mul3A_0, %add3A : i32
    "tpu.region"() ({
      %run_scoped3A = tpu.sem_alloc : memref<!tpu.dma_semaphore, #tpu.memory_space<semaphore_mem>>
      %dma_start3A = arith.constant 0 : i32
      %dma_start3A_72 = tpu.memref_slice %arg9[%add3A_3, %dma_start3A] : memref<10240x128xf32, #tpu.memory_space<vmem_shared>> -> memref<128x128xf32, #tpu.memory_space<vmem_shared>>
      %dma_start3A_73 = arith.constant 0 : i32
      %dma_start3A_74 = tpu.memref_slice %arg9[%add3A_3, %dma_start3A_73] : memref<10240x128xf32, #tpu.memory_space<vmem_shared>> -> memref<128x128xf32, #tpu.memory_space<vmem_shared>>
      tpu.enqueue_dma source(%arg8 : memref<128x128xf32, #tpu.memory_space<vmem>>) target(%dma_start3A_74 : memref<128x128xf32, #tpu.memory_space<vmem_shared>>) target_semaphore(%run_scoped3A : memref<!tpu.dma_semaphore, #tpu.memory_space<semaphore_mem>>)
      %dma_wait3A = arith.constant 0 : i32
      %dma_wait3A_75 = tpu.memref_slice %arg9[%add3A_3, %dma_wait3A] : memref<10240x128xf32, #tpu.memory_space<vmem_shared>> -> memref<128x128xf32, #tpu.memory_space<vmem_shared>>
      %dma_wait3A_76 = arith.constant 0 : i32
      %dma_wait3A_77 = tpu.memref_slice %arg9[%add3A_3, %dma_wait3A_76] : memref<10240x128xf32, #tpu.memory_space<vmem_shared>> -> memref<128x128xf32, #tpu.memory_space<vmem_shared>>
      tpu.wait_dma2 semaphore(%run_scoped3A : memref<!tpu.dma_semaphore, #tpu.memory_space<semaphore_mem>>) src(%arg8 : memref<128x128xf32, #tpu.memory_space<vmem>>) dst(%dma_wait3A_77 : memref<128x128xf32, #tpu.memory_space<vmem_shared>>)
      tpu.yield
    }) : () -> ()
    %add3A_4 = arith.constant 128 : i32
    %add3A_5 = arith.addi %mul3A_0, %add3A_4 : i32
    "tpu.region"() ({
      %run_scoped3A = tpu.sem_alloc : memref<!tpu.dma_semaphore, #tpu.memory_space<semaphore_mem>>
      %dma_start3A = arith.constant 0 : i32
      %dma_start3A_72 = tpu.memref_slice %arg9[%add3A_5, %dma_start3A] : memref<10240x128xf32, #tpu.memory_space<vmem_shared>> -> memref<128x128xf32, #tpu.memory_space<vmem_shared>>
      %dma_start3A_73 = arith.constant 0 : i32
      %dma_start3A_74 = tpu.memref_slice %arg9[%add3A_5, %dma_start3A_73] : memref<10240x128xf32, #tpu.memory_space<vmem_shared>> -> memref<128x128xf32, #tpu.memory_space<vmem_shared>>
      tpu.enqueue_dma source(%arg8 : memref<128x128xf32, #tpu.memory_space<vmem>>) target(%dma_start3A_74 : memref<128x128xf32, #tpu.memory_space<vmem_shared>>) target_semaphore(%run_scoped3A : memref<!tpu.dma_semaphore, #tpu.memory_space<semaphore_mem>>)
      %dma_wait3A = arith.constant 0 : i32
      %dma_wait3A_75 = tpu.memref_slice %arg9[%add3A_5, %dma_wait3A] : memref<10240x128xf32, #tpu.memory_space<vmem_shared>> -> memref<128x128xf32, #tpu.memory_space<vmem_shared>>
      %dma_wait3A_76 = arith.constant 0 : i32
      %dma_wait3A_77 = tpu.memref_slice %arg9[%add3A_5, %dma_wait3A_76] : memref<10240x128xf32, #tpu.memory_space<vmem_shared>> -> memref<128x128xf32, #tpu.memory_space<vmem_shared>>
      tpu.wait_dma2 semaphore(%run_scoped3A : memref<!tpu.dma_semaphore, #tpu.memory_space<semaphore_mem>>) src(%arg8 : memref<128x128xf32, #tpu.memory_space<vmem>>) dst(%dma_wait3A_77 : memref<128x128xf32, #tpu.memory_space<vmem_shared>>)
      tpu.yield
    }) : () -> ()
    %add3A_6 = arith.constant 256 : i32
    %add3A_7 = arith.addi %mul3A_0, %add3A_6 : i32
    "tpu.region"() ({
      %run_scoped3A = tpu.sem_alloc : memref<!tpu.dma_semaphore, #tpu.memory_space<semaphore_mem>>
      %dma_start3A = arith.constant 0 : i32
      %dma_start3A_72 = tpu.memref_slice %arg9[%add3A_7, %dma_start3A] : memref<10240x128xf32, #tpu.memory_space<vmem_shared>> -> memref<128x128xf32, #tpu.memory_space<vmem_shared>>
      %dma_start3A_73 = arith.constant 0 : i32
      %dma_start3A_74 = tpu.memref_slice %arg9[%add3A_7, %dma_start3A_73] : memref<10240x128xf32, #tpu.memory_space<vmem_shared>> -> memref<128x128xf32, #tpu.memory_space<vmem_shared>>
      tpu.enqueue_dma source(%arg8 : memref<128x128xf32, #tpu.memory_space<vmem>>) target(%dma_start3A_74 : memref<128x128xf32, #tpu.memory_space<vmem_shared>>) target_semaphore(%run_scoped3A : memref<!tpu.dma_semaphore, #tpu.memory_space<semaphore_mem>>)
      %dma_wait3A = arith.constant 0 : i32
      %dma_wait3A_75 = tpu.memref_slice %arg9[%add3A_7, %dma_wait3A] : memref<10240x128xf32, #tpu.memory_space<vmem_shared>> -> memref<128x128xf32, #tpu.memory_space<vmem_shared>>
      %dma_wait3A_76 = arith.constant 0 : i32
      %dma_wait3A_77 = tpu.memref_slice %arg9[%add3A_7, %dma_wait3A_76] : memref<10240x128xf32, #tpu.memory_space<vmem_shared>> -> memref<128x128xf32, #tpu.memory_space<vmem_shared>>
      tpu.wait_dma2 semaphore(%run_scoped3A : memref<!tpu.dma_semaphore, #tpu.memory_space<semaphore_mem>>) src(%arg8 : memref<128x128xf32, #tpu.memory_space<vmem>>) dst(%dma_wait3A_77 : memref<128x128xf32, #tpu.memory_space<vmem_shared>>)
      tpu.yield
    }) : () -> ()
    %add3A_8 = arith.constant 384 : i32
    %add3A_9 = arith.addi %mul3A_0, %add3A_8 : i32
    "tpu.region"() ({
      %run_scoped3A = tpu.sem_alloc : memref<!tpu.dma_semaphore, #tpu.memory_space<semaphore_mem>>
      %dma_start3A = arith.constant 0 : i32
      %dma_start3A_72 = tpu.memref_slice %arg9[%add3A_9, %dma_start3A] : memref<10240x128xf32, #tpu.memory_space<vmem_shared>> -> memref<128x128xf32, #tpu.memory_space<vmem_shared>>
      %dma_start3A_73 = arith.constant 0 : i32
      %dma_start3A_74 = tpu.memref_slice %arg9[%add3A_9, %dma_start3A_73] : memref<10240x128xf32, #tpu.memory_space<vmem_shared>> -> memref<128x128xf32, #tpu.memory_space<vmem_shared>>
      tpu.enqueue_dma source(%arg8 : memref<128x128xf32, #tpu.memory_space<vmem>>) target(%dma_start3A_74 : memref<128x128xf32, #tpu.memory_space<vmem_shared>>) target_semaphore(%run_scoped3A : memref<!tpu.dma_semaphore, #tpu.memory_space<semaphore_mem>>)
      %dma_wait3A = arith.constant 0 : i32
      %dma_wait3A_75 = tpu.memref_slice %arg9[%add3A_9, %dma_wait3A] : memref<10240x128xf32, #tpu.memory_space<vmem_shared>> -> memref<128x128xf32, #tpu.memory_space<vmem_shared>>
      %dma_wait3A_76 = arith.constant 0 : i32
      %dma_wait3A_77 = tpu.memref_slice %arg9[%add3A_9, %dma_wait3A_76] : memref<10240x128xf32, #tpu.memory_space<vmem_shared>> -> memref<128x128xf32, #tpu.memory_space<vmem_shared>>
      tpu.wait_dma2 semaphore(%run_scoped3A : memref<!tpu.dma_semaphore, #tpu.memory_space<semaphore_mem>>) src(%arg8 : memref<128x128xf32, #tpu.memory_space<vmem>>) dst(%dma_wait3A_77 : memref<128x128xf32, #tpu.memory_space<vmem_shared>>)
      tpu.yield
    }) : () -> ()
    %add3A_10 = arith.constant 512 : i32
    %add3A_11 = arith.addi %mul3A_0, %add3A_10 : i32
    "tpu.region"() ({
      %run_scoped3A = tpu.sem_alloc : memref<!tpu.dma_semaphore, #tpu.memory_space<semaphore_mem>>
      %dma_start3A = arith.constant 0 : i32
      %dma_start3A_72 = tpu.memref_slice %arg9[%add3A_11, %dma_start3A] : memref<10240x128xf32, #tpu.memory_space<vmem_shared>> -> memref<128x128xf32, #tpu.memory_space<vmem_shared>>
      %dma_start3A_73 = arith.constant 0 : i32
      %dma_start3A_74 = tpu.memref_slice %arg9[%add3A_11, %dma_start3A_73] : memref<10240x128xf32, #tpu.memory_space<vmem_shared>> -> memref<128x128xf32, #tpu.memory_space<vmem_shared>>
      tpu.enqueue_dma source(%arg8 : memref<128x128xf32, #tpu.memory_space<vmem>>) target(%dma_start3A_74 : memref<128x128xf32, #tpu.memory_space<vmem_shared>>) target_semaphore(%run_scoped3A : memref<!tpu.dma_semaphore, #tpu.memory_space<semaphore_mem>>)
      %dma_wait3A = arith.constant 0 : i32
      %dma_wait3A_75 = tpu.memref_slice %arg9[%add3A_11, %dma_wait3A] : memref<10240x128xf32, #tpu.memory_space<vmem_shared>> -> memref<128x128xf32, #tpu.memory_space<vmem_shared>>
      %dma_wait3A_76 = arith.constant 0 : i32
      %dma_wait3A_77 = tpu.memref_slice %arg9[%add3A_11, %dma_wait3A_76] : memref<10240x128xf32, #tpu.memory_space<vmem_shared>> -> memref<128x128xf32, #tpu.memory_space<vmem_shared>>
      tpu.wait_dma2 semaphore(%run_scoped3A : memref<!tpu.dma_semaphore, #tpu.memory_space<semaphore_mem>>) src(%arg8 : memref<128x128xf32, #tpu.memory_space<vmem>>) dst(%dma_wait3A_77 : memref<128x128xf32, #tpu.memory_space<vmem_shared>>)
      tpu.yield
    }) : () -> ()
    "tpu.region"() ({
      %run_scoped3A = tpu.sem_alloc : memref<!tpu.dma_semaphore, #tpu.memory_space<semaphore_mem>>
      tpu.enqueue_dma source(%arg3 : memref<128x128xf32, #tpu.memory_space<hbm>>) target(%arg7 : memref<128x128xf32, #tpu.memory_space<vmem>>) target_semaphore(%run_scoped3A : memref<!tpu.dma_semaphore, #tpu.memory_space<semaphore_mem>>)
      tpu.wait_dma2 semaphore(%run_scoped3A : memref<!tpu.dma_semaphore, #tpu.memory_space<semaphore_mem>>) src(%arg3 : memref<128x128xf32, #tpu.memory_space<hbm>>) dst(%arg7 : memref<128x128xf32, #tpu.memory_space<vmem>>)
      tpu.yield
    }) : () -> ()
    %barrier3A = arith.constant 0 : index
    tpu.barrier barrier_id(%barrier3A)
    %add3A_12 = arith.constant 0 : i32
    %add3A_13 = arith.addi %mul3A_2, %add3A_12 : i32
    "tpu.region"() ({
      %run_scoped3A = tpu.sem_alloc : memref<!tpu.dma_semaphore, #tpu.memory_space<semaphore_mem>>
      %dma_start3A = arith.constant 0 : i32
      %dma_start3A_72 = arith.constant 0 : i32
      %dma_start3A_73 = tpu.memref_slice %arg2[%arg0, %dma_start3A, %dma_start3A_72] : memref<2x2560x128xi32, #tpu.memory_space<hbm>> -> memref<1x2560x128xi32, #tpu.memory_space<hbm>>
      %dma_start3A_74 = tpu.memref_squeeze %dma_start3A_73 : memref<1x2560x128xi32, #tpu.memory_space<hbm>> -> memref<2560x128xi32, #tpu.memory_space<hbm>>
      %dma_start3A_75 = arith.constant 0 : i32
      %dma_start3A_76 = tpu.memref_slice %dma_start3A_74[%add3A_13, %dma_start3A_75] : memref<2560x128xi32, #tpu.memory_space<hbm>> -> memref<32x128xi32, #tpu.memory_space<hbm>>
      %dma_start3A_77 = arith.constant 0 : i32
      %dma_start3A_78 = arith.constant 0 : i32
      %dma_start3A_79 = tpu.memref_slice %arg2[%arg0, %dma_start3A_77, %dma_start3A_78] : memref<2x2560x128xi32, #tpu.memory_space<hbm>> -> memref<1x2560x128xi32, #tpu.memory_space<hbm>>
      %dma_start3A_80 = tpu.memref_squeeze %dma_start3A_79 : memref<1x2560x128xi32, #tpu.memory_space<hbm>> -> memref<2560x128xi32, #tpu.memory_space<hbm>>
      %dma_start3A_81 = arith.constant 0 : i32
      %dma_start3A_82 = tpu.memref_slice %dma_start3A_80[%add3A_13, %dma_start3A_81] : memref<2560x128xi32, #tpu.memory_space<hbm>> -> memref<32x128xi32, #tpu.memory_space<hbm>>
      tpu.enqueue_dma source(%dma_start3A_82 : memref<32x128xi32, #tpu.memory_space<hbm>>) target(%arg6 : memref<32x128xi32, #tpu.memory_space<vmem>>) target_semaphore(%run_scoped3A : memref<!tpu.dma_semaphore, #tpu.memory_space<semaphore_mem>>)
      %dma_wait3A = arith.constant 0 : i32
      %dma_wait3A_83 = arith.constant 0 : i32
      %dma_wait3A_84 = tpu.memref_slice %arg2[%arg0, %dma_wait3A, %dma_wait3A_83] : memref<2x2560x128xi32, #tpu.memory_space<hbm>> -> memref<1x2560x128xi32, #tpu.memory_space<hbm>>
      %dma_wait3A_85 = tpu.memref_squeeze %dma_wait3A_84 : memref<1x2560x128xi32, #tpu.memory_space<hbm>> -> memref<2560x128xi32, #tpu.memory_space<hbm>>
      %dma_wait3A_86 = arith.constant 0 : i32
      %dma_wait3A_87 = tpu.memref_slice %dma_wait3A_85[%add3A_13, %dma_wait3A_86] : memref<2560x128xi32, #tpu.memory_space<hbm>> -> memref<32x128xi32, #tpu.memory_space<hbm>>
      %dma_wait3A_88 = arith.constant 0 : i32
      %dma_wait3A_89 = arith.constant 0 : i32
      %dma_wait3A_90 = tpu.memref_slice %arg2[%arg0, %dma_wait3A_88, %dma_wait3A_89] : memref<2x2560x128xi32, #tpu.memory_space<hbm>> -> memref<1x2560x128xi32, #tpu.memory_space<hbm>>
      %dma_wait3A_91 = tpu.memref_squeeze %dma_wait3A_90 : memref<1x2560x128xi32, #tpu.memory_space<hbm>> -> memref<2560x128xi32, #tpu.memory_space<hbm>>
      %dma_wait3A_92 = arith.constant 0 : i32
      %dma_wait3A_93 = tpu.memref_slice %dma_wait3A_91[%add3A_13, %dma_wait3A_92] : memref<2560x128xi32, #tpu.memory_space<hbm>> -> memref<32x128xi32, #tpu.memory_space<hbm>>
      tpu.wait_dma2 semaphore(%run_scoped3A : memref<!tpu.dma_semaphore, #tpu.memory_space<semaphore_mem>>) src(%dma_wait3A_93 : memref<32x128xi32, #tpu.memory_space<hbm>>) dst(%arg6 : memref<32x128xi32, #tpu.memory_space<vmem>>)
      tpu.yield
    }) : () -> ()
    %scan3A = arith.constant 0 : i32
    %scan3A_14 = arith.constant 0 : i32
    %scan3A_15 = arith.constant 32 : i32
    %scan3A_16 = arith.addi %scan3A_14, %scan3A_15 : i32
    %scan3A_17 = arith.constant 1 : i32
    scf.for %scan3A_72 = %scan3A_14 to %scan3A_16 step %scan3A_17  : i32 {
      "tpu.region"() ({
        %run_scoped3A = tpu.sem_alloc : memref<!tpu.dma_semaphore, #tpu.memory_space<semaphore_mem>>
        %dma_start3A = arith.constant 0 : i32
        %dma_start3A_73 = tpu.memref_slice %arg6[%scan3A_72, %dma_start3A] : memref<32x128xi32, #tpu.memory_space<vmem>> -> memref<1x128xi32, #tpu.memory_space<vmem>>
        %dma_start3A_74 = tpu.memref_squeeze %dma_start3A_73 : memref<1x128xi32, #tpu.memory_space<vmem>> -> memref<128xi32, #tpu.memory_space<vmem>>
        %dma_start3A_75 = arith.constant 0 : i32
        %dma_start3A_76 = arith.constant 0 : i32
        %dma_start3A_77 = tpu.memref_slice %arg9[%dma_start3A_75, %dma_start3A_76] : memref<10240x128xf32, #tpu.memory_space<vmem_shared>> -> memref<10240x128xf32, #tpu.memory_space<vmem_shared>>
        tpu.enqueue_indirect_dma source(%arg7 : memref<128x128xf32, #tpu.memory_space<vmem>>) target(%dma_start3A_77 : memref<10240x128xf32, #tpu.memory_space<vmem_shared>>) offsets(%dma_start3A_74 : memref<128xi32, #tpu.memory_space<vmem>>) semaphore(%run_scoped3A : memref<!tpu.dma_semaphore, #tpu.memory_space<semaphore_mem>>) {add = true}
        %dma_wait3A = arith.constant 0 : i32
        %dma_wait3A_78 = tpu.memref_slice %arg6[%scan3A_72, %dma_wait3A] : memref<32x128xi32, #tpu.memory_space<vmem>> -> memref<1x128xi32, #tpu.memory_space<vmem>>
        %dma_wait3A_79 = tpu.memref_squeeze %dma_wait3A_78 : memref<1x128xi32, #tpu.memory_space<vmem>> -> memref<128xi32, #tpu.memory_space<vmem>>
        %dma_wait3A_80 = arith.constant 0 : i32
        %dma_wait3A_81 = arith.constant 0 : i32
        %dma_wait3A_82 = tpu.memref_slice %arg9[%dma_wait3A_80, %dma_wait3A_81] : memref<10240x128xf32, #tpu.memory_space<vmem_shared>> -> memref<10240x128xf32, #tpu.memory_space<vmem_shared>>
        tpu.wait_indirect_dma semaphore(%run_scoped3A : memref<!tpu.dma_semaphore, #tpu.memory_space<semaphore_mem>>) src(%arg7 : memref<128x128xf32, #tpu.memory_space<vmem>>) dst(%dma_wait3A_82 : memref<10240x128xf32, #tpu.memory_space<vmem_shared>>)
        tpu.yield
      }) : () -> ()
    }
    %scan3A_18 = arith.constant 32 : i32
    %add3A_19 = arith.constant 32 : i32
    %add3A_20 = arith.addi %mul3A_2, %add3A_19 : i32
    "tpu.region"() ({
      %run_scoped3A = tpu.sem_alloc : memref<!tpu.dma_semaphore, #tpu.memory_space<semaphore_mem>>
      %dma_start3A = arith.constant 0 : i32
      %dma_start3A_72 = arith.constant 0 : i32
      %dma_start3A_73 = tpu.memref_slice %arg2[%arg0, %dma_start3A, %dma_start3A_72] : memref<2x2560x128xi32, #tpu.memory_space<hbm>> -> memref<1x2560x128xi32, #tpu.memory_space<hbm>>
      %dma_start3A_74 = tpu.memref_squeeze %dma_start3A_73 : memref<1x2560x128xi32, #tpu.memory_space<hbm>> -> memref<2560x128xi32, #tpu.memory_space<hbm>>
      %dma_start3A_75 = arith.constant 0 : i32
      %dma_start3A_76 = tpu.memref_slice %dma_start3A_74[%add3A_20, %dma_start3A_75] : memref<2560x128xi32, #tpu.memory_space<hbm>> -> memref<32x128xi32, #tpu.memory_space<hbm>>
      %dma_start3A_77 = arith.constant 0 : i32
      %dma_start3A_78 = arith.constant 0 : i32
      %dma_start3A_79 = tpu.memref_slice %arg2[%arg0, %dma_start3A_77, %dma_start3A_78] : memref<2x2560x128xi32, #tpu.memory_space<hbm>> -> memref<1x2560x128xi32, #tpu.memory_space<hbm>>
      %dma_start3A_80 = tpu.memref_squeeze %dma_start3A_79 : memref<1x2560x128xi32, #tpu.memory_space<hbm>> -> memref<2560x128xi32, #tpu.memory_space<hbm>>
      %dma_start3A_81 = arith.constant 0 : i32
      %dma_start3A_82 = tpu.memref_slice %dma_start3A_80[%add3A_20, %dma_start3A_81] : memref<2560x128xi32, #tpu.memory_space<hbm>> -> memref<32x128xi32, #tpu.memory_space<hbm>>
      tpu.enqueue_dma source(%dma_start3A_82 : memref<32x128xi32, #tpu.memory_space<hbm>>) target(%arg6 : memref<32x128xi32, #tpu.memory_space<vmem>>) target_semaphore(%run_scoped3A : memref<!tpu.dma_semaphore, #tpu.memory_space<semaphore_mem>>)
      %dma_wait3A = arith.constant 0 : i32
      %dma_wait3A_83 = arith.constant 0 : i32
      %dma_wait3A_84 = tpu.memref_slice %arg2[%arg0, %dma_wait3A, %dma_wait3A_83] : memref<2x2560x128xi32, #tpu.memory_space<hbm>> -> memref<1x2560x128xi32, #tpu.memory_space<hbm>>
      %dma_wait3A_85 = tpu.memref_squeeze %dma_wait3A_84 : memref<1x2560x128xi32, #tpu.memory_space<hbm>> -> memref<2560x128xi32, #tpu.memory_space<hbm>>
      %dma_wait3A_86 = arith.constant 0 : i32
      %dma_wait3A_87 = tpu.memref_slice %dma_wait3A_85[%add3A_20, %dma_wait3A_86] : memref<2560x128xi32, #tpu.memory_space<hbm>> -> memref<32x128xi32, #tpu.memory_space<hbm>>
      %dma_wait3A_88 = arith.constant 0 : i32
      %dma_wait3A_89 = arith.constant 0 : i32
      %dma_wait3A_90 = tpu.memref_slice %arg2[%arg0, %dma_wait3A_88, %dma_wait3A_89] : memref<2x2560x128xi32, #tpu.memory_space<hbm>> -> memref<1x2560x128xi32, #tpu.memory_space<hbm>>
      %dma_wait3A_91 = tpu.memref_squeeze %dma_wait3A_90 : memref<1x2560x128xi32, #tpu.memory_space<hbm>> -> memref<2560x128xi32, #tpu.memory_space<hbm>>
      %dma_wait3A_92 = arith.constant 0 : i32
      %dma_wait3A_93 = tpu.memref_slice %dma_wait3A_91[%add3A_20, %dma_wait3A_92] : memref<2560x128xi32, #tpu.memory_space<hbm>> -> memref<32x128xi32, #tpu.memory_space<hbm>>
      tpu.wait_dma2 semaphore(%run_scoped3A : memref<!tpu.dma_semaphore, #tpu.memory_space<semaphore_mem>>) src(%dma_wait3A_93 : memref<32x128xi32, #tpu.memory_space<hbm>>) dst(%arg6 : memref<32x128xi32, #tpu.memory_space<vmem>>)
      tpu.yield
    }) : () -> ()
    %scan3A_21 = arith.constant 0 : i32
    %scan3A_22 = arith.constant 0 : i32
    %scan3A_23 = arith.constant 32 : i32
    %scan3A_24 = arith.addi %scan3A_22, %scan3A_23 : i32
    %scan3A_25 = arith.constant 1 : i32
    scf.for %scan3A_72 = %scan3A_22 to %scan3A_24 step %scan3A_25  : i32 {
      "tpu.region"() ({
        %run_scoped3A = tpu.sem_alloc : memref<!tpu.dma_semaphore, #tpu.memory_space<semaphore_mem>>
        %dma_start3A = arith.constant 0 : i32
        %dma_start3A_73 = tpu.memref_slice %arg6[%scan3A_72, %dma_start3A] : memref<32x128xi32, #tpu.memory_space<vmem>> -> memref<1x128xi32, #tpu.memory_space<vmem>>
        %dma_start3A_74 = tpu.memref_squeeze %dma_start3A_73 : memref<1x128xi32, #tpu.memory_space<vmem>> -> memref<128xi32, #tpu.memory_space<vmem>>
        %dma_start3A_75 = arith.constant 0 : i32
        %dma_start3A_76 = arith.constant 0 : i32
        %dma_start3A_77 = tpu.memref_slice %arg9[%dma_start3A_75, %dma_start3A_76] : memref<10240x128xf32, #tpu.memory_space<vmem_shared>> -> memref<10240x128xf32, #tpu.memory_space<vmem_shared>>
        tpu.enqueue_indirect_dma source(%arg7 : memref<128x128xf32, #tpu.memory_space<vmem>>) target(%dma_start3A_77 : memref<10240x128xf32, #tpu.memory_space<vmem_shared>>) offsets(%dma_start3A_74 : memref<128xi32, #tpu.memory_space<vmem>>) semaphore(%run_scoped3A : memref<!tpu.dma_semaphore, #tpu.memory_space<semaphore_mem>>) {add = true}
        %dma_wait3A = arith.constant 0 : i32
        %dma_wait3A_78 = tpu.memref_slice %arg6[%scan3A_72, %dma_wait3A] : memref<32x128xi32, #tpu.memory_space<vmem>> -> memref<1x128xi32, #tpu.memory_space<vmem>>
        %dma_wait3A_79 = tpu.memref_squeeze %dma_wait3A_78 : memref<1x128xi32, #tpu.memory_space<vmem>> -> memref<128xi32, #tpu.memory_space<vmem>>
        %dma_wait3A_80 = arith.constant 0 : i32
        %dma_wait3A_81 = arith.constant 0 : i32
        %dma_wait3A_82 = tpu.memref_slice %arg9[%dma_wait3A_80, %dma_wait3A_81] : memref<10240x128xf32, #tpu.memory_space<vmem_shared>> -> memref<10240x128xf32, #tpu.memory_space<vmem_shared>>
        tpu.wait_indirect_dma semaphore(%run_scoped3A : memref<!tpu.dma_semaphore, #tpu.memory_space<semaphore_mem>>) src(%arg7 : memref<128x128xf32, #tpu.memory_space<vmem>>) dst(%dma_wait3A_82 : memref<10240x128xf32, #tpu.memory_space<vmem_shared>>)
        tpu.yield
      }) : () -> ()
    }
    %scan3A_26 = arith.constant 32 : i32
    %add3A_27 = arith.constant 64 : i32
    %add3A_28 = arith.addi %mul3A_2, %add3A_27 : i32
    "tpu.region"() ({
      %run_scoped3A = tpu.sem_alloc : memref<!tpu.dma_semaphore, #tpu.memory_space<semaphore_mem>>
      %dma_start3A = arith.constant 0 : i32
      %dma_start3A_72 = arith.constant 0 : i32
      %dma_start3A_73 = tpu.memref_slice %arg2[%arg0, %dma_start3A, %dma_start3A_72] : memref<2x2560x128xi32, #tpu.memory_space<hbm>> -> memref<1x2560x128xi32, #tpu.memory_space<hbm>>
      %dma_start3A_74 = tpu.memref_squeeze %dma_start3A_73 : memref<1x2560x128xi32, #tpu.memory_space<hbm>> -> memref<2560x128xi32, #tpu.memory_space<hbm>>
      %dma_start3A_75 = arith.constant 0 : i32
      %dma_start3A_76 = tpu.memref_slice %dma_start3A_74[%add3A_28, %dma_start3A_75] : memref<2560x128xi32, #tpu.memory_space<hbm>> -> memref<32x128xi32, #tpu.memory_space<hbm>>
      %dma_start3A_77 = arith.constant 0 : i32
      %dma_start3A_78 = arith.constant 0 : i32
      %dma_start3A_79 = tpu.memref_slice %arg2[%arg0, %dma_start3A_77, %dma_start3A_78] : memref<2x2560x128xi32, #tpu.memory_space<hbm>> -> memref<1x2560x128xi32, #tpu.memory_space<hbm>>
      %dma_start3A_80 = tpu.memref_squeeze %dma_start3A_79 : memref<1x2560x128xi32, #tpu.memory_space<hbm>> -> memref<2560x128xi32, #tpu.memory_space<hbm>>
      %dma_start3A_81 = arith.constant 0 : i32
      %dma_start3A_82 = tpu.memref_slice %dma_start3A_80[%add3A_28, %dma_start3A_81] : memref<2560x128xi32, #tpu.memory_space<hbm>> -> memref<32x128xi32, #tpu.memory_space<hbm>>
      tpu.enqueue_dma source(%dma_start3A_82 : memref<32x128xi32, #tpu.memory_space<hbm>>) target(%arg6 : memref<32x128xi32, #tpu.memory_space<vmem>>) target_semaphore(%run_scoped3A : memref<!tpu.dma_semaphore, #tpu.memory_space<semaphore_mem>>)
      %dma_wait3A = arith.constant 0 : i32
      %dma_wait3A_83 = arith.constant 0 : i32
      %dma_wait3A_84 = tpu.memref_slice %arg2[%arg0, %dma_wait3A, %dma_wait3A_83] : memref<2x2560x128xi32, #tpu.memory_space<hbm>> -> memref<1x2560x128xi32, #tpu.memory_space<hbm>>
      %dma_wait3A_85 = tpu.memref_squeeze %dma_wait3A_84 : memref<1x2560x128xi32, #tpu.memory_space<hbm>> -> memref<2560x128xi32, #tpu.memory_space<hbm>>
      %dma_wait3A_86 = arith.constant 0 : i32
      %dma_wait3A_87 = tpu.memref_slice %dma_wait3A_85[%add3A_28, %dma_wait3A_86] : memref<2560x128xi32, #tpu.memory_space<hbm>> -> memref<32x128xi32, #tpu.memory_space<hbm>>
      %dma_wait3A_88 = arith.constant 0 : i32
      %dma_wait3A_89 = arith.constant 0 : i32
      %dma_wait3A_90 = tpu.memref_slice %arg2[%arg0, %dma_wait3A_88, %dma_wait3A_89] : memref<2x2560x128xi32, #tpu.memory_space<hbm>> -> memref<1x2560x128xi32, #tpu.memory_space<hbm>>
      %dma_wait3A_91 = tpu.memref_squeeze %dma_wait3A_90 : memref<1x2560x128xi32, #tpu.memory_space<hbm>> -> memref<2560x128xi32, #tpu.memory_space<hbm>>
      %dma_wait3A_92 = arith.constant 0 : i32
      %dma_wait3A_93 = tpu.memref_slice %dma_wait3A_91[%add3A_28, %dma_wait3A_92] : memref<2560x128xi32, #tpu.memory_space<hbm>> -> memref<32x128xi32, #tpu.memory_space<hbm>>
      tpu.wait_dma2 semaphore(%run_scoped3A : memref<!tpu.dma_semaphore, #tpu.memory_space<semaphore_mem>>) src(%dma_wait3A_93 : memref<32x128xi32, #tpu.memory_space<hbm>>) dst(%arg6 : memref<32x128xi32, #tpu.memory_space<vmem>>)
      tpu.yield
    }) : () -> ()
    %scan3A_29 = arith.constant 0 : i32
    %scan3A_30 = arith.constant 0 : i32
    %scan3A_31 = arith.constant 32 : i32
    %scan3A_32 = arith.addi %scan3A_30, %scan3A_31 : i32
    %scan3A_33 = arith.constant 1 : i32
    scf.for %scan3A_72 = %scan3A_30 to %scan3A_32 step %scan3A_33  : i32 {
      "tpu.region"() ({
        %run_scoped3A = tpu.sem_alloc : memref<!tpu.dma_semaphore, #tpu.memory_space<semaphore_mem>>
        %dma_start3A = arith.constant 0 : i32
        %dma_start3A_73 = tpu.memref_slice %arg6[%scan3A_72, %dma_start3A] : memref<32x128xi32, #tpu.memory_space<vmem>> -> memref<1x128xi32, #tpu.memory_space<vmem>>
        %dma_start3A_74 = tpu.memref_squeeze %dma_start3A_73 : memref<1x128xi32, #tpu.memory_space<vmem>> -> memref<128xi32, #tpu.memory_space<vmem>>
        %dma_start3A_75 = arith.constant 0 : i32
        %dma_start3A_76 = arith.constant 0 : i32
        %dma_start3A_77 = tpu.memref_slice %arg9[%dma_start3A_75, %dma_start3A_76] : memref<10240x128xf32, #tpu.memory_space<vmem_shared>> -> memref<10240x128xf32, #tpu.memory_space<vmem_shared>>
        tpu.enqueue_indirect_dma source(%arg7 : memref<128x128xf32, #tpu.memory_space<vmem>>) target(%dma_start3A_77 : memref<10240x128xf32, #tpu.memory_space<vmem_shared>>) offsets(%dma_start3A_74 : memref<128xi32, #tpu.memory_space<vmem>>) semaphore(%run_scoped3A : memref<!tpu.dma_semaphore, #tpu.memory_space<semaphore_mem>>) {add = true}
        %dma_wait3A = arith.constant 0 : i32
        %dma_wait3A_78 = tpu.memref_slice %arg6[%scan3A_72, %dma_wait3A] : memref<32x128xi32, #tpu.memory_space<vmem>> -> memref<1x128xi32, #tpu.memory_space<vmem>>
        %dma_wait3A_79 = tpu.memref_squeeze %dma_wait3A_78 : memref<1x128xi32, #tpu.memory_space<vmem>> -> memref<128xi32, #tpu.memory_space<vmem>>
        %dma_wait3A_80 = arith.constant 0 : i32
        %dma_wait3A_81 = arith.constant 0 : i32
        %dma_wait3A_82 = tpu.memref_slice %arg9[%dma_wait3A_80, %dma_wait3A_81] : memref<10240x128xf32, #tpu.memory_space<vmem_shared>> -> memref<10240x128xf32, #tpu.memory_space<vmem_shared>>
        tpu.wait_indirect_dma semaphore(%run_scoped3A : memref<!tpu.dma_semaphore, #tpu.memory_space<semaphore_mem>>) src(%arg7 : memref<128x128xf32, #tpu.memory_space<vmem>>) dst(%dma_wait3A_82 : memref<10240x128xf32, #tpu.memory_space<vmem_shared>>)
        tpu.yield
      }) : () -> ()
    }
    %scan3A_34 = arith.constant 32 : i32
    %add3A_35 = arith.constant 96 : i32
    %add3A_36 = arith.addi %mul3A_2, %add3A_35 : i32
    "tpu.region"() ({
      %run_scoped3A = tpu.sem_alloc : memref<!tpu.dma_semaphore, #tpu.memory_space<semaphore_mem>>
      %dma_start3A = arith.constant 0 : i32
      %dma_start3A_72 = arith.constant 0 : i32
      %dma_start3A_73 = tpu.memref_slice %arg2[%arg0, %dma_start3A, %dma_start3A_72] : memref<2x2560x128xi32, #tpu.memory_space<hbm>> -> memref<1x2560x128xi32, #tpu.memory_space<hbm>>
      %dma_start3A_74 = tpu.memref_squeeze %dma_start3A_73 : memref<1x2560x128xi32, #tpu.memory_space<hbm>> -> memref<2560x128xi32, #tpu.memory_space<hbm>>
      %dma_start3A_75 = arith.constant 0 : i32
      %dma_start3A_76 = tpu.memref_slice %dma_start3A_74[%add3A_36, %dma_start3A_75] : memref<2560x128xi32, #tpu.memory_space<hbm>> -> memref<32x128xi32, #tpu.memory_space<hbm>>
      %dma_start3A_77 = arith.constant 0 : i32
      %dma_start3A_78 = arith.constant 0 : i32
      %dma_start3A_79 = tpu.memref_slice %arg2[%arg0, %dma_start3A_77, %dma_start3A_78] : memref<2x2560x128xi32, #tpu.memory_space<hbm>> -> memref<1x2560x128xi32, #tpu.memory_space<hbm>>
      %dma_start3A_80 = tpu.memref_squeeze %dma_start3A_79 : memref<1x2560x128xi32, #tpu.memory_space<hbm>> -> memref<2560x128xi32, #tpu.memory_space<hbm>>
      %dma_start3A_81 = arith.constant 0 : i32
      %dma_start3A_82 = tpu.memref_slice %dma_start3A_80[%add3A_36, %dma_start3A_81] : memref<2560x128xi32, #tpu.memory_space<hbm>> -> memref<32x128xi32, #tpu.memory_space<hbm>>
      tpu.enqueue_dma source(%dma_start3A_82 : memref<32x128xi32, #tpu.memory_space<hbm>>) target(%arg6 : memref<32x128xi32, #tpu.memory_space<vmem>>) target_semaphore(%run_scoped3A : memref<!tpu.dma_semaphore, #tpu.memory_space<semaphore_mem>>)
      %dma_wait3A = arith.constant 0 : i32
      %dma_wait3A_83 = arith.constant 0 : i32
      %dma_wait3A_84 = tpu.memref_slice %arg2[%arg0, %dma_wait3A, %dma_wait3A_83] : memref<2x2560x128xi32, #tpu.memory_space<hbm>> -> memref<1x2560x128xi32, #tpu.memory_space<hbm>>
      %dma_wait3A_85 = tpu.memref_squeeze %dma_wait3A_84 : memref<1x2560x128xi32, #tpu.memory_space<hbm>> -> memref<2560x128xi32, #tpu.memory_space<hbm>>
      %dma_wait3A_86 = arith.constant 0 : i32
      %dma_wait3A_87 = tpu.memref_slice %dma_wait3A_85[%add3A_36, %dma_wait3A_86] : memref<2560x128xi32, #tpu.memory_space<hbm>> -> memref<32x128xi32, #tpu.memory_space<hbm>>
      %dma_wait3A_88 = arith.constant 0 : i32
      %dma_wait3A_89 = arith.constant 0 : i32
      %dma_wait3A_90 = tpu.memref_slice %arg2[%arg0, %dma_wait3A_88, %dma_wait3A_89] : memref<2x2560x128xi32, #tpu.memory_space<hbm>> -> memref<1x2560x128xi32, #tpu.memory_space<hbm>>
      %dma_wait3A_91 = tpu.memref_squeeze %dma_wait3A_90 : memref<1x2560x128xi32, #tpu.memory_space<hbm>> -> memref<2560x128xi32, #tpu.memory_space<hbm>>
      %dma_wait3A_92 = arith.constant 0 : i32
      %dma_wait3A_93 = tpu.memref_slice %dma_wait3A_91[%add3A_36, %dma_wait3A_92] : memref<2560x128xi32, #tpu.memory_space<hbm>> -> memref<32x128xi32, #tpu.memory_space<hbm>>
      tpu.wait_dma2 semaphore(%run_scoped3A : memref<!tpu.dma_semaphore, #tpu.memory_space<semaphore_mem>>) src(%dma_wait3A_93 : memref<32x128xi32, #tpu.memory_space<hbm>>) dst(%arg6 : memref<32x128xi32, #tpu.memory_space<vmem>>)
      tpu.yield
    }) : () -> ()
    %scan3A_37 = arith.constant 0 : i32
    %scan3A_38 = arith.constant 0 : i32
    %scan3A_39 = arith.constant 32 : i32
    %scan3A_40 = arith.addi %scan3A_38, %scan3A_39 : i32
    %scan3A_41 = arith.constant 1 : i32
    scf.for %scan3A_72 = %scan3A_38 to %scan3A_40 step %scan3A_41  : i32 {
      "tpu.region"() ({
        %run_scoped3A = tpu.sem_alloc : memref<!tpu.dma_semaphore, #tpu.memory_space<semaphore_mem>>
        %dma_start3A = arith.constant 0 : i32
        %dma_start3A_73 = tpu.memref_slice %arg6[%scan3A_72, %dma_start3A] : memref<32x128xi32, #tpu.memory_space<vmem>> -> memref<1x128xi32, #tpu.memory_space<vmem>>
        %dma_start3A_74 = tpu.memref_squeeze %dma_start3A_73 : memref<1x128xi32, #tpu.memory_space<vmem>> -> memref<128xi32, #tpu.memory_space<vmem>>
        %dma_start3A_75 = arith.constant 0 : i32
        %dma_start3A_76 = arith.constant 0 : i32
        %dma_start3A_77 = tpu.memref_slice %arg9[%dma_start3A_75, %dma_start3A_76] : memref<10240x128xf32, #tpu.memory_space<vmem_shared>> -> memref<10240x128xf32, #tpu.memory_space<vmem_shared>>
        tpu.enqueue_indirect_dma source(%arg7 : memref<128x128xf32, #tpu.memory_space<vmem>>) target(%dma_start3A_77 : memref<10240x128xf32, #tpu.memory_space<vmem_shared>>) offsets(%dma_start3A_74 : memref<128xi32, #tpu.memory_space<vmem>>) semaphore(%run_scoped3A : memref<!tpu.dma_semaphore, #tpu.memory_space<semaphore_mem>>) {add = true}
        %dma_wait3A = arith.constant 0 : i32
        %dma_wait3A_78 = tpu.memref_slice %arg6[%scan3A_72, %dma_wait3A] : memref<32x128xi32, #tpu.memory_space<vmem>> -> memref<1x128xi32, #tpu.memory_space<vmem>>
        %dma_wait3A_79 = tpu.memref_squeeze %dma_wait3A_78 : memref<1x128xi32, #tpu.memory_space<vmem>> -> memref<128xi32, #tpu.memory_space<vmem>>
        %dma_wait3A_80 = arith.constant 0 : i32
        %dma_wait3A_81 = arith.constant 0 : i32
        %dma_wait3A_82 = tpu.memref_slice %arg9[%dma_wait3A_80, %dma_wait3A_81] : memref<10240x128xf32, #tpu.memory_space<vmem_shared>> -> memref<10240x128xf32, #tpu.memory_space<vmem_shared>>
        tpu.wait_indirect_dma semaphore(%run_scoped3A : memref<!tpu.dma_semaphore, #tpu.memory_space<semaphore_mem>>) src(%arg7 : memref<128x128xf32, #tpu.memory_space<vmem>>) dst(%dma_wait3A_82 : memref<10240x128xf32, #tpu.memory_space<vmem_shared>>)
        tpu.yield
      }) : () -> ()
    }
    %scan3A_42 = arith.constant 32 : i32
    %add3A_43 = arith.constant 128 : i32
    %add3A_44 = arith.addi %mul3A_2, %add3A_43 : i32
    "tpu.region"() ({
      %run_scoped3A = tpu.sem_alloc : memref<!tpu.dma_semaphore, #tpu.memory_space<semaphore_mem>>
      %dma_start3A = arith.constant 0 : i32
      %dma_start3A_72 = arith.constant 0 : i32
      %dma_start3A_73 = tpu.memref_slice %arg2[%arg0, %dma_start3A, %dma_start3A_72] : memref<2x2560x128xi32, #tpu.memory_space<hbm>> -> memref<1x2560x128xi32, #tpu.memory_space<hbm>>
      %dma_start3A_74 = tpu.memref_squeeze %dma_start3A_73 : memref<1x2560x128xi32, #tpu.memory_space<hbm>> -> memref<2560x128xi32, #tpu.memory_space<hbm>>
      %dma_start3A_75 = arith.constant 0 : i32
      %dma_start3A_76 = tpu.memref_slice %dma_start3A_74[%add3A_44, %dma_start3A_75] : memref<2560x128xi32, #tpu.memory_space<hbm>> -> memref<32x128xi32, #tpu.memory_space<hbm>>
      %dma_start3A_77 = arith.constant 0 : i32
      %dma_start3A_78 = arith.constant 0 : i32
      %dma_start3A_79 = tpu.memref_slice %arg2[%arg0, %dma_start3A_77, %dma_start3A_78] : memref<2x2560x128xi32, #tpu.memory_space<hbm>> -> memref<1x2560x128xi32, #tpu.memory_space<hbm>>
      %dma_start3A_80 = tpu.memref_squeeze %dma_start3A_79 : memref<1x2560x128xi32, #tpu.memory_space<hbm>> -> memref<2560x128xi32, #tpu.memory_space<hbm>>
      %dma_start3A_81 = arith.constant 0 : i32
      %dma_start3A_82 = tpu.memref_slice %dma_start3A_80[%add3A_44, %dma_start3A_81] : memref<2560x128xi32, #tpu.memory_space<hbm>> -> memref<32x128xi32, #tpu.memory_space<hbm>>
      tpu.enqueue_dma source(%dma_start3A_82 : memref<32x128xi32, #tpu.memory_space<hbm>>) target(%arg6 : memref<32x128xi32, #tpu.memory_space<vmem>>) target_semaphore(%run_scoped3A : memref<!tpu.dma_semaphore, #tpu.memory_space<semaphore_mem>>)
      %dma_wait3A = arith.constant 0 : i32
      %dma_wait3A_83 = arith.constant 0 : i32
      %dma_wait3A_84 = tpu.memref_slice %arg2[%arg0, %dma_wait3A, %dma_wait3A_83] : memref<2x2560x128xi32, #tpu.memory_space<hbm>> -> memref<1x2560x128xi32, #tpu.memory_space<hbm>>
      %dma_wait3A_85 = tpu.memref_squeeze %dma_wait3A_84 : memref<1x2560x128xi32, #tpu.memory_space<hbm>> -> memref<2560x128xi32, #tpu.memory_space<hbm>>
      %dma_wait3A_86 = arith.constant 0 : i32
      %dma_wait3A_87 = tpu.memref_slice %dma_wait3A_85[%add3A_44, %dma_wait3A_86] : memref<2560x128xi32, #tpu.memory_space<hbm>> -> memref<32x128xi32, #tpu.memory_space<hbm>>
      %dma_wait3A_88 = arith.constant 0 : i32
      %dma_wait3A_89 = arith.constant 0 : i32
      %dma_wait3A_90 = tpu.memref_slice %arg2[%arg0, %dma_wait3A_88, %dma_wait3A_89] : memref<2x2560x128xi32, #tpu.memory_space<hbm>> -> memref<1x2560x128xi32, #tpu.memory_space<hbm>>
      %dma_wait3A_91 = tpu.memref_squeeze %dma_wait3A_90 : memref<1x2560x128xi32, #tpu.memory_space<hbm>> -> memref<2560x128xi32, #tpu.memory_space<hbm>>
      %dma_wait3A_92 = arith.constant 0 : i32
      %dma_wait3A_93 = tpu.memref_slice %dma_wait3A_91[%add3A_44, %dma_wait3A_92] : memref<2560x128xi32, #tpu.memory_space<hbm>> -> memref<32x128xi32, #tpu.memory_space<hbm>>
      tpu.wait_dma2 semaphore(%run_scoped3A : memref<!tpu.dma_semaphore, #tpu.memory_space<semaphore_mem>>) src(%dma_wait3A_93 : memref<32x128xi32, #tpu.memory_space<hbm>>) dst(%arg6 : memref<32x128xi32, #tpu.memory_space<vmem>>)
      tpu.yield
    }) : () -> ()
    %scan3A_45 = arith.constant 0 : i32
    %scan3A_46 = arith.constant 0 : i32
    %scan3A_47 = arith.constant 32 : i32
    %scan3A_48 = arith.addi %scan3A_46, %scan3A_47 : i32
    %scan3A_49 = arith.constant 1 : i32
    scf.for %scan3A_72 = %scan3A_46 to %scan3A_48 step %scan3A_49  : i32 {
      "tpu.region"() ({
        %run_scoped3A = tpu.sem_alloc : memref<!tpu.dma_semaphore, #tpu.memory_space<semaphore_mem>>
        %dma_start3A = arith.constant 0 : i32
        %dma_start3A_73 = tpu.memref_slice %arg6[%scan3A_72, %dma_start3A] : memref<32x128xi32, #tpu.memory_space<vmem>> -> memref<1x128xi32, #tpu.memory_space<vmem>>
        %dma_start3A_74 = tpu.memref_squeeze %dma_start3A_73 : memref<1x128xi32, #tpu.memory_space<vmem>> -> memref<128xi32, #tpu.memory_space<vmem>>
        %dma_start3A_75 = arith.constant 0 : i32
        %dma_start3A_76 = arith.constant 0 : i32
        %dma_start3A_77 = tpu.memref_slice %arg9[%dma_start3A_75, %dma_start3A_76] : memref<10240x128xf32, #tpu.memory_space<vmem_shared>> -> memref<10240x128xf32, #tpu.memory_space<vmem_shared>>
        tpu.enqueue_indirect_dma source(%arg7 : memref<128x128xf32, #tpu.memory_space<vmem>>) target(%dma_start3A_77 : memref<10240x128xf32, #tpu.memory_space<vmem_shared>>) offsets(%dma_start3A_74 : memref<128xi32, #tpu.memory_space<vmem>>) semaphore(%run_scoped3A : memref<!tpu.dma_semaphore, #tpu.memory_space<semaphore_mem>>) {add = true}
        %dma_wait3A = arith.constant 0 : i32
        %dma_wait3A_78 = tpu.memref_slice %arg6[%scan3A_72, %dma_wait3A] : memref<32x128xi32, #tpu.memory_space<vmem>> -> memref<1x128xi32, #tpu.memory_space<vmem>>
        %dma_wait3A_79 = tpu.memref_squeeze %dma_wait3A_78 : memref<1x128xi32, #tpu.memory_space<vmem>> -> memref<128xi32, #tpu.memory_space<vmem>>
        %dma_wait3A_80 = arith.constant 0 : i32
        %dma_wait3A_81 = arith.constant 0 : i32
        %dma_wait3A_82 = tpu.memref_slice %arg9[%dma_wait3A_80, %dma_wait3A_81] : memref<10240x128xf32, #tpu.memory_space<vmem_shared>> -> memref<10240x128xf32, #tpu.memory_space<vmem_shared>>
        tpu.wait_indirect_dma semaphore(%run_scoped3A : memref<!tpu.dma_semaphore, #tpu.memory_space<semaphore_mem>>) src(%arg7 : memref<128x128xf32, #tpu.memory_space<vmem>>) dst(%dma_wait3A_82 : memref<10240x128xf32, #tpu.memory_space<vmem_shared>>)
        tpu.yield
      }) : () -> ()
    }
    %scan3A_50 = arith.constant 32 : i32
    %barrier3A_51 = arith.constant 0 : index
    tpu.barrier barrier_id(%barrier3A_51)
    %add3A_52 = arith.constant 0 : i32
    %add3A_53 = arith.addi %mul3A_0, %add3A_52 : i32
    "tpu.region"() ({
      %run_scoped3A = tpu.sem_alloc : memref<!tpu.dma_semaphore, #tpu.memory_space<semaphore_mem>>
      %dma_start3A = arith.constant 0 : i32
      %dma_start3A_72 = tpu.memref_slice %arg9[%add3A_53, %dma_start3A] : memref<10240x128xf32, #tpu.memory_space<vmem_shared>> -> memref<128x128xf32, #tpu.memory_space<vmem_shared>>
      %dma_start3A_73 = arith.constant 0 : i32
      %dma_start3A_74 = tpu.memref_slice %arg9[%add3A_53, %dma_start3A_73] : memref<10240x128xf32, #tpu.memory_space<vmem_shared>> -> memref<128x128xf32, #tpu.memory_space<vmem_shared>>
      tpu.enqueue_dma source(%dma_start3A_74 : memref<128x128xf32, #tpu.memory_space<vmem_shared>>) target(%arg8 : memref<128x128xf32, #tpu.memory_space<vmem>>) target_semaphore(%run_scoped3A : memref<!tpu.dma_semaphore, #tpu.memory_space<semaphore_mem>>)
      %dma_wait3A = arith.constant 0 : i32
      %dma_wait3A_75 = tpu.memref_slice %arg9[%add3A_53, %dma_wait3A] : memref<10240x128xf32, #tpu.memory_space<vmem_shared>> -> memref<128x128xf32, #tpu.memory_space<vmem_shared>>
      %dma_wait3A_76 = arith.constant 0 : i32
      %dma_wait3A_77 = tpu.memref_slice %arg9[%add3A_53, %dma_wait3A_76] : memref<10240x128xf32, #tpu.memory_space<vmem_shared>> -> memref<128x128xf32, #tpu.memory_space<vmem_shared>>
      tpu.wait_dma2 semaphore(%run_scoped3A : memref<!tpu.dma_semaphore, #tpu.memory_space<semaphore_mem>>) src(%dma_wait3A_77 : memref<128x128xf32, #tpu.memory_space<vmem_shared>>) dst(%arg8 : memref<128x128xf32, #tpu.memory_space<vmem>>)
      tpu.yield
    }) : () -> ()
    %add3A_54 = arith.constant 0 : i32
    %add3A_55 = arith.addi %mul3A_0, %add3A_54 : i32
    "tpu.region"() ({
      %run_scoped3A = tpu.sem_alloc : memref<!tpu.dma_semaphore, #tpu.memory_space<semaphore_mem>>
      %dma_start3A = arith.constant 0 : i32
      %dma_start3A_72 = arith.constant 0 : i32
      %dma_start3A_73 = tpu.memref_slice %arg5[%arg0, %dma_start3A, %dma_start3A_72] : memref<2x10240x128xf32, #tpu.memory_space<hbm>> -> memref<1x10240x128xf32, #tpu.memory_space<hbm>>
      %dma_start3A_74 = tpu.memref_squeeze %dma_start3A_73 : memref<1x10240x128xf32, #tpu.memory_space<hbm>> -> memref<10240x128xf32, #tpu.memory_space<hbm>>
      %dma_start3A_75 = arith.constant 0 : i32
      %dma_start3A_76 = tpu.memref_slice %dma_start3A_74[%add3A_55, %dma_start3A_75] : memref<10240x128xf32, #tpu.memory_space<hbm>> -> memref<128x128xf32, #tpu.memory_space<hbm>>
      %dma_start3A_77 = arith.constant 0 : i32
      %dma_start3A_78 = arith.constant 0 : i32
      %dma_start3A_79 = tpu.memref_slice %arg5[%arg0, %dma_start3A_77, %dma_start3A_78] : memref<2x10240x128xf32, #tpu.memory_space<hbm>> -> memref<1x10240x128xf32, #tpu.memory_space<hbm>>
      %dma_start3A_80 = tpu.memref_squeeze %dma_start3A_79 : memref<1x10240x128xf32, #tpu.memory_space<hbm>> -> memref<10240x128xf32, #tpu.memory_space<hbm>>
      %dma_start3A_81 = arith.constant 0 : i32
      %dma_start3A_82 = tpu.memref_slice %dma_start3A_80[%add3A_55, %dma_start3A_81] : memref<10240x128xf32, #tpu.memory_space<hbm>> -> memref<128x128xf32, #tpu.memory_space<hbm>>
      tpu.enqueue_dma source(%arg8 : memref<128x128xf32, #tpu.memory_space<vmem>>) target(%dma_start3A_82 : memref<128x128xf32, #tpu.memory_space<hbm>>) target_semaphore(%run_scoped3A : memref<!tpu.dma_semaphore, #tpu.memory_space<semaphore_mem>>)
      %dma_wait3A = arith.constant 0 : i32
      %dma_wait3A_83 = arith.constant 0 : i32
      %dma_wait3A_84 = tpu.memref_slice %arg5[%arg0, %dma_wait3A, %dma_wait3A_83] : memref<2x10240x128xf32, #tpu.memory_space<hbm>> -> memref<1x10240x128xf32, #tpu.memory_space<hbm>>
      %dma_wait3A_85 = tpu.memref_squeeze %dma_wait3A_84 : memref<1x10240x128xf32, #tpu.memory_space<hbm>> -> memref<10240x128xf32, #tpu.memory_space<hbm>>
      %dma_wait3A_86 = arith.constant 0 : i32
      %dma_wait3A_87 = tpu.memref_slice %dma_wait3A_85[%add3A_55, %dma_wait3A_86] : memref<10240x128xf32, #tpu.memory_space<hbm>> -> memref<128x128xf32, #tpu.memory_space<hbm>>
      %dma_wait3A_88 = arith.constant 0 : i32
      %dma_wait3A_89 = arith.constant 0 : i32
      %dma_wait3A_90 = tpu.memref_slice %arg5[%arg0, %dma_wait3A_88, %dma_wait3A_89] : memref<2x10240x128xf32, #tpu.memory_space<hbm>> -> memref<1x10240x128xf32, #tpu.memory_space<hbm>>
      %dma_wait3A_91 = tpu.memref_squeeze %dma_wait3A_90 : memref<1x10240x128xf32, #tpu.memory_space<hbm>> -> memref<10240x128xf32, #tpu.memory_space<hbm>>
      %dma_wait3A_92 = arith.constant 0 : i32
      %dma_wait3A_93 = tpu.memref_slice %dma_wait3A_91[%add3A_55, %dma_wait3A_92] : memref<10240x128xf32, #tpu.memory_space<hbm>> -> memref<128x128xf32, #tpu.memory_space<hbm>>
      tpu.wait_dma2 semaphore(%run_scoped3A : memref<!tpu.dma_semaphore, #tpu.memory_space<semaphore_mem>>) src(%arg8 : memref<128x128xf32, #tpu.memory_space<vmem>>) dst(%dma_wait3A_93 : memref<128x128xf32, #tpu.memory_space<hbm>>)
      tpu.yield
    }) : () -> ()
    %add3A_56 = arith.constant 128 : i32
    %add3A_57 = arith.addi %mul3A_0, %add3A_56 : i32
    "tpu.region"() ({
      %run_scoped3A = tpu.sem_alloc : memref<!tpu.dma_semaphore, #tpu.memory_space<semaphore_mem>>
      %dma_start3A = arith.constant 0 : i32
      %dma_start3A_72 = tpu.memref_slice %arg9[%add3A_57, %dma_start3A] : memref<10240x128xf32, #tpu.memory_space<vmem_shared>> -> memref<128x128xf32, #tpu.memory_space<vmem_shared>>
      %dma_start3A_73 = arith.constant 0 : i32
      %dma_start3A_74 = tpu.memref_slice %arg9[%add3A_57, %dma_start3A_73] : memref<10240x128xf32, #tpu.memory_space<vmem_shared>> -> memref<128x128xf32, #tpu.memory_space<vmem_shared>>
      tpu.enqueue_dma source(%dma_start3A_74 : memref<128x128xf32, #tpu.memory_space<vmem_shared>>) target(%arg8 : memref<128x128xf32, #tpu.memory_space<vmem>>) target_semaphore(%run_scoped3A : memref<!tpu.dma_semaphore, #tpu.memory_space<semaphore_mem>>)
      %dma_wait3A = arith.constant 0 : i32
      %dma_wait3A_75 = tpu.memref_slice %arg9[%add3A_57, %dma_wait3A] : memref<10240x128xf32, #tpu.memory_space<vmem_shared>> -> memref<128x128xf32, #tpu.memory_space<vmem_shared>>
      %dma_wait3A_76 = arith.constant 0 : i32
      %dma_wait3A_77 = tpu.memref_slice %arg9[%add3A_57, %dma_wait3A_76] : memref<10240x128xf32, #tpu.memory_space<vmem_shared>> -> memref<128x128xf32, #tpu.memory_space<vmem_shared>>
      tpu.wait_dma2 semaphore(%run_scoped3A : memref<!tpu.dma_semaphore, #tpu.memory_space<semaphore_mem>>) src(%dma_wait3A_77 : memref<128x128xf32, #tpu.memory_space<vmem_shared>>) dst(%arg8 : memref<128x128xf32, #tpu.memory_space<vmem>>)
      tpu.yield
    }) : () -> ()
    %add3A_58 = arith.constant 128 : i32
    %add3A_59 = arith.addi %mul3A_0, %add3A_58 : i32
    "tpu.region"() ({
      %run_scoped3A = tpu.sem_alloc : memref<!tpu.dma_semaphore, #tpu.memory_space<semaphore_mem>>
      %dma_start3A = arith.constant 0 : i32
      %dma_start3A_72 = arith.constant 0 : i32
      %dma_start3A_73 = tpu.memref_slice %arg5[%arg0, %dma_start3A, %dma_start3A_72] : memref<2x10240x128xf32, #tpu.memory_space<hbm>> -> memref<1x10240x128xf32, #tpu.memory_space<hbm>>
      %dma_start3A_74 = tpu.memref_squeeze %dma_start3A_73 : memref<1x10240x128xf32, #tpu.memory_space<hbm>> -> memref<10240x128xf32, #tpu.memory_space<hbm>>
      %dma_start3A_75 = arith.constant 0 : i32
      %dma_start3A_76 = tpu.memref_slice %dma_start3A_74[%add3A_59, %dma_start3A_75] : memref<10240x128xf32, #tpu.memory_space<hbm>> -> memref<128x128xf32, #tpu.memory_space<hbm>>
      %dma_start3A_77 = arith.constant 0 : i32
      %dma_start3A_78 = arith.constant 0 : i32
      %dma_start3A_79 = tpu.memref_slice %arg5[%arg0, %dma_start3A_77, %dma_start3A_78] : memref<2x10240x128xf32, #tpu.memory_space<hbm>> -> memref<1x10240x128xf32, #tpu.memory_space<hbm>>
      %dma_start3A_80 = tpu.memref_squeeze %dma_start3A_79 : memref<1x10240x128xf32, #tpu.memory_space<hbm>> -> memref<10240x128xf32, #tpu.memory_space<hbm>>
      %dma_start3A_81 = arith.constant 0 : i32
      %dma_start3A_82 = tpu.memref_slice %dma_start3A_80[%add3A_59, %dma_start3A_81] : memref<10240x128xf32, #tpu.memory_space<hbm>> -> memref<128x128xf32, #tpu.memory_space<hbm>>
      tpu.enqueue_dma source(%arg8 : memref<128x128xf32, #tpu.memory_space<vmem>>) target(%dma_start3A_82 : memref<128x128xf32, #tpu.memory_space<hbm>>) target_semaphore(%run_scoped3A : memref<!tpu.dma_semaphore, #tpu.memory_space<semaphore_mem>>)
      %dma_wait3A = arith.constant 0 : i32
      %dma_wait3A_83 = arith.constant 0 : i32
      %dma_wait3A_84 = tpu.memref_slice %arg5[%arg0, %dma_wait3A, %dma_wait3A_83] : memref<2x10240x128xf32, #tpu.memory_space<hbm>> -> memref<1x10240x128xf32, #tpu.memory_space<hbm>>
      %dma_wait3A_85 = tpu.memref_squeeze %dma_wait3A_84 : memref<1x10240x128xf32, #tpu.memory_space<hbm>> -> memref<10240x128xf32, #tpu.memory_space<hbm>>
      %dma_wait3A_86 = arith.constant 0 : i32
      %dma_wait3A_87 = tpu.memref_slice %dma_wait3A_85[%add3A_59, %dma_wait3A_86] : memref<10240x128xf32, #tpu.memory_space<hbm>> -> memref<128x128xf32, #tpu.memory_space<hbm>>
      %dma_wait3A_88 = arith.constant 0 : i32
      %dma_wait3A_89 = arith.constant 0 : i32
      %dma_wait3A_90 = tpu.memref_slice %arg5[%arg0, %dma_wait3A_88, %dma_wait3A_89] : memref<2x10240x128xf32, #tpu.memory_space<hbm>> -> memref<1x10240x128xf32, #tpu.memory_space<hbm>>
      %dma_wait3A_91 = tpu.memref_squeeze %dma_wait3A_90 : memref<1x10240x128xf32, #tpu.memory_space<hbm>> -> memref<10240x128xf32, #tpu.memory_space<hbm>>
      %dma_wait3A_92 = arith.constant 0 : i32
      %dma_wait3A_93 = tpu.memref_slice %dma_wait3A_91[%add3A_59, %dma_wait3A_92] : memref<10240x128xf32, #tpu.memory_space<hbm>> -> memref<128x128xf32, #tpu.memory_space<hbm>>
      tpu.wait_dma2 semaphore(%run_scoped3A : memref<!tpu.dma_semaphore, #tpu.memory_space<semaphore_mem>>) src(%arg8 : memref<128x128xf32, #tpu.memory_space<vmem>>) dst(%dma_wait3A_93 : memref<128x128xf32, #tpu.memory_space<hbm>>)
      tpu.yield
    }) : () -> ()
    %add3A_60 = arith.constant 256 : i32
    %add3A_61 = arith.addi %mul3A_0, %add3A_60 : i32
    "tpu.region"() ({
      %run_scoped3A = tpu.sem_alloc : memref<!tpu.dma_semaphore, #tpu.memory_space<semaphore_mem>>
      %dma_start3A = arith.constant 0 : i32
      %dma_start3A_72 = tpu.memref_slice %arg9[%add3A_61, %dma_start3A] : memref<10240x128xf32, #tpu.memory_space<vmem_shared>> -> memref<128x128xf32, #tpu.memory_space<vmem_shared>>
      %dma_start3A_73 = arith.constant 0 : i32
      %dma_start3A_74 = tpu.memref_slice %arg9[%add3A_61, %dma_start3A_73] : memref<10240x128xf32, #tpu.memory_space<vmem_shared>> -> memref<128x128xf32, #tpu.memory_space<vmem_shared>>
      tpu.enqueue_dma source(%dma_start3A_74 : memref<128x128xf32, #tpu.memory_space<vmem_shared>>) target(%arg8 : memref<128x128xf32, #tpu.memory_space<vmem>>) target_semaphore(%run_scoped3A : memref<!tpu.dma_semaphore, #tpu.memory_space<semaphore_mem>>)
      %dma_wait3A = arith.constant 0 : i32
      %dma_wait3A_75 = tpu.memref_slice %arg9[%add3A_61, %dma_wait3A] : memref<10240x128xf32, #tpu.memory_space<vmem_shared>> -> memref<128x128xf32, #tpu.memory_space<vmem_shared>>
      %dma_wait3A_76 = arith.constant 0 : i32
      %dma_wait3A_77 = tpu.memref_slice %arg9[%add3A_61, %dma_wait3A_76] : memref<10240x128xf32, #tpu.memory_space<vmem_shared>> -> memref<128x128xf32, #tpu.memory_space<vmem_shared>>
      tpu.wait_dma2 semaphore(%run_scoped3A : memref<!tpu.dma_semaphore, #tpu.memory_space<semaphore_mem>>) src(%dma_wait3A_77 : memref<128x128xf32, #tpu.memory_space<vmem_shared>>) dst(%arg8 : memref<128x128xf32, #tpu.memory_space<vmem>>)
      tpu.yield
    }) : () -> ()
    %add3A_62 = arith.constant 256 : i32
    %add3A_63 = arith.addi %mul3A_0, %add3A_62 : i32
    "tpu.region"() ({
      %run_scoped3A = tpu.sem_alloc : memref<!tpu.dma_semaphore, #tpu.memory_space<semaphore_mem>>
      %dma_start3A = arith.constant 0 : i32
      %dma_start3A_72 = arith.constant 0 : i32
      %dma_start3A_73 = tpu.memref_slice %arg5[%arg0, %dma_start3A, %dma_start3A_72] : memref<2x10240x128xf32, #tpu.memory_space<hbm>> -> memref<1x10240x128xf32, #tpu.memory_space<hbm>>
      %dma_start3A_74 = tpu.memref_squeeze %dma_start3A_73 : memref<1x10240x128xf32, #tpu.memory_space<hbm>> -> memref<10240x128xf32, #tpu.memory_space<hbm>>
      %dma_start3A_75 = arith.constant 0 : i32
      %dma_start3A_76 = tpu.memref_slice %dma_start3A_74[%add3A_63, %dma_start3A_75] : memref<10240x128xf32, #tpu.memory_space<hbm>> -> memref<128x128xf32, #tpu.memory_space<hbm>>
      %dma_start3A_77 = arith.constant 0 : i32
      %dma_start3A_78 = arith.constant 0 : i32
      %dma_start3A_79 = tpu.memref_slice %arg5[%arg0, %dma_start3A_77, %dma_start3A_78] : memref<2x10240x128xf32, #tpu.memory_space<hbm>> -> memref<1x10240x128xf32, #tpu.memory_space<hbm>>
      %dma_start3A_80 = tpu.memref_squeeze %dma_start3A_79 : memref<1x10240x128xf32, #tpu.memory_space<hbm>> -> memref<10240x128xf32, #tpu.memory_space<hbm>>
      %dma_start3A_81 = arith.constant 0 : i32
      %dma_start3A_82 = tpu.memref_slice %dma_start3A_80[%add3A_63, %dma_start3A_81] : memref<10240x128xf32, #tpu.memory_space<hbm>> -> memref<128x128xf32, #tpu.memory_space<hbm>>
      tpu.enqueue_dma source(%arg8 : memref<128x128xf32, #tpu.memory_space<vmem>>) target(%dma_start3A_82 : memref<128x128xf32, #tpu.memory_space<hbm>>) target_semaphore(%run_scoped3A : memref<!tpu.dma_semaphore, #tpu.memory_space<semaphore_mem>>)
      %dma_wait3A = arith.constant 0 : i32
      %dma_wait3A_83 = arith.constant 0 : i32
      %dma_wait3A_84 = tpu.memref_slice %arg5[%arg0, %dma_wait3A, %dma_wait3A_83] : memref<2x10240x128xf32, #tpu.memory_space<hbm>> -> memref<1x10240x128xf32, #tpu.memory_space<hbm>>
      %dma_wait3A_85 = tpu.memref_squeeze %dma_wait3A_84 : memref<1x10240x128xf32, #tpu.memory_space<hbm>> -> memref<10240x128xf32, #tpu.memory_space<hbm>>
      %dma_wait3A_86 = arith.constant 0 : i32
      %dma_wait3A_87 = tpu.memref_slice %dma_wait3A_85[%add3A_63, %dma_wait3A_86] : memref<10240x128xf32, #tpu.memory_space<hbm>> -> memref<128x128xf32, #tpu.memory_space<hbm>>
      %dma_wait3A_88 = arith.constant 0 : i32
      %dma_wait3A_89 = arith.constant 0 : i32
      %dma_wait3A_90 = tpu.memref_slice %arg5[%arg0, %dma_wait3A_88, %dma_wait3A_89] : memref<2x10240x128xf32, #tpu.memory_space<hbm>> -> memref<1x10240x128xf32, #tpu.memory_space<hbm>>
      %dma_wait3A_91 = tpu.memref_squeeze %dma_wait3A_90 : memref<1x10240x128xf32, #tpu.memory_space<hbm>> -> memref<10240x128xf32, #tpu.memory_space<hbm>>
      %dma_wait3A_92 = arith.constant 0 : i32
      %dma_wait3A_93 = tpu.memref_slice %dma_wait3A_91[%add3A_63, %dma_wait3A_92] : memref<10240x128xf32, #tpu.memory_space<hbm>> -> memref<128x128xf32, #tpu.memory_space<hbm>>
      tpu.wait_dma2 semaphore(%run_scoped3A : memref<!tpu.dma_semaphore, #tpu.memory_space<semaphore_mem>>) src(%arg8 : memref<128x128xf32, #tpu.memory_space<vmem>>) dst(%dma_wait3A_93 : memref<128x128xf32, #tpu.memory_space<hbm>>)
      tpu.yield
    }) : () -> ()
    %add3A_64 = arith.constant 384 : i32
    %add3A_65 = arith.addi %mul3A_0, %add3A_64 : i32
    "tpu.region"() ({
      %run_scoped3A = tpu.sem_alloc : memref<!tpu.dma_semaphore, #tpu.memory_space<semaphore_mem>>
      %dma_start3A = arith.constant 0 : i32
      %dma_start3A_72 = tpu.memref_slice %arg9[%add3A_65, %dma_start3A] : memref<10240x128xf32, #tpu.memory_space<vmem_shared>> -> memref<128x128xf32, #tpu.memory_space<vmem_shared>>
      %dma_start3A_73 = arith.constant 0 : i32
      %dma_start3A_74 = tpu.memref_slice %arg9[%add3A_65, %dma_start3A_73] : memref<10240x128xf32, #tpu.memory_space<vmem_shared>> -> memref<128x128xf32, #tpu.memory_space<vmem_shared>>
      tpu.enqueue_dma source(%dma_start3A_74 : memref<128x128xf32, #tpu.memory_space<vmem_shared>>) target(%arg8 : memref<128x128xf32, #tpu.memory_space<vmem>>) target_semaphore(%run_scoped3A : memref<!tpu.dma_semaphore, #tpu.memory_space<semaphore_mem>>)
      %dma_wait3A = arith.constant 0 : i32
      %dma_wait3A_75 = tpu.memref_slice %arg9[%add3A_65, %dma_wait3A] : memref<10240x128xf32, #tpu.memory_space<vmem_shared>> -> memref<128x128xf32, #tpu.memory_space<vmem_shared>>
      %dma_wait3A_76 = arith.constant 0 : i32
      %dma_wait3A_77 = tpu.memref_slice %arg9[%add3A_65, %dma_wait3A_76] : memref<10240x128xf32, #tpu.memory_space<vmem_shared>> -> memref<128x128xf32, #tpu.memory_space<vmem_shared>>
      tpu.wait_dma2 semaphore(%run_scoped3A : memref<!tpu.dma_semaphore, #tpu.memory_space<semaphore_mem>>) src(%dma_wait3A_77 : memref<128x128xf32, #tpu.memory_space<vmem_shared>>) dst(%arg8 : memref<128x128xf32, #tpu.memory_space<vmem>>)
      tpu.yield
    }) : () -> ()
    %add3A_66 = arith.constant 384 : i32
    %add3A_67 = arith.addi %mul3A_0, %add3A_66 : i32
    "tpu.region"() ({
      %run_scoped3A = tpu.sem_alloc : memref<!tpu.dma_semaphore, #tpu.memory_space<semaphore_mem>>
      %dma_start3A = arith.constant 0 : i32
      %dma_start3A_72 = arith.constant 0 : i32
      %dma_start3A_73 = tpu.memref_slice %arg5[%arg0, %dma_start3A, %dma_start3A_72] : memref<2x10240x128xf32, #tpu.memory_space<hbm>> -> memref<1x10240x128xf32, #tpu.memory_space<hbm>>
      %dma_start3A_74 = tpu.memref_squeeze %dma_start3A_73 : memref<1x10240x128xf32, #tpu.memory_space<hbm>> -> memref<10240x128xf32, #tpu.memory_space<hbm>>
      %dma_start3A_75 = arith.constant 0 : i32
      %dma_start3A_76 = tpu.memref_slice %dma_start3A_74[%add3A_67, %dma_start3A_75] : memref<10240x128xf32, #tpu.memory_space<hbm>> -> memref<128x128xf32, #tpu.memory_space<hbm>>
      %dma_start3A_77 = arith.constant 0 : i32
      %dma_start3A_78 = arith.constant 0 : i32
      %dma_start3A_79 = tpu.memref_slice %arg5[%arg0, %dma_start3A_77, %dma_start3A_78] : memref<2x10240x128xf32, #tpu.memory_space<hbm>> -> memref<1x10240x128xf32, #tpu.memory_space<hbm>>
      %dma_start3A_80 = tpu.memref_squeeze %dma_start3A_79 : memref<1x10240x128xf32, #tpu.memory_space<hbm>> -> memref<10240x128xf32, #tpu.memory_space<hbm>>
      %dma_start3A_81 = arith.constant 0 : i32
      %dma_start3A_82 = tpu.memref_slice %dma_start3A_80[%add3A_67, %dma_start3A_81] : memref<10240x128xf32, #tpu.memory_space<hbm>> -> memref<128x128xf32, #tpu.memory_space<hbm>>
      tpu.enqueue_dma source(%arg8 : memref<128x128xf32, #tpu.memory_space<vmem>>) target(%dma_start3A_82 : memref<128x128xf32, #tpu.memory_space<hbm>>) target_semaphore(%run_scoped3A : memref<!tpu.dma_semaphore, #tpu.memory_space<semaphore_mem>>)
      %dma_wait3A = arith.constant 0 : i32
      %dma_wait3A_83 = arith.constant 0 : i32
      %dma_wait3A_84 = tpu.memref_slice %arg5[%arg0, %dma_wait3A, %dma_wait3A_83] : memref<2x10240x128xf32, #tpu.memory_space<hbm>> -> memref<1x10240x128xf32, #tpu.memory_space<hbm>>
      %dma_wait3A_85 = tpu.memref_squeeze %dma_wait3A_84 : memref<1x10240x128xf32, #tpu.memory_space<hbm>> -> memref<10240x128xf32, #tpu.memory_space<hbm>>
      %dma_wait3A_86 = arith.constant 0 : i32
      %dma_wait3A_87 = tpu.memref_slice %dma_wait3A_85[%add3A_67, %dma_wait3A_86] : memref<10240x128xf32, #tpu.memory_space<hbm>> -> memref<128x128xf32, #tpu.memory_space<hbm>>
      %dma_wait3A_88 = arith.constant 0 : i32
      %dma_wait3A_89 = arith.constant 0 : i32
      %dma_wait3A_90 = tpu.memref_slice %arg5[%arg0, %dma_wait3A_88, %dma_wait3A_89] : memref<2x10240x128xf32, #tpu.memory_space<hbm>> -> memref<1x10240x128xf32, #tpu.memory_space<hbm>>
      %dma_wait3A_91 = tpu.memref_squeeze %dma_wait3A_90 : memref<1x10240x128xf32, #tpu.memory_space<hbm>> -> memref<10240x128xf32, #tpu.memory_space<hbm>>
      %dma_wait3A_92 = arith.constant 0 : i32
      %dma_wait3A_93 = tpu.memref_slice %dma_wait3A_91[%add3A_67, %dma_wait3A_92] : memref<10240x128xf32, #tpu.memory_space<hbm>> -> memref<128x128xf32, #tpu.memory_space<hbm>>
      tpu.wait_dma2 semaphore(%run_scoped3A : memref<!tpu.dma_semaphore, #tpu.memory_space<semaphore_mem>>) src(%arg8 : memref<128x128xf32, #tpu.memory_space<vmem>>) dst(%dma_wait3A_93 : memref<128x128xf32, #tpu.memory_space<hbm>>)
      tpu.yield
    }) : () -> ()
    %add3A_68 = arith.constant 512 : i32
    %add3A_69 = arith.addi %mul3A_0, %add3A_68 : i32
    "tpu.region"() ({
      %run_scoped3A = tpu.sem_alloc : memref<!tpu.dma_semaphore, #tpu.memory_space<semaphore_mem>>
      %dma_start3A = arith.constant 0 : i32
      %dma_start3A_72 = tpu.memref_slice %arg9[%add3A_69, %dma_start3A] : memref<10240x128xf32, #tpu.memory_space<vmem_shared>> -> memref<128x128xf32, #tpu.memory_space<vmem_shared>>
      %dma_start3A_73 = arith.constant 0 : i32
      %dma_start3A_74 = tpu.memref_slice %arg9[%add3A_69, %dma_start3A_73] : memref<10240x128xf32, #tpu.memory_space<vmem_shared>> -> memref<128x128xf32, #tpu.memory_space<vmem_shared>>
      tpu.enqueue_dma source(%dma_start3A_74 : memref<128x128xf32, #tpu.memory_space<vmem_shared>>) target(%arg8 : memref<128x128xf32, #tpu.memory_space<vmem>>) target_semaphore(%run_scoped3A : memref<!tpu.dma_semaphore, #tpu.memory_space<semaphore_mem>>)
      %dma_wait3A = arith.constant 0 : i32
      %dma_wait3A_75 = tpu.memref_slice %arg9[%add3A_69, %dma_wait3A] : memref<10240x128xf32, #tpu.memory_space<vmem_shared>> -> memref<128x128xf32, #tpu.memory_space<vmem_shared>>
      %dma_wait3A_76 = arith.constant 0 : i32
      %dma_wait3A_77 = tpu.memref_slice %arg9[%add3A_69, %dma_wait3A_76] : memref<10240x128xf32, #tpu.memory_space<vmem_shared>> -> memref<128x128xf32, #tpu.memory_space<vmem_shared>>
      tpu.wait_dma2 semaphore(%run_scoped3A : memref<!tpu.dma_semaphore, #tpu.memory_space<semaphore_mem>>) src(%dma_wait3A_77 : memref<128x128xf32, #tpu.memory_space<vmem_shared>>) dst(%arg8 : memref<128x128xf32, #tpu.memory_space<vmem>>)
      tpu.yield
    }) : () -> ()
    %add3A_70 = arith.constant 512 : i32
    %add3A_71 = arith.addi %mul3A_0, %add3A_70 : i32
    "tpu.region"() ({
      %run_scoped3A = tpu.sem_alloc : memref<!tpu.dma_semaphore, #tpu.memory_space<semaphore_mem>>
      %dma_start3A = arith.constant 0 : i32
      %dma_start3A_72 = arith.constant 0 : i32
      %dma_start3A_73 = tpu.memref_slice %arg5[%arg0, %dma_start3A, %dma_start3A_72] : memref<2x10240x128xf32, #tpu.memory_space<hbm>> -> memref<1x10240x128xf32, #tpu.memory_space<hbm>>
      %dma_start3A_74 = tpu.memref_squeeze %dma_start3A_73 : memref<1x10240x128xf32, #tpu.memory_space<hbm>> -> memref<10240x128xf32, #tpu.memory_space<hbm>>
      %dma_start3A_75 = arith.constant 0 : i32
      %dma_start3A_76 = tpu.memref_slice %dma_start3A_74[%add3A_71, %dma_start3A_75] : memref<10240x128xf32, #tpu.memory_space<hbm>> -> memref<128x128xf32, #tpu.memory_space<hbm>>
      %dma_start3A_77 = arith.constant 0 : i32
      %dma_start3A_78 = arith.constant 0 : i32
      %dma_start3A_79 = tpu.memref_slice %arg5[%arg0, %dma_start3A_77, %dma_start3A_78] : memref<2x10240x128xf32, #tpu.memory_space<hbm>> -> memref<1x10240x128xf32, #tpu.memory_space<hbm>>
      %dma_start3A_80 = tpu.memref_squeeze %dma_start3A_79 : memref<1x10240x128xf32, #tpu.memory_space<hbm>> -> memref<10240x128xf32, #tpu.memory_space<hbm>>
      %dma_start3A_81 = arith.constant 0 : i32
      %dma_start3A_82 = tpu.memref_slice %dma_start3A_80[%add3A_71, %dma_start3A_81] : memref<10240x128xf32, #tpu.memory_space<hbm>> -> memref<128x128xf32, #tpu.memory_space<hbm>>
      tpu.enqueue_dma source(%arg8 : memref<128x128xf32, #tpu.memory_space<vmem>>) target(%dma_start3A_82 : memref<128x128xf32, #tpu.memory_space<hbm>>) target_semaphore(%run_scoped3A : memref<!tpu.dma_semaphore, #tpu.memory_space<semaphore_mem>>)
      %dma_wait3A = arith.constant 0 : i32
      %dma_wait3A_83 = arith.constant 0 : i32
      %dma_wait3A_84 = tpu.memref_slice %arg5[%arg0, %dma_wait3A, %dma_wait3A_83] : memref<2x10240x128xf32, #tpu.memory_space<hbm>> -> memref<1x10240x128xf32, #tpu.memory_space<hbm>>
      %dma_wait3A_85 = tpu.memref_squeeze %dma_wait3A_84 : memref<1x10240x128xf32, #tpu.memory_space<hbm>> -> memref<10240x128xf32, #tpu.memory_space<hbm>>
      %dma_wait3A_86 = arith.constant 0 : i32
      %dma_wait3A_87 = tpu.memref_slice %dma_wait3A_85[%add3A_71, %dma_wait3A_86] : memref<10240x128xf32, #tpu.memory_space<hbm>> -> memref<128x128xf32, #tpu.memory_space<hbm>>
      %dma_wait3A_88 = arith.constant 0 : i32
      %dma_wait3A_89 = arith.constant 0 : i32
      %dma_wait3A_90 = tpu.memref_slice %arg5[%arg0, %dma_wait3A_88, %dma_wait3A_89] : memref<2x10240x128xf32, #tpu.memory_space<hbm>> -> memref<1x10240x128xf32, #tpu.memory_space<hbm>>
      %dma_wait3A_91 = tpu.memref_squeeze %dma_wait3A_90 : memref<1x10240x128xf32, #tpu.memory_space<hbm>> -> memref<10240x128xf32, #tpu.memory_space<hbm>>
      %dma_wait3A_92 = arith.constant 0 : i32
      %dma_wait3A_93 = tpu.memref_slice %dma_wait3A_91[%add3A_71, %dma_wait3A_92] : memref<10240x128xf32, #tpu.memory_space<hbm>> -> memref<128x128xf32, #tpu.memory_space<hbm>>
      tpu.wait_dma2 semaphore(%run_scoped3A : memref<!tpu.dma_semaphore, #tpu.memory_space<semaphore_mem>>) src(%arg8 : memref<128x128xf32, #tpu.memory_space<vmem>>) dst(%dma_wait3A_93 : memref<128x128xf32, #tpu.memory_space<hbm>>)
      tpu.yield
    }) : () -> ()
    return
  }
}

#map = affine_map<(d0, d1) -> (0, 0)>
#map1 = affine_map<(d0, d1) -> (0, 0, 0)>
module attributes {stable_mosaic.version = 14 : i64} {
  func.func @_sc_segsum(%arg0: i32, %arg1: i32, %arg2: memref<20480x128xf32, #tpu.memory_space<hbm>>, %arg3: memref<2x2560x128xi32, #tpu.memory_space<hbm>>, %arg4: memref<2x2560x128xi32, #tpu.memory_space<hbm>>, %arg5: memref<128x128xf32, #tpu.memory_space<hbm>>, %arg6: memref<2x10240x128xf32, #tpu.memory_space<hbm>>, %arg7: memref<32x128xi32, #tpu.memory_space<vmem>>, %arg8: memref<32x128xi32, #tpu.memory_space<vmem>>, %arg9: memref<128x128xf32, #tpu.memory_space<vmem>>, %arg10: memref<128x128xf32, #tpu.memory_space<vmem>>, %arg11: memref<10240x128xf32, #tpu.memory_space<vmem_shared>>, %arg12: memref<!tpu.dma_semaphore, #tpu.memory_space<semaphore_mem>>, %arg13: memref<!tpu.dma_semaphore, #tpu.memory_space<semaphore_mem>>) attributes {dimension_semantics = [#tpu.dimension_semantics<core_parallel>, #tpu.dimension_semantics<subcore_parallel>], iteration_bounds = array<i64: 2, 16>, scalar_prefetch = 0 : i64, scratch_operands = 7 : i64, tpu.core_type = #tpu.core_type<sc_vector_subcore>, window_params = [{transform_indices = #map}, {transform_indices = #map1}, {transform_indices = #map1}, {transform_indices = #map}, {transform_indices = #map1}]} {
    %mul3A = arith.constant 640 : i32
    %mul3A_0 = arith.muli %arg1, %mul3A : i32
    %mul3A_1 = arith.constant 160 : i32
    %mul3A_2 = arith.muli %arg1, %mul3A_1 : i32
    "tpu.region"() ({
      %run_scoped3A_229 = tpu.sem_alloc : memref<!tpu.dma_semaphore, #tpu.memory_space<semaphore_mem>>
      tpu.enqueue_dma source(%arg5 : memref<128x128xf32, #tpu.memory_space<hbm>>) target(%arg9 : memref<128x128xf32, #tpu.memory_space<vmem>>) target_semaphore(%run_scoped3A_229 : memref<!tpu.dma_semaphore, #tpu.memory_space<semaphore_mem>>)
      tpu.wait_dma2 semaphore(%run_scoped3A_229 : memref<!tpu.dma_semaphore, #tpu.memory_space<semaphore_mem>>) src(%arg5 : memref<128x128xf32, #tpu.memory_space<hbm>>) dst(%arg9 : memref<128x128xf32, #tpu.memory_space<vmem>>)
      tpu.yield
    }) : () -> ()
    %add3A = arith.constant 0 : i32
    %add3A_3 = arith.addi %mul3A_0, %add3A : i32
    "tpu.region"() ({
      %run_scoped3A_229 = tpu.sem_alloc : memref<!tpu.dma_semaphore, #tpu.memory_space<semaphore_mem>>
      %dma_start3A_230 = arith.constant 0 : i32
      %dma_start3A_231 = tpu.memref_slice %arg11[%add3A_3, %dma_start3A_230] : memref<10240x128xf32, #tpu.memory_space<vmem_shared>> -> memref<128x128xf32, #tpu.memory_space<vmem_shared>>
      %dma_start3A_232 = arith.constant 0 : i32
      %dma_start3A_233 = tpu.memref_slice %arg11[%add3A_3, %dma_start3A_232] : memref<10240x128xf32, #tpu.memory_space<vmem_shared>> -> memref<128x128xf32, #tpu.memory_space<vmem_shared>>
      tpu.enqueue_dma source(%arg9 : memref<128x128xf32, #tpu.memory_space<vmem>>) target(%dma_start3A_233 : memref<128x128xf32, #tpu.memory_space<vmem_shared>>) target_semaphore(%run_scoped3A_229 : memref<!tpu.dma_semaphore, #tpu.memory_space<semaphore_mem>>)
      %dma_wait3A_234 = arith.constant 0 : i32
      %dma_wait3A_235 = tpu.memref_slice %arg11[%add3A_3, %dma_wait3A_234] : memref<10240x128xf32, #tpu.memory_space<vmem_shared>> -> memref<128x128xf32, #tpu.memory_space<vmem_shared>>
      %dma_wait3A_236 = arith.constant 0 : i32
      %dma_wait3A_237 = tpu.memref_slice %arg11[%add3A_3, %dma_wait3A_236] : memref<10240x128xf32, #tpu.memory_space<vmem_shared>> -> memref<128x128xf32, #tpu.memory_space<vmem_shared>>
      tpu.wait_dma2 semaphore(%run_scoped3A_229 : memref<!tpu.dma_semaphore, #tpu.memory_space<semaphore_mem>>) src(%arg9 : memref<128x128xf32, #tpu.memory_space<vmem>>) dst(%dma_wait3A_237 : memref<128x128xf32, #tpu.memory_space<vmem_shared>>)
      tpu.yield
    }) : () -> ()
    %add3A_4 = arith.constant 128 : i32
    %add3A_5 = arith.addi %mul3A_0, %add3A_4 : i32
    "tpu.region"() ({
      %run_scoped3A_229 = tpu.sem_alloc : memref<!tpu.dma_semaphore, #tpu.memory_space<semaphore_mem>>
      %dma_start3A_230 = arith.constant 0 : i32
      %dma_start3A_231 = tpu.memref_slice %arg11[%add3A_5, %dma_start3A_230] : memref<10240x128xf32, #tpu.memory_space<vmem_shared>> -> memref<128x128xf32, #tpu.memory_space<vmem_shared>>
      %dma_start3A_232 = arith.constant 0 : i32
      %dma_start3A_233 = tpu.memref_slice %arg11[%add3A_5, %dma_start3A_232] : memref<10240x128xf32, #tpu.memory_space<vmem_shared>> -> memref<128x128xf32, #tpu.memory_space<vmem_shared>>
      tpu.enqueue_dma source(%arg9 : memref<128x128xf32, #tpu.memory_space<vmem>>) target(%dma_start3A_233 : memref<128x128xf32, #tpu.memory_space<vmem_shared>>) target_semaphore(%run_scoped3A_229 : memref<!tpu.dma_semaphore, #tpu.memory_space<semaphore_mem>>)
      %dma_wait3A_234 = arith.constant 0 : i32
      %dma_wait3A_235 = tpu.memref_slice %arg11[%add3A_5, %dma_wait3A_234] : memref<10240x128xf32, #tpu.memory_space<vmem_shared>> -> memref<128x128xf32, #tpu.memory_space<vmem_shared>>
      %dma_wait3A_236 = arith.constant 0 : i32
      %dma_wait3A_237 = tpu.memref_slice %arg11[%add3A_5, %dma_wait3A_236] : memref<10240x128xf32, #tpu.memory_space<vmem_shared>> -> memref<128x128xf32, #tpu.memory_space<vmem_shared>>
      tpu.wait_dma2 semaphore(%run_scoped3A_229 : memref<!tpu.dma_semaphore, #tpu.memory_space<semaphore_mem>>) src(%arg9 : memref<128x128xf32, #tpu.memory_space<vmem>>) dst(%dma_wait3A_237 : memref<128x128xf32, #tpu.memory_space<vmem_shared>>)
      tpu.yield
    }) : () -> ()
    %add3A_6 = arith.constant 256 : i32
    %add3A_7 = arith.addi %mul3A_0, %add3A_6 : i32
    "tpu.region"() ({
      %run_scoped3A_229 = tpu.sem_alloc : memref<!tpu.dma_semaphore, #tpu.memory_space<semaphore_mem>>
      %dma_start3A_230 = arith.constant 0 : i32
      %dma_start3A_231 = tpu.memref_slice %arg11[%add3A_7, %dma_start3A_230] : memref<10240x128xf32, #tpu.memory_space<vmem_shared>> -> memref<128x128xf32, #tpu.memory_space<vmem_shared>>
      %dma_start3A_232 = arith.constant 0 : i32
      %dma_start3A_233 = tpu.memref_slice %arg11[%add3A_7, %dma_start3A_232] : memref<10240x128xf32, #tpu.memory_space<vmem_shared>> -> memref<128x128xf32, #tpu.memory_space<vmem_shared>>
      tpu.enqueue_dma source(%arg9 : memref<128x128xf32, #tpu.memory_space<vmem>>) target(%dma_start3A_233 : memref<128x128xf32, #tpu.memory_space<vmem_shared>>) target_semaphore(%run_scoped3A_229 : memref<!tpu.dma_semaphore, #tpu.memory_space<semaphore_mem>>)
      %dma_wait3A_234 = arith.constant 0 : i32
      %dma_wait3A_235 = tpu.memref_slice %arg11[%add3A_7, %dma_wait3A_234] : memref<10240x128xf32, #tpu.memory_space<vmem_shared>> -> memref<128x128xf32, #tpu.memory_space<vmem_shared>>
      %dma_wait3A_236 = arith.constant 0 : i32
      %dma_wait3A_237 = tpu.memref_slice %arg11[%add3A_7, %dma_wait3A_236] : memref<10240x128xf32, #tpu.memory_space<vmem_shared>> -> memref<128x128xf32, #tpu.memory_space<vmem_shared>>
      tpu.wait_dma2 semaphore(%run_scoped3A_229 : memref<!tpu.dma_semaphore, #tpu.memory_space<semaphore_mem>>) src(%arg9 : memref<128x128xf32, #tpu.memory_space<vmem>>) dst(%dma_wait3A_237 : memref<128x128xf32, #tpu.memory_space<vmem_shared>>)
      tpu.yield
    }) : () -> ()
    %add3A_8 = arith.constant 384 : i32
    %add3A_9 = arith.addi %mul3A_0, %add3A_8 : i32
    "tpu.region"() ({
      %run_scoped3A_229 = tpu.sem_alloc : memref<!tpu.dma_semaphore, #tpu.memory_space<semaphore_mem>>
      %dma_start3A_230 = arith.constant 0 : i32
      %dma_start3A_231 = tpu.memref_slice %arg11[%add3A_9, %dma_start3A_230] : memref<10240x128xf32, #tpu.memory_space<vmem_shared>> -> memref<128x128xf32, #tpu.memory_space<vmem_shared>>
      %dma_start3A_232 = arith.constant 0 : i32
      %dma_start3A_233 = tpu.memref_slice %arg11[%add3A_9, %dma_start3A_232] : memref<10240x128xf32, #tpu.memory_space<vmem_shared>> -> memref<128x128xf32, #tpu.memory_space<vmem_shared>>
      tpu.enqueue_dma source(%arg9 : memref<128x128xf32, #tpu.memory_space<vmem>>) target(%dma_start3A_233 : memref<128x128xf32, #tpu.memory_space<vmem_shared>>) target_semaphore(%run_scoped3A_229 : memref<!tpu.dma_semaphore, #tpu.memory_space<semaphore_mem>>)
      %dma_wait3A_234 = arith.constant 0 : i32
      %dma_wait3A_235 = tpu.memref_slice %arg11[%add3A_9, %dma_wait3A_234] : memref<10240x128xf32, #tpu.memory_space<vmem_shared>> -> memref<128x128xf32, #tpu.memory_space<vmem_shared>>
      %dma_wait3A_236 = arith.constant 0 : i32
      %dma_wait3A_237 = tpu.memref_slice %arg11[%add3A_9, %dma_wait3A_236] : memref<10240x128xf32, #tpu.memory_space<vmem_shared>> -> memref<128x128xf32, #tpu.memory_space<vmem_shared>>
      tpu.wait_dma2 semaphore(%run_scoped3A_229 : memref<!tpu.dma_semaphore, #tpu.memory_space<semaphore_mem>>) src(%arg9 : memref<128x128xf32, #tpu.memory_space<vmem>>) dst(%dma_wait3A_237 : memref<128x128xf32, #tpu.memory_space<vmem_shared>>)
      tpu.yield
    }) : () -> ()
    %add3A_10 = arith.constant 512 : i32
    %add3A_11 = arith.addi %mul3A_0, %add3A_10 : i32
    "tpu.region"() ({
      %run_scoped3A_229 = tpu.sem_alloc : memref<!tpu.dma_semaphore, #tpu.memory_space<semaphore_mem>>
      %dma_start3A_230 = arith.constant 0 : i32
      %dma_start3A_231 = tpu.memref_slice %arg11[%add3A_11, %dma_start3A_230] : memref<10240x128xf32, #tpu.memory_space<vmem_shared>> -> memref<128x128xf32, #tpu.memory_space<vmem_shared>>
      %dma_start3A_232 = arith.constant 0 : i32
      %dma_start3A_233 = tpu.memref_slice %arg11[%add3A_11, %dma_start3A_232] : memref<10240x128xf32, #tpu.memory_space<vmem_shared>> -> memref<128x128xf32, #tpu.memory_space<vmem_shared>>
      tpu.enqueue_dma source(%arg9 : memref<128x128xf32, #tpu.memory_space<vmem>>) target(%dma_start3A_233 : memref<128x128xf32, #tpu.memory_space<vmem_shared>>) target_semaphore(%run_scoped3A_229 : memref<!tpu.dma_semaphore, #tpu.memory_space<semaphore_mem>>)
      %dma_wait3A_234 = arith.constant 0 : i32
      %dma_wait3A_235 = tpu.memref_slice %arg11[%add3A_11, %dma_wait3A_234] : memref<10240x128xf32, #tpu.memory_space<vmem_shared>> -> memref<128x128xf32, #tpu.memory_space<vmem_shared>>
      %dma_wait3A_236 = arith.constant 0 : i32
      %dma_wait3A_237 = tpu.memref_slice %arg11[%add3A_11, %dma_wait3A_236] : memref<10240x128xf32, #tpu.memory_space<vmem_shared>> -> memref<128x128xf32, #tpu.memory_space<vmem_shared>>
      tpu.wait_dma2 semaphore(%run_scoped3A_229 : memref<!tpu.dma_semaphore, #tpu.memory_space<semaphore_mem>>) src(%arg9 : memref<128x128xf32, #tpu.memory_space<vmem>>) dst(%dma_wait3A_237 : memref<128x128xf32, #tpu.memory_space<vmem_shared>>)
      tpu.yield
    }) : () -> ()
    %barrier3A = arith.constant 0 : index
    tpu.barrier barrier_id(%barrier3A)
    %add3A_12 = arith.constant 0 : i32
    %add3A_13 = arith.addi %mul3A_2, %add3A_12 : i32
    "tpu.region"() ({
      %run_scoped3A_229 = tpu.sem_alloc : memref<!tpu.dma_semaphore, #tpu.memory_space<semaphore_mem>>
      %dma_start3A_230 = arith.constant 0 : i32
      %dma_start3A_231 = arith.constant 0 : i32
      %dma_start3A_232 = tpu.memref_slice %arg3[%arg0, %dma_start3A_230, %dma_start3A_231] : memref<2x2560x128xi32, #tpu.memory_space<hbm>> -> memref<1x2560x128xi32, #tpu.memory_space<hbm>>
      %dma_start3A_233 = tpu.memref_squeeze %dma_start3A_232 : memref<1x2560x128xi32, #tpu.memory_space<hbm>> -> memref<2560x128xi32, #tpu.memory_space<hbm>>
      %dma_start3A_234 = arith.constant 0 : i32
      %dma_start3A_235 = tpu.memref_slice %dma_start3A_233[%add3A_13, %dma_start3A_234] : memref<2560x128xi32, #tpu.memory_space<hbm>> -> memref<32x128xi32, #tpu.memory_space<hbm>>
      %dma_start3A_236 = arith.constant 0 : i32
      %dma_start3A_237 = arith.constant 0 : i32
      %dma_start3A_238 = tpu.memref_slice %arg3[%arg0, %dma_start3A_236, %dma_start3A_237] : memref<2x2560x128xi32, #tpu.memory_space<hbm>> -> memref<1x2560x128xi32, #tpu.memory_space<hbm>>
      %dma_start3A_239 = tpu.memref_squeeze %dma_start3A_238 : memref<1x2560x128xi32, #tpu.memory_space<hbm>> -> memref<2560x128xi32, #tpu.memory_space<hbm>>
      %dma_start3A_240 = arith.constant 0 : i32
      %dma_start3A_241 = tpu.memref_slice %dma_start3A_239[%add3A_13, %dma_start3A_240] : memref<2560x128xi32, #tpu.memory_space<hbm>> -> memref<32x128xi32, #tpu.memory_space<hbm>>
      tpu.enqueue_dma source(%dma_start3A_241 : memref<32x128xi32, #tpu.memory_space<hbm>>) target(%arg7 : memref<32x128xi32, #tpu.memory_space<vmem>>) target_semaphore(%run_scoped3A_229 : memref<!tpu.dma_semaphore, #tpu.memory_space<semaphore_mem>>)
      %dma_wait3A_242 = arith.constant 0 : i32
      %dma_wait3A_243 = arith.constant 0 : i32
      %dma_wait3A_244 = tpu.memref_slice %arg3[%arg0, %dma_wait3A_242, %dma_wait3A_243] : memref<2x2560x128xi32, #tpu.memory_space<hbm>> -> memref<1x2560x128xi32, #tpu.memory_space<hbm>>
      %dma_wait3A_245 = tpu.memref_squeeze %dma_wait3A_244 : memref<1x2560x128xi32, #tpu.memory_space<hbm>> -> memref<2560x128xi32, #tpu.memory_space<hbm>>
      %dma_wait3A_246 = arith.constant 0 : i32
      %dma_wait3A_247 = tpu.memref_slice %dma_wait3A_245[%add3A_13, %dma_wait3A_246] : memref<2560x128xi32, #tpu.memory_space<hbm>> -> memref<32x128xi32, #tpu.memory_space<hbm>>
      %dma_wait3A_248 = arith.constant 0 : i32
      %dma_wait3A_249 = arith.constant 0 : i32
      %dma_wait3A_250 = tpu.memref_slice %arg3[%arg0, %dma_wait3A_248, %dma_wait3A_249] : memref<2x2560x128xi32, #tpu.memory_space<hbm>> -> memref<1x2560x128xi32, #tpu.memory_space<hbm>>
      %dma_wait3A_251 = tpu.memref_squeeze %dma_wait3A_250 : memref<1x2560x128xi32, #tpu.memory_space<hbm>> -> memref<2560x128xi32, #tpu.memory_space<hbm>>
      %dma_wait3A_252 = arith.constant 0 : i32
      %dma_wait3A_253 = tpu.memref_slice %dma_wait3A_251[%add3A_13, %dma_wait3A_252] : memref<2560x128xi32, #tpu.memory_space<hbm>> -> memref<32x128xi32, #tpu.memory_space<hbm>>
      tpu.wait_dma2 semaphore(%run_scoped3A_229 : memref<!tpu.dma_semaphore, #tpu.memory_space<semaphore_mem>>) src(%dma_wait3A_253 : memref<32x128xi32, #tpu.memory_space<hbm>>) dst(%arg7 : memref<32x128xi32, #tpu.memory_space<vmem>>)
      tpu.yield
    }) : () -> ()
    %add3A_14 = arith.constant 0 : i32
    %add3A_15 = arith.addi %mul3A_2, %add3A_14 : i32
    "tpu.region"() ({
      %run_scoped3A_229 = tpu.sem_alloc : memref<!tpu.dma_semaphore, #tpu.memory_space<semaphore_mem>>
      %dma_start3A_230 = arith.constant 0 : i32
      %dma_start3A_231 = arith.constant 0 : i32
      %dma_start3A_232 = tpu.memref_slice %arg4[%arg0, %dma_start3A_230, %dma_start3A_231] : memref<2x2560x128xi32, #tpu.memory_space<hbm>> -> memref<1x2560x128xi32, #tpu.memory_space<hbm>>
      %dma_start3A_233 = tpu.memref_squeeze %dma_start3A_232 : memref<1x2560x128xi32, #tpu.memory_space<hbm>> -> memref<2560x128xi32, #tpu.memory_space<hbm>>
      %dma_start3A_234 = arith.constant 0 : i32
      %dma_start3A_235 = tpu.memref_slice %dma_start3A_233[%add3A_15, %dma_start3A_234] : memref<2560x128xi32, #tpu.memory_space<hbm>> -> memref<32x128xi32, #tpu.memory_space<hbm>>
      %dma_start3A_236 = arith.constant 0 : i32
      %dma_start3A_237 = arith.constant 0 : i32
      %dma_start3A_238 = tpu.memref_slice %arg4[%arg0, %dma_start3A_236, %dma_start3A_237] : memref<2x2560x128xi32, #tpu.memory_space<hbm>> -> memref<1x2560x128xi32, #tpu.memory_space<hbm>>
      %dma_start3A_239 = tpu.memref_squeeze %dma_start3A_238 : memref<1x2560x128xi32, #tpu.memory_space<hbm>> -> memref<2560x128xi32, #tpu.memory_space<hbm>>
      %dma_start3A_240 = arith.constant 0 : i32
      %dma_start3A_241 = tpu.memref_slice %dma_start3A_239[%add3A_15, %dma_start3A_240] : memref<2560x128xi32, #tpu.memory_space<hbm>> -> memref<32x128xi32, #tpu.memory_space<hbm>>
      tpu.enqueue_dma source(%dma_start3A_241 : memref<32x128xi32, #tpu.memory_space<hbm>>) target(%arg8 : memref<32x128xi32, #tpu.memory_space<vmem>>) target_semaphore(%run_scoped3A_229 : memref<!tpu.dma_semaphore, #tpu.memory_space<semaphore_mem>>)
      %dma_wait3A_242 = arith.constant 0 : i32
      %dma_wait3A_243 = arith.constant 0 : i32
      %dma_wait3A_244 = tpu.memref_slice %arg4[%arg0, %dma_wait3A_242, %dma_wait3A_243] : memref<2x2560x128xi32, #tpu.memory_space<hbm>> -> memref<1x2560x128xi32, #tpu.memory_space<hbm>>
      %dma_wait3A_245 = tpu.memref_squeeze %dma_wait3A_244 : memref<1x2560x128xi32, #tpu.memory_space<hbm>> -> memref<2560x128xi32, #tpu.memory_space<hbm>>
      %dma_wait3A_246 = arith.constant 0 : i32
      %dma_wait3A_247 = tpu.memref_slice %dma_wait3A_245[%add3A_15, %dma_wait3A_246] : memref<2560x128xi32, #tpu.memory_space<hbm>> -> memref<32x128xi32, #tpu.memory_space<hbm>>
      %dma_wait3A_248 = arith.constant 0 : i32
      %dma_wait3A_249 = arith.constant 0 : i32
      %dma_wait3A_250 = tpu.memref_slice %arg4[%arg0, %dma_wait3A_248, %dma_wait3A_249] : memref<2x2560x128xi32, #tpu.memory_space<hbm>> -> memref<1x2560x128xi32, #tpu.memory_space<hbm>>
      %dma_wait3A_251 = tpu.memref_squeeze %dma_wait3A_250 : memref<1x2560x128xi32, #tpu.memory_space<hbm>> -> memref<2560x128xi32, #tpu.memory_space<hbm>>
      %dma_wait3A_252 = arith.constant 0 : i32
      %dma_wait3A_253 = tpu.memref_slice %dma_wait3A_251[%add3A_15, %dma_wait3A_252] : memref<2560x128xi32, #tpu.memory_space<hbm>> -> memref<32x128xi32, #tpu.memory_space<hbm>>
      tpu.wait_dma2 semaphore(%run_scoped3A_229 : memref<!tpu.dma_semaphore, #tpu.memory_space<semaphore_mem>>) src(%dma_wait3A_253 : memref<32x128xi32, #tpu.memory_space<hbm>>) dst(%arg8 : memref<32x128xi32, #tpu.memory_space<vmem>>)
      tpu.yield
    }) : () -> ()
    %dma_start3A = arith.constant 0 : i32
    %dma_start3A_16 = arith.constant 0 : i32
    %dma_start3A_17 = tpu.memref_slice %arg7[%dma_start3A, %dma_start3A_16] : memref<32x128xi32, #tpu.memory_space<vmem>> -> memref<1x128xi32, #tpu.memory_space<vmem>>
    %dma_start3A_18 = tpu.memref_squeeze %dma_start3A_17 : memref<1x128xi32, #tpu.memory_space<vmem>> -> memref<128xi32, #tpu.memory_space<vmem>>
    %dma_start3A_19 = arith.constant 0 : i32
    %dma_start3A_20 = arith.constant 0 : i32
    %dma_start3A_21 = tpu.memref_slice %arg2[%dma_start3A_19, %dma_start3A_20] : memref<20480x128xf32, #tpu.memory_space<hbm>> -> memref<20480x128xf32, #tpu.memory_space<hbm>>
    tpu.enqueue_indirect_dma source(%dma_start3A_21 : memref<20480x128xf32, #tpu.memory_space<hbm>>) target(%arg9 : memref<128x128xf32, #tpu.memory_space<vmem>>) offsets(%dma_start3A_18 : memref<128xi32, #tpu.memory_space<vmem>>) semaphore(%arg12 : memref<!tpu.dma_semaphore, #tpu.memory_space<semaphore_mem>>)
    %scan3A = arith.constant 0 : i32
    %scan3A_22 = arith.constant 0 : i32
    %scan3A_23 = arith.constant 15 : i32
    %scan3A_24 = arith.addi %scan3A_22, %scan3A_23 : i32
    %scan3A_25 = arith.constant 1 : i32
    scf.for %scan3A_229 = %scan3A_22 to %scan3A_24 step %scan3A_25  : i32 {
      %mul3A_230 = arith.constant 2 : i32
      %mul3A_231 = arith.muli %mul3A_230, %scan3A_229 : i32
      %dma_wait3A_232 = arith.constant 0 : i32
      %dma_wait3A_233 = tpu.memref_slice %arg7[%mul3A_231, %dma_wait3A_232] : memref<32x128xi32, #tpu.memory_space<vmem>> -> memref<1x128xi32, #tpu.memory_space<vmem>>
      %dma_wait3A_234 = tpu.memref_squeeze %dma_wait3A_233 : memref<1x128xi32, #tpu.memory_space<vmem>> -> memref<128xi32, #tpu.memory_space<vmem>>
      %dma_wait3A_235 = arith.constant 0 : i32
      %dma_wait3A_236 = arith.constant 0 : i32
      %dma_wait3A_237 = tpu.memref_slice %arg2[%dma_wait3A_235, %dma_wait3A_236] : memref<20480x128xf32, #tpu.memory_space<hbm>> -> memref<20480x128xf32, #tpu.memory_space<hbm>>
      tpu.wait_indirect_dma semaphore(%arg12 : memref<!tpu.dma_semaphore, #tpu.memory_space<semaphore_mem>>) src(%dma_wait3A_237 : memref<20480x128xf32, #tpu.memory_space<hbm>>) dst(%arg9 : memref<128x128xf32, #tpu.memory_space<vmem>>)
      %add3A_238 = arith.constant 1 : i32
      %add3A_239 = arith.addi %mul3A_231, %add3A_238 : i32
      %dma_start3A_240 = arith.constant 0 : i32
      %dma_start3A_241 = tpu.memref_slice %arg7[%add3A_239, %dma_start3A_240] : memref<32x128xi32, #tpu.memory_space<vmem>> -> memref<1x128xi32, #tpu.memory_space<vmem>>
      %dma_start3A_242 = tpu.memref_squeeze %dma_start3A_241 : memref<1x128xi32, #tpu.memory_space<vmem>> -> memref<128xi32, #tpu.memory_space<vmem>>
      %dma_start3A_243 = arith.constant 0 : i32
      %dma_start3A_244 = arith.constant 0 : i32
      %dma_start3A_245 = tpu.memref_slice %arg2[%dma_start3A_243, %dma_start3A_244] : memref<20480x128xf32, #tpu.memory_space<hbm>> -> memref<20480x128xf32, #tpu.memory_space<hbm>>
      tpu.enqueue_indirect_dma source(%dma_start3A_245 : memref<20480x128xf32, #tpu.memory_space<hbm>>) target(%arg10 : memref<128x128xf32, #tpu.memory_space<vmem>>) offsets(%dma_start3A_242 : memref<128xi32, #tpu.memory_space<vmem>>) semaphore(%arg13 : memref<!tpu.dma_semaphore, #tpu.memory_space<semaphore_mem>>)
      "tpu.region"() ({
        %run_scoped3A_264 = tpu.sem_alloc : memref<!tpu.dma_semaphore, #tpu.memory_space<semaphore_mem>>
        %dma_start3A_265 = arith.constant 0 : i32
        %dma_start3A_266 = tpu.memref_slice %arg8[%mul3A_231, %dma_start3A_265] : memref<32x128xi32, #tpu.memory_space<vmem>> -> memref<1x128xi32, #tpu.memory_space<vmem>>
        %dma_start3A_267 = tpu.memref_squeeze %dma_start3A_266 : memref<1x128xi32, #tpu.memory_space<vmem>> -> memref<128xi32, #tpu.memory_space<vmem>>
        %dma_start3A_268 = arith.constant 0 : i32
        %dma_start3A_269 = arith.constant 0 : i32
        %dma_start3A_270 = tpu.memref_slice %arg11[%dma_start3A_268, %dma_start3A_269] : memref<10240x128xf32, #tpu.memory_space<vmem_shared>> -> memref<10240x128xf32, #tpu.memory_space<vmem_shared>>
        tpu.enqueue_indirect_dma source(%arg9 : memref<128x128xf32, #tpu.memory_space<vmem>>) target(%dma_start3A_270 : memref<10240x128xf32, #tpu.memory_space<vmem_shared>>) offsets(%dma_start3A_267 : memref<128xi32, #tpu.memory_space<vmem>>) semaphore(%run_scoped3A_264 : memref<!tpu.dma_semaphore, #tpu.memory_space<semaphore_mem>>) {add = true}
        %dma_wait3A_271 = arith.constant 0 : i32
        %dma_wait3A_272 = tpu.memref_slice %arg8[%mul3A_231, %dma_wait3A_271] : memref<32x128xi32, #tpu.memory_space<vmem>> -> memref<1x128xi32, #tpu.memory_space<vmem>>
        %dma_wait3A_273 = tpu.memref_squeeze %dma_wait3A_272 : memref<1x128xi32, #tpu.memory_space<vmem>> -> memref<128xi32, #tpu.memory_space<vmem>>
        %dma_wait3A_274 = arith.constant 0 : i32
        %dma_wait3A_275 = arith.constant 0 : i32
        %dma_wait3A_276 = tpu.memref_slice %arg11[%dma_wait3A_274, %dma_wait3A_275] : memref<10240x128xf32, #tpu.memory_space<vmem_shared>> -> memref<10240x128xf32, #tpu.memory_space<vmem_shared>>
        tpu.wait_indirect_dma semaphore(%run_scoped3A_264 : memref<!tpu.dma_semaphore, #tpu.memory_space<semaphore_mem>>) src(%arg9 : memref<128x128xf32, #tpu.memory_space<vmem>>) dst(%dma_wait3A_276 : memref<10240x128xf32, #tpu.memory_space<vmem_shared>>)
        tpu.yield
      }) : () -> ()
      %add3A_246 = arith.constant 1 : i32
      %add3A_247 = arith.addi %mul3A_231, %add3A_246 : i32
      %dma_wait3A_248 = arith.constant 0 : i32
      %dma_wait3A_249 = tpu.memref_slice %arg7[%add3A_247, %dma_wait3A_248] : memref<32x128xi32, #tpu.memory_space<vmem>> -> memref<1x128xi32, #tpu.memory_space<vmem>>
      %dma_wait3A_250 = tpu.memref_squeeze %dma_wait3A_249 : memref<1x128xi32, #tpu.memory_space<vmem>> -> memref<128xi32, #tpu.memory_space<vmem>>
      %dma_wait3A_251 = arith.constant 0 : i32
      %dma_wait3A_252 = arith.constant 0 : i32
      %dma_wait3A_253 = tpu.memref_slice %arg2[%dma_wait3A_251, %dma_wait3A_252] : memref<20480x128xf32, #tpu.memory_space<hbm>> -> memref<20480x128xf32, #tpu.memory_space<hbm>>
      tpu.wait_indirect_dma semaphore(%arg13 : memref<!tpu.dma_semaphore, #tpu.memory_space<semaphore_mem>>) src(%dma_wait3A_253 : memref<20480x128xf32, #tpu.memory_space<hbm>>) dst(%arg10 : memref<128x128xf32, #tpu.memory_space<vmem>>)
      %add3A_254 = arith.constant 2 : i32
      %add3A_255 = arith.addi %mul3A_231, %add3A_254 : i32
      %dma_start3A_256 = arith.constant 0 : i32
      %dma_start3A_257 = tpu.memref_slice %arg7[%add3A_255, %dma_start3A_256] : memref<32x128xi32, #tpu.memory_space<vmem>> -> memref<1x128xi32, #tpu.memory_space<vmem>>
      %dma_start3A_258 = tpu.memref_squeeze %dma_start3A_257 : memref<1x128xi32, #tpu.memory_space<vmem>> -> memref<128xi32, #tpu.memory_space<vmem>>
      %dma_start3A_259 = arith.constant 0 : i32
      %dma_start3A_260 = arith.constant 0 : i32
      %dma_start3A_261 = tpu.memref_slice %arg2[%dma_start3A_259, %dma_start3A_260] : memref<20480x128xf32, #tpu.memory_space<hbm>> -> memref<20480x128xf32, #tpu.memory_space<hbm>>
      tpu.enqueue_indirect_dma source(%dma_start3A_261 : memref<20480x128xf32, #tpu.memory_space<hbm>>) target(%arg9 : memref<128x128xf32, #tpu.memory_space<vmem>>) offsets(%dma_start3A_258 : memref<128xi32, #tpu.memory_space<vmem>>) semaphore(%arg12 : memref<!tpu.dma_semaphore, #tpu.memory_space<semaphore_mem>>)
      %add3A_262 = arith.constant 1 : i32
      %add3A_263 = arith.addi %mul3A_231, %add3A_262 : i32
      "tpu.region"() ({
        %run_scoped3A_264 = tpu.sem_alloc : memref<!tpu.dma_semaphore, #tpu.memory_space<semaphore_mem>>
        %dma_start3A_265 = arith.constant 0 : i32
        %dma_start3A_266 = tpu.memref_slice %arg8[%add3A_263, %dma_start3A_265] : memref<32x128xi32, #tpu.memory_space<vmem>> -> memref<1x128xi32, #tpu.memory_space<vmem>>
        %dma_start3A_267 = tpu.memref_squeeze %dma_start3A_266 : memref<1x128xi32, #tpu.memory_space<vmem>> -> memref<128xi32, #tpu.memory_space<vmem>>
        %dma_start3A_268 = arith.constant 0 : i32
        %dma_start3A_269 = arith.constant 0 : i32
        %dma_start3A_270 = tpu.memref_slice %arg11[%dma_start3A_268, %dma_start3A_269] : memref<10240x128xf32, #tpu.memory_space<vmem_shared>> -> memref<10240x128xf32, #tpu.memory_space<vmem_shared>>
        tpu.enqueue_indirect_dma source(%arg10 : memref<128x128xf32, #tpu.memory_space<vmem>>) target(%dma_start3A_270 : memref<10240x128xf32, #tpu.memory_space<vmem_shared>>) offsets(%dma_start3A_267 : memref<128xi32, #tpu.memory_space<vmem>>) semaphore(%run_scoped3A_264 : memref<!tpu.dma_semaphore, #tpu.memory_space<semaphore_mem>>) {add = true}
        %dma_wait3A_271 = arith.constant 0 : i32
        %dma_wait3A_272 = tpu.memref_slice %arg8[%add3A_263, %dma_wait3A_271] : memref<32x128xi32, #tpu.memory_space<vmem>> -> memref<1x128xi32, #tpu.memory_space<vmem>>
        %dma_wait3A_273 = tpu.memref_squeeze %dma_wait3A_272 : memref<1x128xi32, #tpu.memory_space<vmem>> -> memref<128xi32, #tpu.memory_space<vmem>>
        %dma_wait3A_274 = arith.constant 0 : i32
        %dma_wait3A_275 = arith.constant 0 : i32
        %dma_wait3A_276 = tpu.memref_slice %arg11[%dma_wait3A_274, %dma_wait3A_275] : memref<10240x128xf32, #tpu.memory_space<vmem_shared>> -> memref<10240x128xf32, #tpu.memory_space<vmem_shared>>
        tpu.wait_indirect_dma semaphore(%run_scoped3A_264 : memref<!tpu.dma_semaphore, #tpu.memory_space<semaphore_mem>>) src(%arg10 : memref<128x128xf32, #tpu.memory_space<vmem>>) dst(%dma_wait3A_276 : memref<10240x128xf32, #tpu.memory_space<vmem_shared>>)
        tpu.yield
      }) : () -> ()
    }
    %scan3A_26 = arith.constant 15 : i32
    %dma_wait3A = arith.constant 30 : i32
    %dma_wait3A_27 = arith.constant 0 : i32
    %dma_wait3A_28 = tpu.memref_slice %arg7[%dma_wait3A, %dma_wait3A_27] : memref<32x128xi32, #tpu.memory_space<vmem>> -> memref<1x128xi32, #tpu.memory_space<vmem>>
    %dma_wait3A_29 = tpu.memref_squeeze %dma_wait3A_28 : memref<1x128xi32, #tpu.memory_space<vmem>> -> memref<128xi32, #tpu.memory_space<vmem>>
    %dma_wait3A_30 = arith.constant 0 : i32
    %dma_wait3A_31 = arith.constant 0 : i32
    %dma_wait3A_32 = tpu.memref_slice %arg2[%dma_wait3A_30, %dma_wait3A_31] : memref<20480x128xf32, #tpu.memory_space<hbm>> -> memref<20480x128xf32, #tpu.memory_space<hbm>>
    tpu.wait_indirect_dma semaphore(%arg12 : memref<!tpu.dma_semaphore, #tpu.memory_space<semaphore_mem>>) src(%dma_wait3A_32 : memref<20480x128xf32, #tpu.memory_space<hbm>>) dst(%arg9 : memref<128x128xf32, #tpu.memory_space<vmem>>)
    %dma_start3A_33 = arith.constant 31 : i32
    %dma_start3A_34 = arith.constant 0 : i32
    %dma_start3A_35 = tpu.memref_slice %arg7[%dma_start3A_33, %dma_start3A_34] : memref<32x128xi32, #tpu.memory_space<vmem>> -> memref<1x128xi32, #tpu.memory_space<vmem>>
    %dma_start3A_36 = tpu.memref_squeeze %dma_start3A_35 : memref<1x128xi32, #tpu.memory_space<vmem>> -> memref<128xi32, #tpu.memory_space<vmem>>
    %dma_start3A_37 = arith.constant 0 : i32
    %dma_start3A_38 = arith.constant 0 : i32
    %dma_start3A_39 = tpu.memref_slice %arg2[%dma_start3A_37, %dma_start3A_38] : memref<20480x128xf32, #tpu.memory_space<hbm>> -> memref<20480x128xf32, #tpu.memory_space<hbm>>
    tpu.enqueue_indirect_dma source(%dma_start3A_39 : memref<20480x128xf32, #tpu.memory_space<hbm>>) target(%arg10 : memref<128x128xf32, #tpu.memory_space<vmem>>) offsets(%dma_start3A_36 : memref<128xi32, #tpu.memory_space<vmem>>) semaphore(%arg13 : memref<!tpu.dma_semaphore, #tpu.memory_space<semaphore_mem>>)
    %run_scoped3A = arith.constant 30 : i32
    "tpu.region"() ({
      %run_scoped3A_229 = tpu.sem_alloc : memref<!tpu.dma_semaphore, #tpu.memory_space<semaphore_mem>>
      %dma_start3A_230 = arith.constant 0 : i32
      %dma_start3A_231 = tpu.memref_slice %arg8[%run_scoped3A, %dma_start3A_230] : memref<32x128xi32, #tpu.memory_space<vmem>> -> memref<1x128xi32, #tpu.memory_space<vmem>>
      %dma_start3A_232 = tpu.memref_squeeze %dma_start3A_231 : memref<1x128xi32, #tpu.memory_space<vmem>> -> memref<128xi32, #tpu.memory_space<vmem>>
      %dma_start3A_233 = arith.constant 0 : i32
      %dma_start3A_234 = arith.constant 0 : i32
      %dma_start3A_235 = tpu.memref_slice %arg11[%dma_start3A_233, %dma_start3A_234] : memref<10240x128xf32, #tpu.memory_space<vmem_shared>> -> memref<10240x128xf32, #tpu.memory_space<vmem_shared>>
      tpu.enqueue_indirect_dma source(%arg9 : memref<128x128xf32, #tpu.memory_space<vmem>>) target(%dma_start3A_235 : memref<10240x128xf32, #tpu.memory_space<vmem_shared>>) offsets(%dma_start3A_232 : memref<128xi32, #tpu.memory_space<vmem>>) semaphore(%run_scoped3A_229 : memref<!tpu.dma_semaphore, #tpu.memory_space<semaphore_mem>>) {add = true}
      %dma_wait3A_236 = arith.constant 0 : i32
      %dma_wait3A_237 = tpu.memref_slice %arg8[%run_scoped3A, %dma_wait3A_236] : memref<32x128xi32, #tpu.memory_space<vmem>> -> memref<1x128xi32, #tpu.memory_space<vmem>>
      %dma_wait3A_238 = tpu.memref_squeeze %dma_wait3A_237 : memref<1x128xi32, #tpu.memory_space<vmem>> -> memref<128xi32, #tpu.memory_space<vmem>>
      %dma_wait3A_239 = arith.constant 0 : i32
      %dma_wait3A_240 = arith.constant 0 : i32
      %dma_wait3A_241 = tpu.memref_slice %arg11[%dma_wait3A_239, %dma_wait3A_240] : memref<10240x128xf32, #tpu.memory_space<vmem_shared>> -> memref<10240x128xf32, #tpu.memory_space<vmem_shared>>
      tpu.wait_indirect_dma semaphore(%run_scoped3A_229 : memref<!tpu.dma_semaphore, #tpu.memory_space<semaphore_mem>>) src(%arg9 : memref<128x128xf32, #tpu.memory_space<vmem>>) dst(%dma_wait3A_241 : memref<10240x128xf32, #tpu.memory_space<vmem_shared>>)
      tpu.yield
    }) : () -> ()
    %dma_wait3A_40 = arith.constant 31 : i32
    %dma_wait3A_41 = arith.constant 0 : i32
    %dma_wait3A_42 = tpu.memref_slice %arg7[%dma_wait3A_40, %dma_wait3A_41] : memref<32x128xi32, #tpu.memory_space<vmem>> -> memref<1x128xi32, #tpu.memory_space<vmem>>
    %dma_wait3A_43 = tpu.memref_squeeze %dma_wait3A_42 : memref<1x128xi32, #tpu.memory_space<vmem>> -> memref<128xi32, #tpu.memory_space<vmem>>
    %dma_wait3A_44 = arith.constant 0 : i32
    %dma_wait3A_45 = arith.constant 0 : i32
    %dma_wait3A_46 = tpu.memref_slice %arg2[%dma_wait3A_44, %dma_wait3A_45] : memref<20480x128xf32, #tpu.memory_space<hbm>> -> memref<20480x128xf32, #tpu.memory_space<hbm>>
    tpu.wait_indirect_dma semaphore(%arg13 : memref<!tpu.dma_semaphore, #tpu.memory_space<semaphore_mem>>) src(%dma_wait3A_46 : memref<20480x128xf32, #tpu.memory_space<hbm>>) dst(%arg10 : memref<128x128xf32, #tpu.memory_space<vmem>>)
    %run_scoped3A_47 = arith.constant 31 : i32
    "tpu.region"() ({
      %run_scoped3A_229 = tpu.sem_alloc : memref<!tpu.dma_semaphore, #tpu.memory_space<semaphore_mem>>
      %dma_start3A_230 = arith.constant 0 : i32
      %dma_start3A_231 = tpu.memref_slice %arg8[%run_scoped3A_47, %dma_start3A_230] : memref<32x128xi32, #tpu.memory_space<vmem>> -> memref<1x128xi32, #tpu.memory_space<vmem>>
      %dma_start3A_232 = tpu.memref_squeeze %dma_start3A_231 : memref<1x128xi32, #tpu.memory_space<vmem>> -> memref<128xi32, #tpu.memory_space<vmem>>
      %dma_start3A_233 = arith.constant 0 : i32
      %dma_start3A_234 = arith.constant 0 : i32
      %dma_start3A_235 = tpu.memref_slice %arg11[%dma_start3A_233, %dma_start3A_234] : memref<10240x128xf32, #tpu.memory_space<vmem_shared>> -> memref<10240x128xf32, #tpu.memory_space<vmem_shared>>
      tpu.enqueue_indirect_dma source(%arg10 : memref<128x128xf32, #tpu.memory_space<vmem>>) target(%dma_start3A_235 : memref<10240x128xf32, #tpu.memory_space<vmem_shared>>) offsets(%dma_start3A_232 : memref<128xi32, #tpu.memory_space<vmem>>) semaphore(%run_scoped3A_229 : memref<!tpu.dma_semaphore, #tpu.memory_space<semaphore_mem>>) {add = true}
      %dma_wait3A_236 = arith.constant 0 : i32
      %dma_wait3A_237 = tpu.memref_slice %arg8[%run_scoped3A_47, %dma_wait3A_236] : memref<32x128xi32, #tpu.memory_space<vmem>> -> memref<1x128xi32, #tpu.memory_space<vmem>>
      %dma_wait3A_238 = tpu.memref_squeeze %dma_wait3A_237 : memref<1x128xi32, #tpu.memory_space<vmem>> -> memref<128xi32, #tpu.memory_space<vmem>>
      %dma_wait3A_239 = arith.constant 0 : i32
      %dma_wait3A_240 = arith.constant 0 : i32
      %dma_wait3A_241 = tpu.memref_slice %arg11[%dma_wait3A_239, %dma_wait3A_240] : memref<10240x128xf32, #tpu.memory_space<vmem_shared>> -> memref<10240x128xf32, #tpu.memory_space<vmem_shared>>
      tpu.wait_indirect_dma semaphore(%run_scoped3A_229 : memref<!tpu.dma_semaphore, #tpu.memory_space<semaphore_mem>>) src(%arg10 : memref<128x128xf32, #tpu.memory_space<vmem>>) dst(%dma_wait3A_241 : memref<10240x128xf32, #tpu.memory_space<vmem_shared>>)
      tpu.yield
    }) : () -> ()
    %add3A_48 = arith.constant 32 : i32
    %add3A_49 = arith.addi %mul3A_2, %add3A_48 : i32
    "tpu.region"() ({
      %run_scoped3A_229 = tpu.sem_alloc : memref<!tpu.dma_semaphore, #tpu.memory_space<semaphore_mem>>
      %dma_start3A_230 = arith.constant 0 : i32
      %dma_start3A_231 = arith.constant 0 : i32
      %dma_start3A_232 = tpu.memref_slice %arg3[%arg0, %dma_start3A_230, %dma_start3A_231] : memref<2x2560x128xi32, #tpu.memory_space<hbm>> -> memref<1x2560x128xi32, #tpu.memory_space<hbm>>
      %dma_start3A_233 = tpu.memref_squeeze %dma_start3A_232 : memref<1x2560x128xi32, #tpu.memory_space<hbm>> -> memref<2560x128xi32, #tpu.memory_space<hbm>>
      %dma_start3A_234 = arith.constant 0 : i32
      %dma_start3A_235 = tpu.memref_slice %dma_start3A_233[%add3A_49, %dma_start3A_234] : memref<2560x128xi32, #tpu.memory_space<hbm>> -> memref<32x128xi32, #tpu.memory_space<hbm>>
      %dma_start3A_236 = arith.constant 0 : i32
      %dma_start3A_237 = arith.constant 0 : i32
      %dma_start3A_238 = tpu.memref_slice %arg3[%arg0, %dma_start3A_236, %dma_start3A_237] : memref<2x2560x128xi32, #tpu.memory_space<hbm>> -> memref<1x2560x128xi32, #tpu.memory_space<hbm>>
      %dma_start3A_239 = tpu.memref_squeeze %dma_start3A_238 : memref<1x2560x128xi32, #tpu.memory_space<hbm>> -> memref<2560x128xi32, #tpu.memory_space<hbm>>
      %dma_start3A_240 = arith.constant 0 : i32
      %dma_start3A_241 = tpu.memref_slice %dma_start3A_239[%add3A_49, %dma_start3A_240] : memref<2560x128xi32, #tpu.memory_space<hbm>> -> memref<32x128xi32, #tpu.memory_space<hbm>>
      tpu.enqueue_dma source(%dma_start3A_241 : memref<32x128xi32, #tpu.memory_space<hbm>>) target(%arg7 : memref<32x128xi32, #tpu.memory_space<vmem>>) target_semaphore(%run_scoped3A_229 : memref<!tpu.dma_semaphore, #tpu.memory_space<semaphore_mem>>)
      %dma_wait3A_242 = arith.constant 0 : i32
      %dma_wait3A_243 = arith.constant 0 : i32
      %dma_wait3A_244 = tpu.memref_slice %arg3[%arg0, %dma_wait3A_242, %dma_wait3A_243] : memref<2x2560x128xi32, #tpu.memory_space<hbm>> -> memref<1x2560x128xi32, #tpu.memory_space<hbm>>
      %dma_wait3A_245 = tpu.memref_squeeze %dma_wait3A_244 : memref<1x2560x128xi32, #tpu.memory_space<hbm>> -> memref<2560x128xi32, #tpu.memory_space<hbm>>
      %dma_wait3A_246 = arith.constant 0 : i32
      %dma_wait3A_247 = tpu.memref_slice %dma_wait3A_245[%add3A_49, %dma_wait3A_246] : memref<2560x128xi32, #tpu.memory_space<hbm>> -> memref<32x128xi32, #tpu.memory_space<hbm>>
      %dma_wait3A_248 = arith.constant 0 : i32
      %dma_wait3A_249 = arith.constant 0 : i32
      %dma_wait3A_250 = tpu.memref_slice %arg3[%arg0, %dma_wait3A_248, %dma_wait3A_249] : memref<2x2560x128xi32, #tpu.memory_space<hbm>> -> memref<1x2560x128xi32, #tpu.memory_space<hbm>>
      %dma_wait3A_251 = tpu.memref_squeeze %dma_wait3A_250 : memref<1x2560x128xi32, #tpu.memory_space<hbm>> -> memref<2560x128xi32, #tpu.memory_space<hbm>>
      %dma_wait3A_252 = arith.constant 0 : i32
      %dma_wait3A_253 = tpu.memref_slice %dma_wait3A_251[%add3A_49, %dma_wait3A_252] : memref<2560x128xi32, #tpu.memory_space<hbm>> -> memref<32x128xi32, #tpu.memory_space<hbm>>
      tpu.wait_dma2 semaphore(%run_scoped3A_229 : memref<!tpu.dma_semaphore, #tpu.memory_space<semaphore_mem>>) src(%dma_wait3A_253 : memref<32x128xi32, #tpu.memory_space<hbm>>) dst(%arg7 : memref<32x128xi32, #tpu.memory_space<vmem>>)
      tpu.yield
    }) : () -> ()
    %add3A_50 = arith.constant 32 : i32
    %add3A_51 = arith.addi %mul3A_2, %add3A_50 : i32
    "tpu.region"() ({
      %run_scoped3A_229 = tpu.sem_alloc : memref<!tpu.dma_semaphore, #tpu.memory_space<semaphore_mem>>
      %dma_start3A_230 = arith.constant 0 : i32
      %dma_start3A_231 = arith.constant 0 : i32
      %dma_start3A_232 = tpu.memref_slice %arg4[%arg0, %dma_start3A_230, %dma_start3A_231] : memref<2x2560x128xi32, #tpu.memory_space<hbm>> -> memref<1x2560x128xi32, #tpu.memory_space<hbm>>
      %dma_start3A_233 = tpu.memref_squeeze %dma_start3A_232 : memref<1x2560x128xi32, #tpu.memory_space<hbm>> -> memref<2560x128xi32, #tpu.memory_space<hbm>>
      %dma_start3A_234 = arith.constant 0 : i32
      %dma_start3A_235 = tpu.memref_slice %dma_start3A_233[%add3A_51, %dma_start3A_234] : memref<2560x128xi32, #tpu.memory_space<hbm>> -> memref<32x128xi32, #tpu.memory_space<hbm>>
      %dma_start3A_236 = arith.constant 0 : i32
      %dma_start3A_237 = arith.constant 0 : i32
      %dma_start3A_238 = tpu.memref_slice %arg4[%arg0, %dma_start3A_236, %dma_start3A_237] : memref<2x2560x128xi32, #tpu.memory_space<hbm>> -> memref<1x2560x128xi32, #tpu.memory_space<hbm>>
      %dma_start3A_239 = tpu.memref_squeeze %dma_start3A_238 : memref<1x2560x128xi32, #tpu.memory_space<hbm>> -> memref<2560x128xi32, #tpu.memory_space<hbm>>
      %dma_start3A_240 = arith.constant 0 : i32
      %dma_start3A_241 = tpu.memref_slice %dma_start3A_239[%add3A_51, %dma_start3A_240] : memref<2560x128xi32, #tpu.memory_space<hbm>> -> memref<32x128xi32, #tpu.memory_space<hbm>>
      tpu.enqueue_dma source(%dma_start3A_241 : memref<32x128xi32, #tpu.memory_space<hbm>>) target(%arg8 : memref<32x128xi32, #tpu.memory_space<vmem>>) target_semaphore(%run_scoped3A_229 : memref<!tpu.dma_semaphore, #tpu.memory_space<semaphore_mem>>)
      %dma_wait3A_242 = arith.constant 0 : i32
      %dma_wait3A_243 = arith.constant 0 : i32
      %dma_wait3A_244 = tpu.memref_slice %arg4[%arg0, %dma_wait3A_242, %dma_wait3A_243] : memref<2x2560x128xi32, #tpu.memory_space<hbm>> -> memref<1x2560x128xi32, #tpu.memory_space<hbm>>
      %dma_wait3A_245 = tpu.memref_squeeze %dma_wait3A_244 : memref<1x2560x128xi32, #tpu.memory_space<hbm>> -> memref<2560x128xi32, #tpu.memory_space<hbm>>
      %dma_wait3A_246 = arith.constant 0 : i32
      %dma_wait3A_247 = tpu.memref_slice %dma_wait3A_245[%add3A_51, %dma_wait3A_246] : memref<2560x128xi32, #tpu.memory_space<hbm>> -> memref<32x128xi32, #tpu.memory_space<hbm>>
      %dma_wait3A_248 = arith.constant 0 : i32
      %dma_wait3A_249 = arith.constant 0 : i32
      %dma_wait3A_250 = tpu.memref_slice %arg4[%arg0, %dma_wait3A_248, %dma_wait3A_249] : memref<2x2560x128xi32, #tpu.memory_space<hbm>> -> memref<1x2560x128xi32, #tpu.memory_space<hbm>>
      %dma_wait3A_251 = tpu.memref_squeeze %dma_wait3A_250 : memref<1x2560x128xi32, #tpu.memory_space<hbm>> -> memref<2560x128xi32, #tpu.memory_space<hbm>>
      %dma_wait3A_252 = arith.constant 0 : i32
      %dma_wait3A_253 = tpu.memref_slice %dma_wait3A_251[%add3A_51, %dma_wait3A_252] : memref<2560x128xi32, #tpu.memory_space<hbm>> -> memref<32x128xi32, #tpu.memory_space<hbm>>
      tpu.wait_dma2 semaphore(%run_scoped3A_229 : memref<!tpu.dma_semaphore, #tpu.memory_space<semaphore_mem>>) src(%dma_wait3A_253 : memref<32x128xi32, #tpu.memory_space<hbm>>) dst(%arg8 : memref<32x128xi32, #tpu.memory_space<vmem>>)
      tpu.yield
    }) : () -> ()
    %dma_start3A_52 = arith.constant 0 : i32
    %dma_start3A_53 = arith.constant 0 : i32
    %dma_start3A_54 = tpu.memref_slice %arg7[%dma_start3A_52, %dma_start3A_53] : memref<32x128xi32, #tpu.memory_space<vmem>> -> memref<1x128xi32, #tpu.memory_space<vmem>>
    %dma_start3A_55 = tpu.memref_squeeze %dma_start3A_54 : memref<1x128xi32, #tpu.memory_space<vmem>> -> memref<128xi32, #tpu.memory_space<vmem>>
    %dma_start3A_56 = arith.constant 0 : i32
    %dma_start3A_57 = arith.constant 0 : i32
    %dma_start3A_58 = tpu.memref_slice %arg2[%dma_start3A_56, %dma_start3A_57] : memref<20480x128xf32, #tpu.memory_space<hbm>> -> memref<20480x128xf32, #tpu.memory_space<hbm>>
    tpu.enqueue_indirect_dma source(%dma_start3A_58 : memref<20480x128xf32, #tpu.memory_space<hbm>>) target(%arg9 : memref<128x128xf32, #tpu.memory_space<vmem>>) offsets(%dma_start3A_55 : memref<128xi32, #tpu.memory_space<vmem>>) semaphore(%arg12 : memref<!tpu.dma_semaphore, #tpu.memory_space<semaphore_mem>>)
    %scan3A_59 = arith.constant 0 : i32
    %scan3A_60 = arith.constant 0 : i32
    %scan3A_61 = arith.constant 15 : i32
    %scan3A_62 = arith.addi %scan3A_60, %scan3A_61 : i32
    %scan3A_63 = arith.constant 1 : i32
    scf.for %scan3A_229 = %scan3A_60 to %scan3A_62 step %scan3A_63  : i32 {
      %mul3A_230 = arith.constant 2 : i32
      %mul3A_231 = arith.muli %mul3A_230, %scan3A_229 : i32
      %dma_wait3A_232 = arith.constant 0 : i32
      %dma_wait3A_233 = tpu.memref_slice %arg7[%mul3A_231, %dma_wait3A_232] : memref<32x128xi32, #tpu.memory_space<vmem>> -> memref<1x128xi32, #tpu.memory_space<vmem>>
      %dma_wait3A_234 = tpu.memref_squeeze %dma_wait3A_233 : memref<1x128xi32, #tpu.memory_space<vmem>> -> memref<128xi32, #tpu.memory_space<vmem>>
      %dma_wait3A_235 = arith.constant 0 : i32
      %dma_wait3A_236 = arith.constant 0 : i32
      %dma_wait3A_237 = tpu.memref_slice %arg2[%dma_wait3A_235, %dma_wait3A_236] : memref<20480x128xf32, #tpu.memory_space<hbm>> -> memref<20480x128xf32, #tpu.memory_space<hbm>>
      tpu.wait_indirect_dma semaphore(%arg12 : memref<!tpu.dma_semaphore, #tpu.memory_space<semaphore_mem>>) src(%dma_wait3A_237 : memref<20480x128xf32, #tpu.memory_space<hbm>>) dst(%arg9 : memref<128x128xf32, #tpu.memory_space<vmem>>)
      %add3A_238 = arith.constant 1 : i32
      %add3A_239 = arith.addi %mul3A_231, %add3A_238 : i32
      %dma_start3A_240 = arith.constant 0 : i32
      %dma_start3A_241 = tpu.memref_slice %arg7[%add3A_239, %dma_start3A_240] : memref<32x128xi32, #tpu.memory_space<vmem>> -> memref<1x128xi32, #tpu.memory_space<vmem>>
      %dma_start3A_242 = tpu.memref_squeeze %dma_start3A_241 : memref<1x128xi32, #tpu.memory_space<vmem>> -> memref<128xi32, #tpu.memory_space<vmem>>
      %dma_start3A_243 = arith.constant 0 : i32
      %dma_start3A_244 = arith.constant 0 : i32
      %dma_start3A_245 = tpu.memref_slice %arg2[%dma_start3A_243, %dma_start3A_244] : memref<20480x128xf32, #tpu.memory_space<hbm>> -> memref<20480x128xf32, #tpu.memory_space<hbm>>
      tpu.enqueue_indirect_dma source(%dma_start3A_245 : memref<20480x128xf32, #tpu.memory_space<hbm>>) target(%arg10 : memref<128x128xf32, #tpu.memory_space<vmem>>) offsets(%dma_start3A_242 : memref<128xi32, #tpu.memory_space<vmem>>) semaphore(%arg13 : memref<!tpu.dma_semaphore, #tpu.memory_space<semaphore_mem>>)
      "tpu.region"() ({
        %run_scoped3A_264 = tpu.sem_alloc : memref<!tpu.dma_semaphore, #tpu.memory_space<semaphore_mem>>
        %dma_start3A_265 = arith.constant 0 : i32
        %dma_start3A_266 = tpu.memref_slice %arg8[%mul3A_231, %dma_start3A_265] : memref<32x128xi32, #tpu.memory_space<vmem>> -> memref<1x128xi32, #tpu.memory_space<vmem>>
        %dma_start3A_267 = tpu.memref_squeeze %dma_start3A_266 : memref<1x128xi32, #tpu.memory_space<vmem>> -> memref<128xi32, #tpu.memory_space<vmem>>
        %dma_start3A_268 = arith.constant 0 : i32
        %dma_start3A_269 = arith.constant 0 : i32
        %dma_start3A_270 = tpu.memref_slice %arg11[%dma_start3A_268, %dma_start3A_269] : memref<10240x128xf32, #tpu.memory_space<vmem_shared>> -> memref<10240x128xf32, #tpu.memory_space<vmem_shared>>
        tpu.enqueue_indirect_dma source(%arg9 : memref<128x128xf32, #tpu.memory_space<vmem>>) target(%dma_start3A_270 : memref<10240x128xf32, #tpu.memory_space<vmem_shared>>) offsets(%dma_start3A_267 : memref<128xi32, #tpu.memory_space<vmem>>) semaphore(%run_scoped3A_264 : memref<!tpu.dma_semaphore, #tpu.memory_space<semaphore_mem>>) {add = true}
        %dma_wait3A_271 = arith.constant 0 : i32
        %dma_wait3A_272 = tpu.memref_slice %arg8[%mul3A_231, %dma_wait3A_271] : memref<32x128xi32, #tpu.memory_space<vmem>> -> memref<1x128xi32, #tpu.memory_space<vmem>>
        %dma_wait3A_273 = tpu.memref_squeeze %dma_wait3A_272 : memref<1x128xi32, #tpu.memory_space<vmem>> -> memref<128xi32, #tpu.memory_space<vmem>>
        %dma_wait3A_274 = arith.constant 0 : i32
        %dma_wait3A_275 = arith.constant 0 : i32
        %dma_wait3A_276 = tpu.memref_slice %arg11[%dma_wait3A_274, %dma_wait3A_275] : memref<10240x128xf32, #tpu.memory_space<vmem_shared>> -> memref<10240x128xf32, #tpu.memory_space<vmem_shared>>
        tpu.wait_indirect_dma semaphore(%run_scoped3A_264 : memref<!tpu.dma_semaphore, #tpu.memory_space<semaphore_mem>>) src(%arg9 : memref<128x128xf32, #tpu.memory_space<vmem>>) dst(%dma_wait3A_276 : memref<10240x128xf32, #tpu.memory_space<vmem_shared>>)
        tpu.yield
      }) : () -> ()
      %add3A_246 = arith.constant 1 : i32
      %add3A_247 = arith.addi %mul3A_231, %add3A_246 : i32
      %dma_wait3A_248 = arith.constant 0 : i32
      %dma_wait3A_249 = tpu.memref_slice %arg7[%add3A_247, %dma_wait3A_248] : memref<32x128xi32, #tpu.memory_space<vmem>> -> memref<1x128xi32, #tpu.memory_space<vmem>>
      %dma_wait3A_250 = tpu.memref_squeeze %dma_wait3A_249 : memref<1x128xi32, #tpu.memory_space<vmem>> -> memref<128xi32, #tpu.memory_space<vmem>>
      %dma_wait3A_251 = arith.constant 0 : i32
      %dma_wait3A_252 = arith.constant 0 : i32
      %dma_wait3A_253 = tpu.memref_slice %arg2[%dma_wait3A_251, %dma_wait3A_252] : memref<20480x128xf32, #tpu.memory_space<hbm>> -> memref<20480x128xf32, #tpu.memory_space<hbm>>
      tpu.wait_indirect_dma semaphore(%arg13 : memref<!tpu.dma_semaphore, #tpu.memory_space<semaphore_mem>>) src(%dma_wait3A_253 : memref<20480x128xf32, #tpu.memory_space<hbm>>) dst(%arg10 : memref<128x128xf32, #tpu.memory_space<vmem>>)
      %add3A_254 = arith.constant 2 : i32
      %add3A_255 = arith.addi %mul3A_231, %add3A_254 : i32
      %dma_start3A_256 = arith.constant 0 : i32
      %dma_start3A_257 = tpu.memref_slice %arg7[%add3A_255, %dma_start3A_256] : memref<32x128xi32, #tpu.memory_space<vmem>> -> memref<1x128xi32, #tpu.memory_space<vmem>>
      %dma_start3A_258 = tpu.memref_squeeze %dma_start3A_257 : memref<1x128xi32, #tpu.memory_space<vmem>> -> memref<128xi32, #tpu.memory_space<vmem>>
      %dma_start3A_259 = arith.constant 0 : i32
      %dma_start3A_260 = arith.constant 0 : i32
      %dma_start3A_261 = tpu.memref_slice %arg2[%dma_start3A_259, %dma_start3A_260] : memref<20480x128xf32, #tpu.memory_space<hbm>> -> memref<20480x128xf32, #tpu.memory_space<hbm>>
      tpu.enqueue_indirect_dma source(%dma_start3A_261 : memref<20480x128xf32, #tpu.memory_space<hbm>>) target(%arg9 : memref<128x128xf32, #tpu.memory_space<vmem>>) offsets(%dma_start3A_258 : memref<128xi32, #tpu.memory_space<vmem>>) semaphore(%arg12 : memref<!tpu.dma_semaphore, #tpu.memory_space<semaphore_mem>>)
      %add3A_262 = arith.constant 1 : i32
      %add3A_263 = arith.addi %mul3A_231, %add3A_262 : i32
      "tpu.region"() ({
        %run_scoped3A_264 = tpu.sem_alloc : memref<!tpu.dma_semaphore, #tpu.memory_space<semaphore_mem>>
        %dma_start3A_265 = arith.constant 0 : i32
        %dma_start3A_266 = tpu.memref_slice %arg8[%add3A_263, %dma_start3A_265] : memref<32x128xi32, #tpu.memory_space<vmem>> -> memref<1x128xi32, #tpu.memory_space<vmem>>
        %dma_start3A_267 = tpu.memref_squeeze %dma_start3A_266 : memref<1x128xi32, #tpu.memory_space<vmem>> -> memref<128xi32, #tpu.memory_space<vmem>>
        %dma_start3A_268 = arith.constant 0 : i32
        %dma_start3A_269 = arith.constant 0 : i32
        %dma_start3A_270 = tpu.memref_slice %arg11[%dma_start3A_268, %dma_start3A_269] : memref<10240x128xf32, #tpu.memory_space<vmem_shared>> -> memref<10240x128xf32, #tpu.memory_space<vmem_shared>>
        tpu.enqueue_indirect_dma source(%arg10 : memref<128x128xf32, #tpu.memory_space<vmem>>) target(%dma_start3A_270 : memref<10240x128xf32, #tpu.memory_space<vmem_shared>>) offsets(%dma_start3A_267 : memref<128xi32, #tpu.memory_space<vmem>>) semaphore(%run_scoped3A_264 : memref<!tpu.dma_semaphore, #tpu.memory_space<semaphore_mem>>) {add = true}
        %dma_wait3A_271 = arith.constant 0 : i32
        %dma_wait3A_272 = tpu.memref_slice %arg8[%add3A_263, %dma_wait3A_271] : memref<32x128xi32, #tpu.memory_space<vmem>> -> memref<1x128xi32, #tpu.memory_space<vmem>>
        %dma_wait3A_273 = tpu.memref_squeeze %dma_wait3A_272 : memref<1x128xi32, #tpu.memory_space<vmem>> -> memref<128xi32, #tpu.memory_space<vmem>>
        %dma_wait3A_274 = arith.constant 0 : i32
        %dma_wait3A_275 = arith.constant 0 : i32
        %dma_wait3A_276 = tpu.memref_slice %arg11[%dma_wait3A_274, %dma_wait3A_275] : memref<10240x128xf32, #tpu.memory_space<vmem_shared>> -> memref<10240x128xf32, #tpu.memory_space<vmem_shared>>
        tpu.wait_indirect_dma semaphore(%run_scoped3A_264 : memref<!tpu.dma_semaphore, #tpu.memory_space<semaphore_mem>>) src(%arg10 : memref<128x128xf32, #tpu.memory_space<vmem>>) dst(%dma_wait3A_276 : memref<10240x128xf32, #tpu.memory_space<vmem_shared>>)
        tpu.yield
      }) : () -> ()
    }
    %scan3A_64 = arith.constant 15 : i32
    %dma_wait3A_65 = arith.constant 30 : i32
    %dma_wait3A_66 = arith.constant 0 : i32
    %dma_wait3A_67 = tpu.memref_slice %arg7[%dma_wait3A_65, %dma_wait3A_66] : memref<32x128xi32, #tpu.memory_space<vmem>> -> memref<1x128xi32, #tpu.memory_space<vmem>>
    %dma_wait3A_68 = tpu.memref_squeeze %dma_wait3A_67 : memref<1x128xi32, #tpu.memory_space<vmem>> -> memref<128xi32, #tpu.memory_space<vmem>>
    %dma_wait3A_69 = arith.constant 0 : i32
    %dma_wait3A_70 = arith.constant 0 : i32
    %dma_wait3A_71 = tpu.memref_slice %arg2[%dma_wait3A_69, %dma_wait3A_70] : memref<20480x128xf32, #tpu.memory_space<hbm>> -> memref<20480x128xf32, #tpu.memory_space<hbm>>
    tpu.wait_indirect_dma semaphore(%arg12 : memref<!tpu.dma_semaphore, #tpu.memory_space<semaphore_mem>>) src(%dma_wait3A_71 : memref<20480x128xf32, #tpu.memory_space<hbm>>) dst(%arg9 : memref<128x128xf32, #tpu.memory_space<vmem>>)
    %dma_start3A_72 = arith.constant 31 : i32
    %dma_start3A_73 = arith.constant 0 : i32
    %dma_start3A_74 = tpu.memref_slice %arg7[%dma_start3A_72, %dma_start3A_73] : memref<32x128xi32, #tpu.memory_space<vmem>> -> memref<1x128xi32, #tpu.memory_space<vmem>>
    %dma_start3A_75 = tpu.memref_squeeze %dma_start3A_74 : memref<1x128xi32, #tpu.memory_space<vmem>> -> memref<128xi32, #tpu.memory_space<vmem>>
    %dma_start3A_76 = arith.constant 0 : i32
    %dma_start3A_77 = arith.constant 0 : i32
    %dma_start3A_78 = tpu.memref_slice %arg2[%dma_start3A_76, %dma_start3A_77] : memref<20480x128xf32, #tpu.memory_space<hbm>> -> memref<20480x128xf32, #tpu.memory_space<hbm>>
    tpu.enqueue_indirect_dma source(%dma_start3A_78 : memref<20480x128xf32, #tpu.memory_space<hbm>>) target(%arg10 : memref<128x128xf32, #tpu.memory_space<vmem>>) offsets(%dma_start3A_75 : memref<128xi32, #tpu.memory_space<vmem>>) semaphore(%arg13 : memref<!tpu.dma_semaphore, #tpu.memory_space<semaphore_mem>>)
    %run_scoped3A_79 = arith.constant 30 : i32
    "tpu.region"() ({
      %run_scoped3A_229 = tpu.sem_alloc : memref<!tpu.dma_semaphore, #tpu.memory_space<semaphore_mem>>
      %dma_start3A_230 = arith.constant 0 : i32
      %dma_start3A_231 = tpu.memref_slice %arg8[%run_scoped3A_79, %dma_start3A_230] : memref<32x128xi32, #tpu.memory_space<vmem>> -> memref<1x128xi32, #tpu.memory_space<vmem>>
      %dma_start3A_232 = tpu.memref_squeeze %dma_start3A_231 : memref<1x128xi32, #tpu.memory_space<vmem>> -> memref<128xi32, #tpu.memory_space<vmem>>
      %dma_start3A_233 = arith.constant 0 : i32
      %dma_start3A_234 = arith.constant 0 : i32
      %dma_start3A_235 = tpu.memref_slice %arg11[%dma_start3A_233, %dma_start3A_234] : memref<10240x128xf32, #tpu.memory_space<vmem_shared>> -> memref<10240x128xf32, #tpu.memory_space<vmem_shared>>
      tpu.enqueue_indirect_dma source(%arg9 : memref<128x128xf32, #tpu.memory_space<vmem>>) target(%dma_start3A_235 : memref<10240x128xf32, #tpu.memory_space<vmem_shared>>) offsets(%dma_start3A_232 : memref<128xi32, #tpu.memory_space<vmem>>) semaphore(%run_scoped3A_229 : memref<!tpu.dma_semaphore, #tpu.memory_space<semaphore_mem>>) {add = true}
      %dma_wait3A_236 = arith.constant 0 : i32
      %dma_wait3A_237 = tpu.memref_slice %arg8[%run_scoped3A_79, %dma_wait3A_236] : memref<32x128xi32, #tpu.memory_space<vmem>> -> memref<1x128xi32, #tpu.memory_space<vmem>>
      %dma_wait3A_238 = tpu.memref_squeeze %dma_wait3A_237 : memref<1x128xi32, #tpu.memory_space<vmem>> -> memref<128xi32, #tpu.memory_space<vmem>>
      %dma_wait3A_239 = arith.constant 0 : i32
      %dma_wait3A_240 = arith.constant 0 : i32
      %dma_wait3A_241 = tpu.memref_slice %arg11[%dma_wait3A_239, %dma_wait3A_240] : memref<10240x128xf32, #tpu.memory_space<vmem_shared>> -> memref<10240x128xf32, #tpu.memory_space<vmem_shared>>
      tpu.wait_indirect_dma semaphore(%run_scoped3A_229 : memref<!tpu.dma_semaphore, #tpu.memory_space<semaphore_mem>>) src(%arg9 : memref<128x128xf32, #tpu.memory_space<vmem>>) dst(%dma_wait3A_241 : memref<10240x128xf32, #tpu.memory_space<vmem_shared>>)
      tpu.yield
    }) : () -> ()
    %dma_wait3A_80 = arith.constant 31 : i32
    %dma_wait3A_81 = arith.constant 0 : i32
    %dma_wait3A_82 = tpu.memref_slice %arg7[%dma_wait3A_80, %dma_wait3A_81] : memref<32x128xi32, #tpu.memory_space<vmem>> -> memref<1x128xi32, #tpu.memory_space<vmem>>
    %dma_wait3A_83 = tpu.memref_squeeze %dma_wait3A_82 : memref<1x128xi32, #tpu.memory_space<vmem>> -> memref<128xi32, #tpu.memory_space<vmem>>
    %dma_wait3A_84 = arith.constant 0 : i32
    %dma_wait3A_85 = arith.constant 0 : i32
    %dma_wait3A_86 = tpu.memref_slice %arg2[%dma_wait3A_84, %dma_wait3A_85] : memref<20480x128xf32, #tpu.memory_space<hbm>> -> memref<20480x128xf32, #tpu.memory_space<hbm>>
    tpu.wait_indirect_dma semaphore(%arg13 : memref<!tpu.dma_semaphore, #tpu.memory_space<semaphore_mem>>) src(%dma_wait3A_86 : memref<20480x128xf32, #tpu.memory_space<hbm>>) dst(%arg10 : memref<128x128xf32, #tpu.memory_space<vmem>>)
    %run_scoped3A_87 = arith.constant 31 : i32
    "tpu.region"() ({
      %run_scoped3A_229 = tpu.sem_alloc : memref<!tpu.dma_semaphore, #tpu.memory_space<semaphore_mem>>
      %dma_start3A_230 = arith.constant 0 : i32
      %dma_start3A_231 = tpu.memref_slice %arg8[%run_scoped3A_87, %dma_start3A_230] : memref<32x128xi32, #tpu.memory_space<vmem>> -> memref<1x128xi32, #tpu.memory_space<vmem>>
      %dma_start3A_232 = tpu.memref_squeeze %dma_start3A_231 : memref<1x128xi32, #tpu.memory_space<vmem>> -> memref<128xi32, #tpu.memory_space<vmem>>
      %dma_start3A_233 = arith.constant 0 : i32
      %dma_start3A_234 = arith.constant 0 : i32
      %dma_start3A_235 = tpu.memref_slice %arg11[%dma_start3A_233, %dma_start3A_234] : memref<10240x128xf32, #tpu.memory_space<vmem_shared>> -> memref<10240x128xf32, #tpu.memory_space<vmem_shared>>
      tpu.enqueue_indirect_dma source(%arg10 : memref<128x128xf32, #tpu.memory_space<vmem>>) target(%dma_start3A_235 : memref<10240x128xf32, #tpu.memory_space<vmem_shared>>) offsets(%dma_start3A_232 : memref<128xi32, #tpu.memory_space<vmem>>) semaphore(%run_scoped3A_229 : memref<!tpu.dma_semaphore, #tpu.memory_space<semaphore_mem>>) {add = true}
      %dma_wait3A_236 = arith.constant 0 : i32
      %dma_wait3A_237 = tpu.memref_slice %arg8[%run_scoped3A_87, %dma_wait3A_236] : memref<32x128xi32, #tpu.memory_space<vmem>> -> memref<1x128xi32, #tpu.memory_space<vmem>>
      %dma_wait3A_238 = tpu.memref_squeeze %dma_wait3A_237 : memref<1x128xi32, #tpu.memory_space<vmem>> -> memref<128xi32, #tpu.memory_space<vmem>>
      %dma_wait3A_239 = arith.constant 0 : i32
      %dma_wait3A_240 = arith.constant 0 : i32
      %dma_wait3A_241 = tpu.memref_slice %arg11[%dma_wait3A_239, %dma_wait3A_240] : memref<10240x128xf32, #tpu.memory_space<vmem_shared>> -> memref<10240x128xf32, #tpu.memory_space<vmem_shared>>
      tpu.wait_indirect_dma semaphore(%run_scoped3A_229 : memref<!tpu.dma_semaphore, #tpu.memory_space<semaphore_mem>>) src(%arg10 : memref<128x128xf32, #tpu.memory_space<vmem>>) dst(%dma_wait3A_241 : memref<10240x128xf32, #tpu.memory_space<vmem_shared>>)
      tpu.yield
    }) : () -> ()
    %add3A_88 = arith.constant 64 : i32
    %add3A_89 = arith.addi %mul3A_2, %add3A_88 : i32
    "tpu.region"() ({
      %run_scoped3A_229 = tpu.sem_alloc : memref<!tpu.dma_semaphore, #tpu.memory_space<semaphore_mem>>
      %dma_start3A_230 = arith.constant 0 : i32
      %dma_start3A_231 = arith.constant 0 : i32
      %dma_start3A_232 = tpu.memref_slice %arg3[%arg0, %dma_start3A_230, %dma_start3A_231] : memref<2x2560x128xi32, #tpu.memory_space<hbm>> -> memref<1x2560x128xi32, #tpu.memory_space<hbm>>
      %dma_start3A_233 = tpu.memref_squeeze %dma_start3A_232 : memref<1x2560x128xi32, #tpu.memory_space<hbm>> -> memref<2560x128xi32, #tpu.memory_space<hbm>>
      %dma_start3A_234 = arith.constant 0 : i32
      %dma_start3A_235 = tpu.memref_slice %dma_start3A_233[%add3A_89, %dma_start3A_234] : memref<2560x128xi32, #tpu.memory_space<hbm>> -> memref<32x128xi32, #tpu.memory_space<hbm>>
      %dma_start3A_236 = arith.constant 0 : i32
      %dma_start3A_237 = arith.constant 0 : i32
      %dma_start3A_238 = tpu.memref_slice %arg3[%arg0, %dma_start3A_236, %dma_start3A_237] : memref<2x2560x128xi32, #tpu.memory_space<hbm>> -> memref<1x2560x128xi32, #tpu.memory_space<hbm>>
      %dma_start3A_239 = tpu.memref_squeeze %dma_start3A_238 : memref<1x2560x128xi32, #tpu.memory_space<hbm>> -> memref<2560x128xi32, #tpu.memory_space<hbm>>
      %dma_start3A_240 = arith.constant 0 : i32
      %dma_start3A_241 = tpu.memref_slice %dma_start3A_239[%add3A_89, %dma_start3A_240] : memref<2560x128xi32, #tpu.memory_space<hbm>> -> memref<32x128xi32, #tpu.memory_space<hbm>>
      tpu.enqueue_dma source(%dma_start3A_241 : memref<32x128xi32, #tpu.memory_space<hbm>>) target(%arg7 : memref<32x128xi32, #tpu.memory_space<vmem>>) target_semaphore(%run_scoped3A_229 : memref<!tpu.dma_semaphore, #tpu.memory_space<semaphore_mem>>)
      %dma_wait3A_242 = arith.constant 0 : i32
      %dma_wait3A_243 = arith.constant 0 : i32
      %dma_wait3A_244 = tpu.memref_slice %arg3[%arg0, %dma_wait3A_242, %dma_wait3A_243] : memref<2x2560x128xi32, #tpu.memory_space<hbm>> -> memref<1x2560x128xi32, #tpu.memory_space<hbm>>
      %dma_wait3A_245 = tpu.memref_squeeze %dma_wait3A_244 : memref<1x2560x128xi32, #tpu.memory_space<hbm>> -> memref<2560x128xi32, #tpu.memory_space<hbm>>
      %dma_wait3A_246 = arith.constant 0 : i32
      %dma_wait3A_247 = tpu.memref_slice %dma_wait3A_245[%add3A_89, %dma_wait3A_246] : memref<2560x128xi32, #tpu.memory_space<hbm>> -> memref<32x128xi32, #tpu.memory_space<hbm>>
      %dma_wait3A_248 = arith.constant 0 : i32
      %dma_wait3A_249 = arith.constant 0 : i32
      %dma_wait3A_250 = tpu.memref_slice %arg3[%arg0, %dma_wait3A_248, %dma_wait3A_249] : memref<2x2560x128xi32, #tpu.memory_space<hbm>> -> memref<1x2560x128xi32, #tpu.memory_space<hbm>>
      %dma_wait3A_251 = tpu.memref_squeeze %dma_wait3A_250 : memref<1x2560x128xi32, #tpu.memory_space<hbm>> -> memref<2560x128xi32, #tpu.memory_space<hbm>>
      %dma_wait3A_252 = arith.constant 0 : i32
      %dma_wait3A_253 = tpu.memref_slice %dma_wait3A_251[%add3A_89, %dma_wait3A_252] : memref<2560x128xi32, #tpu.memory_space<hbm>> -> memref<32x128xi32, #tpu.memory_space<hbm>>
      tpu.wait_dma2 semaphore(%run_scoped3A_229 : memref<!tpu.dma_semaphore, #tpu.memory_space<semaphore_mem>>) src(%dma_wait3A_253 : memref<32x128xi32, #tpu.memory_space<hbm>>) dst(%arg7 : memref<32x128xi32, #tpu.memory_space<vmem>>)
      tpu.yield
    }) : () -> ()
    %add3A_90 = arith.constant 64 : i32
    %add3A_91 = arith.addi %mul3A_2, %add3A_90 : i32
    "tpu.region"() ({
      %run_scoped3A_229 = tpu.sem_alloc : memref<!tpu.dma_semaphore, #tpu.memory_space<semaphore_mem>>
      %dma_start3A_230 = arith.constant 0 : i32
      %dma_start3A_231 = arith.constant 0 : i32
      %dma_start3A_232 = tpu.memref_slice %arg4[%arg0, %dma_start3A_230, %dma_start3A_231] : memref<2x2560x128xi32, #tpu.memory_space<hbm>> -> memref<1x2560x128xi32, #tpu.memory_space<hbm>>
      %dma_start3A_233 = tpu.memref_squeeze %dma_start3A_232 : memref<1x2560x128xi32, #tpu.memory_space<hbm>> -> memref<2560x128xi32, #tpu.memory_space<hbm>>
      %dma_start3A_234 = arith.constant 0 : i32
      %dma_start3A_235 = tpu.memref_slice %dma_start3A_233[%add3A_91, %dma_start3A_234] : memref<2560x128xi32, #tpu.memory_space<hbm>> -> memref<32x128xi32, #tpu.memory_space<hbm>>
      %dma_start3A_236 = arith.constant 0 : i32
      %dma_start3A_237 = arith.constant 0 : i32
      %dma_start3A_238 = tpu.memref_slice %arg4[%arg0, %dma_start3A_236, %dma_start3A_237] : memref<2x2560x128xi32, #tpu.memory_space<hbm>> -> memref<1x2560x128xi32, #tpu.memory_space<hbm>>
      %dma_start3A_239 = tpu.memref_squeeze %dma_start3A_238 : memref<1x2560x128xi32, #tpu.memory_space<hbm>> -> memref<2560x128xi32, #tpu.memory_space<hbm>>
      %dma_start3A_240 = arith.constant 0 : i32
      %dma_start3A_241 = tpu.memref_slice %dma_start3A_239[%add3A_91, %dma_start3A_240] : memref<2560x128xi32, #tpu.memory_space<hbm>> -> memref<32x128xi32, #tpu.memory_space<hbm>>
      tpu.enqueue_dma source(%dma_start3A_241 : memref<32x128xi32, #tpu.memory_space<hbm>>) target(%arg8 : memref<32x128xi32, #tpu.memory_space<vmem>>) target_semaphore(%run_scoped3A_229 : memref<!tpu.dma_semaphore, #tpu.memory_space<semaphore_mem>>)
      %dma_wait3A_242 = arith.constant 0 : i32
      %dma_wait3A_243 = arith.constant 0 : i32
      %dma_wait3A_244 = tpu.memref_slice %arg4[%arg0, %dma_wait3A_242, %dma_wait3A_243] : memref<2x2560x128xi32, #tpu.memory_space<hbm>> -> memref<1x2560x128xi32, #tpu.memory_space<hbm>>
      %dma_wait3A_245 = tpu.memref_squeeze %dma_wait3A_244 : memref<1x2560x128xi32, #tpu.memory_space<hbm>> -> memref<2560x128xi32, #tpu.memory_space<hbm>>
      %dma_wait3A_246 = arith.constant 0 : i32
      %dma_wait3A_247 = tpu.memref_slice %dma_wait3A_245[%add3A_91, %dma_wait3A_246] : memref<2560x128xi32, #tpu.memory_space<hbm>> -> memref<32x128xi32, #tpu.memory_space<hbm>>
      %dma_wait3A_248 = arith.constant 0 : i32
      %dma_wait3A_249 = arith.constant 0 : i32
      %dma_wait3A_250 = tpu.memref_slice %arg4[%arg0, %dma_wait3A_248, %dma_wait3A_249] : memref<2x2560x128xi32, #tpu.memory_space<hbm>> -> memref<1x2560x128xi32, #tpu.memory_space<hbm>>
      %dma_wait3A_251 = tpu.memref_squeeze %dma_wait3A_250 : memref<1x2560x128xi32, #tpu.memory_space<hbm>> -> memref<2560x128xi32, #tpu.memory_space<hbm>>
      %dma_wait3A_252 = arith.constant 0 : i32
      %dma_wait3A_253 = tpu.memref_slice %dma_wait3A_251[%add3A_91, %dma_wait3A_252] : memref<2560x128xi32, #tpu.memory_space<hbm>> -> memref<32x128xi32, #tpu.memory_space<hbm>>
      tpu.wait_dma2 semaphore(%run_scoped3A_229 : memref<!tpu.dma_semaphore, #tpu.memory_space<semaphore_mem>>) src(%dma_wait3A_253 : memref<32x128xi32, #tpu.memory_space<hbm>>) dst(%arg8 : memref<32x128xi32, #tpu.memory_space<vmem>>)
      tpu.yield
    }) : () -> ()
    %dma_start3A_92 = arith.constant 0 : i32
    %dma_start3A_93 = arith.constant 0 : i32
    %dma_start3A_94 = tpu.memref_slice %arg7[%dma_start3A_92, %dma_start3A_93] : memref<32x128xi32, #tpu.memory_space<vmem>> -> memref<1x128xi32, #tpu.memory_space<vmem>>
    %dma_start3A_95 = tpu.memref_squeeze %dma_start3A_94 : memref<1x128xi32, #tpu.memory_space<vmem>> -> memref<128xi32, #tpu.memory_space<vmem>>
    %dma_start3A_96 = arith.constant 0 : i32
    %dma_start3A_97 = arith.constant 0 : i32
    %dma_start3A_98 = tpu.memref_slice %arg2[%dma_start3A_96, %dma_start3A_97] : memref<20480x128xf32, #tpu.memory_space<hbm>> -> memref<20480x128xf32, #tpu.memory_space<hbm>>
    tpu.enqueue_indirect_dma source(%dma_start3A_98 : memref<20480x128xf32, #tpu.memory_space<hbm>>) target(%arg9 : memref<128x128xf32, #tpu.memory_space<vmem>>) offsets(%dma_start3A_95 : memref<128xi32, #tpu.memory_space<vmem>>) semaphore(%arg12 : memref<!tpu.dma_semaphore, #tpu.memory_space<semaphore_mem>>)
    %scan3A_99 = arith.constant 0 : i32
    %scan3A_100 = arith.constant 0 : i32
    %scan3A_101 = arith.constant 15 : i32
    %scan3A_102 = arith.addi %scan3A_100, %scan3A_101 : i32
    %scan3A_103 = arith.constant 1 : i32
    scf.for %scan3A_229 = %scan3A_100 to %scan3A_102 step %scan3A_103  : i32 {
      %mul3A_230 = arith.constant 2 : i32
      %mul3A_231 = arith.muli %mul3A_230, %scan3A_229 : i32
      %dma_wait3A_232 = arith.constant 0 : i32
      %dma_wait3A_233 = tpu.memref_slice %arg7[%mul3A_231, %dma_wait3A_232] : memref<32x128xi32, #tpu.memory_space<vmem>> -> memref<1x128xi32, #tpu.memory_space<vmem>>
      %dma_wait3A_234 = tpu.memref_squeeze %dma_wait3A_233 : memref<1x128xi32, #tpu.memory_space<vmem>> -> memref<128xi32, #tpu.memory_space<vmem>>
      %dma_wait3A_235 = arith.constant 0 : i32
      %dma_wait3A_236 = arith.constant 0 : i32
      %dma_wait3A_237 = tpu.memref_slice %arg2[%dma_wait3A_235, %dma_wait3A_236] : memref<20480x128xf32, #tpu.memory_space<hbm>> -> memref<20480x128xf32, #tpu.memory_space<hbm>>
      tpu.wait_indirect_dma semaphore(%arg12 : memref<!tpu.dma_semaphore, #tpu.memory_space<semaphore_mem>>) src(%dma_wait3A_237 : memref<20480x128xf32, #tpu.memory_space<hbm>>) dst(%arg9 : memref<128x128xf32, #tpu.memory_space<vmem>>)
      %add3A_238 = arith.constant 1 : i32
      %add3A_239 = arith.addi %mul3A_231, %add3A_238 : i32
      %dma_start3A_240 = arith.constant 0 : i32
      %dma_start3A_241 = tpu.memref_slice %arg7[%add3A_239, %dma_start3A_240] : memref<32x128xi32, #tpu.memory_space<vmem>> -> memref<1x128xi32, #tpu.memory_space<vmem>>
      %dma_start3A_242 = tpu.memref_squeeze %dma_start3A_241 : memref<1x128xi32, #tpu.memory_space<vmem>> -> memref<128xi32, #tpu.memory_space<vmem>>
      %dma_start3A_243 = arith.constant 0 : i32
      %dma_start3A_244 = arith.constant 0 : i32
      %dma_start3A_245 = tpu.memref_slice %arg2[%dma_start3A_243, %dma_start3A_244] : memref<20480x128xf32, #tpu.memory_space<hbm>> -> memref<20480x128xf32, #tpu.memory_space<hbm>>
      tpu.enqueue_indirect_dma source(%dma_start3A_245 : memref<20480x128xf32, #tpu.memory_space<hbm>>) target(%arg10 : memref<128x128xf32, #tpu.memory_space<vmem>>) offsets(%dma_start3A_242 : memref<128xi32, #tpu.memory_space<vmem>>) semaphore(%arg13 : memref<!tpu.dma_semaphore, #tpu.memory_space<semaphore_mem>>)
      "tpu.region"() ({
        %run_scoped3A_264 = tpu.sem_alloc : memref<!tpu.dma_semaphore, #tpu.memory_space<semaphore_mem>>
        %dma_start3A_265 = arith.constant 0 : i32
        %dma_start3A_266 = tpu.memref_slice %arg8[%mul3A_231, %dma_start3A_265] : memref<32x128xi32, #tpu.memory_space<vmem>> -> memref<1x128xi32, #tpu.memory_space<vmem>>
        %dma_start3A_267 = tpu.memref_squeeze %dma_start3A_266 : memref<1x128xi32, #tpu.memory_space<vmem>> -> memref<128xi32, #tpu.memory_space<vmem>>
        %dma_start3A_268 = arith.constant 0 : i32
        %dma_start3A_269 = arith.constant 0 : i32
        %dma_start3A_270 = tpu.memref_slice %arg11[%dma_start3A_268, %dma_start3A_269] : memref<10240x128xf32, #tpu.memory_space<vmem_shared>> -> memref<10240x128xf32, #tpu.memory_space<vmem_shared>>
        tpu.enqueue_indirect_dma source(%arg9 : memref<128x128xf32, #tpu.memory_space<vmem>>) target(%dma_start3A_270 : memref<10240x128xf32, #tpu.memory_space<vmem_shared>>) offsets(%dma_start3A_267 : memref<128xi32, #tpu.memory_space<vmem>>) semaphore(%run_scoped3A_264 : memref<!tpu.dma_semaphore, #tpu.memory_space<semaphore_mem>>) {add = true}
        %dma_wait3A_271 = arith.constant 0 : i32
        %dma_wait3A_272 = tpu.memref_slice %arg8[%mul3A_231, %dma_wait3A_271] : memref<32x128xi32, #tpu.memory_space<vmem>> -> memref<1x128xi32, #tpu.memory_space<vmem>>
        %dma_wait3A_273 = tpu.memref_squeeze %dma_wait3A_272 : memref<1x128xi32, #tpu.memory_space<vmem>> -> memref<128xi32, #tpu.memory_space<vmem>>
        %dma_wait3A_274 = arith.constant 0 : i32
        %dma_wait3A_275 = arith.constant 0 : i32
        %dma_wait3A_276 = tpu.memref_slice %arg11[%dma_wait3A_274, %dma_wait3A_275] : memref<10240x128xf32, #tpu.memory_space<vmem_shared>> -> memref<10240x128xf32, #tpu.memory_space<vmem_shared>>
        tpu.wait_indirect_dma semaphore(%run_scoped3A_264 : memref<!tpu.dma_semaphore, #tpu.memory_space<semaphore_mem>>) src(%arg9 : memref<128x128xf32, #tpu.memory_space<vmem>>) dst(%dma_wait3A_276 : memref<10240x128xf32, #tpu.memory_space<vmem_shared>>)
        tpu.yield
      }) : () -> ()
      %add3A_246 = arith.constant 1 : i32
      %add3A_247 = arith.addi %mul3A_231, %add3A_246 : i32
      %dma_wait3A_248 = arith.constant 0 : i32
      %dma_wait3A_249 = tpu.memref_slice %arg7[%add3A_247, %dma_wait3A_248] : memref<32x128xi32, #tpu.memory_space<vmem>> -> memref<1x128xi32, #tpu.memory_space<vmem>>
      %dma_wait3A_250 = tpu.memref_squeeze %dma_wait3A_249 : memref<1x128xi32, #tpu.memory_space<vmem>> -> memref<128xi32, #tpu.memory_space<vmem>>
      %dma_wait3A_251 = arith.constant 0 : i32
      %dma_wait3A_252 = arith.constant 0 : i32
      %dma_wait3A_253 = tpu.memref_slice %arg2[%dma_wait3A_251, %dma_wait3A_252] : memref<20480x128xf32, #tpu.memory_space<hbm>> -> memref<20480x128xf32, #tpu.memory_space<hbm>>
      tpu.wait_indirect_dma semaphore(%arg13 : memref<!tpu.dma_semaphore, #tpu.memory_space<semaphore_mem>>) src(%dma_wait3A_253 : memref<20480x128xf32, #tpu.memory_space<hbm>>) dst(%arg10 : memref<128x128xf32, #tpu.memory_space<vmem>>)
      %add3A_254 = arith.constant 2 : i32
      %add3A_255 = arith.addi %mul3A_231, %add3A_254 : i32
      %dma_start3A_256 = arith.constant 0 : i32
      %dma_start3A_257 = tpu.memref_slice %arg7[%add3A_255, %dma_start3A_256] : memref<32x128xi32, #tpu.memory_space<vmem>> -> memref<1x128xi32, #tpu.memory_space<vmem>>
      %dma_start3A_258 = tpu.memref_squeeze %dma_start3A_257 : memref<1x128xi32, #tpu.memory_space<vmem>> -> memref<128xi32, #tpu.memory_space<vmem>>
      %dma_start3A_259 = arith.constant 0 : i32
      %dma_start3A_260 = arith.constant 0 : i32
      %dma_start3A_261 = tpu.memref_slice %arg2[%dma_start3A_259, %dma_start3A_260] : memref<20480x128xf32, #tpu.memory_space<hbm>> -> memref<20480x128xf32, #tpu.memory_space<hbm>>
      tpu.enqueue_indirect_dma source(%dma_start3A_261 : memref<20480x128xf32, #tpu.memory_space<hbm>>) target(%arg9 : memref<128x128xf32, #tpu.memory_space<vmem>>) offsets(%dma_start3A_258 : memref<128xi32, #tpu.memory_space<vmem>>) semaphore(%arg12 : memref<!tpu.dma_semaphore, #tpu.memory_space<semaphore_mem>>)
      %add3A_262 = arith.constant 1 : i32
      %add3A_263 = arith.addi %mul3A_231, %add3A_262 : i32
      "tpu.region"() ({
        %run_scoped3A_264 = tpu.sem_alloc : memref<!tpu.dma_semaphore, #tpu.memory_space<semaphore_mem>>
        %dma_start3A_265 = arith.constant 0 : i32
        %dma_start3A_266 = tpu.memref_slice %arg8[%add3A_263, %dma_start3A_265] : memref<32x128xi32, #tpu.memory_space<vmem>> -> memref<1x128xi32, #tpu.memory_space<vmem>>
        %dma_start3A_267 = tpu.memref_squeeze %dma_start3A_266 : memref<1x128xi32, #tpu.memory_space<vmem>> -> memref<128xi32, #tpu.memory_space<vmem>>
        %dma_start3A_268 = arith.constant 0 : i32
        %dma_start3A_269 = arith.constant 0 : i32
        %dma_start3A_270 = tpu.memref_slice %arg11[%dma_start3A_268, %dma_start3A_269] : memref<10240x128xf32, #tpu.memory_space<vmem_shared>> -> memref<10240x128xf32, #tpu.memory_space<vmem_shared>>
        tpu.enqueue_indirect_dma source(%arg10 : memref<128x128xf32, #tpu.memory_space<vmem>>) target(%dma_start3A_270 : memref<10240x128xf32, #tpu.memory_space<vmem_shared>>) offsets(%dma_start3A_267 : memref<128xi32, #tpu.memory_space<vmem>>) semaphore(%run_scoped3A_264 : memref<!tpu.dma_semaphore, #tpu.memory_space<semaphore_mem>>) {add = true}
        %dma_wait3A_271 = arith.constant 0 : i32
        %dma_wait3A_272 = tpu.memref_slice %arg8[%add3A_263, %dma_wait3A_271] : memref<32x128xi32, #tpu.memory_space<vmem>> -> memref<1x128xi32, #tpu.memory_space<vmem>>
        %dma_wait3A_273 = tpu.memref_squeeze %dma_wait3A_272 : memref<1x128xi32, #tpu.memory_space<vmem>> -> memref<128xi32, #tpu.memory_space<vmem>>
        %dma_wait3A_274 = arith.constant 0 : i32
        %dma_wait3A_275 = arith.constant 0 : i32
        %dma_wait3A_276 = tpu.memref_slice %arg11[%dma_wait3A_274, %dma_wait3A_275] : memref<10240x128xf32, #tpu.memory_space<vmem_shared>> -> memref<10240x128xf32, #tpu.memory_space<vmem_shared>>
        tpu.wait_indirect_dma semaphore(%run_scoped3A_264 : memref<!tpu.dma_semaphore, #tpu.memory_space<semaphore_mem>>) src(%arg10 : memref<128x128xf32, #tpu.memory_space<vmem>>) dst(%dma_wait3A_276 : memref<10240x128xf32, #tpu.memory_space<vmem_shared>>)
        tpu.yield
      }) : () -> ()
    }
    %scan3A_104 = arith.constant 15 : i32
    %dma_wait3A_105 = arith.constant 30 : i32
    %dma_wait3A_106 = arith.constant 0 : i32
    %dma_wait3A_107 = tpu.memref_slice %arg7[%dma_wait3A_105, %dma_wait3A_106] : memref<32x128xi32, #tpu.memory_space<vmem>> -> memref<1x128xi32, #tpu.memory_space<vmem>>
    %dma_wait3A_108 = tpu.memref_squeeze %dma_wait3A_107 : memref<1x128xi32, #tpu.memory_space<vmem>> -> memref<128xi32, #tpu.memory_space<vmem>>
    %dma_wait3A_109 = arith.constant 0 : i32
    %dma_wait3A_110 = arith.constant 0 : i32
    %dma_wait3A_111 = tpu.memref_slice %arg2[%dma_wait3A_109, %dma_wait3A_110] : memref<20480x128xf32, #tpu.memory_space<hbm>> -> memref<20480x128xf32, #tpu.memory_space<hbm>>
    tpu.wait_indirect_dma semaphore(%arg12 : memref<!tpu.dma_semaphore, #tpu.memory_space<semaphore_mem>>) src(%dma_wait3A_111 : memref<20480x128xf32, #tpu.memory_space<hbm>>) dst(%arg9 : memref<128x128xf32, #tpu.memory_space<vmem>>)
    %dma_start3A_112 = arith.constant 31 : i32
    %dma_start3A_113 = arith.constant 0 : i32
    %dma_start3A_114 = tpu.memref_slice %arg7[%dma_start3A_112, %dma_start3A_113] : memref<32x128xi32, #tpu.memory_space<vmem>> -> memref<1x128xi32, #tpu.memory_space<vmem>>
    %dma_start3A_115 = tpu.memref_squeeze %dma_start3A_114 : memref<1x128xi32, #tpu.memory_space<vmem>> -> memref<128xi32, #tpu.memory_space<vmem>>
    %dma_start3A_116 = arith.constant 0 : i32
    %dma_start3A_117 = arith.constant 0 : i32
    %dma_start3A_118 = tpu.memref_slice %arg2[%dma_start3A_116, %dma_start3A_117] : memref<20480x128xf32, #tpu.memory_space<hbm>> -> memref<20480x128xf32, #tpu.memory_space<hbm>>
    tpu.enqueue_indirect_dma source(%dma_start3A_118 : memref<20480x128xf32, #tpu.memory_space<hbm>>) target(%arg10 : memref<128x128xf32, #tpu.memory_space<vmem>>) offsets(%dma_start3A_115 : memref<128xi32, #tpu.memory_space<vmem>>) semaphore(%arg13 : memref<!tpu.dma_semaphore, #tpu.memory_space<semaphore_mem>>)
    %run_scoped3A_119 = arith.constant 30 : i32
    "tpu.region"() ({
      %run_scoped3A_229 = tpu.sem_alloc : memref<!tpu.dma_semaphore, #tpu.memory_space<semaphore_mem>>
      %dma_start3A_230 = arith.constant 0 : i32
      %dma_start3A_231 = tpu.memref_slice %arg8[%run_scoped3A_119, %dma_start3A_230] : memref<32x128xi32, #tpu.memory_space<vmem>> -> memref<1x128xi32, #tpu.memory_space<vmem>>
      %dma_start3A_232 = tpu.memref_squeeze %dma_start3A_231 : memref<1x128xi32, #tpu.memory_space<vmem>> -> memref<128xi32, #tpu.memory_space<vmem>>
      %dma_start3A_233 = arith.constant 0 : i32
      %dma_start3A_234 = arith.constant 0 : i32
      %dma_start3A_235 = tpu.memref_slice %arg11[%dma_start3A_233, %dma_start3A_234] : memref<10240x128xf32, #tpu.memory_space<vmem_shared>> -> memref<10240x128xf32, #tpu.memory_space<vmem_shared>>
      tpu.enqueue_indirect_dma source(%arg9 : memref<128x128xf32, #tpu.memory_space<vmem>>) target(%dma_start3A_235 : memref<10240x128xf32, #tpu.memory_space<vmem_shared>>) offsets(%dma_start3A_232 : memref<128xi32, #tpu.memory_space<vmem>>) semaphore(%run_scoped3A_229 : memref<!tpu.dma_semaphore, #tpu.memory_space<semaphore_mem>>) {add = true}
      %dma_wait3A_236 = arith.constant 0 : i32
      %dma_wait3A_237 = tpu.memref_slice %arg8[%run_scoped3A_119, %dma_wait3A_236] : memref<32x128xi32, #tpu.memory_space<vmem>> -> memref<1x128xi32, #tpu.memory_space<vmem>>
      %dma_wait3A_238 = tpu.memref_squeeze %dma_wait3A_237 : memref<1x128xi32, #tpu.memory_space<vmem>> -> memref<128xi32, #tpu.memory_space<vmem>>
      %dma_wait3A_239 = arith.constant 0 : i32
      %dma_wait3A_240 = arith.constant 0 : i32
      %dma_wait3A_241 = tpu.memref_slice %arg11[%dma_wait3A_239, %dma_wait3A_240] : memref<10240x128xf32, #tpu.memory_space<vmem_shared>> -> memref<10240x128xf32, #tpu.memory_space<vmem_shared>>
      tpu.wait_indirect_dma semaphore(%run_scoped3A_229 : memref<!tpu.dma_semaphore, #tpu.memory_space<semaphore_mem>>) src(%arg9 : memref<128x128xf32, #tpu.memory_space<vmem>>) dst(%dma_wait3A_241 : memref<10240x128xf32, #tpu.memory_space<vmem_shared>>)
      tpu.yield
    }) : () -> ()
    %dma_wait3A_120 = arith.constant 31 : i32
    %dma_wait3A_121 = arith.constant 0 : i32
    %dma_wait3A_122 = tpu.memref_slice %arg7[%dma_wait3A_120, %dma_wait3A_121] : memref<32x128xi32, #tpu.memory_space<vmem>> -> memref<1x128xi32, #tpu.memory_space<vmem>>
    %dma_wait3A_123 = tpu.memref_squeeze %dma_wait3A_122 : memref<1x128xi32, #tpu.memory_space<vmem>> -> memref<128xi32, #tpu.memory_space<vmem>>
    %dma_wait3A_124 = arith.constant 0 : i32
    %dma_wait3A_125 = arith.constant 0 : i32
    %dma_wait3A_126 = tpu.memref_slice %arg2[%dma_wait3A_124, %dma_wait3A_125] : memref<20480x128xf32, #tpu.memory_space<hbm>> -> memref<20480x128xf32, #tpu.memory_space<hbm>>
    tpu.wait_indirect_dma semaphore(%arg13 : memref<!tpu.dma_semaphore, #tpu.memory_space<semaphore_mem>>) src(%dma_wait3A_126 : memref<20480x128xf32, #tpu.memory_space<hbm>>) dst(%arg10 : memref<128x128xf32, #tpu.memory_space<vmem>>)
    %run_scoped3A_127 = arith.constant 31 : i32
    "tpu.region"() ({
      %run_scoped3A_229 = tpu.sem_alloc : memref<!tpu.dma_semaphore, #tpu.memory_space<semaphore_mem>>
      %dma_start3A_230 = arith.constant 0 : i32
      %dma_start3A_231 = tpu.memref_slice %arg8[%run_scoped3A_127, %dma_start3A_230] : memref<32x128xi32, #tpu.memory_space<vmem>> -> memref<1x128xi32, #tpu.memory_space<vmem>>
      %dma_start3A_232 = tpu.memref_squeeze %dma_start3A_231 : memref<1x128xi32, #tpu.memory_space<vmem>> -> memref<128xi32, #tpu.memory_space<vmem>>
      %dma_start3A_233 = arith.constant 0 : i32
      %dma_start3A_234 = arith.constant 0 : i32
      %dma_start3A_235 = tpu.memref_slice %arg11[%dma_start3A_233, %dma_start3A_234] : memref<10240x128xf32, #tpu.memory_space<vmem_shared>> -> memref<10240x128xf32, #tpu.memory_space<vmem_shared>>
      tpu.enqueue_indirect_dma source(%arg10 : memref<128x128xf32, #tpu.memory_space<vmem>>) target(%dma_start3A_235 : memref<10240x128xf32, #tpu.memory_space<vmem_shared>>) offsets(%dma_start3A_232 : memref<128xi32, #tpu.memory_space<vmem>>) semaphore(%run_scoped3A_229 : memref<!tpu.dma_semaphore, #tpu.memory_space<semaphore_mem>>) {add = true}
      %dma_wait3A_236 = arith.constant 0 : i32
      %dma_wait3A_237 = tpu.memref_slice %arg8[%run_scoped3A_127, %dma_wait3A_236] : memref<32x128xi32, #tpu.memory_space<vmem>> -> memref<1x128xi32, #tpu.memory_space<vmem>>
      %dma_wait3A_238 = tpu.memref_squeeze %dma_wait3A_237 : memref<1x128xi32, #tpu.memory_space<vmem>> -> memref<128xi32, #tpu.memory_space<vmem>>
      %dma_wait3A_239 = arith.constant 0 : i32
      %dma_wait3A_240 = arith.constant 0 : i32
      %dma_wait3A_241 = tpu.memref_slice %arg11[%dma_wait3A_239, %dma_wait3A_240] : memref<10240x128xf32, #tpu.memory_space<vmem_shared>> -> memref<10240x128xf32, #tpu.memory_space<vmem_shared>>
      tpu.wait_indirect_dma semaphore(%run_scoped3A_229 : memref<!tpu.dma_semaphore, #tpu.memory_space<semaphore_mem>>) src(%arg10 : memref<128x128xf32, #tpu.memory_space<vmem>>) dst(%dma_wait3A_241 : memref<10240x128xf32, #tpu.memory_space<vmem_shared>>)
      tpu.yield
    }) : () -> ()
    %add3A_128 = arith.constant 96 : i32
    %add3A_129 = arith.addi %mul3A_2, %add3A_128 : i32
    "tpu.region"() ({
      %run_scoped3A_229 = tpu.sem_alloc : memref<!tpu.dma_semaphore, #tpu.memory_space<semaphore_mem>>
      %dma_start3A_230 = arith.constant 0 : i32
      %dma_start3A_231 = arith.constant 0 : i32
      %dma_start3A_232 = tpu.memref_slice %arg3[%arg0, %dma_start3A_230, %dma_start3A_231] : memref<2x2560x128xi32, #tpu.memory_space<hbm>> -> memref<1x2560x128xi32, #tpu.memory_space<hbm>>
      %dma_start3A_233 = tpu.memref_squeeze %dma_start3A_232 : memref<1x2560x128xi32, #tpu.memory_space<hbm>> -> memref<2560x128xi32, #tpu.memory_space<hbm>>
      %dma_start3A_234 = arith.constant 0 : i32
      %dma_start3A_235 = tpu.memref_slice %dma_start3A_233[%add3A_129, %dma_start3A_234] : memref<2560x128xi32, #tpu.memory_space<hbm>> -> memref<32x128xi32, #tpu.memory_space<hbm>>
      %dma_start3A_236 = arith.constant 0 : i32
      %dma_start3A_237 = arith.constant 0 : i32
      %dma_start3A_238 = tpu.memref_slice %arg3[%arg0, %dma_start3A_236, %dma_start3A_237] : memref<2x2560x128xi32, #tpu.memory_space<hbm>> -> memref<1x2560x128xi32, #tpu.memory_space<hbm>>
      %dma_start3A_239 = tpu.memref_squeeze %dma_start3A_238 : memref<1x2560x128xi32, #tpu.memory_space<hbm>> -> memref<2560x128xi32, #tpu.memory_space<hbm>>
      %dma_start3A_240 = arith.constant 0 : i32
      %dma_start3A_241 = tpu.memref_slice %dma_start3A_239[%add3A_129, %dma_start3A_240] : memref<2560x128xi32, #tpu.memory_space<hbm>> -> memref<32x128xi32, #tpu.memory_space<hbm>>
      tpu.enqueue_dma source(%dma_start3A_241 : memref<32x128xi32, #tpu.memory_space<hbm>>) target(%arg7 : memref<32x128xi32, #tpu.memory_space<vmem>>) target_semaphore(%run_scoped3A_229 : memref<!tpu.dma_semaphore, #tpu.memory_space<semaphore_mem>>)
      %dma_wait3A_242 = arith.constant 0 : i32
      %dma_wait3A_243 = arith.constant 0 : i32
      %dma_wait3A_244 = tpu.memref_slice %arg3[%arg0, %dma_wait3A_242, %dma_wait3A_243] : memref<2x2560x128xi32, #tpu.memory_space<hbm>> -> memref<1x2560x128xi32, #tpu.memory_space<hbm>>
      %dma_wait3A_245 = tpu.memref_squeeze %dma_wait3A_244 : memref<1x2560x128xi32, #tpu.memory_space<hbm>> -> memref<2560x128xi32, #tpu.memory_space<hbm>>
      %dma_wait3A_246 = arith.constant 0 : i32
      %dma_wait3A_247 = tpu.memref_slice %dma_wait3A_245[%add3A_129, %dma_wait3A_246] : memref<2560x128xi32, #tpu.memory_space<hbm>> -> memref<32x128xi32, #tpu.memory_space<hbm>>
      %dma_wait3A_248 = arith.constant 0 : i32
      %dma_wait3A_249 = arith.constant 0 : i32
      %dma_wait3A_250 = tpu.memref_slice %arg3[%arg0, %dma_wait3A_248, %dma_wait3A_249] : memref<2x2560x128xi32, #tpu.memory_space<hbm>> -> memref<1x2560x128xi32, #tpu.memory_space<hbm>>
      %dma_wait3A_251 = tpu.memref_squeeze %dma_wait3A_250 : memref<1x2560x128xi32, #tpu.memory_space<hbm>> -> memref<2560x128xi32, #tpu.memory_space<hbm>>
      %dma_wait3A_252 = arith.constant 0 : i32
      %dma_wait3A_253 = tpu.memref_slice %dma_wait3A_251[%add3A_129, %dma_wait3A_252] : memref<2560x128xi32, #tpu.memory_space<hbm>> -> memref<32x128xi32, #tpu.memory_space<hbm>>
      tpu.wait_dma2 semaphore(%run_scoped3A_229 : memref<!tpu.dma_semaphore, #tpu.memory_space<semaphore_mem>>) src(%dma_wait3A_253 : memref<32x128xi32, #tpu.memory_space<hbm>>) dst(%arg7 : memref<32x128xi32, #tpu.memory_space<vmem>>)
      tpu.yield
    }) : () -> ()
    %add3A_130 = arith.constant 96 : i32
    %add3A_131 = arith.addi %mul3A_2, %add3A_130 : i32
    "tpu.region"() ({
      %run_scoped3A_229 = tpu.sem_alloc : memref<!tpu.dma_semaphore, #tpu.memory_space<semaphore_mem>>
      %dma_start3A_230 = arith.constant 0 : i32
      %dma_start3A_231 = arith.constant 0 : i32
      %dma_start3A_232 = tpu.memref_slice %arg4[%arg0, %dma_start3A_230, %dma_start3A_231] : memref<2x2560x128xi32, #tpu.memory_space<hbm>> -> memref<1x2560x128xi32, #tpu.memory_space<hbm>>
      %dma_start3A_233 = tpu.memref_squeeze %dma_start3A_232 : memref<1x2560x128xi32, #tpu.memory_space<hbm>> -> memref<2560x128xi32, #tpu.memory_space<hbm>>
      %dma_start3A_234 = arith.constant 0 : i32
      %dma_start3A_235 = tpu.memref_slice %dma_start3A_233[%add3A_131, %dma_start3A_234] : memref<2560x128xi32, #tpu.memory_space<hbm>> -> memref<32x128xi32, #tpu.memory_space<hbm>>
      %dma_start3A_236 = arith.constant 0 : i32
      %dma_start3A_237 = arith.constant 0 : i32
      %dma_start3A_238 = tpu.memref_slice %arg4[%arg0, %dma_start3A_236, %dma_start3A_237] : memref<2x2560x128xi32, #tpu.memory_space<hbm>> -> memref<1x2560x128xi32, #tpu.memory_space<hbm>>
      %dma_start3A_239 = tpu.memref_squeeze %dma_start3A_238 : memref<1x2560x128xi32, #tpu.memory_space<hbm>> -> memref<2560x128xi32, #tpu.memory_space<hbm>>
      %dma_start3A_240 = arith.constant 0 : i32
      %dma_start3A_241 = tpu.memref_slice %dma_start3A_239[%add3A_131, %dma_start3A_240] : memref<2560x128xi32, #tpu.memory_space<hbm>> -> memref<32x128xi32, #tpu.memory_space<hbm>>
      tpu.enqueue_dma source(%dma_start3A_241 : memref<32x128xi32, #tpu.memory_space<hbm>>) target(%arg8 : memref<32x128xi32, #tpu.memory_space<vmem>>) target_semaphore(%run_scoped3A_229 : memref<!tpu.dma_semaphore, #tpu.memory_space<semaphore_mem>>)
      %dma_wait3A_242 = arith.constant 0 : i32
      %dma_wait3A_243 = arith.constant 0 : i32
      %dma_wait3A_244 = tpu.memref_slice %arg4[%arg0, %dma_wait3A_242, %dma_wait3A_243] : memref<2x2560x128xi32, #tpu.memory_space<hbm>> -> memref<1x2560x128xi32, #tpu.memory_space<hbm>>
      %dma_wait3A_245 = tpu.memref_squeeze %dma_wait3A_244 : memref<1x2560x128xi32, #tpu.memory_space<hbm>> -> memref<2560x128xi32, #tpu.memory_space<hbm>>
      %dma_wait3A_246 = arith.constant 0 : i32
      %dma_wait3A_247 = tpu.memref_slice %dma_wait3A_245[%add3A_131, %dma_wait3A_246] : memref<2560x128xi32, #tpu.memory_space<hbm>> -> memref<32x128xi32, #tpu.memory_space<hbm>>
      %dma_wait3A_248 = arith.constant 0 : i32
      %dma_wait3A_249 = arith.constant 0 : i32
      %dma_wait3A_250 = tpu.memref_slice %arg4[%arg0, %dma_wait3A_248, %dma_wait3A_249] : memref<2x2560x128xi32, #tpu.memory_space<hbm>> -> memref<1x2560x128xi32, #tpu.memory_space<hbm>>
      %dma_wait3A_251 = tpu.memref_squeeze %dma_wait3A_250 : memref<1x2560x128xi32, #tpu.memory_space<hbm>> -> memref<2560x128xi32, #tpu.memory_space<hbm>>
      %dma_wait3A_252 = arith.constant 0 : i32
      %dma_wait3A_253 = tpu.memref_slice %dma_wait3A_251[%add3A_131, %dma_wait3A_252] : memref<2560x128xi32, #tpu.memory_space<hbm>> -> memref<32x128xi32, #tpu.memory_space<hbm>>
      tpu.wait_dma2 semaphore(%run_scoped3A_229 : memref<!tpu.dma_semaphore, #tpu.memory_space<semaphore_mem>>) src(%dma_wait3A_253 : memref<32x128xi32, #tpu.memory_space<hbm>>) dst(%arg8 : memref<32x128xi32, #tpu.memory_space<vmem>>)
      tpu.yield
    }) : () -> ()
    %dma_start3A_132 = arith.constant 0 : i32
    %dma_start3A_133 = arith.constant 0 : i32
    %dma_start3A_134 = tpu.memref_slice %arg7[%dma_start3A_132, %dma_start3A_133] : memref<32x128xi32, #tpu.memory_space<vmem>> -> memref<1x128xi32, #tpu.memory_space<vmem>>
    %dma_start3A_135 = tpu.memref_squeeze %dma_start3A_134 : memref<1x128xi32, #tpu.memory_space<vmem>> -> memref<128xi32, #tpu.memory_space<vmem>>
    %dma_start3A_136 = arith.constant 0 : i32
    %dma_start3A_137 = arith.constant 0 : i32
    %dma_start3A_138 = tpu.memref_slice %arg2[%dma_start3A_136, %dma_start3A_137] : memref<20480x128xf32, #tpu.memory_space<hbm>> -> memref<20480x128xf32, #tpu.memory_space<hbm>>
    tpu.enqueue_indirect_dma source(%dma_start3A_138 : memref<20480x128xf32, #tpu.memory_space<hbm>>) target(%arg9 : memref<128x128xf32, #tpu.memory_space<vmem>>) offsets(%dma_start3A_135 : memref<128xi32, #tpu.memory_space<vmem>>) semaphore(%arg12 : memref<!tpu.dma_semaphore, #tpu.memory_space<semaphore_mem>>)
    %scan3A_139 = arith.constant 0 : i32
    %scan3A_140 = arith.constant 0 : i32
    %scan3A_141 = arith.constant 15 : i32
    %scan3A_142 = arith.addi %scan3A_140, %scan3A_141 : i32
    %scan3A_143 = arith.constant 1 : i32
    scf.for %scan3A_229 = %scan3A_140 to %scan3A_142 step %scan3A_143  : i32 {
      %mul3A_230 = arith.constant 2 : i32
      %mul3A_231 = arith.muli %mul3A_230, %scan3A_229 : i32
      %dma_wait3A_232 = arith.constant 0 : i32
      %dma_wait3A_233 = tpu.memref_slice %arg7[%mul3A_231, %dma_wait3A_232] : memref<32x128xi32, #tpu.memory_space<vmem>> -> memref<1x128xi32, #tpu.memory_space<vmem>>
      %dma_wait3A_234 = tpu.memref_squeeze %dma_wait3A_233 : memref<1x128xi32, #tpu.memory_space<vmem>> -> memref<128xi32, #tpu.memory_space<vmem>>
      %dma_wait3A_235 = arith.constant 0 : i32
      %dma_wait3A_236 = arith.constant 0 : i32
      %dma_wait3A_237 = tpu.memref_slice %arg2[%dma_wait3A_235, %dma_wait3A_236] : memref<20480x128xf32, #tpu.memory_space<hbm>> -> memref<20480x128xf32, #tpu.memory_space<hbm>>
      tpu.wait_indirect_dma semaphore(%arg12 : memref<!tpu.dma_semaphore, #tpu.memory_space<semaphore_mem>>) src(%dma_wait3A_237 : memref<20480x128xf32, #tpu.memory_space<hbm>>) dst(%arg9 : memref<128x128xf32, #tpu.memory_space<vmem>>)
      %add3A_238 = arith.constant 1 : i32
      %add3A_239 = arith.addi %mul3A_231, %add3A_238 : i32
      %dma_start3A_240 = arith.constant 0 : i32
      %dma_start3A_241 = tpu.memref_slice %arg7[%add3A_239, %dma_start3A_240] : memref<32x128xi32, #tpu.memory_space<vmem>> -> memref<1x128xi32, #tpu.memory_space<vmem>>
      %dma_start3A_242 = tpu.memref_squeeze %dma_start3A_241 : memref<1x128xi32, #tpu.memory_space<vmem>> -> memref<128xi32, #tpu.memory_space<vmem>>
      %dma_start3A_243 = arith.constant 0 : i32
      %dma_start3A_244 = arith.constant 0 : i32
      %dma_start3A_245 = tpu.memref_slice %arg2[%dma_start3A_243, %dma_start3A_244] : memref<20480x128xf32, #tpu.memory_space<hbm>> -> memref<20480x128xf32, #tpu.memory_space<hbm>>
      tpu.enqueue_indirect_dma source(%dma_start3A_245 : memref<20480x128xf32, #tpu.memory_space<hbm>>) target(%arg10 : memref<128x128xf32, #tpu.memory_space<vmem>>) offsets(%dma_start3A_242 : memref<128xi32, #tpu.memory_space<vmem>>) semaphore(%arg13 : memref<!tpu.dma_semaphore, #tpu.memory_space<semaphore_mem>>)
      "tpu.region"() ({
        %run_scoped3A_264 = tpu.sem_alloc : memref<!tpu.dma_semaphore, #tpu.memory_space<semaphore_mem>>
        %dma_start3A_265 = arith.constant 0 : i32
        %dma_start3A_266 = tpu.memref_slice %arg8[%mul3A_231, %dma_start3A_265] : memref<32x128xi32, #tpu.memory_space<vmem>> -> memref<1x128xi32, #tpu.memory_space<vmem>>
        %dma_start3A_267 = tpu.memref_squeeze %dma_start3A_266 : memref<1x128xi32, #tpu.memory_space<vmem>> -> memref<128xi32, #tpu.memory_space<vmem>>
        %dma_start3A_268 = arith.constant 0 : i32
        %dma_start3A_269 = arith.constant 0 : i32
        %dma_start3A_270 = tpu.memref_slice %arg11[%dma_start3A_268, %dma_start3A_269] : memref<10240x128xf32, #tpu.memory_space<vmem_shared>> -> memref<10240x128xf32, #tpu.memory_space<vmem_shared>>
        tpu.enqueue_indirect_dma source(%arg9 : memref<128x128xf32, #tpu.memory_space<vmem>>) target(%dma_start3A_270 : memref<10240x128xf32, #tpu.memory_space<vmem_shared>>) offsets(%dma_start3A_267 : memref<128xi32, #tpu.memory_space<vmem>>) semaphore(%run_scoped3A_264 : memref<!tpu.dma_semaphore, #tpu.memory_space<semaphore_mem>>) {add = true}
        %dma_wait3A_271 = arith.constant 0 : i32
        %dma_wait3A_272 = tpu.memref_slice %arg8[%mul3A_231, %dma_wait3A_271] : memref<32x128xi32, #tpu.memory_space<vmem>> -> memref<1x128xi32, #tpu.memory_space<vmem>>
        %dma_wait3A_273 = tpu.memref_squeeze %dma_wait3A_272 : memref<1x128xi32, #tpu.memory_space<vmem>> -> memref<128xi32, #tpu.memory_space<vmem>>
        %dma_wait3A_274 = arith.constant 0 : i32
        %dma_wait3A_275 = arith.constant 0 : i32
        %dma_wait3A_276 = tpu.memref_slice %arg11[%dma_wait3A_274, %dma_wait3A_275] : memref<10240x128xf32, #tpu.memory_space<vmem_shared>> -> memref<10240x128xf32, #tpu.memory_space<vmem_shared>>
        tpu.wait_indirect_dma semaphore(%run_scoped3A_264 : memref<!tpu.dma_semaphore, #tpu.memory_space<semaphore_mem>>) src(%arg9 : memref<128x128xf32, #tpu.memory_space<vmem>>) dst(%dma_wait3A_276 : memref<10240x128xf32, #tpu.memory_space<vmem_shared>>)
        tpu.yield
      }) : () -> ()
      %add3A_246 = arith.constant 1 : i32
      %add3A_247 = arith.addi %mul3A_231, %add3A_246 : i32
      %dma_wait3A_248 = arith.constant 0 : i32
      %dma_wait3A_249 = tpu.memref_slice %arg7[%add3A_247, %dma_wait3A_248] : memref<32x128xi32, #tpu.memory_space<vmem>> -> memref<1x128xi32, #tpu.memory_space<vmem>>
      %dma_wait3A_250 = tpu.memref_squeeze %dma_wait3A_249 : memref<1x128xi32, #tpu.memory_space<vmem>> -> memref<128xi32, #tpu.memory_space<vmem>>
      %dma_wait3A_251 = arith.constant 0 : i32
      %dma_wait3A_252 = arith.constant 0 : i32
      %dma_wait3A_253 = tpu.memref_slice %arg2[%dma_wait3A_251, %dma_wait3A_252] : memref<20480x128xf32, #tpu.memory_space<hbm>> -> memref<20480x128xf32, #tpu.memory_space<hbm>>
      tpu.wait_indirect_dma semaphore(%arg13 : memref<!tpu.dma_semaphore, #tpu.memory_space<semaphore_mem>>) src(%dma_wait3A_253 : memref<20480x128xf32, #tpu.memory_space<hbm>>) dst(%arg10 : memref<128x128xf32, #tpu.memory_space<vmem>>)
      %add3A_254 = arith.constant 2 : i32
      %add3A_255 = arith.addi %mul3A_231, %add3A_254 : i32
      %dma_start3A_256 = arith.constant 0 : i32
      %dma_start3A_257 = tpu.memref_slice %arg7[%add3A_255, %dma_start3A_256] : memref<32x128xi32, #tpu.memory_space<vmem>> -> memref<1x128xi32, #tpu.memory_space<vmem>>
      %dma_start3A_258 = tpu.memref_squeeze %dma_start3A_257 : memref<1x128xi32, #tpu.memory_space<vmem>> -> memref<128xi32, #tpu.memory_space<vmem>>
      %dma_start3A_259 = arith.constant 0 : i32
      %dma_start3A_260 = arith.constant 0 : i32
      %dma_start3A_261 = tpu.memref_slice %arg2[%dma_start3A_259, %dma_start3A_260] : memref<20480x128xf32, #tpu.memory_space<hbm>> -> memref<20480x128xf32, #tpu.memory_space<hbm>>
      tpu.enqueue_indirect_dma source(%dma_start3A_261 : memref<20480x128xf32, #tpu.memory_space<hbm>>) target(%arg9 : memref<128x128xf32, #tpu.memory_space<vmem>>) offsets(%dma_start3A_258 : memref<128xi32, #tpu.memory_space<vmem>>) semaphore(%arg12 : memref<!tpu.dma_semaphore, #tpu.memory_space<semaphore_mem>>)
      %add3A_262 = arith.constant 1 : i32
      %add3A_263 = arith.addi %mul3A_231, %add3A_262 : i32
      "tpu.region"() ({
        %run_scoped3A_264 = tpu.sem_alloc : memref<!tpu.dma_semaphore, #tpu.memory_space<semaphore_mem>>
        %dma_start3A_265 = arith.constant 0 : i32
        %dma_start3A_266 = tpu.memref_slice %arg8[%add3A_263, %dma_start3A_265] : memref<32x128xi32, #tpu.memory_space<vmem>> -> memref<1x128xi32, #tpu.memory_space<vmem>>
        %dma_start3A_267 = tpu.memref_squeeze %dma_start3A_266 : memref<1x128xi32, #tpu.memory_space<vmem>> -> memref<128xi32, #tpu.memory_space<vmem>>
        %dma_start3A_268 = arith.constant 0 : i32
        %dma_start3A_269 = arith.constant 0 : i32
        %dma_start3A_270 = tpu.memref_slice %arg11[%dma_start3A_268, %dma_start3A_269] : memref<10240x128xf32, #tpu.memory_space<vmem_shared>> -> memref<10240x128xf32, #tpu.memory_space<vmem_shared>>
        tpu.enqueue_indirect_dma source(%arg10 : memref<128x128xf32, #tpu.memory_space<vmem>>) target(%dma_start3A_270 : memref<10240x128xf32, #tpu.memory_space<vmem_shared>>) offsets(%dma_start3A_267 : memref<128xi32, #tpu.memory_space<vmem>>) semaphore(%run_scoped3A_264 : memref<!tpu.dma_semaphore, #tpu.memory_space<semaphore_mem>>) {add = true}
        %dma_wait3A_271 = arith.constant 0 : i32
        %dma_wait3A_272 = tpu.memref_slice %arg8[%add3A_263, %dma_wait3A_271] : memref<32x128xi32, #tpu.memory_space<vmem>> -> memref<1x128xi32, #tpu.memory_space<vmem>>
        %dma_wait3A_273 = tpu.memref_squeeze %dma_wait3A_272 : memref<1x128xi32, #tpu.memory_space<vmem>> -> memref<128xi32, #tpu.memory_space<vmem>>
        %dma_wait3A_274 = arith.constant 0 : i32
        %dma_wait3A_275 = arith.constant 0 : i32
        %dma_wait3A_276 = tpu.memref_slice %arg11[%dma_wait3A_274, %dma_wait3A_275] : memref<10240x128xf32, #tpu.memory_space<vmem_shared>> -> memref<10240x128xf32, #tpu.memory_space<vmem_shared>>
        tpu.wait_indirect_dma semaphore(%run_scoped3A_264 : memref<!tpu.dma_semaphore, #tpu.memory_space<semaphore_mem>>) src(%arg10 : memref<128x128xf32, #tpu.memory_space<vmem>>) dst(%dma_wait3A_276 : memref<10240x128xf32, #tpu.memory_space<vmem_shared>>)
        tpu.yield
      }) : () -> ()
    }
    %scan3A_144 = arith.constant 15 : i32
    %dma_wait3A_145 = arith.constant 30 : i32
    %dma_wait3A_146 = arith.constant 0 : i32
    %dma_wait3A_147 = tpu.memref_slice %arg7[%dma_wait3A_145, %dma_wait3A_146] : memref<32x128xi32, #tpu.memory_space<vmem>> -> memref<1x128xi32, #tpu.memory_space<vmem>>
    %dma_wait3A_148 = tpu.memref_squeeze %dma_wait3A_147 : memref<1x128xi32, #tpu.memory_space<vmem>> -> memref<128xi32, #tpu.memory_space<vmem>>
    %dma_wait3A_149 = arith.constant 0 : i32
    %dma_wait3A_150 = arith.constant 0 : i32
    %dma_wait3A_151 = tpu.memref_slice %arg2[%dma_wait3A_149, %dma_wait3A_150] : memref<20480x128xf32, #tpu.memory_space<hbm>> -> memref<20480x128xf32, #tpu.memory_space<hbm>>
    tpu.wait_indirect_dma semaphore(%arg12 : memref<!tpu.dma_semaphore, #tpu.memory_space<semaphore_mem>>) src(%dma_wait3A_151 : memref<20480x128xf32, #tpu.memory_space<hbm>>) dst(%arg9 : memref<128x128xf32, #tpu.memory_space<vmem>>)
    %dma_start3A_152 = arith.constant 31 : i32
    %dma_start3A_153 = arith.constant 0 : i32
    %dma_start3A_154 = tpu.memref_slice %arg7[%dma_start3A_152, %dma_start3A_153] : memref<32x128xi32, #tpu.memory_space<vmem>> -> memref<1x128xi32, #tpu.memory_space<vmem>>
    %dma_start3A_155 = tpu.memref_squeeze %dma_start3A_154 : memref<1x128xi32, #tpu.memory_space<vmem>> -> memref<128xi32, #tpu.memory_space<vmem>>
    %dma_start3A_156 = arith.constant 0 : i32
    %dma_start3A_157 = arith.constant 0 : i32
    %dma_start3A_158 = tpu.memref_slice %arg2[%dma_start3A_156, %dma_start3A_157] : memref<20480x128xf32, #tpu.memory_space<hbm>> -> memref<20480x128xf32, #tpu.memory_space<hbm>>
    tpu.enqueue_indirect_dma source(%dma_start3A_158 : memref<20480x128xf32, #tpu.memory_space<hbm>>) target(%arg10 : memref<128x128xf32, #tpu.memory_space<vmem>>) offsets(%dma_start3A_155 : memref<128xi32, #tpu.memory_space<vmem>>) semaphore(%arg13 : memref<!tpu.dma_semaphore, #tpu.memory_space<semaphore_mem>>)
    %run_scoped3A_159 = arith.constant 30 : i32
    "tpu.region"() ({
      %run_scoped3A_229 = tpu.sem_alloc : memref<!tpu.dma_semaphore, #tpu.memory_space<semaphore_mem>>
      %dma_start3A_230 = arith.constant 0 : i32
      %dma_start3A_231 = tpu.memref_slice %arg8[%run_scoped3A_159, %dma_start3A_230] : memref<32x128xi32, #tpu.memory_space<vmem>> -> memref<1x128xi32, #tpu.memory_space<vmem>>
      %dma_start3A_232 = tpu.memref_squeeze %dma_start3A_231 : memref<1x128xi32, #tpu.memory_space<vmem>> -> memref<128xi32, #tpu.memory_space<vmem>>
      %dma_start3A_233 = arith.constant 0 : i32
      %dma_start3A_234 = arith.constant 0 : i32
      %dma_start3A_235 = tpu.memref_slice %arg11[%dma_start3A_233, %dma_start3A_234] : memref<10240x128xf32, #tpu.memory_space<vmem_shared>> -> memref<10240x128xf32, #tpu.memory_space<vmem_shared>>
      tpu.enqueue_indirect_dma source(%arg9 : memref<128x128xf32, #tpu.memory_space<vmem>>) target(%dma_start3A_235 : memref<10240x128xf32, #tpu.memory_space<vmem_shared>>) offsets(%dma_start3A_232 : memref<128xi32, #tpu.memory_space<vmem>>) semaphore(%run_scoped3A_229 : memref<!tpu.dma_semaphore, #tpu.memory_space<semaphore_mem>>) {add = true}
      %dma_wait3A_236 = arith.constant 0 : i32
      %dma_wait3A_237 = tpu.memref_slice %arg8[%run_scoped3A_159, %dma_wait3A_236] : memref<32x128xi32, #tpu.memory_space<vmem>> -> memref<1x128xi32, #tpu.memory_space<vmem>>
      %dma_wait3A_238 = tpu.memref_squeeze %dma_wait3A_237 : memref<1x128xi32, #tpu.memory_space<vmem>> -> memref<128xi32, #tpu.memory_space<vmem>>
      %dma_wait3A_239 = arith.constant 0 : i32
      %dma_wait3A_240 = arith.constant 0 : i32
      %dma_wait3A_241 = tpu.memref_slice %arg11[%dma_wait3A_239, %dma_wait3A_240] : memref<10240x128xf32, #tpu.memory_space<vmem_shared>> -> memref<10240x128xf32, #tpu.memory_space<vmem_shared>>
      tpu.wait_indirect_dma semaphore(%run_scoped3A_229 : memref<!tpu.dma_semaphore, #tpu.memory_space<semaphore_mem>>) src(%arg9 : memref<128x128xf32, #tpu.memory_space<vmem>>) dst(%dma_wait3A_241 : memref<10240x128xf32, #tpu.memory_space<vmem_shared>>)
      tpu.yield
    }) : () -> ()
    %dma_wait3A_160 = arith.constant 31 : i32
    %dma_wait3A_161 = arith.constant 0 : i32
    %dma_wait3A_162 = tpu.memref_slice %arg7[%dma_wait3A_160, %dma_wait3A_161] : memref<32x128xi32, #tpu.memory_space<vmem>> -> memref<1x128xi32, #tpu.memory_space<vmem>>
    %dma_wait3A_163 = tpu.memref_squeeze %dma_wait3A_162 : memref<1x128xi32, #tpu.memory_space<vmem>> -> memref<128xi32, #tpu.memory_space<vmem>>
    %dma_wait3A_164 = arith.constant 0 : i32
    %dma_wait3A_165 = arith.constant 0 : i32
    %dma_wait3A_166 = tpu.memref_slice %arg2[%dma_wait3A_164, %dma_wait3A_165] : memref<20480x128xf32, #tpu.memory_space<hbm>> -> memref<20480x128xf32, #tpu.memory_space<hbm>>
    tpu.wait_indirect_dma semaphore(%arg13 : memref<!tpu.dma_semaphore, #tpu.memory_space<semaphore_mem>>) src(%dma_wait3A_166 : memref<20480x128xf32, #tpu.memory_space<hbm>>) dst(%arg10 : memref<128x128xf32, #tpu.memory_space<vmem>>)
    %run_scoped3A_167 = arith.constant 31 : i32
    "tpu.region"() ({
      %run_scoped3A_229 = tpu.sem_alloc : memref<!tpu.dma_semaphore, #tpu.memory_space<semaphore_mem>>
      %dma_start3A_230 = arith.constant 0 : i32
      %dma_start3A_231 = tpu.memref_slice %arg8[%run_scoped3A_167, %dma_start3A_230] : memref<32x128xi32, #tpu.memory_space<vmem>> -> memref<1x128xi32, #tpu.memory_space<vmem>>
      %dma_start3A_232 = tpu.memref_squeeze %dma_start3A_231 : memref<1x128xi32, #tpu.memory_space<vmem>> -> memref<128xi32, #tpu.memory_space<vmem>>
      %dma_start3A_233 = arith.constant 0 : i32
      %dma_start3A_234 = arith.constant 0 : i32
      %dma_start3A_235 = tpu.memref_slice %arg11[%dma_start3A_233, %dma_start3A_234] : memref<10240x128xf32, #tpu.memory_space<vmem_shared>> -> memref<10240x128xf32, #tpu.memory_space<vmem_shared>>
      tpu.enqueue_indirect_dma source(%arg10 : memref<128x128xf32, #tpu.memory_space<vmem>>) target(%dma_start3A_235 : memref<10240x128xf32, #tpu.memory_space<vmem_shared>>) offsets(%dma_start3A_232 : memref<128xi32, #tpu.memory_space<vmem>>) semaphore(%run_scoped3A_229 : memref<!tpu.dma_semaphore, #tpu.memory_space<semaphore_mem>>) {add = true}
      %dma_wait3A_236 = arith.constant 0 : i32
      %dma_wait3A_237 = tpu.memref_slice %arg8[%run_scoped3A_167, %dma_wait3A_236] : memref<32x128xi32, #tpu.memory_space<vmem>> -> memref<1x128xi32, #tpu.memory_space<vmem>>
      %dma_wait3A_238 = tpu.memref_squeeze %dma_wait3A_237 : memref<1x128xi32, #tpu.memory_space<vmem>> -> memref<128xi32, #tpu.memory_space<vmem>>
      %dma_wait3A_239 = arith.constant 0 : i32
      %dma_wait3A_240 = arith.constant 0 : i32
      %dma_wait3A_241 = tpu.memref_slice %arg11[%dma_wait3A_239, %dma_wait3A_240] : memref<10240x128xf32, #tpu.memory_space<vmem_shared>> -> memref<10240x128xf32, #tpu.memory_space<vmem_shared>>
      tpu.wait_indirect_dma semaphore(%run_scoped3A_229 : memref<!tpu.dma_semaphore, #tpu.memory_space<semaphore_mem>>) src(%arg10 : memref<128x128xf32, #tpu.memory_space<vmem>>) dst(%dma_wait3A_241 : memref<10240x128xf32, #tpu.memory_space<vmem_shared>>)
      tpu.yield
    }) : () -> ()
    %add3A_168 = arith.constant 128 : i32
    %add3A_169 = arith.addi %mul3A_2, %add3A_168 : i32
    "tpu.region"() ({
      %run_scoped3A_229 = tpu.sem_alloc : memref<!tpu.dma_semaphore, #tpu.memory_space<semaphore_mem>>
      %dma_start3A_230 = arith.constant 0 : i32
      %dma_start3A_231 = arith.constant 0 : i32
      %dma_start3A_232 = tpu.memref_slice %arg3[%arg0, %dma_start3A_230, %dma_start3A_231] : memref<2x2560x128xi32, #tpu.memory_space<hbm>> -> memref<1x2560x128xi32, #tpu.memory_space<hbm>>
      %dma_start3A_233 = tpu.memref_squeeze %dma_start3A_232 : memref<1x2560x128xi32, #tpu.memory_space<hbm>> -> memref<2560x128xi32, #tpu.memory_space<hbm>>
      %dma_start3A_234 = arith.constant 0 : i32
      %dma_start3A_235 = tpu.memref_slice %dma_start3A_233[%add3A_169, %dma_start3A_234] : memref<2560x128xi32, #tpu.memory_space<hbm>> -> memref<32x128xi32, #tpu.memory_space<hbm>>
      %dma_start3A_236 = arith.constant 0 : i32
      %dma_start3A_237 = arith.constant 0 : i32
      %dma_start3A_238 = tpu.memref_slice %arg3[%arg0, %dma_start3A_236, %dma_start3A_237] : memref<2x2560x128xi32, #tpu.memory_space<hbm>> -> memref<1x2560x128xi32, #tpu.memory_space<hbm>>
      %dma_start3A_239 = tpu.memref_squeeze %dma_start3A_238 : memref<1x2560x128xi32, #tpu.memory_space<hbm>> -> memref<2560x128xi32, #tpu.memory_space<hbm>>
      %dma_start3A_240 = arith.constant 0 : i32
      %dma_start3A_241 = tpu.memref_slice %dma_start3A_239[%add3A_169, %dma_start3A_240] : memref<2560x128xi32, #tpu.memory_space<hbm>> -> memref<32x128xi32, #tpu.memory_space<hbm>>
      tpu.enqueue_dma source(%dma_start3A_241 : memref<32x128xi32, #tpu.memory_space<hbm>>) target(%arg7 : memref<32x128xi32, #tpu.memory_space<vmem>>) target_semaphore(%run_scoped3A_229 : memref<!tpu.dma_semaphore, #tpu.memory_space<semaphore_mem>>)
      %dma_wait3A_242 = arith.constant 0 : i32
      %dma_wait3A_243 = arith.constant 0 : i32
      %dma_wait3A_244 = tpu.memref_slice %arg3[%arg0, %dma_wait3A_242, %dma_wait3A_243] : memref<2x2560x128xi32, #tpu.memory_space<hbm>> -> memref<1x2560x128xi32, #tpu.memory_space<hbm>>
      %dma_wait3A_245 = tpu.memref_squeeze %dma_wait3A_244 : memref<1x2560x128xi32, #tpu.memory_space<hbm>> -> memref<2560x128xi32, #tpu.memory_space<hbm>>
      %dma_wait3A_246 = arith.constant 0 : i32
      %dma_wait3A_247 = tpu.memref_slice %dma_wait3A_245[%add3A_169, %dma_wait3A_246] : memref<2560x128xi32, #tpu.memory_space<hbm>> -> memref<32x128xi32, #tpu.memory_space<hbm>>
      %dma_wait3A_248 = arith.constant 0 : i32
      %dma_wait3A_249 = arith.constant 0 : i32
      %dma_wait3A_250 = tpu.memref_slice %arg3[%arg0, %dma_wait3A_248, %dma_wait3A_249] : memref<2x2560x128xi32, #tpu.memory_space<hbm>> -> memref<1x2560x128xi32, #tpu.memory_space<hbm>>
      %dma_wait3A_251 = tpu.memref_squeeze %dma_wait3A_250 : memref<1x2560x128xi32, #tpu.memory_space<hbm>> -> memref<2560x128xi32, #tpu.memory_space<hbm>>
      %dma_wait3A_252 = arith.constant 0 : i32
      %dma_wait3A_253 = tpu.memref_slice %dma_wait3A_251[%add3A_169, %dma_wait3A_252] : memref<2560x128xi32, #tpu.memory_space<hbm>> -> memref<32x128xi32, #tpu.memory_space<hbm>>
      tpu.wait_dma2 semaphore(%run_scoped3A_229 : memref<!tpu.dma_semaphore, #tpu.memory_space<semaphore_mem>>) src(%dma_wait3A_253 : memref<32x128xi32, #tpu.memory_space<hbm>>) dst(%arg7 : memref<32x128xi32, #tpu.memory_space<vmem>>)
      tpu.yield
    }) : () -> ()
    %add3A_170 = arith.constant 128 : i32
    %add3A_171 = arith.addi %mul3A_2, %add3A_170 : i32
    "tpu.region"() ({
      %run_scoped3A_229 = tpu.sem_alloc : memref<!tpu.dma_semaphore, #tpu.memory_space<semaphore_mem>>
      %dma_start3A_230 = arith.constant 0 : i32
      %dma_start3A_231 = arith.constant 0 : i32
      %dma_start3A_232 = tpu.memref_slice %arg4[%arg0, %dma_start3A_230, %dma_start3A_231] : memref<2x2560x128xi32, #tpu.memory_space<hbm>> -> memref<1x2560x128xi32, #tpu.memory_space<hbm>>
      %dma_start3A_233 = tpu.memref_squeeze %dma_start3A_232 : memref<1x2560x128xi32, #tpu.memory_space<hbm>> -> memref<2560x128xi32, #tpu.memory_space<hbm>>
      %dma_start3A_234 = arith.constant 0 : i32
      %dma_start3A_235 = tpu.memref_slice %dma_start3A_233[%add3A_171, %dma_start3A_234] : memref<2560x128xi32, #tpu.memory_space<hbm>> -> memref<32x128xi32, #tpu.memory_space<hbm>>
      %dma_start3A_236 = arith.constant 0 : i32
      %dma_start3A_237 = arith.constant 0 : i32
      %dma_start3A_238 = tpu.memref_slice %arg4[%arg0, %dma_start3A_236, %dma_start3A_237] : memref<2x2560x128xi32, #tpu.memory_space<hbm>> -> memref<1x2560x128xi32, #tpu.memory_space<hbm>>
      %dma_start3A_239 = tpu.memref_squeeze %dma_start3A_238 : memref<1x2560x128xi32, #tpu.memory_space<hbm>> -> memref<2560x128xi32, #tpu.memory_space<hbm>>
      %dma_start3A_240 = arith.constant 0 : i32
      %dma_start3A_241 = tpu.memref_slice %dma_start3A_239[%add3A_171, %dma_start3A_240] : memref<2560x128xi32, #tpu.memory_space<hbm>> -> memref<32x128xi32, #tpu.memory_space<hbm>>
      tpu.enqueue_dma source(%dma_start3A_241 : memref<32x128xi32, #tpu.memory_space<hbm>>) target(%arg8 : memref<32x128xi32, #tpu.memory_space<vmem>>) target_semaphore(%run_scoped3A_229 : memref<!tpu.dma_semaphore, #tpu.memory_space<semaphore_mem>>)
      %dma_wait3A_242 = arith.constant 0 : i32
      %dma_wait3A_243 = arith.constant 0 : i32
      %dma_wait3A_244 = tpu.memref_slice %arg4[%arg0, %dma_wait3A_242, %dma_wait3A_243] : memref<2x2560x128xi32, #tpu.memory_space<hbm>> -> memref<1x2560x128xi32, #tpu.memory_space<hbm>>
      %dma_wait3A_245 = tpu.memref_squeeze %dma_wait3A_244 : memref<1x2560x128xi32, #tpu.memory_space<hbm>> -> memref<2560x128xi32, #tpu.memory_space<hbm>>
      %dma_wait3A_246 = arith.constant 0 : i32
      %dma_wait3A_247 = tpu.memref_slice %dma_wait3A_245[%add3A_171, %dma_wait3A_246] : memref<2560x128xi32, #tpu.memory_space<hbm>> -> memref<32x128xi32, #tpu.memory_space<hbm>>
      %dma_wait3A_248 = arith.constant 0 : i32
      %dma_wait3A_249 = arith.constant 0 : i32
      %dma_wait3A_250 = tpu.memref_slice %arg4[%arg0, %dma_wait3A_248, %dma_wait3A_249] : memref<2x2560x128xi32, #tpu.memory_space<hbm>> -> memref<1x2560x128xi32, #tpu.memory_space<hbm>>
      %dma_wait3A_251 = tpu.memref_squeeze %dma_wait3A_250 : memref<1x2560x128xi32, #tpu.memory_space<hbm>> -> memref<2560x128xi32, #tpu.memory_space<hbm>>
      %dma_wait3A_252 = arith.constant 0 : i32
      %dma_wait3A_253 = tpu.memref_slice %dma_wait3A_251[%add3A_171, %dma_wait3A_252] : memref<2560x128xi32, #tpu.memory_space<hbm>> -> memref<32x128xi32, #tpu.memory_space<hbm>>
      tpu.wait_dma2 semaphore(%run_scoped3A_229 : memref<!tpu.dma_semaphore, #tpu.memory_space<semaphore_mem>>) src(%dma_wait3A_253 : memref<32x128xi32, #tpu.memory_space<hbm>>) dst(%arg8 : memref<32x128xi32, #tpu.memory_space<vmem>>)
      tpu.yield
    }) : () -> ()
    %dma_start3A_172 = arith.constant 0 : i32
    %dma_start3A_173 = arith.constant 0 : i32
    %dma_start3A_174 = tpu.memref_slice %arg7[%dma_start3A_172, %dma_start3A_173] : memref<32x128xi32, #tpu.memory_space<vmem>> -> memref<1x128xi32, #tpu.memory_space<vmem>>
    %dma_start3A_175 = tpu.memref_squeeze %dma_start3A_174 : memref<1x128xi32, #tpu.memory_space<vmem>> -> memref<128xi32, #tpu.memory_space<vmem>>
    %dma_start3A_176 = arith.constant 0 : i32
    %dma_start3A_177 = arith.constant 0 : i32
    %dma_start3A_178 = tpu.memref_slice %arg2[%dma_start3A_176, %dma_start3A_177] : memref<20480x128xf32, #tpu.memory_space<hbm>> -> memref<20480x128xf32, #tpu.memory_space<hbm>>
    tpu.enqueue_indirect_dma source(%dma_start3A_178 : memref<20480x128xf32, #tpu.memory_space<hbm>>) target(%arg9 : memref<128x128xf32, #tpu.memory_space<vmem>>) offsets(%dma_start3A_175 : memref<128xi32, #tpu.memory_space<vmem>>) semaphore(%arg12 : memref<!tpu.dma_semaphore, #tpu.memory_space<semaphore_mem>>)
    %scan3A_179 = arith.constant 0 : i32
    %scan3A_180 = arith.constant 0 : i32
    %scan3A_181 = arith.constant 15 : i32
    %scan3A_182 = arith.addi %scan3A_180, %scan3A_181 : i32
    %scan3A_183 = arith.constant 1 : i32
    scf.for %scan3A_229 = %scan3A_180 to %scan3A_182 step %scan3A_183  : i32 {
      %mul3A_230 = arith.constant 2 : i32
      %mul3A_231 = arith.muli %mul3A_230, %scan3A_229 : i32
      %dma_wait3A_232 = arith.constant 0 : i32
      %dma_wait3A_233 = tpu.memref_slice %arg7[%mul3A_231, %dma_wait3A_232] : memref<32x128xi32, #tpu.memory_space<vmem>> -> memref<1x128xi32, #tpu.memory_space<vmem>>
      %dma_wait3A_234 = tpu.memref_squeeze %dma_wait3A_233 : memref<1x128xi32, #tpu.memory_space<vmem>> -> memref<128xi32, #tpu.memory_space<vmem>>
      %dma_wait3A_235 = arith.constant 0 : i32
      %dma_wait3A_236 = arith.constant 0 : i32
      %dma_wait3A_237 = tpu.memref_slice %arg2[%dma_wait3A_235, %dma_wait3A_236] : memref<20480x128xf32, #tpu.memory_space<hbm>> -> memref<20480x128xf32, #tpu.memory_space<hbm>>
      tpu.wait_indirect_dma semaphore(%arg12 : memref<!tpu.dma_semaphore, #tpu.memory_space<semaphore_mem>>) src(%dma_wait3A_237 : memref<20480x128xf32, #tpu.memory_space<hbm>>) dst(%arg9 : memref<128x128xf32, #tpu.memory_space<vmem>>)
      %add3A_238 = arith.constant 1 : i32
      %add3A_239 = arith.addi %mul3A_231, %add3A_238 : i32
      %dma_start3A_240 = arith.constant 0 : i32
      %dma_start3A_241 = tpu.memref_slice %arg7[%add3A_239, %dma_start3A_240] : memref<32x128xi32, #tpu.memory_space<vmem>> -> memref<1x128xi32, #tpu.memory_space<vmem>>
      %dma_start3A_242 = tpu.memref_squeeze %dma_start3A_241 : memref<1x128xi32, #tpu.memory_space<vmem>> -> memref<128xi32, #tpu.memory_space<vmem>>
      %dma_start3A_243 = arith.constant 0 : i32
      %dma_start3A_244 = arith.constant 0 : i32
      %dma_start3A_245 = tpu.memref_slice %arg2[%dma_start3A_243, %dma_start3A_244] : memref<20480x128xf32, #tpu.memory_space<hbm>> -> memref<20480x128xf32, #tpu.memory_space<hbm>>
      tpu.enqueue_indirect_dma source(%dma_start3A_245 : memref<20480x128xf32, #tpu.memory_space<hbm>>) target(%arg10 : memref<128x128xf32, #tpu.memory_space<vmem>>) offsets(%dma_start3A_242 : memref<128xi32, #tpu.memory_space<vmem>>) semaphore(%arg13 : memref<!tpu.dma_semaphore, #tpu.memory_space<semaphore_mem>>)
      "tpu.region"() ({
        %run_scoped3A_264 = tpu.sem_alloc : memref<!tpu.dma_semaphore, #tpu.memory_space<semaphore_mem>>
        %dma_start3A_265 = arith.constant 0 : i32
        %dma_start3A_266 = tpu.memref_slice %arg8[%mul3A_231, %dma_start3A_265] : memref<32x128xi32, #tpu.memory_space<vmem>> -> memref<1x128xi32, #tpu.memory_space<vmem>>
        %dma_start3A_267 = tpu.memref_squeeze %dma_start3A_266 : memref<1x128xi32, #tpu.memory_space<vmem>> -> memref<128xi32, #tpu.memory_space<vmem>>
        %dma_start3A_268 = arith.constant 0 : i32
        %dma_start3A_269 = arith.constant 0 : i32
        %dma_start3A_270 = tpu.memref_slice %arg11[%dma_start3A_268, %dma_start3A_269] : memref<10240x128xf32, #tpu.memory_space<vmem_shared>> -> memref<10240x128xf32, #tpu.memory_space<vmem_shared>>
        tpu.enqueue_indirect_dma source(%arg9 : memref<128x128xf32, #tpu.memory_space<vmem>>) target(%dma_start3A_270 : memref<10240x128xf32, #tpu.memory_space<vmem_shared>>) offsets(%dma_start3A_267 : memref<128xi32, #tpu.memory_space<vmem>>) semaphore(%run_scoped3A_264 : memref<!tpu.dma_semaphore, #tpu.memory_space<semaphore_mem>>) {add = true}
        %dma_wait3A_271 = arith.constant 0 : i32
        %dma_wait3A_272 = tpu.memref_slice %arg8[%mul3A_231, %dma_wait3A_271] : memref<32x128xi32, #tpu.memory_space<vmem>> -> memref<1x128xi32, #tpu.memory_space<vmem>>
        %dma_wait3A_273 = tpu.memref_squeeze %dma_wait3A_272 : memref<1x128xi32, #tpu.memory_space<vmem>> -> memref<128xi32, #tpu.memory_space<vmem>>
        %dma_wait3A_274 = arith.constant 0 : i32
        %dma_wait3A_275 = arith.constant 0 : i32
        %dma_wait3A_276 = tpu.memref_slice %arg11[%dma_wait3A_274, %dma_wait3A_275] : memref<10240x128xf32, #tpu.memory_space<vmem_shared>> -> memref<10240x128xf32, #tpu.memory_space<vmem_shared>>
        tpu.wait_indirect_dma semaphore(%run_scoped3A_264 : memref<!tpu.dma_semaphore, #tpu.memory_space<semaphore_mem>>) src(%arg9 : memref<128x128xf32, #tpu.memory_space<vmem>>) dst(%dma_wait3A_276 : memref<10240x128xf32, #tpu.memory_space<vmem_shared>>)
        tpu.yield
      }) : () -> ()
      %add3A_246 = arith.constant 1 : i32
      %add3A_247 = arith.addi %mul3A_231, %add3A_246 : i32
      %dma_wait3A_248 = arith.constant 0 : i32
      %dma_wait3A_249 = tpu.memref_slice %arg7[%add3A_247, %dma_wait3A_248] : memref<32x128xi32, #tpu.memory_space<vmem>> -> memref<1x128xi32, #tpu.memory_space<vmem>>
      %dma_wait3A_250 = tpu.memref_squeeze %dma_wait3A_249 : memref<1x128xi32, #tpu.memory_space<vmem>> -> memref<128xi32, #tpu.memory_space<vmem>>
      %dma_wait3A_251 = arith.constant 0 : i32
      %dma_wait3A_252 = arith.constant 0 : i32
      %dma_wait3A_253 = tpu.memref_slice %arg2[%dma_wait3A_251, %dma_wait3A_252] : memref<20480x128xf32, #tpu.memory_space<hbm>> -> memref<20480x128xf32, #tpu.memory_space<hbm>>
      tpu.wait_indirect_dma semaphore(%arg13 : memref<!tpu.dma_semaphore, #tpu.memory_space<semaphore_mem>>) src(%dma_wait3A_253 : memref<20480x128xf32, #tpu.memory_space<hbm>>) dst(%arg10 : memref<128x128xf32, #tpu.memory_space<vmem>>)
      %add3A_254 = arith.constant 2 : i32
      %add3A_255 = arith.addi %mul3A_231, %add3A_254 : i32
      %dma_start3A_256 = arith.constant 0 : i32
      %dma_start3A_257 = tpu.memref_slice %arg7[%add3A_255, %dma_start3A_256] : memref<32x128xi32, #tpu.memory_space<vmem>> -> memref<1x128xi32, #tpu.memory_space<vmem>>
      %dma_start3A_258 = tpu.memref_squeeze %dma_start3A_257 : memref<1x128xi32, #tpu.memory_space<vmem>> -> memref<128xi32, #tpu.memory_space<vmem>>
      %dma_start3A_259 = arith.constant 0 : i32
      %dma_start3A_260 = arith.constant 0 : i32
      %dma_start3A_261 = tpu.memref_slice %arg2[%dma_start3A_259, %dma_start3A_260] : memref<20480x128xf32, #tpu.memory_space<hbm>> -> memref<20480x128xf32, #tpu.memory_space<hbm>>
      tpu.enqueue_indirect_dma source(%dma_start3A_261 : memref<20480x128xf32, #tpu.memory_space<hbm>>) target(%arg9 : memref<128x128xf32, #tpu.memory_space<vmem>>) offsets(%dma_start3A_258 : memref<128xi32, #tpu.memory_space<vmem>>) semaphore(%arg12 : memref<!tpu.dma_semaphore, #tpu.memory_space<semaphore_mem>>)
      %add3A_262 = arith.constant 1 : i32
      %add3A_263 = arith.addi %mul3A_231, %add3A_262 : i32
      "tpu.region"() ({
        %run_scoped3A_264 = tpu.sem_alloc : memref<!tpu.dma_semaphore, #tpu.memory_space<semaphore_mem>>
        %dma_start3A_265 = arith.constant 0 : i32
        %dma_start3A_266 = tpu.memref_slice %arg8[%add3A_263, %dma_start3A_265] : memref<32x128xi32, #tpu.memory_space<vmem>> -> memref<1x128xi32, #tpu.memory_space<vmem>>
        %dma_start3A_267 = tpu.memref_squeeze %dma_start3A_266 : memref<1x128xi32, #tpu.memory_space<vmem>> -> memref<128xi32, #tpu.memory_space<vmem>>
        %dma_start3A_268 = arith.constant 0 : i32
        %dma_start3A_269 = arith.constant 0 : i32
        %dma_start3A_270 = tpu.memref_slice %arg11[%dma_start3A_268, %dma_start3A_269] : memref<10240x128xf32, #tpu.memory_space<vmem_shared>> -> memref<10240x128xf32, #tpu.memory_space<vmem_shared>>
        tpu.enqueue_indirect_dma source(%arg10 : memref<128x128xf32, #tpu.memory_space<vmem>>) target(%dma_start3A_270 : memref<10240x128xf32, #tpu.memory_space<vmem_shared>>) offsets(%dma_start3A_267 : memref<128xi32, #tpu.memory_space<vmem>>) semaphore(%run_scoped3A_264 : memref<!tpu.dma_semaphore, #tpu.memory_space<semaphore_mem>>) {add = true}
        %dma_wait3A_271 = arith.constant 0 : i32
        %dma_wait3A_272 = tpu.memref_slice %arg8[%add3A_263, %dma_wait3A_271] : memref<32x128xi32, #tpu.memory_space<vmem>> -> memref<1x128xi32, #tpu.memory_space<vmem>>
        %dma_wait3A_273 = tpu.memref_squeeze %dma_wait3A_272 : memref<1x128xi32, #tpu.memory_space<vmem>> -> memref<128xi32, #tpu.memory_space<vmem>>
        %dma_wait3A_274 = arith.constant 0 : i32
        %dma_wait3A_275 = arith.constant 0 : i32
        %dma_wait3A_276 = tpu.memref_slice %arg11[%dma_wait3A_274, %dma_wait3A_275] : memref<10240x128xf32, #tpu.memory_space<vmem_shared>> -> memref<10240x128xf32, #tpu.memory_space<vmem_shared>>
        tpu.wait_indirect_dma semaphore(%run_scoped3A_264 : memref<!tpu.dma_semaphore, #tpu.memory_space<semaphore_mem>>) src(%arg10 : memref<128x128xf32, #tpu.memory_space<vmem>>) dst(%dma_wait3A_276 : memref<10240x128xf32, #tpu.memory_space<vmem_shared>>)
        tpu.yield
      }) : () -> ()
    }
    %scan3A_184 = arith.constant 15 : i32
    %dma_wait3A_185 = arith.constant 30 : i32
    %dma_wait3A_186 = arith.constant 0 : i32
    %dma_wait3A_187 = tpu.memref_slice %arg7[%dma_wait3A_185, %dma_wait3A_186] : memref<32x128xi32, #tpu.memory_space<vmem>> -> memref<1x128xi32, #tpu.memory_space<vmem>>
    %dma_wait3A_188 = tpu.memref_squeeze %dma_wait3A_187 : memref<1x128xi32, #tpu.memory_space<vmem>> -> memref<128xi32, #tpu.memory_space<vmem>>
    %dma_wait3A_189 = arith.constant 0 : i32
    %dma_wait3A_190 = arith.constant 0 : i32
    %dma_wait3A_191 = tpu.memref_slice %arg2[%dma_wait3A_189, %dma_wait3A_190] : memref<20480x128xf32, #tpu.memory_space<hbm>> -> memref<20480x128xf32, #tpu.memory_space<hbm>>
    tpu.wait_indirect_dma semaphore(%arg12 : memref<!tpu.dma_semaphore, #tpu.memory_space<semaphore_mem>>) src(%dma_wait3A_191 : memref<20480x128xf32, #tpu.memory_space<hbm>>) dst(%arg9 : memref<128x128xf32, #tpu.memory_space<vmem>>)
    %dma_start3A_192 = arith.constant 31 : i32
    %dma_start3A_193 = arith.constant 0 : i32
    %dma_start3A_194 = tpu.memref_slice %arg7[%dma_start3A_192, %dma_start3A_193] : memref<32x128xi32, #tpu.memory_space<vmem>> -> memref<1x128xi32, #tpu.memory_space<vmem>>
    %dma_start3A_195 = tpu.memref_squeeze %dma_start3A_194 : memref<1x128xi32, #tpu.memory_space<vmem>> -> memref<128xi32, #tpu.memory_space<vmem>>
    %dma_start3A_196 = arith.constant 0 : i32
    %dma_start3A_197 = arith.constant 0 : i32
    %dma_start3A_198 = tpu.memref_slice %arg2[%dma_start3A_196, %dma_start3A_197] : memref<20480x128xf32, #tpu.memory_space<hbm>> -> memref<20480x128xf32, #tpu.memory_space<hbm>>
    tpu.enqueue_indirect_dma source(%dma_start3A_198 : memref<20480x128xf32, #tpu.memory_space<hbm>>) target(%arg10 : memref<128x128xf32, #tpu.memory_space<vmem>>) offsets(%dma_start3A_195 : memref<128xi32, #tpu.memory_space<vmem>>) semaphore(%arg13 : memref<!tpu.dma_semaphore, #tpu.memory_space<semaphore_mem>>)
    %run_scoped3A_199 = arith.constant 30 : i32
    "tpu.region"() ({
      %run_scoped3A_229 = tpu.sem_alloc : memref<!tpu.dma_semaphore, #tpu.memory_space<semaphore_mem>>
      %dma_start3A_230 = arith.constant 0 : i32
      %dma_start3A_231 = tpu.memref_slice %arg8[%run_scoped3A_199, %dma_start3A_230] : memref<32x128xi32, #tpu.memory_space<vmem>> -> memref<1x128xi32, #tpu.memory_space<vmem>>
      %dma_start3A_232 = tpu.memref_squeeze %dma_start3A_231 : memref<1x128xi32, #tpu.memory_space<vmem>> -> memref<128xi32, #tpu.memory_space<vmem>>
      %dma_start3A_233 = arith.constant 0 : i32
      %dma_start3A_234 = arith.constant 0 : i32
      %dma_start3A_235 = tpu.memref_slice %arg11[%dma_start3A_233, %dma_start3A_234] : memref<10240x128xf32, #tpu.memory_space<vmem_shared>> -> memref<10240x128xf32, #tpu.memory_space<vmem_shared>>
      tpu.enqueue_indirect_dma source(%arg9 : memref<128x128xf32, #tpu.memory_space<vmem>>) target(%dma_start3A_235 : memref<10240x128xf32, #tpu.memory_space<vmem_shared>>) offsets(%dma_start3A_232 : memref<128xi32, #tpu.memory_space<vmem>>) semaphore(%run_scoped3A_229 : memref<!tpu.dma_semaphore, #tpu.memory_space<semaphore_mem>>) {add = true}
      %dma_wait3A_236 = arith.constant 0 : i32
      %dma_wait3A_237 = tpu.memref_slice %arg8[%run_scoped3A_199, %dma_wait3A_236] : memref<32x128xi32, #tpu.memory_space<vmem>> -> memref<1x128xi32, #tpu.memory_space<vmem>>
      %dma_wait3A_238 = tpu.memref_squeeze %dma_wait3A_237 : memref<1x128xi32, #tpu.memory_space<vmem>> -> memref<128xi32, #tpu.memory_space<vmem>>
      %dma_wait3A_239 = arith.constant 0 : i32
      %dma_wait3A_240 = arith.constant 0 : i32
      %dma_wait3A_241 = tpu.memref_slice %arg11[%dma_wait3A_239, %dma_wait3A_240] : memref<10240x128xf32, #tpu.memory_space<vmem_shared>> -> memref<10240x128xf32, #tpu.memory_space<vmem_shared>>
      tpu.wait_indirect_dma semaphore(%run_scoped3A_229 : memref<!tpu.dma_semaphore, #tpu.memory_space<semaphore_mem>>) src(%arg9 : memref<128x128xf32, #tpu.memory_space<vmem>>) dst(%dma_wait3A_241 : memref<10240x128xf32, #tpu.memory_space<vmem_shared>>)
      tpu.yield
    }) : () -> ()
    %dma_wait3A_200 = arith.constant 31 : i32
    %dma_wait3A_201 = arith.constant 0 : i32
    %dma_wait3A_202 = tpu.memref_slice %arg7[%dma_wait3A_200, %dma_wait3A_201] : memref<32x128xi32, #tpu.memory_space<vmem>> -> memref<1x128xi32, #tpu.memory_space<vmem>>
    %dma_wait3A_203 = tpu.memref_squeeze %dma_wait3A_202 : memref<1x128xi32, #tpu.memory_space<vmem>> -> memref<128xi32, #tpu.memory_space<vmem>>
    %dma_wait3A_204 = arith.constant 0 : i32
    %dma_wait3A_205 = arith.constant 0 : i32
    %dma_wait3A_206 = tpu.memref_slice %arg2[%dma_wait3A_204, %dma_wait3A_205] : memref<20480x128xf32, #tpu.memory_space<hbm>> -> memref<20480x128xf32, #tpu.memory_space<hbm>>
    tpu.wait_indirect_dma semaphore(%arg13 : memref<!tpu.dma_semaphore, #tpu.memory_space<semaphore_mem>>) src(%dma_wait3A_206 : memref<20480x128xf32, #tpu.memory_space<hbm>>) dst(%arg10 : memref<128x128xf32, #tpu.memory_space<vmem>>)
    %run_scoped3A_207 = arith.constant 31 : i32
    "tpu.region"() ({
      %run_scoped3A_229 = tpu.sem_alloc : memref<!tpu.dma_semaphore, #tpu.memory_space<semaphore_mem>>
      %dma_start3A_230 = arith.constant 0 : i32
      %dma_start3A_231 = tpu.memref_slice %arg8[%run_scoped3A_207, %dma_start3A_230] : memref<32x128xi32, #tpu.memory_space<vmem>> -> memref<1x128xi32, #tpu.memory_space<vmem>>
      %dma_start3A_232 = tpu.memref_squeeze %dma_start3A_231 : memref<1x128xi32, #tpu.memory_space<vmem>> -> memref<128xi32, #tpu.memory_space<vmem>>
      %dma_start3A_233 = arith.constant 0 : i32
      %dma_start3A_234 = arith.constant 0 : i32
      %dma_start3A_235 = tpu.memref_slice %arg11[%dma_start3A_233, %dma_start3A_234] : memref<10240x128xf32, #tpu.memory_space<vmem_shared>> -> memref<10240x128xf32, #tpu.memory_space<vmem_shared>>
      tpu.enqueue_indirect_dma source(%arg10 : memref<128x128xf32, #tpu.memory_space<vmem>>) target(%dma_start3A_235 : memref<10240x128xf32, #tpu.memory_space<vmem_shared>>) offsets(%dma_start3A_232 : memref<128xi32, #tpu.memory_space<vmem>>) semaphore(%run_scoped3A_229 : memref<!tpu.dma_semaphore, #tpu.memory_space<semaphore_mem>>) {add = true}
      %dma_wait3A_236 = arith.constant 0 : i32
      %dma_wait3A_237 = tpu.memref_slice %arg8[%run_scoped3A_207, %dma_wait3A_236] : memref<32x128xi32, #tpu.memory_space<vmem>> -> memref<1x128xi32, #tpu.memory_space<vmem>>
      %dma_wait3A_238 = tpu.memref_squeeze %dma_wait3A_237 : memref<1x128xi32, #tpu.memory_space<vmem>> -> memref<128xi32, #tpu.memory_space<vmem>>
      %dma_wait3A_239 = arith.constant 0 : i32
      %dma_wait3A_240 = arith.constant 0 : i32
      %dma_wait3A_241 = tpu.memref_slice %arg11[%dma_wait3A_239, %dma_wait3A_240] : memref<10240x128xf32, #tpu.memory_space<vmem_shared>> -> memref<10240x128xf32, #tpu.memory_space<vmem_shared>>
      tpu.wait_indirect_dma semaphore(%run_scoped3A_229 : memref<!tpu.dma_semaphore, #tpu.memory_space<semaphore_mem>>) src(%arg10 : memref<128x128xf32, #tpu.memory_space<vmem>>) dst(%dma_wait3A_241 : memref<10240x128xf32, #tpu.memory_space<vmem_shared>>)
      tpu.yield
    }) : () -> ()
    %barrier3A_208 = arith.constant 0 : index
    tpu.barrier barrier_id(%barrier3A_208)
    %add3A_209 = arith.constant 0 : i32
    %add3A_210 = arith.addi %mul3A_0, %add3A_209 : i32
    "tpu.region"() ({
      %run_scoped3A_229 = tpu.sem_alloc : memref<!tpu.dma_semaphore, #tpu.memory_space<semaphore_mem>>
      %dma_start3A_230 = arith.constant 0 : i32
      %dma_start3A_231 = tpu.memref_slice %arg11[%add3A_210, %dma_start3A_230] : memref<10240x128xf32, #tpu.memory_space<vmem_shared>> -> memref<128x128xf32, #tpu.memory_space<vmem_shared>>
      %dma_start3A_232 = arith.constant 0 : i32
      %dma_start3A_233 = tpu.memref_slice %arg11[%add3A_210, %dma_start3A_232] : memref<10240x128xf32, #tpu.memory_space<vmem_shared>> -> memref<128x128xf32, #tpu.memory_space<vmem_shared>>
      tpu.enqueue_dma source(%dma_start3A_233 : memref<128x128xf32, #tpu.memory_space<vmem_shared>>) target(%arg9 : memref<128x128xf32, #tpu.memory_space<vmem>>) target_semaphore(%run_scoped3A_229 : memref<!tpu.dma_semaphore, #tpu.memory_space<semaphore_mem>>)
      %dma_wait3A_234 = arith.constant 0 : i32
      %dma_wait3A_235 = tpu.memref_slice %arg11[%add3A_210, %dma_wait3A_234] : memref<10240x128xf32, #tpu.memory_space<vmem_shared>> -> memref<128x128xf32, #tpu.memory_space<vmem_shared>>
      %dma_wait3A_236 = arith.constant 0 : i32
      %dma_wait3A_237 = tpu.memref_slice %arg11[%add3A_210, %dma_wait3A_236] : memref<10240x128xf32, #tpu.memory_space<vmem_shared>> -> memref<128x128xf32, #tpu.memory_space<vmem_shared>>
      tpu.wait_dma2 semaphore(%run_scoped3A_229 : memref<!tpu.dma_semaphore, #tpu.memory_space<semaphore_mem>>) src(%dma_wait3A_237 : memref<128x128xf32, #tpu.memory_space<vmem_shared>>) dst(%arg9 : memref<128x128xf32, #tpu.memory_space<vmem>>)
      tpu.yield
    }) : () -> ()
    %add3A_211 = arith.constant 0 : i32
    %add3A_212 = arith.addi %mul3A_0, %add3A_211 : i32
    "tpu.region"() ({
      %run_scoped3A_229 = tpu.sem_alloc : memref<!tpu.dma_semaphore, #tpu.memory_space<semaphore_mem>>
      %dma_start3A_230 = arith.constant 0 : i32
      %dma_start3A_231 = arith.constant 0 : i32
      %dma_start3A_232 = tpu.memref_slice %arg6[%arg0, %dma_start3A_230, %dma_start3A_231] : memref<2x10240x128xf32, #tpu.memory_space<hbm>> -> memref<1x10240x128xf32, #tpu.memory_space<hbm>>
      %dma_start3A_233 = tpu.memref_squeeze %dma_start3A_232 : memref<1x10240x128xf32, #tpu.memory_space<hbm>> -> memref<10240x128xf32, #tpu.memory_space<hbm>>
      %dma_start3A_234 = arith.constant 0 : i32
      %dma_start3A_235 = tpu.memref_slice %dma_start3A_233[%add3A_212, %dma_start3A_234] : memref<10240x128xf32, #tpu.memory_space<hbm>> -> memref<128x128xf32, #tpu.memory_space<hbm>>
      %dma_start3A_236 = arith.constant 0 : i32
      %dma_start3A_237 = arith.constant 0 : i32
      %dma_start3A_238 = tpu.memref_slice %arg6[%arg0, %dma_start3A_236, %dma_start3A_237] : memref<2x10240x128xf32, #tpu.memory_space<hbm>> -> memref<1x10240x128xf32, #tpu.memory_space<hbm>>
      %dma_start3A_239 = tpu.memref_squeeze %dma_start3A_238 : memref<1x10240x128xf32, #tpu.memory_space<hbm>> -> memref<10240x128xf32, #tpu.memory_space<hbm>>
      %dma_start3A_240 = arith.constant 0 : i32
      %dma_start3A_241 = tpu.memref_slice %dma_start3A_239[%add3A_212, %dma_start3A_240] : memref<10240x128xf32, #tpu.memory_space<hbm>> -> memref<128x128xf32, #tpu.memory_space<hbm>>
      tpu.enqueue_dma source(%arg9 : memref<128x128xf32, #tpu.memory_space<vmem>>) target(%dma_start3A_241 : memref<128x128xf32, #tpu.memory_space<hbm>>) target_semaphore(%run_scoped3A_229 : memref<!tpu.dma_semaphore, #tpu.memory_space<semaphore_mem>>)
      %dma_wait3A_242 = arith.constant 0 : i32
      %dma_wait3A_243 = arith.constant 0 : i32
      %dma_wait3A_244 = tpu.memref_slice %arg6[%arg0, %dma_wait3A_242, %dma_wait3A_243] : memref<2x10240x128xf32, #tpu.memory_space<hbm>> -> memref<1x10240x128xf32, #tpu.memory_space<hbm>>
      %dma_wait3A_245 = tpu.memref_squeeze %dma_wait3A_244 : memref<1x10240x128xf32, #tpu.memory_space<hbm>> -> memref<10240x128xf32, #tpu.memory_space<hbm>>
      %dma_wait3A_246 = arith.constant 0 : i32
      %dma_wait3A_247 = tpu.memref_slice %dma_wait3A_245[%add3A_212, %dma_wait3A_246] : memref<10240x128xf32, #tpu.memory_space<hbm>> -> memref<128x128xf32, #tpu.memory_space<hbm>>
      %dma_wait3A_248 = arith.constant 0 : i32
      %dma_wait3A_249 = arith.constant 0 : i32
      %dma_wait3A_250 = tpu.memref_slice %arg6[%arg0, %dma_wait3A_248, %dma_wait3A_249] : memref<2x10240x128xf32, #tpu.memory_space<hbm>> -> memref<1x10240x128xf32, #tpu.memory_space<hbm>>
      %dma_wait3A_251 = tpu.memref_squeeze %dma_wait3A_250 : memref<1x10240x128xf32, #tpu.memory_space<hbm>> -> memref<10240x128xf32, #tpu.memory_space<hbm>>
      %dma_wait3A_252 = arith.constant 0 : i32
      %dma_wait3A_253 = tpu.memref_slice %dma_wait3A_251[%add3A_212, %dma_wait3A_252] : memref<10240x128xf32, #tpu.memory_space<hbm>> -> memref<128x128xf32, #tpu.memory_space<hbm>>
      tpu.wait_dma2 semaphore(%run_scoped3A_229 : memref<!tpu.dma_semaphore, #tpu.memory_space<semaphore_mem>>) src(%arg9 : memref<128x128xf32, #tpu.memory_space<vmem>>) dst(%dma_wait3A_253 : memref<128x128xf32, #tpu.memory_space<hbm>>)
      tpu.yield
    }) : () -> ()
    %add3A_213 = arith.constant 128 : i32
    %add3A_214 = arith.addi %mul3A_0, %add3A_213 : i32
    "tpu.region"() ({
      %run_scoped3A_229 = tpu.sem_alloc : memref<!tpu.dma_semaphore, #tpu.memory_space<semaphore_mem>>
      %dma_start3A_230 = arith.constant 0 : i32
      %dma_start3A_231 = tpu.memref_slice %arg11[%add3A_214, %dma_start3A_230] : memref<10240x128xf32, #tpu.memory_space<vmem_shared>> -> memref<128x128xf32, #tpu.memory_space<vmem_shared>>
      %dma_start3A_232 = arith.constant 0 : i32
      %dma_start3A_233 = tpu.memref_slice %arg11[%add3A_214, %dma_start3A_232] : memref<10240x128xf32, #tpu.memory_space<vmem_shared>> -> memref<128x128xf32, #tpu.memory_space<vmem_shared>>
      tpu.enqueue_dma source(%dma_start3A_233 : memref<128x128xf32, #tpu.memory_space<vmem_shared>>) target(%arg9 : memref<128x128xf32, #tpu.memory_space<vmem>>) target_semaphore(%run_scoped3A_229 : memref<!tpu.dma_semaphore, #tpu.memory_space<semaphore_mem>>)
      %dma_wait3A_234 = arith.constant 0 : i32
      %dma_wait3A_235 = tpu.memref_slice %arg11[%add3A_214, %dma_wait3A_234] : memref<10240x128xf32, #tpu.memory_space<vmem_shared>> -> memref<128x128xf32, #tpu.memory_space<vmem_shared>>
      %dma_wait3A_236 = arith.constant 0 : i32
      %dma_wait3A_237 = tpu.memref_slice %arg11[%add3A_214, %dma_wait3A_236] : memref<10240x128xf32, #tpu.memory_space<vmem_shared>> -> memref<128x128xf32, #tpu.memory_space<vmem_shared>>
      tpu.wait_dma2 semaphore(%run_scoped3A_229 : memref<!tpu.dma_semaphore, #tpu.memory_space<semaphore_mem>>) src(%dma_wait3A_237 : memref<128x128xf32, #tpu.memory_space<vmem_shared>>) dst(%arg9 : memref<128x128xf32, #tpu.memory_space<vmem>>)
      tpu.yield
    }) : () -> ()
    %add3A_215 = arith.constant 128 : i32
    %add3A_216 = arith.addi %mul3A_0, %add3A_215 : i32
    "tpu.region"() ({
      %run_scoped3A_229 = tpu.sem_alloc : memref<!tpu.dma_semaphore, #tpu.memory_space<semaphore_mem>>
      %dma_start3A_230 = arith.constant 0 : i32
      %dma_start3A_231 = arith.constant 0 : i32
      %dma_start3A_232 = tpu.memref_slice %arg6[%arg0, %dma_start3A_230, %dma_start3A_231] : memref<2x10240x128xf32, #tpu.memory_space<hbm>> -> memref<1x10240x128xf32, #tpu.memory_space<hbm>>
      %dma_start3A_233 = tpu.memref_squeeze %dma_start3A_232 : memref<1x10240x128xf32, #tpu.memory_space<hbm>> -> memref<10240x128xf32, #tpu.memory_space<hbm>>
      %dma_start3A_234 = arith.constant 0 : i32
      %dma_start3A_235 = tpu.memref_slice %dma_start3A_233[%add3A_216, %dma_start3A_234] : memref<10240x128xf32, #tpu.memory_space<hbm>> -> memref<128x128xf32, #tpu.memory_space<hbm>>
      %dma_start3A_236 = arith.constant 0 : i32
      %dma_start3A_237 = arith.constant 0 : i32
      %dma_start3A_238 = tpu.memref_slice %arg6[%arg0, %dma_start3A_236, %dma_start3A_237] : memref<2x10240x128xf32, #tpu.memory_space<hbm>> -> memref<1x10240x128xf32, #tpu.memory_space<hbm>>
      %dma_start3A_239 = tpu.memref_squeeze %dma_start3A_238 : memref<1x10240x128xf32, #tpu.memory_space<hbm>> -> memref<10240x128xf32, #tpu.memory_space<hbm>>
      %dma_start3A_240 = arith.constant 0 : i32
      %dma_start3A_241 = tpu.memref_slice %dma_start3A_239[%add3A_216, %dma_start3A_240] : memref<10240x128xf32, #tpu.memory_space<hbm>> -> memref<128x128xf32, #tpu.memory_space<hbm>>
      tpu.enqueue_dma source(%arg9 : memref<128x128xf32, #tpu.memory_space<vmem>>) target(%dma_start3A_241 : memref<128x128xf32, #tpu.memory_space<hbm>>) target_semaphore(%run_scoped3A_229 : memref<!tpu.dma_semaphore, #tpu.memory_space<semaphore_mem>>)
      %dma_wait3A_242 = arith.constant 0 : i32
      %dma_wait3A_243 = arith.constant 0 : i32
      %dma_wait3A_244 = tpu.memref_slice %arg6[%arg0, %dma_wait3A_242, %dma_wait3A_243] : memref<2x10240x128xf32, #tpu.memory_space<hbm>> -> memref<1x10240x128xf32, #tpu.memory_space<hbm>>
      %dma_wait3A_245 = tpu.memref_squeeze %dma_wait3A_244 : memref<1x10240x128xf32, #tpu.memory_space<hbm>> -> memref<10240x128xf32, #tpu.memory_space<hbm>>
      %dma_wait3A_246 = arith.constant 0 : i32
      %dma_wait3A_247 = tpu.memref_slice %dma_wait3A_245[%add3A_216, %dma_wait3A_246] : memref<10240x128xf32, #tpu.memory_space<hbm>> -> memref<128x128xf32, #tpu.memory_space<hbm>>
      %dma_wait3A_248 = arith.constant 0 : i32
      %dma_wait3A_249 = arith.constant 0 : i32
      %dma_wait3A_250 = tpu.memref_slice %arg6[%arg0, %dma_wait3A_248, %dma_wait3A_249] : memref<2x10240x128xf32, #tpu.memory_space<hbm>> -> memref<1x10240x128xf32, #tpu.memory_space<hbm>>
      %dma_wait3A_251 = tpu.memref_squeeze %dma_wait3A_250 : memref<1x10240x128xf32, #tpu.memory_space<hbm>> -> memref<10240x128xf32, #tpu.memory_space<hbm>>
      %dma_wait3A_252 = arith.constant 0 : i32
      %dma_wait3A_253 = tpu.memref_slice %dma_wait3A_251[%add3A_216, %dma_wait3A_252] : memref<10240x128xf32, #tpu.memory_space<hbm>> -> memref<128x128xf32, #tpu.memory_space<hbm>>
      tpu.wait_dma2 semaphore(%run_scoped3A_229 : memref<!tpu.dma_semaphore, #tpu.memory_space<semaphore_mem>>) src(%arg9 : memref<128x128xf32, #tpu.memory_space<vmem>>) dst(%dma_wait3A_253 : memref<128x128xf32, #tpu.memory_space<hbm>>)
      tpu.yield
    }) : () -> ()
    %add3A_217 = arith.constant 256 : i32
    %add3A_218 = arith.addi %mul3A_0, %add3A_217 : i32
    "tpu.region"() ({
      %run_scoped3A_229 = tpu.sem_alloc : memref<!tpu.dma_semaphore, #tpu.memory_space<semaphore_mem>>
      %dma_start3A_230 = arith.constant 0 : i32
      %dma_start3A_231 = tpu.memref_slice %arg11[%add3A_218, %dma_start3A_230] : memref<10240x128xf32, #tpu.memory_space<vmem_shared>> -> memref<128x128xf32, #tpu.memory_space<vmem_shared>>
      %dma_start3A_232 = arith.constant 0 : i32
      %dma_start3A_233 = tpu.memref_slice %arg11[%add3A_218, %dma_start3A_232] : memref<10240x128xf32, #tpu.memory_space<vmem_shared>> -> memref<128x128xf32, #tpu.memory_space<vmem_shared>>
      tpu.enqueue_dma source(%dma_start3A_233 : memref<128x128xf32, #tpu.memory_space<vmem_shared>>) target(%arg9 : memref<128x128xf32, #tpu.memory_space<vmem>>) target_semaphore(%run_scoped3A_229 : memref<!tpu.dma_semaphore, #tpu.memory_space<semaphore_mem>>)
      %dma_wait3A_234 = arith.constant 0 : i32
      %dma_wait3A_235 = tpu.memref_slice %arg11[%add3A_218, %dma_wait3A_234] : memref<10240x128xf32, #tpu.memory_space<vmem_shared>> -> memref<128x128xf32, #tpu.memory_space<vmem_shared>>
      %dma_wait3A_236 = arith.constant 0 : i32
      %dma_wait3A_237 = tpu.memref_slice %arg11[%add3A_218, %dma_wait3A_236] : memref<10240x128xf32, #tpu.memory_space<vmem_shared>> -> memref<128x128xf32, #tpu.memory_space<vmem_shared>>
      tpu.wait_dma2 semaphore(%run_scoped3A_229 : memref<!tpu.dma_semaphore, #tpu.memory_space<semaphore_mem>>) src(%dma_wait3A_237 : memref<128x128xf32, #tpu.memory_space<vmem_shared>>) dst(%arg9 : memref<128x128xf32, #tpu.memory_space<vmem>>)
      tpu.yield
    }) : () -> ()
    %add3A_219 = arith.constant 256 : i32
    %add3A_220 = arith.addi %mul3A_0, %add3A_219 : i32
    "tpu.region"() ({
      %run_scoped3A_229 = tpu.sem_alloc : memref<!tpu.dma_semaphore, #tpu.memory_space<semaphore_mem>>
      %dma_start3A_230 = arith.constant 0 : i32
      %dma_start3A_231 = arith.constant 0 : i32
      %dma_start3A_232 = tpu.memref_slice %arg6[%arg0, %dma_start3A_230, %dma_start3A_231] : memref<2x10240x128xf32, #tpu.memory_space<hbm>> -> memref<1x10240x128xf32, #tpu.memory_space<hbm>>
      %dma_start3A_233 = tpu.memref_squeeze %dma_start3A_232 : memref<1x10240x128xf32, #tpu.memory_space<hbm>> -> memref<10240x128xf32, #tpu.memory_space<hbm>>
      %dma_start3A_234 = arith.constant 0 : i32
      %dma_start3A_235 = tpu.memref_slice %dma_start3A_233[%add3A_220, %dma_start3A_234] : memref<10240x128xf32, #tpu.memory_space<hbm>> -> memref<128x128xf32, #tpu.memory_space<hbm>>
      %dma_start3A_236 = arith.constant 0 : i32
      %dma_start3A_237 = arith.constant 0 : i32
      %dma_start3A_238 = tpu.memref_slice %arg6[%arg0, %dma_start3A_236, %dma_start3A_237] : memref<2x10240x128xf32, #tpu.memory_space<hbm>> -> memref<1x10240x128xf32, #tpu.memory_space<hbm>>
      %dma_start3A_239 = tpu.memref_squeeze %dma_start3A_238 : memref<1x10240x128xf32, #tpu.memory_space<hbm>> -> memref<10240x128xf32, #tpu.memory_space<hbm>>
      %dma_start3A_240 = arith.constant 0 : i32
      %dma_start3A_241 = tpu.memref_slice %dma_start3A_239[%add3A_220, %dma_start3A_240] : memref<10240x128xf32, #tpu.memory_space<hbm>> -> memref<128x128xf32, #tpu.memory_space<hbm>>
      tpu.enqueue_dma source(%arg9 : memref<128x128xf32, #tpu.memory_space<vmem>>) target(%dma_start3A_241 : memref<128x128xf32, #tpu.memory_space<hbm>>) target_semaphore(%run_scoped3A_229 : memref<!tpu.dma_semaphore, #tpu.memory_space<semaphore_mem>>)
      %dma_wait3A_242 = arith.constant 0 : i32
      %dma_wait3A_243 = arith.constant 0 : i32
      %dma_wait3A_244 = tpu.memref_slice %arg6[%arg0, %dma_wait3A_242, %dma_wait3A_243] : memref<2x10240x128xf32, #tpu.memory_space<hbm>> -> memref<1x10240x128xf32, #tpu.memory_space<hbm>>
      %dma_wait3A_245 = tpu.memref_squeeze %dma_wait3A_244 : memref<1x10240x128xf32, #tpu.memory_space<hbm>> -> memref<10240x128xf32, #tpu.memory_space<hbm>>
      %dma_wait3A_246 = arith.constant 0 : i32
      %dma_wait3A_247 = tpu.memref_slice %dma_wait3A_245[%add3A_220, %dma_wait3A_246] : memref<10240x128xf32, #tpu.memory_space<hbm>> -> memref<128x128xf32, #tpu.memory_space<hbm>>
      %dma_wait3A_248 = arith.constant 0 : i32
      %dma_wait3A_249 = arith.constant 0 : i32
      %dma_wait3A_250 = tpu.memref_slice %arg6[%arg0, %dma_wait3A_248, %dma_wait3A_249] : memref<2x10240x128xf32, #tpu.memory_space<hbm>> -> memref<1x10240x128xf32, #tpu.memory_space<hbm>>
      %dma_wait3A_251 = tpu.memref_squeeze %dma_wait3A_250 : memref<1x10240x128xf32, #tpu.memory_space<hbm>> -> memref<10240x128xf32, #tpu.memory_space<hbm>>
      %dma_wait3A_252 = arith.constant 0 : i32
      %dma_wait3A_253 = tpu.memref_slice %dma_wait3A_251[%add3A_220, %dma_wait3A_252] : memref<10240x128xf32, #tpu.memory_space<hbm>> -> memref<128x128xf32, #tpu.memory_space<hbm>>
      tpu.wait_dma2 semaphore(%run_scoped3A_229 : memref<!tpu.dma_semaphore, #tpu.memory_space<semaphore_mem>>) src(%arg9 : memref<128x128xf32, #tpu.memory_space<vmem>>) dst(%dma_wait3A_253 : memref<128x128xf32, #tpu.memory_space<hbm>>)
      tpu.yield
    }) : () -> ()
    %add3A_221 = arith.constant 384 : i32
    %add3A_222 = arith.addi %mul3A_0, %add3A_221 : i32
    "tpu.region"() ({
      %run_scoped3A_229 = tpu.sem_alloc : memref<!tpu.dma_semaphore, #tpu.memory_space<semaphore_mem>>
      %dma_start3A_230 = arith.constant 0 : i32
      %dma_start3A_231 = tpu.memref_slice %arg11[%add3A_222, %dma_start3A_230] : memref<10240x128xf32, #tpu.memory_space<vmem_shared>> -> memref<128x128xf32, #tpu.memory_space<vmem_shared>>
      %dma_start3A_232 = arith.constant 0 : i32
      %dma_start3A_233 = tpu.memref_slice %arg11[%add3A_222, %dma_start3A_232] : memref<10240x128xf32, #tpu.memory_space<vmem_shared>> -> memref<128x128xf32, #tpu.memory_space<vmem_shared>>
      tpu.enqueue_dma source(%dma_start3A_233 : memref<128x128xf32, #tpu.memory_space<vmem_shared>>) target(%arg9 : memref<128x128xf32, #tpu.memory_space<vmem>>) target_semaphore(%run_scoped3A_229 : memref<!tpu.dma_semaphore, #tpu.memory_space<semaphore_mem>>)
      %dma_wait3A_234 = arith.constant 0 : i32
      %dma_wait3A_235 = tpu.memref_slice %arg11[%add3A_222, %dma_wait3A_234] : memref<10240x128xf32, #tpu.memory_space<vmem_shared>> -> memref<128x128xf32, #tpu.memory_space<vmem_shared>>
      %dma_wait3A_236 = arith.constant 0 : i32
      %dma_wait3A_237 = tpu.memref_slice %arg11[%add3A_222, %dma_wait3A_236] : memref<10240x128xf32, #tpu.memory_space<vmem_shared>> -> memref<128x128xf32, #tpu.memory_space<vmem_shared>>
      tpu.wait_dma2 semaphore(%run_scoped3A_229 : memref<!tpu.dma_semaphore, #tpu.memory_space<semaphore_mem>>) src(%dma_wait3A_237 : memref<128x128xf32, #tpu.memory_space<vmem_shared>>) dst(%arg9 : memref<128x128xf32, #tpu.memory_space<vmem>>)
      tpu.yield
    }) : () -> ()
    %add3A_223 = arith.constant 384 : i32
    %add3A_224 = arith.addi %mul3A_0, %add3A_223 : i32
    "tpu.region"() ({
      %run_scoped3A_229 = tpu.sem_alloc : memref<!tpu.dma_semaphore, #tpu.memory_space<semaphore_mem>>
      %dma_start3A_230 = arith.constant 0 : i32
      %dma_start3A_231 = arith.constant 0 : i32
      %dma_start3A_232 = tpu.memref_slice %arg6[%arg0, %dma_start3A_230, %dma_start3A_231] : memref<2x10240x128xf32, #tpu.memory_space<hbm>> -> memref<1x10240x128xf32, #tpu.memory_space<hbm>>
      %dma_start3A_233 = tpu.memref_squeeze %dma_start3A_232 : memref<1x10240x128xf32, #tpu.memory_space<hbm>> -> memref<10240x128xf32, #tpu.memory_space<hbm>>
      %dma_start3A_234 = arith.constant 0 : i32
      %dma_start3A_235 = tpu.memref_slice %dma_start3A_233[%add3A_224, %dma_start3A_234] : memref<10240x128xf32, #tpu.memory_space<hbm>> -> memref<128x128xf32, #tpu.memory_space<hbm>>
      %dma_start3A_236 = arith.constant 0 : i32
      %dma_start3A_237 = arith.constant 0 : i32
      %dma_start3A_238 = tpu.memref_slice %arg6[%arg0, %dma_start3A_236, %dma_start3A_237] : memref<2x10240x128xf32, #tpu.memory_space<hbm>> -> memref<1x10240x128xf32, #tpu.memory_space<hbm>>
      %dma_start3A_239 = tpu.memref_squeeze %dma_start3A_238 : memref<1x10240x128xf32, #tpu.memory_space<hbm>> -> memref<10240x128xf32, #tpu.memory_space<hbm>>
      %dma_start3A_240 = arith.constant 0 : i32
      %dma_start3A_241 = tpu.memref_slice %dma_start3A_239[%add3A_224, %dma_start3A_240] : memref<10240x128xf32, #tpu.memory_space<hbm>> -> memref<128x128xf32, #tpu.memory_space<hbm>>
      tpu.enqueue_dma source(%arg9 : memref<128x128xf32, #tpu.memory_space<vmem>>) target(%dma_start3A_241 : memref<128x128xf32, #tpu.memory_space<hbm>>) target_semaphore(%run_scoped3A_229 : memref<!tpu.dma_semaphore, #tpu.memory_space<semaphore_mem>>)
      %dma_wait3A_242 = arith.constant 0 : i32
      %dma_wait3A_243 = arith.constant 0 : i32
      %dma_wait3A_244 = tpu.memref_slice %arg6[%arg0, %dma_wait3A_242, %dma_wait3A_243] : memref<2x10240x128xf32, #tpu.memory_space<hbm>> -> memref<1x10240x128xf32, #tpu.memory_space<hbm>>
      %dma_wait3A_245 = tpu.memref_squeeze %dma_wait3A_244 : memref<1x10240x128xf32, #tpu.memory_space<hbm>> -> memref<10240x128xf32, #tpu.memory_space<hbm>>
      %dma_wait3A_246 = arith.constant 0 : i32
      %dma_wait3A_247 = tpu.memref_slice %dma_wait3A_245[%add3A_224, %dma_wait3A_246] : memref<10240x128xf32, #tpu.memory_space<hbm>> -> memref<128x128xf32, #tpu.memory_space<hbm>>
      %dma_wait3A_248 = arith.constant 0 : i32
      %dma_wait3A_249 = arith.constant 0 : i32
      %dma_wait3A_250 = tpu.memref_slice %arg6[%arg0, %dma_wait3A_248, %dma_wait3A_249] : memref<2x10240x128xf32, #tpu.memory_space<hbm>> -> memref<1x10240x128xf32, #tpu.memory_space<hbm>>
      %dma_wait3A_251 = tpu.memref_squeeze %dma_wait3A_250 : memref<1x10240x128xf32, #tpu.memory_space<hbm>> -> memref<10240x128xf32, #tpu.memory_space<hbm>>
      %dma_wait3A_252 = arith.constant 0 : i32
      %dma_wait3A_253 = tpu.memref_slice %dma_wait3A_251[%add3A_224, %dma_wait3A_252] : memref<10240x128xf32, #tpu.memory_space<hbm>> -> memref<128x128xf32, #tpu.memory_space<hbm>>
      tpu.wait_dma2 semaphore(%run_scoped3A_229 : memref<!tpu.dma_semaphore, #tpu.memory_space<semaphore_mem>>) src(%arg9 : memref<128x128xf32, #tpu.memory_space<vmem>>) dst(%dma_wait3A_253 : memref<128x128xf32, #tpu.memory_space<hbm>>)
      tpu.yield
    }) : () -> ()
    %add3A_225 = arith.constant 512 : i32
    %add3A_226 = arith.addi %mul3A_0, %add3A_225 : i32
    "tpu.region"() ({
      %run_scoped3A_229 = tpu.sem_alloc : memref<!tpu.dma_semaphore, #tpu.memory_space<semaphore_mem>>
      %dma_start3A_230 = arith.constant 0 : i32
      %dma_start3A_231 = tpu.memref_slice %arg11[%add3A_226, %dma_start3A_230] : memref<10240x128xf32, #tpu.memory_space<vmem_shared>> -> memref<128x128xf32, #tpu.memory_space<vmem_shared>>
      %dma_start3A_232 = arith.constant 0 : i32
      %dma_start3A_233 = tpu.memref_slice %arg11[%add3A_226, %dma_start3A_232] : memref<10240x128xf32, #tpu.memory_space<vmem_shared>> -> memref<128x128xf32, #tpu.memory_space<vmem_shared>>
      tpu.enqueue_dma source(%dma_start3A_233 : memref<128x128xf32, #tpu.memory_space<vmem_shared>>) target(%arg9 : memref<128x128xf32, #tpu.memory_space<vmem>>) target_semaphore(%run_scoped3A_229 : memref<!tpu.dma_semaphore, #tpu.memory_space<semaphore_mem>>)
      %dma_wait3A_234 = arith.constant 0 : i32
      %dma_wait3A_235 = tpu.memref_slice %arg11[%add3A_226, %dma_wait3A_234] : memref<10240x128xf32, #tpu.memory_space<vmem_shared>> -> memref<128x128xf32, #tpu.memory_space<vmem_shared>>
      %dma_wait3A_236 = arith.constant 0 : i32
      %dma_wait3A_237 = tpu.memref_slice %arg11[%add3A_226, %dma_wait3A_236] : memref<10240x128xf32, #tpu.memory_space<vmem_shared>> -> memref<128x128xf32, #tpu.memory_space<vmem_shared>>
      tpu.wait_dma2 semaphore(%run_scoped3A_229 : memref<!tpu.dma_semaphore, #tpu.memory_space<semaphore_mem>>) src(%dma_wait3A_237 : memref<128x128xf32, #tpu.memory_space<vmem_shared>>) dst(%arg9 : memref<128x128xf32, #tpu.memory_space<vmem>>)
      tpu.yield
    }) : () -> ()
    %add3A_227 = arith.constant 512 : i32
    %add3A_228 = arith.addi %mul3A_0, %add3A_227 : i32
    "tpu.region"() ({
      %run_scoped3A_229 = tpu.sem_alloc : memref<!tpu.dma_semaphore, #tpu.memory_space<semaphore_mem>>
      %dma_start3A_230 = arith.constant 0 : i32
      %dma_start3A_231 = arith.constant 0 : i32
      %dma_start3A_232 = tpu.memref_slice %arg6[%arg0, %dma_start3A_230, %dma_start3A_231] : memref<2x10240x128xf32, #tpu.memory_space<hbm>> -> memref<1x10240x128xf32, #tpu.memory_space<hbm>>
      %dma_start3A_233 = tpu.memref_squeeze %dma_start3A_232 : memref<1x10240x128xf32, #tpu.memory_space<hbm>> -> memref<10240x128xf32, #tpu.memory_space<hbm>>
      %dma_start3A_234 = arith.constant 0 : i32
      %dma_start3A_235 = tpu.memref_slice %dma_start3A_233[%add3A_228, %dma_start3A_234] : memref<10240x128xf32, #tpu.memory_space<hbm>> -> memref<128x128xf32, #tpu.memory_space<hbm>>
      %dma_start3A_236 = arith.constant 0 : i32
      %dma_start3A_237 = arith.constant 0 : i32
      %dma_start3A_238 = tpu.memref_slice %arg6[%arg0, %dma_start3A_236, %dma_start3A_237] : memref<2x10240x128xf32, #tpu.memory_space<hbm>> -> memref<1x10240x128xf32, #tpu.memory_space<hbm>>
      %dma_start3A_239 = tpu.memref_squeeze %dma_start3A_238 : memref<1x10240x128xf32, #tpu.memory_space<hbm>> -> memref<10240x128xf32, #tpu.memory_space<hbm>>
      %dma_start3A_240 = arith.constant 0 : i32
      %dma_start3A_241 = tpu.memref_slice %dma_start3A_239[%add3A_228, %dma_start3A_240] : memref<10240x128xf32, #tpu.memory_space<hbm>> -> memref<128x128xf32, #tpu.memory_space<hbm>>
      tpu.enqueue_dma source(%arg9 : memref<128x128xf32, #tpu.memory_space<vmem>>) target(%dma_start3A_241 : memref<128x128xf32, #tpu.memory_space<hbm>>) target_semaphore(%run_scoped3A_229 : memref<!tpu.dma_semaphore, #tpu.memory_space<semaphore_mem>>)
      %dma_wait3A_242 = arith.constant 0 : i32
      %dma_wait3A_243 = arith.constant 0 : i32
      %dma_wait3A_244 = tpu.memref_slice %arg6[%arg0, %dma_wait3A_242, %dma_wait3A_243] : memref<2x10240x128xf32, #tpu.memory_space<hbm>> -> memref<1x10240x128xf32, #tpu.memory_space<hbm>>
      %dma_wait3A_245 = tpu.memref_squeeze %dma_wait3A_244 : memref<1x10240x128xf32, #tpu.memory_space<hbm>> -> memref<10240x128xf32, #tpu.memory_space<hbm>>
      %dma_wait3A_246 = arith.constant 0 : i32
      %dma_wait3A_247 = tpu.memref_slice %dma_wait3A_245[%add3A_228, %dma_wait3A_246] : memref<10240x128xf32, #tpu.memory_space<hbm>> -> memref<128x128xf32, #tpu.memory_space<hbm>>
      %dma_wait3A_248 = arith.constant 0 : i32
      %dma_wait3A_249 = arith.constant 0 : i32
      %dma_wait3A_250 = tpu.memref_slice %arg6[%arg0, %dma_wait3A_248, %dma_wait3A_249] : memref<2x10240x128xf32, #tpu.memory_space<hbm>> -> memref<1x10240x128xf32, #tpu.memory_space<hbm>>
      %dma_wait3A_251 = tpu.memref_squeeze %dma_wait3A_250 : memref<1x10240x128xf32, #tpu.memory_space<hbm>> -> memref<10240x128xf32, #tpu.memory_space<hbm>>
      %dma_wait3A_252 = arith.constant 0 : i32
      %dma_wait3A_253 = tpu.memref_slice %dma_wait3A_251[%add3A_228, %dma_wait3A_252] : memref<10240x128xf32, #tpu.memory_space<hbm>> -> memref<128x128xf32, #tpu.memory_space<hbm>>
      tpu.wait_dma2 semaphore(%run_scoped3A_229 : memref<!tpu.dma_semaphore, #tpu.memory_space<semaphore_mem>>) src(%arg9 : memref<128x128xf32, #tpu.memory_space<vmem>>) dst(%dma_wait3A_253 : memref<128x128xf32, #tpu.memory_space<hbm>>)
      tpu.yield
    }) : () -> ()
    return
  }
}

module attributes {stable_mosaic.version = 14 : i64} {
  func.func @_tc_scale_body(%arg0: i32, %arg1: memref<1280x128xf32, #tpu.memory_space<vmem>>, %arg2: memref<2x1280x128xf32, #tpu.memory_space<vmem>>, %arg3: memref<2x1280x128xf32, #tpu.memory_space<vmem>>) attributes {dimension_semantics = [#tpu.dimension_semantics<arbitrary>], iteration_bounds = array<i64: 8>, scalar_prefetch = 0 : i64, scratch_operands = 0 : i64, tpu.core_type = #tpu.core_type<tc>, window_params = [{transform_indices = @transform_0, window_bounds = array<i64: 1280, 128>}, {transform_indices = @transform_1, window_bounds = array<i64: 2, 1280, 128>}, {transform_indices = @transform_2, window_bounds = array<i64: 2, 1280, 128>}]} {
    %get3A = arith.constant 0 : index
    %get3A_0 = arith.constant 0 : index
    %get3A_1 = vector.load %arg1[%get3A, %get3A_0] : memref<1280x128xf32, #tpu.memory_space<vmem>>, vector<1280x128xf32>
    %get3A_2 = arith.constant 0 : index
    %get3A_3 = arith.constant 0 : index
    %get3A_4 = arith.constant 0 : index
    %get3A_5 = vector.load %arg2[%get3A_2, %get3A_3, %get3A_4] : memref<2x1280x128xf32, #tpu.memory_space<vmem>>, vector<1x1280x1xf32>
    %get3A_6 = vector.shape_cast %get3A_5 : vector<1x1280x1xf32> to vector<1280x1xf32>
    %div3A = vector.broadcast %get3A_6 : vector<1280x1xf32> to vector<1280x128xf32>
    %div3A_7 = arith.divf %get3A_1, %div3A : vector<1280x128xf32>
    %swap3A = arith.constant 0 : index
    %swap3A_8 = arith.constant 0 : index
    %swap3A_9 = arith.constant 0 : index
    %swap3A_10 = vector.load %arg3[%swap3A, %swap3A_8, %swap3A_9] : memref<2x1280x128xf32, #tpu.memory_space<vmem>>, vector<1x1280x128xf32>
    %swap3A_11 = vector.shape_cast %swap3A_10 : vector<1x1280x128xf32> to vector<1280x128xf32>
    %swap3A_12 = vector.shape_cast %div3A_7 : vector<1280x128xf32> to vector<1x1280x128xf32>
    tpu.vector_store %arg3[%swap3A, %swap3A_8, %swap3A_9], %swap3A_12 {strides = array<i32>} : memref<2x1280x128xf32, #tpu.memory_space<vmem>>, vector<1x1280x128xf32>,
    %get3A_13 = arith.constant 1 : index
    %get3A_14 = arith.constant 0 : index
    %get3A_15 = arith.constant 0 : index
    %get3A_16 = vector.load %arg2[%get3A_13, %get3A_14, %get3A_15] : memref<2x1280x128xf32, #tpu.memory_space<vmem>>, vector<1x1280x1xf32>
    %get3A_17 = vector.shape_cast %get3A_16 : vector<1x1280x1xf32> to vector<1280x1xf32>
    %div3A_18 = vector.broadcast %get3A_17 : vector<1280x1xf32> to vector<1280x128xf32>
    %div3A_19 = arith.divf %get3A_1, %div3A_18 : vector<1280x128xf32>
    %swap3A_20 = arith.constant 1 : index
    %swap3A_21 = arith.constant 0 : index
    %swap3A_22 = arith.constant 0 : index
    %swap3A_23 = vector.load %arg3[%swap3A_20, %swap3A_21, %swap3A_22] : memref<2x1280x128xf32, #tpu.memory_space<vmem>>, vector<1x1280x128xf32>
    %swap3A_24 = vector.shape_cast %swap3A_23 : vector<1x1280x128xf32> to vector<1280x128xf32>
    %swap3A_25 = vector.shape_cast %div3A_19 : vector<1280x128xf32> to vector<1x1280x128xf32>
    tpu.vector_store %arg3[%swap3A_20, %swap3A_21, %swap3A_22], %swap3A_25 {strides = array<i32>} : memref<2x1280x128xf32, #tpu.memory_space<vmem>>, vector<1x1280x128xf32>,
    return
  }
  func.func @transform_0(%arg0: i32) -> (i32, i32) {
    %c0_i32 = arith.constant 0 : i32
    %c0_i32_0 = arith.constant 0 : i32
    return %arg0, %c0_i32 : i32, i32
  }
  func.func @transform_1(%arg0: i32) -> (i32, i32, i32) {
    %c0_i32 = arith.constant 0 : i32
    %c0_i32_0 = arith.constant 0 : i32
    %c0_i32_1 = arith.constant 0 : i32
    return %c0_i32, %arg0, %c0_i32_0 : i32, i32, i32
  }
  func.func @transform_2(%arg0: i32) -> (i32, i32, i32) {
    %c0_i32 = arith.constant 0 : i32
    %c0_i32_0 = arith.constant 0 : i32
    %c0_i32_1 = arith.constant 0 : i32
    return %c0_i32, %arg0, %c0_i32_0 : i32, i32, i32
  }
}

module attributes {stable_mosaic.version = 14 : i64} {
  func.func @_tc_gate_body(%arg0: i32, %arg1: memref<1280x128xf32, #tpu.memory_space<vmem>>, %arg2: memref<2x1280x128xf32, #tpu.memory_space<vmem>>, %arg3: memref<384x128xf32, #tpu.memory_space<vmem>>, %arg4: memref<384x128xf32, #tpu.memory_space<vmem>>, %arg5: memref<1x128xf32, #tpu.memory_space<vmem>>, %arg6: memref<1x128xf32, #tpu.memory_space<vmem>>, %arg7: memref<2x1280x128xf32, #tpu.memory_space<vmem>>, %arg8: memref<1280x128xf32, #tpu.memory_space<vmem>>, %arg9: memref<2x1280x128xf32, #tpu.memory_space<vmem>>) attributes {dimension_semantics = [#tpu.dimension_semantics<arbitrary>], iteration_bounds = array<i64: 8>, scalar_prefetch = 0 : i64, scratch_operands = 0 : i64, tpu.core_type = #tpu.core_type<tc>, window_params = [{transform_indices = @transform_0, window_bounds = array<i64: 1280, 128>}, {transform_indices = @transform_1, window_bounds = array<i64: 2, 1280, 128>}, {pipeline_mode = #tpu.pipeline_mode<synchronous>, transform_indices = @transform_2, window_bounds = array<i64: 384, 128>}, {pipeline_mode = #tpu.pipeline_mode<synchronous>, transform_indices = @transform_3, window_bounds = array<i64: 384, 128>}, {pipeline_mode = #tpu.pipeline_mode<synchronous>, transform_indices = @transform_4, window_bounds = array<i64: 1, 128>}, {pipeline_mode = #tpu.pipeline_mode<synchronous>, transform_indices = @transform_5, window_bounds = array<i64: 1, 128>}, {transform_indices = @transform_6, window_bounds = array<i64: 2, 1280, 128>}, {transform_indices = @transform_7, window_bounds = array<i64: 1280, 128>}, {transform_indices = @transform_8, window_bounds = array<i64: 2, 1280, 128>}]} {
    %get3A = arith.constant 0 : index
    %get3A_0 = arith.constant 0 : index
    %get3A_1 = vector.load %arg1[%get3A, %get3A_0] : memref<1280x128xf32, #tpu.memory_space<vmem>>, vector<1280x128xf32>
    %get3A_2 = arith.constant 0 : index
    %get3A_3 = arith.constant 0 : index
    %get3A_4 = arith.constant 0 : index
    %get3A_5 = vector.load %arg2[%get3A_2, %get3A_3, %get3A_4] : memref<2x1280x128xf32, #tpu.memory_space<vmem>>, vector<1x1280x128xf32>
    %get3A_6 = vector.shape_cast %get3A_5 : vector<1x1280x128xf32> to vector<1280x128xf32>
    %get3A_7 = arith.constant 1 : index
    %get3A_8 = arith.constant 0 : index
    %get3A_9 = arith.constant 0 : index
    %get3A_10 = vector.load %arg2[%get3A_7, %get3A_8, %get3A_9] : memref<2x1280x128xf32, #tpu.memory_space<vmem>>, vector<1x1280x128xf32>
    %get3A_11 = vector.shape_cast %get3A_10 : vector<1x1280x128xf32> to vector<1280x128xf32>
    %concatenate3A = tpu.concatenate %get3A_1, %get3A_6, %get3A_11 in 1 : vector<1280x128xf32>, vector<1280x128xf32>, vector<1280x128xf32> -> vector<1280x384xf32>
    %get3A_12 = arith.constant 0 : index
    %get3A_13 = arith.constant 0 : index
    %get3A_14 = vector.load %arg3[%get3A_12, %get3A_13] : memref<384x128xf32, #tpu.memory_space<vmem>>, vector<384x128xf32>
    %dot_general3A = arith.constant dense<0.000000e+00> : vector<1280x128xf32>
    %dot_general3A_15 = tpu.matmul %concatenate3A, %get3A_14, %dot_general3A {dimension_numbers = #tpu.dot_dimension_numbers<[1], [0], [0], [1], [0, 0, 1, 1], [], []>, transpose_lhs_hint = false} : vector<1280x384xf32>, vector<384x128xf32>, vector<1280x128xf32> -> vector<1280x128xf32>
    %get3A_16 = arith.constant 0 : index
    %get3A_17 = arith.constant 0 : index
    %get3A_18 = vector.load %arg4[%get3A_16, %get3A_17] : memref<384x128xf32, #tpu.memory_space<vmem>>, vector<384x128xf32>
    %dot_general3A_19 = arith.constant dense<0.000000e+00> : vector<1280x128xf32>
    %dot_general3A_20 = tpu.matmul %concatenate3A, %get3A_18, %dot_general3A_19 {dimension_numbers = #tpu.dot_dimension_numbers<[1], [0], [0], [1], [0, 0, 1, 1], [], []>, transpose_lhs_hint = false} : vector<1280x384xf32>, vector<384x128xf32>, vector<1280x128xf32> -> vector<1280x128xf32>
    %get3A_21 = arith.constant 0 : index
    %get3A_22 = arith.constant 0 : index
    %get3A_23 = vector.load %arg5[%get3A_21, %get3A_22] : memref<1x128xf32, #tpu.memory_space<vmem>>, vector<1x128xf32>
    %add3A = vector.broadcast %get3A_23 : vector<1x128xf32> to vector<1280x128xf32>
    %add3A_24 = arith.addf %dot_general3A_15, %add3A : vector<1280x128xf32>
    %logistic3A = arith.negf %add3A_24 : vector<1280x128xf32>
    %logistic3A_25 = math.exp %logistic3A : vector<1280x128xf32>
    %logistic3A_26 = arith.constant 1.000000e+00 : f32
    %logistic3A_27 = vector.broadcast %logistic3A_26 : f32 to vector<1280x128xf32>
    %logistic3A_28 = arith.addf %logistic3A_27, %logistic3A_25 : vector<1280x128xf32>
    %logistic3A_29 = arith.divf %logistic3A_27, %logistic3A_28 : vector<1280x128xf32>
    %get3A_30 = arith.constant 0 : index
    %get3A_31 = arith.constant 0 : index
    %get3A_32 = vector.load %arg6[%get3A_30, %get3A_31] : memref<1x128xf32, #tpu.memory_space<vmem>>, vector<1x128xf32>
    %add3A_33 = vector.broadcast %get3A_32 : vector<1x128xf32> to vector<1280x128xf32>
    %add3A_34 = arith.addf %dot_general3A_20, %add3A_33 : vector<1280x128xf32>
    %tanh3A = math.tanh %add3A_34 : vector<1280x128xf32>
    %sub3A = arith.constant 1.000000e+00 : f32
    %sub3A_35 = vector.broadcast %sub3A : f32 to vector<1280x128xf32>
    %sub3A_36 = arith.subf %sub3A_35, %logistic3A_29 : vector<1280x128xf32>
    %mul3A = arith.mulf %sub3A_36, %tanh3A : vector<1280x128xf32>
    %swap3A = arith.constant 0 : index
    %swap3A_37 = arith.constant 0 : index
    %swap3A_38 = vector.load %arg8[%swap3A, %swap3A_37] : memref<1280x128xf32, #tpu.memory_space<vmem>>, vector<1280x128xf32>
    tpu.vector_store %arg8[%swap3A, %swap3A_37], %mul3A {strides = array<i32>} : memref<1280x128xf32, #tpu.memory_space<vmem>>, vector<1280x128xf32>,
    %get3A_39 = arith.constant 0 : index
    %get3A_40 = arith.constant 0 : index
    %get3A_41 = arith.constant 0 : index
    %get3A_42 = vector.load %arg7[%get3A_39, %get3A_40, %get3A_41] : memref<2x1280x128xf32, #tpu.memory_space<vmem>>, vector<1x1280x1xf32>
    %get3A_43 = vector.shape_cast %get3A_42 : vector<1x1280x1xf32> to vector<1280x1xf32>
    %div3A = vector.broadcast %get3A_43 : vector<1280x1xf32> to vector<1280x128xf32>
    %div3A_44 = arith.divf %mul3A, %div3A : vector<1280x128xf32>
    %swap3A_45 = arith.constant 0 : index
    %swap3A_46 = arith.constant 0 : index
    %swap3A_47 = arith.constant 0 : index
    %swap3A_48 = vector.load %arg9[%swap3A_45, %swap3A_46, %swap3A_47] : memref<2x1280x128xf32, #tpu.memory_space<vmem>>, vector<1x1280x128xf32>
    %swap3A_49 = vector.shape_cast %swap3A_48 : vector<1x1280x128xf32> to vector<1280x128xf32>
    %swap3A_50 = vector.shape_cast %div3A_44 : vector<1280x128xf32> to vector<1x1280x128xf32>
    tpu.vector_store %arg9[%swap3A_45, %swap3A_46, %swap3A_47], %swap3A_50 {strides = array<i32>} : memref<2x1280x128xf32, #tpu.memory_space<vmem>>, vector<1x1280x128xf32>,
    %get3A_51 = arith.constant 1 : index
    %get3A_52 = arith.constant 0 : index
    %get3A_53 = arith.constant 0 : index
    %get3A_54 = vector.load %arg7[%get3A_51, %get3A_52, %get3A_53] : memref<2x1280x128xf32, #tpu.memory_space<vmem>>, vector<1x1280x1xf32>
    %get3A_55 = vector.shape_cast %get3A_54 : vector<1x1280x1xf32> to vector<1280x1xf32>
    %div3A_56 = vector.broadcast %get3A_55 : vector<1280x1xf32> to vector<1280x128xf32>
    %div3A_57 = arith.divf %mul3A, %div3A_56 : vector<1280x128xf32>
    %swap3A_58 = arith.constant 1 : index
    %swap3A_59 = arith.constant 0 : index
    %swap3A_60 = arith.constant 0 : index
    %swap3A_61 = vector.load %arg9[%swap3A_58, %swap3A_59, %swap3A_60] : memref<2x1280x128xf32, #tpu.memory_space<vmem>>, vector<1x1280x128xf32>
    %swap3A_62 = vector.shape_cast %swap3A_61 : vector<1x1280x128xf32> to vector<1280x128xf32>
    %swap3A_63 = vector.shape_cast %div3A_57 : vector<1280x128xf32> to vector<1x1280x128xf32>
    tpu.vector_store %arg9[%swap3A_58, %swap3A_59, %swap3A_60], %swap3A_63 {strides = array<i32>} : memref<2x1280x128xf32, #tpu.memory_space<vmem>>, vector<1x1280x128xf32>,
    return
  }
  func.func @transform_0(%arg0: i32) -> (i32, i32) {
    %c0_i32 = arith.constant 0 : i32
    %c0_i32_0 = arith.constant 0 : i32
    return %arg0, %c0_i32 : i32, i32
  }
  func.func @transform_1(%arg0: i32) -> (i32, i32, i32) {
    %c0_i32 = arith.constant 0 : i32
    %c0_i32_0 = arith.constant 0 : i32
    %c0_i32_1 = arith.constant 0 : i32
    return %c0_i32, %arg0, %c0_i32_0 : i32, i32, i32
  }
  func.func @transform_2(%arg0: i32) -> (i32, i32) {
    %c0_i32 = arith.constant 0 : i32
    %c0_i32_0 = arith.constant 0 : i32
    %c0_i32_1 = arith.constant 0 : i32
    return %c0_i32, %c0_i32_0 : i32, i32
  }
  func.func @transform_3(%arg0: i32) -> (i32, i32) {
    %c0_i32 = arith.constant 0 : i32
    %c0_i32_0 = arith.constant 0 : i32
    %c0_i32_1 = arith.constant 0 : i32
    return %c0_i32, %c0_i32_0 : i32, i32
  }
  func.func @transform_4(%arg0: i32) -> (i32, i32) {
    %c0_i32 = arith.constant 0 : i32
    %c0_i32_0 = arith.constant 0 : i32
    %c0_i32_1 = arith.constant 0 : i32
    return %c0_i32, %c0_i32_0 : i32, i32
  }
  func.func @transform_5(%arg0: i32) -> (i32, i32) {
    %c0_i32 = arith.constant 0 : i32
    %c0_i32_0 = arith.constant 0 : i32
    %c0_i32_1 = arith.constant 0 : i32
    return %c0_i32, %c0_i32_0 : i32, i32
  }
  func.func @transform_6(%arg0: i32) -> (i32, i32, i32) {
    %c0_i32 = arith.constant 0 : i32
    %c0_i32_0 = arith.constant 0 : i32
    %c0_i32_1 = arith.constant 0 : i32
    return %c0_i32, %arg0, %c0_i32_0 : i32, i32, i32
  }
  func.func @transform_7(%arg0: i32) -> (i32, i32) {
    %c0_i32 = arith.constant 0 : i32
    %c0_i32_0 = arith.constant 0 : i32
    return %arg0, %c0_i32 : i32, i32
  }
  func.func @transform_8(%arg0: i32) -> (i32, i32, i32) {
    %c0_i32 = arith.constant 0 : i32
    %c0_i32_0 = arith.constant 0 : i32
    %c0_i32_1 = arith.constant 0 : i32
    return %c0_i32, %arg0, %c0_i32_0 : i32, i32, i32
  }
}

module attributes {stable_mosaic.version = 14 : i64} {
  func.func @_tc_gate_body(%arg0: i32, %arg1: memref<1280x128xf32, #tpu.memory_space<vmem>>, %arg2: memref<2x1280x128xf32, #tpu.memory_space<vmem>>, %arg3: memref<384x128xf32, #tpu.memory_space<vmem>>, %arg4: memref<384x128xf32, #tpu.memory_space<vmem>>, %arg5: memref<1x128xf32, #tpu.memory_space<vmem>>, %arg6: memref<1x128xf32, #tpu.memory_space<vmem>>, %arg7: memref<2x1280x128xf32, #tpu.memory_space<vmem>>, %arg8: memref<1280x128xf32, #tpu.memory_space<vmem>>, %arg9: memref<2x1280x128xf32, #tpu.memory_space<vmem>>) attributes {dimension_semantics = [#tpu.dimension_semantics<arbitrary>], iteration_bounds = array<i64: 8>, scalar_prefetch = 0 : i64, scratch_operands = 0 : i64, tpu.core_type = #tpu.core_type<tc>, window_params = [{transform_indices = @transform_0, window_bounds = array<i64: 1280, 128>}, {transform_indices = @transform_1, window_bounds = array<i64: 2, 1280, 128>}, {pipeline_mode = #tpu.pipeline_mode<synchronous>, transform_indices = @transform_2, window_bounds = array<i64: 384, 128>}, {pipeline_mode = #tpu.pipeline_mode<synchronous>, transform_indices = @transform_3, window_bounds = array<i64: 384, 128>}, {pipeline_mode = #tpu.pipeline_mode<synchronous>, transform_indices = @transform_4, window_bounds = array<i64: 1, 128>}, {pipeline_mode = #tpu.pipeline_mode<synchronous>, transform_indices = @transform_5, window_bounds = array<i64: 1, 128>}, {transform_indices = @transform_6, window_bounds = array<i64: 2, 1280, 128>}, {transform_indices = @transform_7, window_bounds = array<i64: 1280, 128>}, {transform_indices = @transform_8, window_bounds = array<i64: 2, 1280, 128>}]} {
    %get3A = arith.constant 0 : index
    %get3A_0 = arith.constant 0 : index
    %get3A_1 = vector.load %arg1[%get3A, %get3A_0] : memref<1280x128xf32, #tpu.memory_space<vmem>>, vector<1280x128xf32>
    %get3A_2 = arith.constant 0 : index
    %get3A_3 = arith.constant 0 : index
    %get3A_4 = arith.constant 0 : index
    %get3A_5 = vector.load %arg2[%get3A_2, %get3A_3, %get3A_4] : memref<2x1280x128xf32, #tpu.memory_space<vmem>>, vector<1x1280x128xf32>
    %get3A_6 = vector.shape_cast %get3A_5 : vector<1x1280x128xf32> to vector<1280x128xf32>
    %get3A_7 = arith.constant 1 : index
    %get3A_8 = arith.constant 0 : index
    %get3A_9 = arith.constant 0 : index
    %get3A_10 = vector.load %arg2[%get3A_7, %get3A_8, %get3A_9] : memref<2x1280x128xf32, #tpu.memory_space<vmem>>, vector<1x1280x128xf32>
    %get3A_11 = vector.shape_cast %get3A_10 : vector<1x1280x128xf32> to vector<1280x128xf32>
    %concatenate3A = tpu.concatenate %get3A_1, %get3A_6, %get3A_11 in 1 : vector<1280x128xf32>, vector<1280x128xf32>, vector<1280x128xf32> -> vector<1280x384xf32>
    %get3A_12 = arith.constant 0 : index
    %get3A_13 = arith.constant 0 : index
    %get3A_14 = vector.load %arg3[%get3A_12, %get3A_13] : memref<384x128xf32, #tpu.memory_space<vmem>>, vector<384x128xf32>
    %dot_general3A = arith.constant dense<0.000000e+00> : vector<1280x128xf32>
    %dot_general3A_15 = tpu.matmul %concatenate3A, %get3A_14, %dot_general3A {dimension_numbers = #tpu.dot_dimension_numbers<[1], [0], [0], [1], [0, 0, 1, 1], [], []>, transpose_lhs_hint = false} : vector<1280x384xf32>, vector<384x128xf32>, vector<1280x128xf32> -> vector<1280x128xf32>
    %get3A_16 = arith.constant 0 : index
    %get3A_17 = arith.constant 0 : index
    %get3A_18 = vector.load %arg4[%get3A_16, %get3A_17] : memref<384x128xf32, #tpu.memory_space<vmem>>, vector<384x128xf32>
    %dot_general3A_19 = arith.constant dense<0.000000e+00> : vector<1280x128xf32>
    %dot_general3A_20 = tpu.matmul %concatenate3A, %get3A_18, %dot_general3A_19 {dimension_numbers = #tpu.dot_dimension_numbers<[1], [0], [0], [1], [0, 0, 1, 1], [], []>, transpose_lhs_hint = false} : vector<1280x384xf32>, vector<384x128xf32>, vector<1280x128xf32> -> vector<1280x128xf32>
    %get3A_21 = arith.constant 0 : index
    %get3A_22 = arith.constant 0 : index
    %get3A_23 = vector.load %arg5[%get3A_21, %get3A_22] : memref<1x128xf32, #tpu.memory_space<vmem>>, vector<1x128xf32>
    %add3A = vector.broadcast %get3A_23 : vector<1x128xf32> to vector<1280x128xf32>
    %add3A_24 = arith.addf %dot_general3A_15, %add3A : vector<1280x128xf32>
    %logistic3A = arith.negf %add3A_24 : vector<1280x128xf32>
    %logistic3A_25 = math.exp %logistic3A : vector<1280x128xf32>
    %logistic3A_26 = arith.constant 1.000000e+00 : f32
    %logistic3A_27 = vector.broadcast %logistic3A_26 : f32 to vector<1280x128xf32>
    %logistic3A_28 = arith.addf %logistic3A_27, %logistic3A_25 : vector<1280x128xf32>
    %logistic3A_29 = arith.divf %logistic3A_27, %logistic3A_28 : vector<1280x128xf32>
    %get3A_30 = arith.constant 0 : index
    %get3A_31 = arith.constant 0 : index
    %get3A_32 = vector.load %arg6[%get3A_30, %get3A_31] : memref<1x128xf32, #tpu.memory_space<vmem>>, vector<1x128xf32>
    %add3A_33 = vector.broadcast %get3A_32 : vector<1x128xf32> to vector<1280x128xf32>
    %add3A_34 = arith.addf %dot_general3A_20, %add3A_33 : vector<1280x128xf32>
    %tanh3A = math.tanh %add3A_34 : vector<1280x128xf32>
    %sub3A = arith.constant 1.000000e+00 : f32
    %sub3A_35 = vector.broadcast %sub3A : f32 to vector<1280x128xf32>
    %sub3A_36 = arith.subf %sub3A_35, %logistic3A_29 : vector<1280x128xf32>
    %mul3A = arith.mulf %sub3A_36, %tanh3A : vector<1280x128xf32>
    %swap3A = arith.constant 0 : index
    %swap3A_37 = arith.constant 0 : index
    %swap3A_38 = vector.load %arg8[%swap3A, %swap3A_37] : memref<1280x128xf32, #tpu.memory_space<vmem>>, vector<1280x128xf32>
    tpu.vector_store %arg8[%swap3A, %swap3A_37], %mul3A {strides = array<i32>} : memref<1280x128xf32, #tpu.memory_space<vmem>>, vector<1280x128xf32>,
    %get3A_39 = arith.constant 0 : index
    %get3A_40 = arith.constant 0 : index
    %get3A_41 = arith.constant 0 : index
    %get3A_42 = vector.load %arg7[%get3A_39, %get3A_40, %get3A_41] : memref<2x1280x128xf32, #tpu.memory_space<vmem>>, vector<1x1280x1xf32>
    %get3A_43 = vector.shape_cast %get3A_42 : vector<1x1280x1xf32> to vector<1280x1xf32>
    %div3A = vector.broadcast %get3A_43 : vector<1280x1xf32> to vector<1280x128xf32>
    %div3A_44 = arith.divf %mul3A, %div3A : vector<1280x128xf32>
    %swap3A_45 = arith.constant 0 : index
    %swap3A_46 = arith.constant 0 : index
    %swap3A_47 = arith.constant 0 : index
    %swap3A_48 = vector.load %arg9[%swap3A_45, %swap3A_46, %swap3A_47] : memref<2x1280x128xf32, #tpu.memory_space<vmem>>, vector<1x1280x128xf32>
    %swap3A_49 = vector.shape_cast %swap3A_48 : vector<1x1280x128xf32> to vector<1280x128xf32>
    %swap3A_50 = vector.shape_cast %div3A_44 : vector<1280x128xf32> to vector<1x1280x128xf32>
    tpu.vector_store %arg9[%swap3A_45, %swap3A_46, %swap3A_47], %swap3A_50 {strides = array<i32>} : memref<2x1280x128xf32, #tpu.memory_space<vmem>>, vector<1x1280x128xf32>,
    %get3A_51 = arith.constant 1 : index
    %get3A_52 = arith.constant 0 : index
    %get3A_53 = arith.constant 0 : index
    %get3A_54 = vector.load %arg7[%get3A_51, %get3A_52, %get3A_53] : memref<2x1280x128xf32, #tpu.memory_space<vmem>>, vector<1x1280x1xf32>
    %get3A_55 = vector.shape_cast %get3A_54 : vector<1x1280x1xf32> to vector<1280x1xf32>
    %div3A_56 = vector.broadcast %get3A_55 : vector<1280x1xf32> to vector<1280x128xf32>
    %div3A_57 = arith.divf %mul3A, %div3A_56 : vector<1280x128xf32>
    %swap3A_58 = arith.constant 1 : index
    %swap3A_59 = arith.constant 0 : index
    %swap3A_60 = arith.constant 0 : index
    %swap3A_61 = vector.load %arg9[%swap3A_58, %swap3A_59, %swap3A_60] : memref<2x1280x128xf32, #tpu.memory_space<vmem>>, vector<1x1280x128xf32>
    %swap3A_62 = vector.shape_cast %swap3A_61 : vector<1x1280x128xf32> to vector<1280x128xf32>
    %swap3A_63 = vector.shape_cast %div3A_57 : vector<1280x128xf32> to vector<1x1280x128xf32>
    tpu.vector_store %arg9[%swap3A_58, %swap3A_59, %swap3A_60], %swap3A_63 {strides = array<i32>} : memref<2x1280x128xf32, #tpu.memory_space<vmem>>, vector<1x1280x128xf32>,
    return
  }
  func.func @transform_0(%arg0: i32) -> (i32, i32) {
    %c0_i32 = arith.constant 0 : i32
    %c0_i32_0 = arith.constant 0 : i32
    return %arg0, %c0_i32 : i32, i32
  }
  func.func @transform_1(%arg0: i32) -> (i32, i32, i32) {
    %c0_i32 = arith.constant 0 : i32
    %c0_i32_0 = arith.constant 0 : i32
    %c0_i32_1 = arith.constant 0 : i32
    return %c0_i32, %arg0, %c0_i32_0 : i32, i32, i32
  }
  func.func @transform_2(%arg0: i32) -> (i32, i32) {
    %c0_i32 = arith.constant 0 : i32
    %c0_i32_0 = arith.constant 0 : i32
    %c0_i32_1 = arith.constant 0 : i32
    return %c0_i32, %c0_i32_0 : i32, i32
  }
  func.func @transform_3(%arg0: i32) -> (i32, i32) {
    %c0_i32 = arith.constant 0 : i32
    %c0_i32_0 = arith.constant 0 : i32
    %c0_i32_1 = arith.constant 0 : i32
    return %c0_i32, %c0_i32_0 : i32, i32
  }
  func.func @transform_4(%arg0: i32) -> (i32, i32) {
    %c0_i32 = arith.constant 0 : i32
    %c0_i32_0 = arith.constant 0 : i32
    %c0_i32_1 = arith.constant 0 : i32
    return %c0_i32, %c0_i32_0 : i32, i32
  }
  func.func @transform_5(%arg0: i32) -> (i32, i32) {
    %c0_i32 = arith.constant 0 : i32
    %c0_i32_0 = arith.constant 0 : i32
    %c0_i32_1 = arith.constant 0 : i32
    return %c0_i32, %c0_i32_0 : i32, i32
  }
  func.func @transform_6(%arg0: i32) -> (i32, i32, i32) {
    %c0_i32 = arith.constant 0 : i32
    %c0_i32_0 = arith.constant 0 : i32
    %c0_i32_1 = arith.constant 0 : i32
    return %c0_i32, %arg0, %c0_i32_0 : i32, i32, i32
  }
  func.func @transform_7(%arg0: i32) -> (i32, i32) {
    %c0_i32 = arith.constant 0 : i32
    %c0_i32_0 = arith.constant 0 : i32
    return %arg0, %c0_i32 : i32, i32
  }
  func.func @transform_8(%arg0: i32) -> (i32, i32, i32) {
    %c0_i32 = arith.constant 0 : i32
    %c0_i32_0 = arith.constant 0 : i32
    %c0_i32_1 = arith.constant 0 : i32
    return %c0_i32, %arg0, %c0_i32_0 : i32, i32, i32
  }
}

</mosaic_0001>

<sc_bundles>
// kernel: kernel.11.cloned.1.call-start
scs
__scs_entry_jumppad:
0x0: {  	(pc) =	sbr.rel $0x88, $3  }
0x1: {  	(tag) =	ssettag $0x0;
	lr =	simm.s32 $0x1  }
0x2: {  	[smem:$0x3F9B] =	sst lr;
	_ =	strace $0xD0000000  }
0x3: {  	_ = 	snop  }
0x4: {  	_ = 	snop  }
0x5: {  	_ = 	snop  }
0x6: {  	_ = 	snop  }
0x7: {  	_ = 	snop  }
__scs_overlays_trampoline_lowered:
0x8: {  	[smem:$0x3FAA] =	sst s0  }
0x9: {  	[smem:$0x3FAB] =	sst s1  }
0xa: {  	[smem:$0x3FAC] =	sst s2  }
0xb: {  	[smem:$0x3FAD] =	sst s3  }
0xc: {  	[smem:$0x3FAE] =	sst s4  }
0xd: {  	[smem:$0x3FAF] =	sst s5  }
0xe: {  	[smem:$0x3FB0] =	sst s6  }
0xf: {  	[smem:$0x3FB1] =	sst s7  }
0x10: {  	[smem:$0x3FB2] =	sst s8  }
0x11: {  	[smem:$0x3FB3] =	sst s9;
	s0 =	simm.s32 @!p0 $0x0  }
0x12: {  	s1 =	sld [smem:$0x3F99];
	s0 =	simm.s32 @p0 $0x1  }
0x13: {  	[smem:$0x3FB4] =	sst s0;
	s0 =	simm.s32 @!p1 $0x0  }
0x14: {  	s2 =	sld [smem:$0x3F98];
	s0 =	simm.s32 @p1 $0x1  }
0x15: {  	[smem:$0x3FB5] =	sst s0;
	s0 =	simm.s32 @!p2 $0x0  }
0x16: {  	s3 =	sld [smem:$0x3FDB];
	s0 =	simm.s32 @p2 $0x1  }
0x17: {  	s4 =	simm.s32 $0x1BF5;
	[smem:$0x3FB7] =	sst s0  }
0x18: {  	s0 =	sld [smem:$0x3F9A];
	_ =	swait.ge [sflag:s4], $0x0  }
0x19: {  	s7 =	sld [smem:$0x3F9B]  }
0x1a: {  	s8 =	sadd.s32 $0xFFFFE003, lr  }
0x1b: {  	s9 =	sadd.s32 $0xFFFFFEF7, lr;
	s5 =	simm.s32 $0xFFFFFFFF;
	p2 =	slt.u32 s8, $0xFFFFF086  }
0x1c: {  	p1 =	slt.u32 s9, $0xF7A;
	s5 =	simm.s32 @!p2 $0x0  }
0x1d: {  	s5 =	simm.s32 @p1 $0x1;
	p0 =	seq.s32 s7, s2  }
0x1e: {  	s7 =	smul.u32 @!p0 $0xF7A, s2;
	p2 =	seq.s32 @!p0 s5, $0x0  }
0x1f: {  	s9 =	smul.u32 $0xF7A, s1;
	s8 =	simm.s32 @!p0 $0x1BF5;
	p2 =	por !p2, p0  }
0x20: {  	[sflag:s8] =	ssyncset.s32 @!p0 $0xFFFFF086;
	s6 =	sadd.s32 @!p0 s3, s7;
	s7 =	simm.s32 @!p0 $0x108  }
0x21: {  	s3 =	sadd.s32 s3, s9;
	s6 =	sadd.s32 @!p0 $0x88, s6;
	s7 =	simm.s32 @p2 $0x1082  }
0x22: {  	[simem:s7], [sflag:s8] =	dma.local @!p0 [hbm:s6], $0xF7A  }
0x23: {  	s9 =	sor.u32 $0xD0000000, s2;
	s6 =	simm.s32 $0x108;
	_ =	swait.ge @!p0 [sflag:s8], $0x0  }
0x24: {  	s3 =	sadd.s32 $0x88, s3;
	s6 =	simm.s32 @!p1 $0x1082;
	[sflag:s4] =	ssyncset.s32 $0xFFFFF086  }
0x25: {  	[simem:s6], [sflag:s4] =	dma.local [hbm:s3], $0xF7A  }
0x26: {  	[smem:$0x3F9B] =	sst s1;
	(tag) =	ssettag s2;
	_ =	strace s9  }
0x27: {  	s1 =	sld [smem:$0x3FAB]  }
0x28: {  	s2 =	sld [smem:$0x3FAC]  }
0x29: {  	s4 =	sld [smem:$0x3FAE]  }
0x2a: {  	p0 =	seq.s32 s5, $0x0;
	s5 =	sld [smem:$0x3FAF]  }
0x2b: {  	s6 =	sld [smem:$0x3FB0]  }
0x2c: {  	s7 =	sld [smem:$0x3FB1]  }
0x2d: {  	s3 =	simm.s32 $0x108;
	s8 =	sld [smem:$0x3FB2]  }
0x2e: {  	s3 =	simm.s32 @!p0 $0x1082;
	s9 =	sld [smem:$0x3FB3]  }
0x2f: {  	lr =	sadd.s32 s0, s3;
	s0 =	sld [smem:$0x3FAA]  }
0x30: {  	s3 =	sld [smem:$0x3FAD]  }
0x31: {  	[smem:$0x3FB6] =	sst s10  }
0x32: {  	s10 =	sld [smem:$0x3FB4];
	_ =	sdelay $0x3  }
0x33: {  	p0 =	seq.s32 s10, $0x1;
	s10 =	sld [smem:$0x3FB6];
	_ =	sdelay $0x3  }
0x34: {  	[smem:$0x3FB6] =	sst s10  }
0x35: {  	s10 =	sld [smem:$0x3FB5];
	_ =	sdelay $0x3  }
0x36: {  	p1 =	seq.s32 s10, $0x1;
	s10 =	sld [smem:$0x3FB6];
	_ =	sdelay $0x3  }
0x37: {  	[smem:$0x3FB6] =	sst s10  }
0x38: {  	s10 =	sld [smem:$0x3FB7]  }
0x39: {  	_ = 	snop;
	(pc) =	sbr.ind lr, $3  }
0x3a: {  	_ = 	snop  }
0x3b: {  	_ = 	snop  }
0x3c: {  	p2 =	seq.s32 s10, $0x1;
	s10 =	sld [smem:$0x3FB6]  }
0x3d: {  	_ =	shalt  }
0x3e: {  	_ =	shalt  }
0x3f: {  	_ =	shalt  }
0x40: {  	_ =	shalt  }
0x41: {  	_ =	shalt  }
0x42: {  	_ =	shalt  }
0x43: {  	_ =	shalt  }
0x44: {  	_ =	shalt  }
0x45: {  	_ =	shalt  }
0x46: {  	_ =	shalt  }
0x47: {  	_ =	shalt  }
0x48: {  	_ =	shalt  }
0x49: {  	_ =	shalt  }
0x4a: {  	_ =	shalt  }
0x4b: {  	_ =	shalt  }
0x4c: {  	_ =	shalt  }
0x4d: {  	_ =	shalt  }
0x4e: {  	_ =	shalt  }
0x4f: {  	_ =	shalt  }
0x50: {  	_ =	shalt  }
0x51: {  	_ =	shalt  }
0x52: {  	_ =	shalt  }
0x53: {  	_ =	shalt  }
0x54: {  	_ =	shalt  }
0x55: {  	_ =	shalt  }
0x56: {  	_ =	shalt  }
0x57: {  	_ =	shalt  }
0x58: {  	_ =	shalt  }
0x59: {  	_ =	shalt  }
0x5a: {  	_ =	shalt  }
0x5b: {  	_ =	shalt  }
0x5c: {  	_ =	shalt  }
0x5d: {  	_ =	shalt  }
0x5e: {  	_ =	shalt  }
0x5f: {  	_ =	shalt  }
0x60: {  	_ =	shalt  }
0x61: {  	_ =	shalt  }
0x62: {  	_ =	shalt  }
0x63: {  	_ =	shalt  }
0x64: {  	_ =	shalt  }
0x65: {  	_ =	shalt  }
0x66: {  	_ =	shalt  }
0x67: {  	_ =	shalt  }
0x68: {  	_ =	shalt  }
0x69: {  	_ =	shalt  }
0x6a: {  	_ =	shalt  }
0x6b: {  	_ =	shalt  }
0x6c: {  	_ =	shalt  }
0x6d: {  	_ =	shalt  }
0x6e: {  	_ =	shalt  }
0x6f: {  	_ =	shalt  }
0x70: {  	_ =	shalt  }
0x71: {  	_ =	shalt  }
0x72: {  	_ =	shalt  }
0x73: {  	_ =	shalt  }
0x74: {  	_ =	shalt  }
0x75: {  	_ =	shalt  }
0x76: {  	_ =	shalt  }
0x77: {  	_ =	shalt  }
0x78: {  	_ =	shalt  }
0x79: {  	_ =	shalt  }
0x7a: {  	_ =	shalt  }
0x7b: {  	_ =	shalt  }
0x7c: {  	_ =	shalt  }
0x7d: {  	_ =	shalt  }
0x7e: {  	_ =	shalt  }
0x7f: {  	_ =	shalt  }
0x80: {  	_ =	shalt  }
0x81: {  	_ =	shalt  }
0x82: {  	_ =	shalt  }
0x83: {  	_ =	shalt  }
0x84: {  	_ =	shalt  }
0x85: {  	_ =	shalt  }
0x86: {  	_ =	shalt  }
0x87: {  	_ =	shalt  }
.Lfunc_end0:
.L_simem_size_0:
called_computation.1_lowered:
.L_overlay_start_0:
0x88: {  	s2 =	sld [smem:$0x3FD9]  }
0x89: {  	s3 =	sld [smem:$0x3FFE];
	_ =	sdelay $0x1  }
0x8a: {  	s1 =	srdreg.scid  }
0x8b: {  	s0 =	sand.u32 $0x1, s1  }
0x8c: {  	s17 =	sshll.u32 s0, $0xA;
	s2 =	sadd.s32 s3, s2  }
0x8d: {  	s2 =	sadd.s32 s2, s17  }
0x8e: {  	[smem:$0x3FC2] =	sst s2  }
0x8f: {  	_ = 	snop  }
0x90: {  	s2 =	sld [smem:$0x3FD0];
	(tm) =	ssettm $0x1  }
0x91: {  	s18 =	sld [smem:$0x3FFB];
	_ =	sdelay $0x3  }
0x92: {  	_ =	strace s18  }
0x93: {  	s3 =	sld [smem:$0x3FFC];
	_ =	sdelay $0x3  }
0x94: {  	_ =	strace s3  }
0x95: {  	s3 =	sld [smem:$0x3FFD];
	_ =	sdelay $0x3  }
0x96: {  	_ =	strace s3  }
0x97: {  	_ =	strace $0x8FFFFFFF  }
0x98: {  	s19 =	sld [smem:$0x3FDB];
	_ =	sdelay $0x1  }
0x99: {  	s4 =	simm.s32 $_scs_section_size  }
0x9a: {  	s5 =	simm.s32 $_size__tile_overlayer_lowered;
	s6 =	simm.s32 $_tile_overlayer_lowered  }
0x9b: {  	s22 =	simm.s32 $0x1BFF;
	s21 =	sshll.u32 s6, $0x1;
	s3 =	sadd.s32 s4, s19  }
0x9c: {  	s7 =	simm.s32 $0x0;
	s20 =	sshll.u32 s5, $0x1;
	s5 =	sadd.s32 s21, s3  }
0x9d: {  	[timem:s7], [sflag:s22] =	dma.local [hbm:s5], s20  }
0x9e: {  	_ =	swait.ge [sflag:s22], s20  }
0x9f: {  	s4 =	ssub.s32 $0x0, s20;
	[sflag:s22] =	ssyncset.done $0x0  }
0xa0: {  	[sflag:s22] =	ssyncadd.s32 s4;
	_ =	sdelay $0x1  }
0xa1: {  	s23 =	simm.s32 $0x1B8B  }
0xa2: {  	_ =	swait.ge [sflag:s23], $0x1  }
0xa3: {  	[sflag:s23] =	ssyncset.done $0x0  }
0xa4: {  	s25 =	simm.s32 $0x1B8E;
	s24 =	sld [smem:$0x3FFE];
	[sflag:s23] =	ssyncadd.s32 $0xFFFFFFFF  }
0xa5: {  	s26 =	simm.s32 $execute0_lowered;
	[smem:$0x3FD2] =	sst s25  }
0xa6: {  	s5 =	sshll.u32 s26, $0x1;
	_ =	strace $0x80000049;
	[dreg:$0x1] =	wrdreg $0xFFFFFFFF  }
0xa7: {  	s28 =	simm.s32 $_size_execute0_lowered;
	s3 =	sadd.s32 s3, s5;
	[dreg:$0x0] =	wrdreg $0x0  }
0xa8: {  	s5 =	sshll.u32 s28, $0x1;
	[dreg:$0x2] =	wrdreg s3  }
0xa9: {  	[dreg:$0x3] =	wrdreg s5  }
0xaa: {  	[dreg:$0x4] =	wrdreg $0xC0  }
0xab: {  	_ =	task [dreg:s7], $0x5FFFF  }
0xac: {  	[dreg:$0x1] =	wrdreg $0xFFFFFFFF  }
0xad: {  	[dreg:$0x0] =	wrdreg $0x60  }
0xae: {  	[dreg:$0x2] =	wrdreg s24  }
0xaf: {  	[dreg:$0x3] =	wrdreg s2  }
0xb0: {  	[dreg:$0x4] =	wrdreg $0xA0000  }
0xb1: {  	[dreg:$0x5] =	wrdreg $0x9  }
0xb2: {  	_ =	task.clear_ibuf [dreg:s7], $0x6FFFF;
	_ =	strace $0x90000049  }
0xb3: {  	s29 =	simm.s32 $0x9;
	_ =	strace $0x8000004B  }
0xb4: {  	_ =	swait.ge [sflag:s29], $0x1  }
0xb5: {  	[sflag:s29] =	ssyncadd.s32 $0xFFFFFFFF  }
0xb6: {  	_ =	strace $0x9000004B  }
0xb7: {  	_ =	sfence  }
0xb8: {  	s30 =	sld [smem:$0x0];
	_ =	sdelay $0x2  }
0xb9: {  	s31 =	sshll.u32 s1, $0xD;
	s1 =	sshrl.u32 s1, $0x2  }
0xba: {  	s3 =	sand.u32 $0x4000, s31;
	s1 =	sadd.s32 s1, s30  }
0xbb: {  	s0 =	sor.u32 s3, s0;
	s1 =	sshll.u32 s1, $0x11  }
0xbc: {  	s0 =	sor.u32 s1, s0  }
0xbd: {  	s0 =	sadd.s32 $0x8F2B, s0  }
0xbe: {  	[sflag:s0] =	ssyncadd.remote.s32 $0x1  }
0xbf: {  	_ =	sfence.sel $0xFFFF  }
0xc0: {  	[dreg:$0x0] =	wrdreg $0xFFFFFFFF;
	(pc) =	sbr.abs _section_cstart, $3  }
0xc1: {  	[dreg:$0x1] =	wrdreg $0xFFFFFFFF  }
0xc2: {  	_ =	task.clear_ibuf [dreg:s7], $0x2FFFF;
	_ =	strace $0x9FFFFFFF  }
0xc3: {  	(tm) =	ssettm $0x7FFFFFFF  }
tec
execute0_lowered:
.L_overlay_start_1:
0x0: {  	(tag) =	ssettag $0x1  }
0x1: {  	s0 =	rddreg [dreg:$0x0]  }
0x2: {  	s3 =	rddreg [dreg:$0x1]  }
0x3: {  	s1 =	rddreg [dreg:$0x2];
	s2 =	simm.s32 $0x0;
	s4 =	srdreg.scid  }
0x4: {  	s22 =	stileid.u32;
	s28 =	simm.s32 $0x80;
	s29 =	simm.s32 $0x1  }
0x5: {  	s30 =	simm.s32 $0x6000;
	s31 =	simm.s32 $0x2;
	s9 =	smul.u32 $0x280, s22  }
0x6: {  	[smem:$0x7FF] =	sst s2;
	s5 =	sand.u32 $0x1, s4;
	s8 =	smul.u32 $0x50000, s22  }
0x7: {  	s4 =	sadd.s32 $0x7BA00, s0;
	s7 =	sadd.s32 $0x2AA00, s0;
	s13 =	smul.u32 $0xA000, s5  }
0x8: {  	_ =	strace $0x8000004A;
	s6 =	smul.u32 $0x28000, s5;
	s5 =	ssub.s32 $0x2, s5  }
0x9: {  	[dreg:$0x4] =	wrdreg s7;
	s10 =	sshrl.u32 s5, $0x1;
	s18 =	sadd.s32 $0x80, s9  }
0xa: {  	s12 =	sshrl.u32 s8, $0x2;
	s19 =	sadd.s32 $0x100, s9;
	s20 =	sadd.s32 $0x180, s9  }
0xb: {  	s21 =	sadd.s32 $0x200, s9;
	s11 =	sadd.s32 s13, s0;
	s0 =	sadd.s32 s6, s0  }
0xc: {  	s5 =	ssub.s32 s5, s10;
	s14 =	sshll.u32 s18, $0x7;
	s6 =	sadd.s32 s12, s1  }
0xd: {  	s15 =	sshll.u32 s19, $0x7;
	s16 =	sshll.u32 s20, $0x7;
	s10 =	sshll.u32 s21, $0x7  }
0xe: {  	s12 =	smul.u32 $0xA00, s22;
	s13 =	sadd.s32 s3, s13;
	s18 =	sshll.u32 s18, $0x4  }
0xf: {  	s23 =	sshll.u32 s19, $0x4;
	s20 =	sshll.u32 s20, $0x4;
	s24 =	sshll.u32 s21, $0x4  }
0x10: {  	s19 =	simm.s32 $0x2000;
	s7 =	sadd.s32 s14, s1;
	s8 =	sadd.s32 s15, s1  }
0x11: {  	s14 =	smul.u32 $0x5000, s22;
	s9 =	sadd.s32 s16, s1;
	s10 =	sadd.s32 s10, s1  }
0x12: {  	s11 =	sadd.s32 $0x16A00, s11;
	s0 =	sadd.s32 $0xCBA00, s0;
	s5 =	smax.u32 s5, $0x1  }
0x13: {  	s22 =	smul.u32 $0x2800, s22;
	[dreg:$0x5] =	wrdreg s5;
	s25 =	sadd.s32 s18, s0  }
0x14: {  	s26 =	sadd.s32 s23, s0;
	s23 =	sadd.s32 s20, s0;
	s24 =	sadd.s32 s24, s0  }
0x15: {  	s5 =	simm.s32 $0x1F80;
	s18 =	simm.s32 $0x0;
	[dreg:$0x7] =	wrdreg s25  }
0x16: {  	s17 =	sshrl.u32 s14, $0x3;
	s3 =	sadd.s32 s22, s0;
	[dreg:$0x8] =	wrdreg s26  }
0x17: {  	s25 =	simm.s32 $0x3;
	s26 =	simm.s32 $0x1000;
	s0 =	simm.s32 $0xF80  }
0x18: {  	s14 =	sadd.s32 $0x200, s17;
	s15 =	sadd.s32 $0x400, s17;
	s16 =	sadd.s32 $0x600, s17  }
0x19: {  	s17 =	sadd.s32 $0x800, s17;
	[dreg:$0x6] =	wrdreg s3;
	s3 =	simm.s32 $0x1F00  }
.LBB2_1:
0x1a: {  	s20 =	rddreg [dreg:$0x4]  }
0x1b: {  	[tilespmem:s19], [sflag:$0x3] =	stream.linear.gather [hbm4b:s20+s2], $0x4000, $0x38;
	[tilespmem:$0x1E000] =	vst v63  }
0x1c: {  	_ =	swait.ge [sflag:s25], $0x4000  }
0x1d: {  	[sflag:s25] =	ssyncset.done $0x0  }
0x1e: {  	[sflag:s25] =	ssyncadd.s32 $0xFFFFC000  }
0x1f: {  	[spmem:s6] =	stream.linear.scatter [tilespmem:s19], [sflag:$0x3], $0x4000, $0x38;
	[tilespmem:$0x1E000] =	vst v63  }
0x20: {  	_ =	swait.ge [sflag:s25], $0x4000  }
0x21: {  	[sflag:s25] =	ssyncset.done $0x0  }
0x22: {  	[sflag:s25] =	ssyncadd.s32 $0xFFFFC000  }
0x23: {  	[spmem:s7] =	stream.linear.scatter [tilespmem:s19], [sflag:$0x3], $0x4000, $0x38;
	[tilespmem:$0x1E000] =	vst v63  }
0x24: {  	_ =	swait.ge [sflag:s25], $0x4000  }
0x25: {  	[sflag:s25] =	ssyncset.done $0x0  }
0x26: {  	[sflag:s25] =	ssyncadd.s32 $0xFFFFC000  }
0x27: {  	[spmem:s8] =	stream.linear.scatter [tilespmem:s19], [sflag:$0x3], $0x4000, $0x38;
	[tilespmem:$0x1E000] =	vst v63  }
0x28: {  	_ =	swait.ge [sflag:s25], $0x4000  }
0x29: {  	[sflag:s25] =	ssyncset.done $0x0  }
0x2a: {  	[sflag:s25] =	ssyncadd.s32 $0xFFFFC000  }
0x2b: {  	[spmem:s9] =	stream.linear.scatter [tilespmem:s19], [sflag:$0x3], $0x4000, $0x38;
	[tilespmem:$0x1E000] =	vst v63  }
0x2c: {  	_ =	swait.ge [sflag:s25], $0x4000  }
0x2d: {  	[sflag:s25] =	ssyncset.done $0x0  }
0x2e: {  	[sflag:s25] =	ssyncadd.s32 $0xFFFFC000  }
0x2f: {  	[spmem:s10] =	stream.linear.scatter [tilespmem:s19], [sflag:$0x3], $0x4000, $0x38;
	[tilespmem:$0x1E000] =	vst v63  }
0x30: {  	_ =	swait.ge [sflag:s25], $0x4000  }
0x31: {  	[sflag:s25] =	ssyncset.done $0x0  }
0x32: {  	[sflag:s25] =	ssyncadd.s32 $0xFFFFC000  }
0x33: {  	s21 =	sadd.s32 s12, s11;
	[bflag:$0x0] =	sbarrier.arrive $0xFFFF  }
0x34: {  	[tilespmem:s2], [sflag:$0x3] =	stream.linear.gather [hbm4b:s21+s2], $0x1000, $0x38;
	[tilespmem:$0x1E000] =	vst v63  }
0x35: {  	_ =	swait.ge [sflag:s25], $0x1000  }
0x36: {  	[sflag:s25] =	ssyncset.done $0x0  }
0x37: {  	s22 =	sadd.s32 s12, s13;
	[sflag:s25] =	ssyncadd.s32 $0xFFFFF000  }
0x38: {  	[tilespmem:s26], [sflag:$0x3] =	stream.linear.gather [hbm4b:s22+s2], $0x1000, $0x38;
	[tilespmem:$0x1E000] =	vst v63  }
0x39: {  	_ =	swait.ge [sflag:s25], $0x1000  }
0x3a: {  	[sflag:s25] =	ssyncset.done $0x0  }
0x3b: {  	[sflag:s25] =	ssyncadd.s32 $0xFFFFF000  }
0x3c: {  	[tilespmem:s19], [sflag:$0x1] =	stream.indirect.gather [hbm4b:s4+s28], $0x80, s2, s28, $0xb8;
	[tilespmem:$0x1E000] =	vst v63  }
0x3d: {  	_ =	swait.ge [sflag:s29], $0x4000  }
0x3e: {  	[sflag:s29] =	ssyncset.done $0x0  }
0x3f: {  	s21 =	simm.s32 $0x80;
	[sflag:s29] =	ssyncadd.s32 $0xFFFFC000  }
0x40: {  	[tilespmem:s30], [sflag:$0x2] =	stream.indirect.gather [hbm4b:s4+s28], $0x80, s21, s28, $0xb8;
	[tilespmem:$0x1E000] =	vst v63  }
0x41: {  	s22 =	simm.s32 $0x1000  }
0x42: {  	[spmem:s1] =	stream.indirect.scatter.add.f32 [tilespmem:s19], [sflag:$0x3], $0x80, s22, s28, $0xb8;
	[tilespmem:$0x1E000] =	vst v63  }
0x43: {  	_ =	swait.ge [sflag:s25], $0x4000  }
0x44: {  	[sflag:s25] =	ssyncset.done $0x0  }
0x45: {  	[sflag:s25] =	ssyncadd.s32 $0xFFFFC000  }
0x46: {  	_ =	swait.ge [sflag:s31], $0x4000  }
0x47: {  	[sflag:s31] =	ssyncset.done $0x0  }
0x48: {  	s21 =	simm.s32 $0x100;
	[sflag:s31] =	ssyncadd.s32 $0xFFFFC000  }
0x49: {  	[tilespmem:s19], [sflag:$0x1] =	stream.indirect.gather [hbm4b:s4+s28], $0x80, s21, s28, $0xb8;
	[tilespmem:$0x1E000] =	vst v63  }
0x4a: {  	s22 =	simm.s32 $0x1080  }
0x4b: {  	[spmem:s1] =	stream.indirect.scatter.add.f32 [tilespmem:s30], [sflag:$0x3], $0x80, s22, s28, $0xb8;
	[tilespmem:$0x1E000] =	vst v63  }
0x4c: {  	_ =	swait.ge [sflag:s25], $0x4000  }
0x4d: {  	s20 =	simm.s32 $0x400;
	[sflag:s25] =	ssyncset.done $0x0  }
.LBB2_2:
0x4e: {  	p0 =	sne.s32 s20, $0x3800  }
0x4f: {  	[sflag:s25] =	ssyncadd.s32 $0xFFFFC000;
	s21 =	smov.u32 s20;
	s20 =	sadd.s32 $0x400, s20  }
0x50: {  	_ = 	snop  }
0x51: {  	_ =	swait.ge [sflag:s29], $0x4000  }
0x52: {  	s21 =	sshra.s32 s21, $0x2;
	[sflag:s29] =	ssyncset.done $0x0  }
0x53: {  	s22 =	sadd.s32 $0x80, s21;
	[sflag:s29] =	ssyncadd.s32 $0xFFFFC000  }
0x54: {  	[tilespmem:s30], [sflag:$0x2] =	stream.indirect.gather [hbm4b:s4+s28], $0x80, s22, s28, $0xb8;
	[tilespmem:$0x1E000] =	vst v63  }
0x55: {  	s22 =	sadd.s32 $0x1000, s21  }
0x56: {  	[spmem:s1] =	stream.indirect.scatter.add.f32 [tilespmem:s19], [sflag:$0x3], $0x80, s22, s28, $0xb8;
	[tilespmem:$0x1E000] =	vst v63  }
0x57: {  	_ =	swait.ge [sflag:s25], $0x4000  }
0x58: {  	[sflag:s25] =	ssyncset.done $0x0  }
0x59: {  	[sflag:s25] =	ssyncadd.s32 $0xFFFFC000  }
0x5a: {  	_ =	swait.ge [sflag:s31], $0x4000  }
0x5b: {  	[sflag:s31] =	ssyncset.done $0x0  }
0x5c: {  	s22 =	sadd.s32 $0x100, s21;
	[sflag:s31] =	ssyncadd.s32 $0xFFFFC000  }
0x5d: {  	[tilespmem:s19], [sflag:$0x1] =	stream.indirect.gather [hbm4b:s4+s28], $0x80, s22, s28, $0xb8;
	[tilespmem:$0x1E000] =	vst v63  }
.Ltmp0:
0x5e: {  	_ = 	snop;
	(pc) =	sbr.rel @p0 .LBB2_2-.Ltmp0, $4  }
0x5f: {  	s21 =	sadd.s32 $0x1080, s21  }
0x60: {  	[spmem:s1] =	stream.indirect.scatter.add.f32 [tilespmem:s30], [sflag:$0x3], $0x80, s21, s28, $0xb8;
	[tilespmem:$0x1E000] =	vst v63  }
0x61: {  	_ =	swait.ge [sflag:s25], $0x4000  }
0x62: {  	[sflag:s25] =	ssyncset.done $0x0  }
0x63: {  	[sflag:s25] =	ssyncadd.s32 $0xFFFFC000  }
0x64: {  	_ =	swait.ge [sflag:s29], $0x4000  }
0x65: {  	[sflag:s29] =	ssyncset.done $0x0  }
0x66: {  	[sflag:s29] =	ssyncadd.s32 $0xFFFFC000  }
0x67: {  	[tilespmem:s30], [sflag:$0x2] =	stream.indirect.gather [hbm4b:s4+s28], $0x80, s0, s28, $0xb8;
	[tilespmem:$0x1E000] =	vst v63  }
0x68: {  	_ = 	snop  }
0x69: {  	[spmem:s1] =	stream.indirect.scatter.add.f32 [tilespmem:s19], [sflag:$0x3], $0x80, s3, s28, $0xb8;
	[tilespmem:$0x1E000] =	vst v63  }
0x6a: {  	_ =	swait.ge [sflag:s25], $0x4000  }
0x6b: {  	[sflag:s25] =	ssyncset.done $0x0  }
0x6c: {  	[sflag:s25] =	ssyncadd.s32 $0xFFFFC000  }
0x6d: {  	_ =	swait.ge [sflag:s31], $0x4000  }
0x6e: {  	[sflag:s31] =	ssyncset.done $0x0  }
0x6f: {  	[sflag:s31] =	ssyncadd.s32 $0xFFFFC000  }
0x70: {  	[spmem:s1] =	stream.indirect.scatter.add.f32 [tilespmem:s30], [sflag:$0x3], $0x80, s5, s28, $0xb8;
	[tilespmem:$0x1E000] =	vst v63  }
0x71: {  	_ =	swait.ge [sflag:s25], $0x4000  }
0x72: {  	[sflag:s25] =	ssyncset.done $0x0  }
0x73: {  	s20 =	sadd.s32 s14, s11;
	s21 =	simm.s32 $0x0;
	[sflag:s25] =	ssyncadd.s32 $0xFFFFC000  }
0x74: {  	[tilespmem:s21], [sflag:$0x3] =	stream.linear.gather [hbm4b:s20+s21], $0x1000, $0x38;
	[tilespmem:$0x1E000] =	vst v63  }
0x75: {  	_ =	swait.ge [sflag:s25], $0x1000  }
0x76: {  	[sflag:s25] =	ssyncset.done $0x0  }
0x77: {  	s22 =	sadd.s32 s14, s13;
	[sflag:s25] =	ssyncadd.s32 $0xFFFFF000  }
0x78: {  	[tilespmem:s26], [sflag:$0x3] =	stream.linear.gather [hbm4b:s22+s21], $0x1000, $0x38;
	[tilespmem:$0x1E000] =	vst v63  }
0x79: {  	_ =	swait.ge [sflag:s25], $0x1000  }
0x7a: {  	[sflag:s25] =	ssyncset.done $0x0  }
0x7b: {  	[sflag:s25] =	ssyncadd.s32 $0xFFFFF000  }
0x7c: {  	[tilespmem:s19], [sflag:$0x1] =	stream.indirect.gather [hbm4b:s4+s28], $0x80, s21, s28, $0xb8;
	[tilespmem:$0x1E000] =	vst v63  }
0x7d: {  	_ =	swait.ge [sflag:s29], $0x4000  }
0x7e: {  	[sflag:s29] =	ssyncset.done $0x0  }
0x7f: {  	s21 =	simm.s32 $0x80;
	[sflag:s29] =	ssyncadd.s32 $0xFFFFC000  }
0x80: {  	[tilespmem:s30], [sflag:$0x2] =	stream.indirect.gather [hbm4b:s4+s28], $0x80, s21, s28, $0xb8;
	[tilespmem:$0x1E000] =	vst v63  }
0x81: {  	s22 =	simm.s32 $0x1000  }
0x82: {  	[spmem:s1] =	stream.indirect.scatter.add.f32 [tilespmem:s19], [sflag:$0x3], $0x80, s22, s28, $0xb8;
	[tilespmem:$0x1E000] =	vst v63  }
0x83: {  	_ =	swait.ge [sflag:s25], $0x4000  }
0x84: {  	[sflag:s25] =	ssyncset.done $0x0  }
0x85: {  	[sflag:s25] =	ssyncadd.s32 $0xFFFFC000  }
0x86: {  	_ =	swait.ge [sflag:s31], $0x4000  }
0x87: {  	[sflag:s31] =	ssyncset.done $0x0  }
0x88: {  	s21 =	simm.s32 $0x100;
	[sflag:s31] =	ssyncadd.s32 $0xFFFFC000  }
0x89: {  	[tilespmem:s19], [sflag:$0x1] =	stream.indirect.gather [hbm4b:s4+s28], $0x80, s21, s28, $0xb8;
	[tilespmem:$0x1E000] =	vst v63  }
0x8a: {  	s22 =	simm.s32 $0x1080  }
0x8b: {  	[spmem:s1] =	stream.indirect.scatter.add.f32 [tilespmem:s30], [sflag:$0x3], $0x80, s22, s28, $0xb8;
	[tilespmem:$0x1E000] =	vst v63  }
0x8c: {  	_ =	swait.ge [sflag:s25], $0x4000  }
0x8d: {  	s20 =	simm.s32 $0x400;
	[sflag:s25] =	ssyncset.done $0x0  }
.LBB2_4:
0x8e: {  	p0 =	sne.s32 s20, $0x3800  }
0x8f: {  	[sflag:s25] =	ssyncadd.s32 $0xFFFFC000;
	s21 =	smov.u32 s20;
	s20 =	sadd.s32 $0x400, s20  }
0x90: {  	_ = 	snop  }
0x91: {  	_ =	swait.ge [sflag:s29], $0x4000  }
0x92: {  	s21 =	sshra.s32 s21, $0x2;
	[sflag:s29] =	ssyncset.done $0x0  }
0x93: {  	s22 =	sadd.s32 $0x80, s21;
	[sflag:s29] =	ssyncadd.s32 $0xFFFFC000  }
0x94: {  	[tilespmem:s30], [sflag:$0x2] =	stream.indirect.gather [hbm4b:s4+s28], $0x80, s22, s28, $0xb8;
	[tilespmem:$0x1E000] =	vst v63  }
0x95: {  	s22 =	sadd.s32 $0x1000, s21  }
0x96: {  	[spmem:s1] =	stream.indirect.scatter.add.f32 [tilespmem:s19], [sflag:$0x3], $0x80, s22, s28, $0xb8;
	[tilespmem:$0x1E000] =	vst v63  }
0x97: {  	_ =	swait.ge [sflag:s25], $0x4000  }
0x98: {  	[sflag:s25] =	ssyncset.done $0x0  }
0x99: {  	[sflag:s25] =	ssyncadd.s32 $0xFFFFC000  }
0x9a: {  	_ =	swait.ge [sflag:s31], $0x4000  }
0x9b: {  	[sflag:s31] =	ssyncset.done $0x0  }
0x9c: {  	s22 =	sadd.s32 $0x100, s21;
	[sflag:s31] =	ssyncadd.s32 $0xFFFFC000  }
0x9d: {  	[tilespmem:s19], [sflag:$0x1] =	stream.indirect.gather [hbm4b:s4+s28], $0x80, s22, s28, $0xb8;
	[tilespmem:$0x1E000] =	vst v63  }
.Ltmp1:
0x9e: {  	_ = 	snop;
	(pc) =	sbr.rel @p0 .LBB2_4-.Ltmp1, $4  }
0x9f: {  	s21 =	sadd.s32 $0x1080, s21  }
0xa0: {  	[spmem:s1] =	stream.indirect.scatter.add.f32 [tilespmem:s30], [sflag:$0x3], $0x80, s21, s28, $0xb8;
	[tilespmem:$0x1E000] =	vst v63  }
0xa1: {  	_ =	swait.ge [sflag:s25], $0x4000  }
0xa2: {  	[sflag:s25] =	ssyncset.done $0x0  }
0xa3: {  	[sflag:s25] =	ssyncadd.s32 $0xFFFFC000  }
0xa4: {  	_ =	swait.ge [sflag:s29], $0x4000  }
0xa5: {  	[sflag:s29] =	ssyncset.done $0x0  }
0xa6: {  	[sflag:s29] =	ssyncadd.s32 $0xFFFFC000  }
0xa7: {  	[tilespmem:s30], [sflag:$0x2] =	stream.indirect.gather [hbm4b:s4+s28], $0x80, s0, s28, $0xb8;
	[tilespmem:$0x1E000] =	vst v63  }
0xa8: {  	_ = 	snop  }
0xa9: {  	[spmem:s1] =	stream.indirect.scatter.add.f32 [tilespmem:s19], [sflag:$0x3], $0x80, s3, s28, $0xb8;
	[tilespmem:$0x1E000] =	vst v63  }
0xaa: {  	_ =	swait.ge [sflag:s25], $0x4000  }
0xab: {  	[sflag:s25] =	ssyncset.done $0x0  }
0xac: {  	[sflag:s25] =	ssyncadd.s32 $0xFFFFC000  }
0xad: {  	_ =	swait.ge [sflag:s31], $0x4000  }
0xae: {  	[sflag:s31] =	ssyncset.done $0x0  }
0xaf: {  	[sflag:s31] =	ssyncadd.s32 $0xFFFFC000  }
0xb0: {  	[spmem:s1] =	stream.indirect.scatter.add.f32 [tilespmem:s30], [sflag:$0x3], $0x80, s5, s28, $0xb8;
	[tilespmem:$0x1E000] =	vst v63  }
0xb1: {  	_ =	swait.ge [sflag:s25], $0x4000  }
0xb2: {  	[sflag:s25] =	ssyncset.done $0x0  }
0xb3: {  	s20 =	sadd.s32 s15, s11;
	s21 =	simm.s32 $0x0;
	[sflag:s25] =	ssyncadd.s32 $0xFFFFC000  }
0xb4: {  	[tilespmem:s21], [sflag:$0x3] =	stream.linear.gather [hbm4b:s20+s21], $0x1000, $0x38;
	[tilespmem:$0x1E000] =	vst v63  }
0xb5: {  	_ =	swait.ge [sflag:s25], $0x1000  }
0xb6: {  	[sflag:s25] =	ssyncset.done $0x0  }
0xb7: {  	s22 =	sadd.s32 s15, s13;
	[sflag:s25] =	ssyncadd.s32 $0xFFFFF000  }
0xb8: {  	[tilespmem:s26], [sflag:$0x3] =	stream.linear.gather [hbm4b:s22+s21], $0x1000, $0x38;
	[tilespmem:$0x1E000] =	vst v63  }
0xb9: {  	_ =	swait.ge [sflag:s25], $0x1000  }
0xba: {  	[sflag:s25] =	ssyncset.done $0x0  }
0xbb: {  	[sflag:s25] =	ssyncadd.s32 $0xFFFFF000  }
0xbc: {  	[tilespmem:s19], [sflag:$0x1] =	stream.indirect.gather [hbm4b:s4+s28], $0x80, s21, s28, $0xb8;
	[tilespmem:$0x1E000] =	vst v63  }
0xbd: {  	_ =	swait.ge [sflag:s29], $0x4000  }
0xbe: {  	[sflag:s29] =	ssyncset.done $0x0  }
0xbf: {  	s21 =	simm.s32 $0x80;
	[sflag:s29] =	ssyncadd.s32 $0xFFFFC000  }
0xc0: {  	[tilespmem:s30], [sflag:$0x2] =	stream.indirect.gather [hbm4b:s4+s28], $0x80, s21, s28, $0xb8;
	[tilespmem:$0x1E000] =	vst v63  }
0xc1: {  	s22 =	simm.s32 $0x1000  }
0xc2: {  	[spmem:s1] =	stream.indirect.scatter.add.f32 [tilespmem:s19], [sflag:$0x3], $0x80, s22, s28, $0xb8;
	[tilespmem:$0x1E000] =	vst v63  }
0xc3: {  	_ =	swait.ge [sflag:s25], $0x4000  }
0xc4: {  	[sflag:s25] =	ssyncset.done $0x0  }
0xc5: {  	[sflag:s25] =	ssyncadd.s32 $0xFFFFC000  }
0xc6: {  	_ =	swait.ge [sflag:s31], $0x4000  }
0xc7: {  	[sflag:s31] =	ssyncset.done $0x0  }
0xc8: {  	s21 =	simm.s32 $0x100;
	[sflag:s31] =	ssyncadd.s32 $0xFFFFC000  }
0xc9: {  	[tilespmem:s19], [sflag:$0x1] =	stream.indirect.gather [hbm4b:s4+s28], $0x80, s21, s28, $0xb8;
	[tilespmem:$0x1E000] =	vst v63  }
0xca: {  	s22 =	simm.s32 $0x1080  }
0xcb: {  	[spmem:s1] =	stream.indirect.scatter.add.f32 [tilespmem:s30], [sflag:$0x3], $0x80, s22, s28, $0xb8;
	[tilespmem:$0x1E000] =	vst v63  }
0xcc: {  	_ =	swait.ge [sflag:s25], $0x4000  }
0xcd: {  	s20 =	simm.s32 $0x400;
	[sflag:s25] =	ssyncset.done $0x0  }
.LBB2_6:
0xce: {  	p0 =	sne.s32 s20, $0x3800  }
0xcf: {  	[sflag:s25] =	ssyncadd.s32 $0xFFFFC000;
	s21 =	smov.u32 s20;
	s20 =	sadd.s32 $0x400, s20  }
0xd0: {  	_ = 	snop  }
0xd1: {  	_ =	swait.ge [sflag:s29], $0x4000  }
0xd2: {  	s21 =	sshra.s32 s21, $0x2;
	[sflag:s29] =	ssyncset.done $0x0  }
0xd3: {  	s22 =	sadd.s32 $0x80, s21;
	[sflag:s29] =	ssyncadd.s32 $0xFFFFC000  }
0xd4: {  	[tilespmem:s30], [sflag:$0x2] =	stream.indirect.gather [hbm4b:s4+s28], $0x80, s22, s28, $0xb8;
	[tilespmem:$0x1E000] =	vst v63  }
0xd5: {  	s22 =	sadd.s32 $0x1000, s21  }
0xd6: {  	[spmem:s1] =	stream.indirect.scatter.add.f32 [tilespmem:s19], [sflag:$0x3], $0x80, s22, s28, $0xb8;
	[tilespmem:$0x1E000] =	vst v63  }
0xd7: {  	_ =	swait.ge [sflag:s25], $0x4000  }
0xd8: {  	[sflag:s25] =	ssyncset.done $0x0  }
0xd9: {  	[sflag:s25] =	ssyncadd.s32 $0xFFFFC000  }
0xda: {  	_ =	swait.ge [sflag:s31], $0x4000  }
0xdb: {  	[sflag:s31] =	ssyncset.done $0x0  }
0xdc: {  	s22 =	sadd.s32 $0x100, s21;
	[sflag:s31] =	ssyncadd.s32 $0xFFFFC000  }
0xdd: {  	[tilespmem:s19], [sflag:$0x1] =	stream.indirect.gather [hbm4b:s4+s28], $0x80, s22, s28, $0xb8;
	[tilespmem:$0x1E000] =	vst v63  }
.Ltmp2:
0xde: {  	_ = 	snop;
	(pc) =	sbr.rel @p0 .LBB2_6-.Ltmp2, $4  }
0xdf: {  	s21 =	sadd.s32 $0x1080, s21  }
0xe0: {  	[spmem:s1] =	stream.indirect.scatter.add.f32 [tilespmem:s30], [sflag:$0x3], $0x80, s21, s28, $0xb8;
	[tilespmem:$0x1E000] =	vst v63  }
0xe1: {  	_ =	swait.ge [sflag:s25], $0x4000  }
0xe2: {  	[sflag:s25] =	ssyncset.done $0x0  }
0xe3: {  	[sflag:s25] =	ssyncadd.s32 $0xFFFFC000  }
0xe4: {  	_ =	swait.ge [sflag:s29], $0x4000  }
0xe5: {  	[sflag:s29] =	ssyncset.done $0x0  }
0xe6: {  	[sflag:s29] =	ssyncadd.s32 $0xFFFFC000  }
0xe7: {  	[tilespmem:s30], [sflag:$0x2] =	stream.indirect.gather [hbm4b:s4+s28], $0x80, s0, s28, $0xb8;
	[tilespmem:$0x1E000] =	vst v63  }
0xe8: {  	_ = 	snop  }
0xe9: {  	[spmem:s1] =	stream.indirect.scatter.add.f32 [tilespmem:s19], [sflag:$0x3], $0x80, s3, s28, $0xb8;
	[tilespmem:$0x1E000] =	vst v63  }
0xea: {  	_ =	swait.ge [sflag:s25], $0x4000  }
0xeb: {  	[sflag:s25] =	ssyncset.done $0x0  }
0xec: {  	[sflag:s25] =	ssyncadd.s32 $0xFFFFC000  }
0xed: {  	_ =	swait.ge [sflag:s31], $0x4000  }
0xee: {  	[sflag:s31] =	ssyncset.done $0x0  }
0xef: {  	[sflag:s31] =	ssyncadd.s32 $0xFFFFC000  }
0xf0: {  	[spmem:s1] =	stream.indirect.scatter.add.f32 [tilespmem:s30], [sflag:$0x3], $0x80, s5, s28, $0xb8;
	[tilespmem:$0x1E000] =	vst v63  }
0xf1: {  	_ =	swait.ge [sflag:s25], $0x4000  }
0xf2: {  	[sflag:s25] =	ssyncset.done $0x0  }
0xf3: {  	s20 =	sadd.s32 s16, s11;
	s21 =	simm.s32 $0x0;
	[sflag:s25] =	ssyncadd.s32 $0xFFFFC000  }
0xf4: {  	[tilespmem:s21], [sflag:$0x3] =	stream.linear.gather [hbm4b:s20+s21], $0x1000, $0x38;
	[tilespmem:$0x1E000] =	vst v63  }
0xf5: {  	_ =	swait.ge [sflag:s25], $0x1000  }
0xf6: {  	[sflag:s25] =	ssyncset.done $0x0  }
0xf7: {  	s22 =	sadd.s32 s16, s13;
	[sflag:s25] =	ssyncadd.s32 $0xFFFFF000  }
0xf8: {  	[tilespmem:s26], [sflag:$0x3] =	stream.linear.gather [hbm4b:s22+s21], $0x1000, $0x38;
	[tilespmem:$0x1E000] =	vst v63  }
0xf9: {  	_ =	swait.ge [sflag:s25], $0x1000  }
0xfa: {  	[sflag:s25] =	ssyncset.done $0x0  }
0xfb: {  	[sflag:s25] =	ssyncadd.s32 $0xFFFFF000  }
0xfc: {  	[tilespmem:s19], [sflag:$0x1] =	stream.indirect.gather [hbm4b:s4+s28], $0x80, s21, s28, $0xb8;
	[tilespmem:$0x1E000] =	vst v63  }
0xfd: {  	_ =	swait.ge [sflag:s29], $0x4000  }
0xfe: {  	[sflag:s29] =	ssyncset.done $0x0  }
0xff: {  	s21 =	simm.s32 $0x80;
	[sflag:s29] =	ssyncadd.s32 $0xFFFFC000  }
0x100: {  	[tilespmem:s30], [sflag:$0x2] =	stream.indirect.gather [hbm4b:s4+s28], $0x80, s21, s28, $0xb8;
	[tilespmem:$0x1E000] =	vst v63  }
0x101: {  	s22 =	simm.s32 $0x1000  }
0x102: {  	[spmem:s1] =	stream.indirect.scatter.add.f32 [tilespmem:s19], [sflag:$0x3], $0x80, s22, s28, $0xb8;
	[tilespmem:$0x1E000] =	vst v63  }
0x103: {  	_ =	swait.ge [sflag:s25], $0x4000  }
0x104: {  	[sflag:s25] =	ssyncset.done $0x0  }
0x105: {  	[sflag:s25] =	ssyncadd.s32 $0xFFFFC000  }
0x106: {  	_ =	swait.ge [sflag:s31], $0x4000  }
0x107: {  	[sflag:s31] =	ssyncset.done $0x0  }
0x108: {  	s21 =	simm.s32 $0x100;
	[sflag:s31] =	ssyncadd.s32 $0xFFFFC000  }
0x109: {  	[tilespmem:s19], [sflag:$0x1] =	stream.indirect.gather [hbm4b:s4+s28], $0x80, s21, s28, $0xb8;
	[tilespmem:$0x1E000] =	vst v63  }
0x10a: {  	s22 =	simm.s32 $0x1080  }
0x10b: {  	[spmem:s1] =	stream.indirect.scatter.add.f32 [tilespmem:s30], [sflag:$0x3], $0x80, s22, s28, $0xb8;
	[tilespmem:$0x1E000] =	vst v63  }
0x10c: {  	_ =	swait.ge [sflag:s25], $0x4000  }
0x10d: {  	s20 =	simm.s32 $0x400;
	[sflag:s25] =	ssyncset.done $0x0  }
.LBB2_8:
0x10e: {  	p0 =	sne.s32 s20, $0x3800  }
0x10f: {  	[sflag:s25] =	ssyncadd.s32 $0xFFFFC000;
	s21 =	smov.u32 s20;
	s20 =	sadd.s32 $0x400, s20  }
0x110: {  	_ = 	snop  }
0x111: {  	_ =	swait.ge [sflag:s29], $0x4000  }
0x112: {  	s21 =	sshra.s32 s21, $0x2;
	[sflag:s29] =	ssyncset.done $0x0  }
0x113: {  	s22 =	sadd.s32 $0x80, s21;
	[sflag:s29] =	ssyncadd.s32 $0xFFFFC000  }
0x114: {  	[tilespmem:s30], [sflag:$0x2] =	stream.indirect.gather [hbm4b:s4+s28], $0x80, s22, s28, $0xb8;
	[tilespmem:$0x1E000] =	vst v63  }
0x115: {  	s22 =	sadd.s32 $0x1000, s21  }
0x116: {  	[spmem:s1] =	stream.indirect.scatter.add.f32 [tilespmem:s19], [sflag:$0x3], $0x80, s22, s28, $0xb8;
	[tilespmem:$0x1E000] =	vst v63  }
0x117: {  	_ =	swait.ge [sflag:s25], $0x4000  }
0x118: {  	[sflag:s25] =	ssyncset.done $0x0  }
0x119: {  	[sflag:s25] =	ssyncadd.s32 $0xFFFFC000  }
0x11a: {  	_ =	swait.ge [sflag:s31], $0x4000  }
0x11b: {  	[sflag:s31] =	ssyncset.done $0x0  }
0x11c: {  	s22 =	sadd.s32 $0x100, s21;
	[sflag:s31] =	ssyncadd.s32 $0xFFFFC000  }
0x11d: {  	[tilespmem:s19], [sflag:$0x1] =	stream.indirect.gather [hbm4b:s4+s28], $0x80, s22, s28, $0xb8;
	[tilespmem:$0x1E000] =	vst v63  }
.Ltmp3:
0x11e: {  	_ = 	snop;
	(pc) =	sbr.rel @p0 .LBB2_8-.Ltmp3, $4  }
0x11f: {  	s21 =	sadd.s32 $0x1080, s21  }
0x120: {  	[spmem:s1] =	stream.indirect.scatter.add.f32 [tilespmem:s30], [sflag:$0x3], $0x80, s21, s28, $0xb8;
	[tilespmem:$0x1E000] =	vst v63  }
0x121: {  	_ =	swait.ge [sflag:s25], $0x4000  }
0x122: {  	[sflag:s25] =	ssyncset.done $0x0  }
0x123: {  	[sflag:s25] =	ssyncadd.s32 $0xFFFFC000  }
0x124: {  	_ =	swait.ge [sflag:s29], $0x4000  }
0x125: {  	[sflag:s29] =	ssyncset.done $0x0  }
0x126: {  	[sflag:s29] =	ssyncadd.s32 $0xFFFFC000  }
0x127: {  	[tilespmem:s30], [sflag:$0x2] =	stream.indirect.gather [hbm4b:s4+s28], $0x80, s0, s28, $0xb8;
	[tilespmem:$0x1E000] =	vst v63  }
0x128: {  	_ = 	snop  }
0x129: {  	[spmem:s1] =	stream.indirect.scatter.add.f32 [tilespmem:s19], [sflag:$0x3], $0x80, s3, s28, $0xb8;
	[tilespmem:$0x1E000] =	vst v63  }
0x12a: {  	_ =	swait.ge [sflag:s25], $0x4000  }
0x12b: {  	[sflag:s25] =	ssyncset.done $0x0  }
0x12c: {  	[sflag:s25] =	ssyncadd.s32 $0xFFFFC000  }
0x12d: {  	_ =	swait.ge [sflag:s31], $0x4000  }
0x12e: {  	[sflag:s31] =	ssyncset.done $0x0  }
0x12f: {  	[sflag:s31] =	ssyncadd.s32 $0xFFFFC000  }
0x130: {  	[spmem:s1] =	stream.indirect.scatter.add.f32 [tilespmem:s30], [sflag:$0x3], $0x80, s5, s28, $0xb8;
	[tilespmem:$0x1E000] =	vst v63  }
0x131: {  	_ =	swait.ge [sflag:s25], $0x4000  }
0x132: {  	[sflag:s25] =	ssyncset.done $0x0  }
0x133: {  	s20 =	sadd.s32 s17, s11;
	s21 =	simm.s32 $0x0;
	[sflag:s25] =	ssyncadd.s32 $0xFFFFC000  }
0x134: {  	[tilespmem:s21], [sflag:$0x3] =	stream.linear.gather [hbm4b:s20+s21], $0x1000, $0x38;
	[tilespmem:$0x1E000] =	vst v63  }
0x135: {  	_ =	swait.ge [sflag:s25], $0x1000  }
0x136: {  	[sflag:s25] =	ssyncset.done $0x0  }
0x137: {  	s22 =	sadd.s32 s17, s13;
	[sflag:s25] =	ssyncadd.s32 $0xFFFFF000  }
0x138: {  	[tilespmem:s26], [sflag:$0x3] =	stream.linear.gather [hbm4b:s22+s21], $0x1000, $0x38;
	[tilespmem:$0x1E000] =	vst v63  }
0x139: {  	_ =	swait.ge [sflag:s25], $0x1000  }
0x13a: {  	[sflag:s25] =	ssyncset.done $0x0  }
0x13b: {  	[sflag:s25] =	ssyncadd.s32 $0xFFFFF000  }
0x13c: {  	[tilespmem:s19], [sflag:$0x1] =	stream.indirect.gather [hbm4b:s4+s28], $0x80, s21, s28, $0xb8;
	[tilespmem:$0x1E000] =	vst v63  }
0x13d: {  	_ =	swait.ge [sflag:s29], $0x4000  }
0x13e: {  	[sflag:s29] =	ssyncset.done $0x0  }
0x13f: {  	s21 =	simm.s32 $0x80;
	[sflag:s29] =	ssyncadd.s32 $0xFFFFC000  }
0x140: {  	[tilespmem:s30], [sflag:$0x2] =	stream.indirect.gather [hbm4b:s4+s28], $0x80, s21, s28, $0xb8;
	[tilespmem:$0x1E000] =	vst v63  }
0x141: {  	s22 =	simm.s32 $0x1000  }
0x142: {  	[spmem:s1] =	stream.indirect.scatter.add.f32 [tilespmem:s19], [sflag:$0x3], $0x80, s22, s28, $0xb8;
	[tilespmem:$0x1E000] =	vst v63  }
0x143: {  	_ =	swait.ge [sflag:s25], $0x4000  }
0x144: {  	[sflag:s25] =	ssyncset.done $0x0  }
0x145: {  	[sflag:s25] =	ssyncadd.s32 $0xFFFFC000  }
0x146: {  	_ =	swait.ge [sflag:s31], $0x4000  }
0x147: {  	[sflag:s31] =	ssyncset.done $0x0  }
0x148: {  	s21 =	simm.s32 $0x100;
	[sflag:s31] =	ssyncadd.s32 $0xFFFFC000  }
0x149: {  	[tilespmem:s19], [sflag:$0x1] =	stream.indirect.gather [hbm4b:s4+s28], $0x80, s21, s28, $0xb8;
	[tilespmem:$0x1E000] =	vst v63  }
0x14a: {  	s22 =	simm.s32 $0x1080  }
0x14b: {  	[spmem:s1] =	stream.indirect.scatter.add.f32 [tilespmem:s30], [sflag:$0x3], $0x80, s22, s28, $0xb8;
	[tilespmem:$0x1E000] =	vst v63  }
0x14c: {  	_ =	swait.ge [sflag:s25], $0x4000  }
0x14d: {  	s20 =	simm.s32 $0x400;
	[sflag:s25] =	ssyncset.done $0x0  }
.LBB2_10:
0x14e: {  	p0 =	sne.s32 s20, $0x3800  }
0x14f: {  	[sflag:s25] =	ssyncadd.s32 $0xFFFFC000;
	s21 =	smov.u32 s20;
	s20 =	sadd.s32 $0x400, s20  }
0x150: {  	_ = 	snop  }
0x151: {  	_ =	swait.ge [sflag:s29], $0x4000  }
0x152: {  	s21 =	sshra.s32 s21, $0x2;
	[sflag:s29] =	ssyncset.done $0x0  }
0x153: {  	s22 =	sadd.s32 $0x80, s21;
	[sflag:s29] =	ssyncadd.s32 $0xFFFFC000  }
0x154: {  	[tilespmem:s30], [sflag:$0x2] =	stream.indirect.gather [hbm4b:s4+s28], $0x80, s22, s28, $0xb8;
	[tilespmem:$0x1E000] =	vst v63  }
0x155: {  	s22 =	sadd.s32 $0x1000, s21  }
0x156: {  	[spmem:s1] =	stream.indirect.scatter.add.f32 [tilespmem:s19], [sflag:$0x3], $0x80, s22, s28, $0xb8;
	[tilespmem:$0x1E000] =	vst v63  }
0x157: {  	_ =	swait.ge [sflag:s25], $0x4000  }
0x158: {  	[sflag:s25] =	ssyncset.done $0x0  }
0x159: {  	[sflag:s25] =	ssyncadd.s32 $0xFFFFC000  }
0x15a: {  	_ =	swait.ge [sflag:s31], $0x4000  }
0x15b: {  	[sflag:s31] =	ssyncset.done $0x0  }
0x15c: {  	s22 =	sadd.s32 $0x100, s21;
	[sflag:s31] =	ssyncadd.s32 $0xFFFFC000  }
0x15d: {  	[tilespmem:s19], [sflag:$0x1] =	stream.indirect.gather [hbm4b:s4+s28], $0x80, s22, s28, $0xb8;
	[tilespmem:$0x1E000] =	vst v63  }
.Ltmp4:
0x15e: {  	_ = 	snop;
	(pc) =	sbr.rel @p0 .LBB2_10-.Ltmp4, $4  }
0x15f: {  	s21 =	sadd.s32 $0x1080, s21  }
0x160: {  	[spmem:s1] =	stream.indirect.scatter.add.f32 [tilespmem:s30], [sflag:$0x3], $0x80, s21, s28, $0xb8;
	[tilespmem:$0x1E000] =	vst v63  }
0x161: {  	_ =	swait.ge [sflag:s25], $0x4000  }
0x162: {  	[sflag:s25] =	ssyncset.done $0x0  }
0x163: {  	[sflag:s25] =	ssyncadd.s32 $0xFFFFC000  }
0x164: {  	_ =	swait.ge [sflag:s29], $0x4000  }
0x165: {  	[sflag:s29] =	ssyncset.done $0x0  }
0x166: {  	[sflag:s29] =	ssyncadd.s32 $0xFFFFC000  }
0x167: {  	[tilespmem:s30], [sflag:$0x2] =	stream.indirect.gather [hbm4b:s4+s28], $0x80, s0, s28, $0xb8;
	[tilespmem:$0x1E000] =	vst v63  }
0x168: {  	_ = 	snop  }
0x169: {  	[spmem:s1] =	stream.indirect.scatter.add.f32 [tilespmem:s19], [sflag:$0x3], $0x80, s3, s28, $0xb8;
	[tilespmem:$0x1E000] =	vst v63  }
0x16a: {  	_ =	swait.ge [sflag:s25], $0x4000  }
0x16b: {  	[sflag:s25] =	ssyncset.done $0x0  }
0x16c: {  	[sflag:s25] =	ssyncadd.s32 $0xFFFFC000  }
0x16d: {  	_ =	swait.ge [sflag:s31], $0x4000  }
0x16e: {  	[sflag:s31] =	ssyncset.done $0x0  }
0x16f: {  	[sflag:s31] =	ssyncadd.s32 $0xFFFFC000  }
0x170: {  	[spmem:s1] =	stream.indirect.scatter.add.f32 [tilespmem:s30], [sflag:$0x3], $0x80, s5, s28, $0xb8;
	[tilespmem:$0x1E000] =	vst v63  }
0x171: {  	_ =	swait.ge [sflag:s25], $0x4000  }
0x172: {  	[sflag:s25] =	ssyncset.done $0x0  }
0x173: {  	[sflag:s25] =	ssyncadd.s32 $0xFFFFC000  }
0x174: {  	[bflag:$0x0] =	sbarrier.arrive $0xFFFF  }
0x175: {  	[tilespmem:s19], [sflag:$0x3] =	stream.linear.gather [spmem:s6], $0x4000, $0x38;
	[tilespmem:$0x1E000] =	vst v63  }
0x176: {  	_ =	swait.ge [sflag:s25], $0x4000  }
0x177: {  	[sflag:s25] =	ssyncset.done $0x0  }
0x178: {  	s20 =	rddreg [dreg:$0x6];
	[sflag:s25] =	ssyncadd.s32 $0xFFFFC000  }
0x179: {  	[hbm4b:s20+s2] =	stream.linear.scatter [tilespmem:s19], [sflag:$0x3], $0x4000, $0x38;
	[tilespmem:$0x1E000] =	vst v63  }
0x17a: {  	_ =	swait.ge [sflag:s25], $0x4000  }
0x17b: {  	[sflag:s25] =	ssyncset.done $0x0  }
0x17c: {  	[sflag:s25] =	ssyncadd.s32 $0xFFFFC000  }
0x17d: {  	[tilespmem:s19], [sflag:$0x3] =	stream.linear.gather [spmem:s7], $0x4000, $0x38;
	[tilespmem:$0x1E000] =	vst v63  }
0x17e: {  	_ =	swait.ge [sflag:s25], $0x4000  }
0x17f: {  	[sflag:s25] =	ssyncset.done $0x0  }
0x180: {  	s22 =	rddreg [dreg:$0x7];
	[sflag:s25] =	ssyncadd.s32 $0xFFFFC000  }
0x181: {  	[hbm4b:s22+s2] =	stream.linear.scatter [tilespmem:s19], [sflag:$0x3], $0x4000, $0x38;
	[tilespmem:$0x1E000] =	vst v63  }
0x182: {  	_ =	swait.ge [sflag:s25], $0x4000  }
0x183: {  	[sflag:s25] =	ssyncset.done $0x0  }
0x184: {  	[sflag:s25] =	ssyncadd.s32 $0xFFFFC000  }
0x185: {  	[tilespmem:s19], [sflag:$0x3] =	stream.linear.gather [spmem:s8], $0x4000, $0x38;
	[tilespmem:$0x1E000] =	vst v63  }
0x186: {  	_ =	swait.ge [sflag:s25], $0x4000  }
0x187: {  	[sflag:s25] =	ssyncset.done $0x0  }
0x188: {  	s21 =	rddreg [dreg:$0x8];
	[sflag:s25] =	ssyncadd.s32 $0xFFFFC000  }
0x189: {  	[hbm4b:s21+s2] =	stream.linear.scatter [tilespmem:s19], [sflag:$0x3], $0x4000, $0x38;
	[tilespmem:$0x1E000] =	vst v63  }
0x18a: {  	_ =	swait.ge [sflag:s25], $0x4000  }
0x18b: {  	[sflag:s25] =	ssyncset.done $0x0  }
0x18c: {  	[sflag:s25] =	ssyncadd.s32 $0xFFFFC000  }
0x18d: {  	[tilespmem:s19], [sflag:$0x3] =	stream.linear.gather [spmem:s9], $0x4000, $0x38;
	[tilespmem:$0x1E000] =	vst v63  }
0x18e: {  	_ =	swait.ge [sflag:s25], $0x4000  }
0x18f: {  	[sflag:s25] =	ssyncset.done $0x0  }
0x190: {  	[sflag:s25] =	ssyncadd.s32 $0xFFFFC000  }
0x191: {  	[hbm4b:s23+s2] =	stream.linear.scatter [tilespmem:s19], [sflag:$0x3], $0x4000, $0x38;
	[tilespmem:$0x1E000] =	vst v63  }
0x192: {  	_ =	swait.ge [sflag:s25], $0x4000  }
0x193: {  	[sflag:s25] =	ssyncset.done $0x0  }
0x194: {  	[sflag:s25] =	ssyncadd.s32 $0xFFFFC000  }
0x195: {  	[tilespmem:s19], [sflag:$0x3] =	stream.linear.gather [spmem:s10], $0x4000, $0x38;
	[tilespmem:$0x1E000] =	vst v63  }
0x196: {  	_ =	swait.ge [sflag:s25], $0x4000  }
0x197: {  	[sflag:s25] =	ssyncset.done $0x0  }
0x198: {  	[sflag:s25] =	ssyncadd.s32 $0xFFFFC000  }
0x199: {  	[hbm4b:s24+s2] =	stream.linear.scatter [tilespmem:s19], [sflag:$0x3], $0x4000, $0x38;
	[tilespmem:$0x1E000] =	vst v63  }
0x19a: {  	_ =	swait.ge [sflag:s25], $0x4000  }
0x19b: {  	s18 =	sadd.s32 $0x1, s18;
	s22 =	rddreg [dreg:$0x5]  }
0x19c: {  	p0 =	sne.s32 s18, s22  }
.Ltmp5:
0x19d: {  	_ = 	snop;
	(pc) =	sbr.rel @p0 .LBB2_1-.Ltmp5, $3  }
0x19e: {  	_ =	sdelay $0x1  }
0x19f: {  	[sflag:s25] =	ssyncset.done $0x0  }
0x1a0: {  	[sflag:s25] =	ssyncadd.s32 $0xFFFFC000  }
0x1a1: {  	_ =	sfence.sel $0x180000  }
0x1a2: {  	[bflag:$0x0] =	sbarrier.arrive $0xFFFF  }
0x1a3: {  	_ =	strace $0x9000004A  }
0x1a4: {  	s0 =	stileid.u32;
	[bflag:$0x2] =	sbarrier.arrive $0xFFFF  }
0x1a5: {  	p0 =	sne.s32 s0, $0x0;
	s0 =	rddreg [dreg:$0x3]  }
0x1a6: {  	s0 =	sadd.s32 @!p0 $0x100000, s0  }
0x1a7: {  	[sflag:s0] =	ssyncadd.tile.s32 @!p0 $0x1;
	_ =	shalt  }
.Lfunc_end2:
_tile_overlayer_lowered:
.L_overlay_start_2:
0x1a8: {  	(tag) =	ssettag $0x2  }
0x1a9: {  	s0 =	rddreg [dreg:$0x0];
	s2 =	stileid.u32  }
0x1aa: {  	s1 =	rddreg [dreg:$0x1];
	p0 =	sne.s32 s2, $0x0  }
0x1ab: {  	s3 =	rddreg [dreg:$0x2];
	[bflag:$0x3] =	sbarrier.arrive $0xFFFF;
	s2 =	simm.s32 @!p0 $0x1C03  }
0x1ac: {  	[timem:s3], [sflag:s2] =	dma.local @!p0 [hbm:s0], s1  }
0x1ad: {  	s0 =	simm.s32 @!p0 $0x3  }
0x1ae: {  	_ =	swait.ge @!p0 [sflag:s0], s1  }
0x1af: {  	s1 =	ssub.s32 @!p0 $0x0, s1;
	[sflag:s0] =	ssyncset.done @!p0 $0x0  }
0x1b0: {  	[sflag:s0] =	ssyncadd.s32 @!p0 s1  }
0x1b1: {  	[bflag:$0x3] =	sbarrier.arrive $0xFFFF  }
0x1b2: {  	_ =	shalt  }

// kernel: kernel.14.cloned.1.call-start
scs
__scs_entry_jumppad:
0x0: {  	(pc) =	sbr.rel $0x88, $3  }
0x1: {  	(tag) =	ssettag $0x0;
	lr =	simm.s32 $0x1  }
0x2: {  	[smem:$0x3F9B] =	sst lr;
	_ =	strace $0xD0000000  }
0x3: {  	_ = 	snop  }
0x4: {  	_ = 	snop  }
0x5: {  	_ = 	snop  }
0x6: {  	_ = 	snop  }
0x7: {  	_ = 	snop  }
__scs_overlays_trampoline_lowered:
0x8: {  	[smem:$0x3FAA] =	sst s0  }
0x9: {  	[smem:$0x3FAB] =	sst s1  }
0xa: {  	[smem:$0x3FAC] =	sst s2  }
0xb: {  	[smem:$0x3FAD] =	sst s3  }
0xc: {  	[smem:$0x3FAE] =	sst s4  }
0xd: {  	[smem:$0x3FAF] =	sst s5  }
0xe: {  	[smem:$0x3FB0] =	sst s6  }
0xf: {  	[smem:$0x3FB1] =	sst s7  }
0x10: {  	[smem:$0x3FB2] =	sst s8  }
0x11: {  	[smem:$0x3FB3] =	sst s9;
	s0 =	simm.s32 @!p0 $0x0  }
0x12: {  	s1 =	sld [smem:$0x3F99];
	s0 =	simm.s32 @p0 $0x1  }
0x13: {  	[smem:$0x3FB4] =	sst s0;
	s0 =	simm.s32 @!p1 $0x0  }
0x14: {  	s2 =	sld [smem:$0x3F98];
	s0 =	simm.s32 @p1 $0x1  }
0x15: {  	[smem:$0x3FB5] =	sst s0;
	s0 =	simm.s32 @!p2 $0x0  }
0x16: {  	s3 =	sld [smem:$0x3FDB];
	s0 =	simm.s32 @p2 $0x1  }
0x17: {  	s4 =	simm.s32 $0x1BF5;
	[smem:$0x3FB7] =	sst s0  }
0x18: {  	s0 =	sld [smem:$0x3F9A];
	_ =	swait.ge [sflag:s4], $0x0  }
0x19: {  	s7 =	sld [smem:$0x3F9B]  }
0x1a: {  	s8 =	sadd.s32 $0xFFFFE003, lr  }
0x1b: {  	s9 =	sadd.s32 $0xFFFFFEF7, lr;
	s5 =	simm.s32 $0xFFFFFFFF;
	p2 =	slt.u32 s8, $0xFFFFF086  }
0x1c: {  	p1 =	slt.u32 s9, $0xF7A;
	s5 =	simm.s32 @!p2 $0x0  }
0x1d: {  	s5 =	simm.s32 @p1 $0x1;
	p0 =	seq.s32 s7, s2  }
0x1e: {  	s7 =	smul.u32 @!p0 $0xF7A, s2;
	p2 =	seq.s32 @!p0 s5, $0x0  }
0x1f: {  	s9 =	smul.u32 $0xF7A, s1;
	s8 =	simm.s32 @!p0 $0x1BF5;
	p2 =	por !p2, p0  }
0x20: {  	[sflag:s8] =	ssyncset.s32 @!p0 $0xFFFFF086;
	s6 =	sadd.s32 @!p0 s3, s7;
	s7 =	simm.s32 @!p0 $0x108  }
0x21: {  	s3 =	sadd.s32 s3, s9;
	s6 =	sadd.s32 @!p0 $0x88, s6;
	s7 =	simm.s32 @p2 $0x1082  }
0x22: {  	[simem:s7], [sflag:s8] =	dma.local @!p0 [hbm:s6], $0xF7A  }
0x23: {  	s9 =	sor.u32 $0xD0000000, s2;
	s6 =	simm.s32 $0x108;
	_ =	swait.ge @!p0 [sflag:s8], $0x0  }
0x24: {  	s3 =	sadd.s32 $0x88, s3;
	s6 =	simm.s32 @!p1 $0x1082;
	[sflag:s4] =	ssyncset.s32 $0xFFFFF086  }
0x25: {  	[simem:s6], [sflag:s4] =	dma.local [hbm:s3], $0xF7A  }
0x26: {  	[smem:$0x3F9B] =	sst s1;
	(tag) =	ssettag s2;
	_ =	strace s9  }
0x27: {  	s1 =	sld [smem:$0x3FAB]  }
0x28: {  	s2 =	sld [smem:$0x3FAC]  }
0x29: {  	s4 =	sld [smem:$0x3FAE]  }
0x2a: {  	p0 =	seq.s32 s5, $0x0;
	s5 =	sld [smem:$0x3FAF]  }
0x2b: {  	s6 =	sld [smem:$0x3FB0]  }
0x2c: {  	s7 =	sld [smem:$0x3FB1]  }
0x2d: {  	s3 =	simm.s32 $0x108;
	s8 =	sld [smem:$0x3FB2]  }
0x2e: {  	s3 =	simm.s32 @!p0 $0x1082;
	s9 =	sld [smem:$0x3FB3]  }
0x2f: {  	lr =	sadd.s32 s0, s3;
	s0 =	sld [smem:$0x3FAA]  }
0x30: {  	s3 =	sld [smem:$0x3FAD]  }
0x31: {  	[smem:$0x3FB6] =	sst s10  }
0x32: {  	s10 =	sld [smem:$0x3FB4];
	_ =	sdelay $0x3  }
0x33: {  	p0 =	seq.s32 s10, $0x1;
	s10 =	sld [smem:$0x3FB6];
	_ =	sdelay $0x3  }
0x34: {  	[smem:$0x3FB6] =	sst s10  }
0x35: {  	s10 =	sld [smem:$0x3FB5];
	_ =	sdelay $0x3  }
0x36: {  	p1 =	seq.s32 s10, $0x1;
	s10 =	sld [smem:$0x3FB6];
	_ =	sdelay $0x3  }
0x37: {  	[smem:$0x3FB6] =	sst s10  }
0x38: {  	s10 =	sld [smem:$0x3FB7]  }
0x39: {  	_ = 	snop;
	(pc) =	sbr.ind lr, $3  }
0x3a: {  	_ = 	snop  }
0x3b: {  	_ = 	snop  }
0x3c: {  	p2 =	seq.s32 s10, $0x1;
	s10 =	sld [smem:$0x3FB6]  }
0x3d: {  	_ =	shalt  }
0x3e: {  	_ =	shalt  }
0x3f: {  	_ =	shalt  }
0x40: {  	_ =	shalt  }
0x41: {  	_ =	shalt  }
0x42: {  	_ =	shalt  }
0x43: {  	_ =	shalt  }
0x44: {  	_ =	shalt  }
0x45: {  	_ =	shalt  }
0x46: {  	_ =	shalt  }
0x47: {  	_ =	shalt  }
0x48: {  	_ =	shalt  }
0x49: {  	_ =	shalt  }
0x4a: {  	_ =	shalt  }
0x4b: {  	_ =	shalt  }
0x4c: {  	_ =	shalt  }
0x4d: {  	_ =	shalt  }
0x4e: {  	_ =	shalt  }
0x4f: {  	_ =	shalt  }
0x50: {  	_ =	shalt  }
0x51: {  	_ =	shalt  }
0x52: {  	_ =	shalt  }
0x53: {  	_ =	shalt  }
0x54: {  	_ =	shalt  }
0x55: {  	_ =	shalt  }
0x56: {  	_ =	shalt  }
0x57: {  	_ =	shalt  }
0x58: {  	_ =	shalt  }
0x59: {  	_ =	shalt  }
0x5a: {  	_ =	shalt  }
0x5b: {  	_ =	shalt  }
0x5c: {  	_ =	shalt  }
0x5d: {  	_ =	shalt  }
0x5e: {  	_ =	shalt  }
0x5f: {  	_ =	shalt  }
0x60: {  	_ =	shalt  }
0x61: {  	_ =	shalt  }
0x62: {  	_ =	shalt  }
0x63: {  	_ =	shalt  }
0x64: {  	_ =	shalt  }
0x65: {  	_ =	shalt  }
0x66: {  	_ =	shalt  }
0x67: {  	_ =	shalt  }
0x68: {  	_ =	shalt  }
0x69: {  	_ =	shalt  }
0x6a: {  	_ =	shalt  }
0x6b: {  	_ =	shalt  }
0x6c: {  	_ =	shalt  }
0x6d: {  	_ =	shalt  }
0x6e: {  	_ =	shalt  }
0x6f: {  	_ =	shalt  }
0x70: {  	_ =	shalt  }
0x71: {  	_ =	shalt  }
0x72: {  	_ =	shalt  }
0x73: {  	_ =	shalt  }
0x74: {  	_ =	shalt  }
0x75: {  	_ =	shalt  }
0x76: {  	_ =	shalt  }
0x77: {  	_ =	shalt  }
0x78: {  	_ =	shalt  }
0x79: {  	_ =	shalt  }
0x7a: {  	_ =	shalt  }
0x7b: {  	_ =	shalt  }
0x7c: {  	_ =	shalt  }
0x7d: {  	_ =	shalt  }
0x7e: {  	_ =	shalt  }
0x7f: {  	_ =	shalt  }
0x80: {  	_ =	shalt  }
0x81: {  	_ =	shalt  }
0x82: {  	_ =	shalt  }
0x83: {  	_ =	shalt  }
0x84: {  	_ =	shalt  }
0x85: {  	_ =	shalt  }
0x86: {  	_ =	shalt  }
0x87: {  	_ =	shalt  }
.Lfunc_end0:
.L_simem_size_0:
called_computation.2_lowered:
.L_overlay_start_0:
0x88: {  	s2 =	sld [smem:$0x3FD9]  }
0x89: {  	s3 =	sld [smem:$0x3FFE];
	_ =	sdelay $0x1  }
0x8a: {  	s1 =	srdreg.scid  }
0x8b: {  	s0 =	sand.u32 $0x1, s1  }
0x8c: {  	s17 =	sshll.u32 s0, $0xA;
	s2 =	sadd.s32 s3, s2  }
0x8d: {  	s2 =	sadd.s32 s2, s17  }
0x8e: {  	[smem:$0x3FC2] =	sst s2  }
0x8f: {  	_ = 	snop  }
0x90: {  	s2 =	sld [smem:$0x3FD0];
	(tm) =	ssettm $0x1  }
0x91: {  	s18 =	sld [smem:$0x3FFB];
	_ =	sdelay $0x3  }
0x92: {  	_ =	strace s18  }
0x93: {  	s3 =	sld [smem:$0x3FFC];
	_ =	sdelay $0x3  }
0x94: {  	_ =	strace s3  }
0x95: {  	s3 =	sld [smem:$0x3FFD];
	_ =	sdelay $0x3  }
0x96: {  	_ =	strace s3  }
0x97: {  	_ =	strace $0x8FFFFFFF  }
0x98: {  	s19 =	sld [smem:$0x3FDB];
	_ =	sdelay $0x1  }
0x99: {  	s4 =	simm.s32 $_scs_section_size  }
0x9a: {  	s5 =	simm.s32 $_size__tile_overlayer_lowered;
	s6 =	simm.s32 $_tile_overlayer_lowered  }
0x9b: {  	s22 =	simm.s32 $0x1BFF;
	s21 =	sshll.u32 s6, $0x1;
	s3 =	sadd.s32 s4, s19  }
0x9c: {  	s7 =	simm.s32 $0x0;
	s20 =	sshll.u32 s5, $0x1;
	s5 =	sadd.s32 s21, s3  }
0x9d: {  	[timem:s7], [sflag:s22] =	dma.local [hbm:s5], s20  }
0x9e: {  	_ =	swait.ge [sflag:s22], s20  }
0x9f: {  	s4 =	ssub.s32 $0x0, s20;
	[sflag:s22] =	ssyncset.done $0x0  }
0xa0: {  	[sflag:s22] =	ssyncadd.s32 s4;
	_ =	sdelay $0x1  }
0xa1: {  	s23 =	simm.s32 $0x1B8B  }
0xa2: {  	_ =	swait.ge [sflag:s23], $0x1  }
0xa3: {  	[sflag:s23] =	ssyncset.done $0x0  }
0xa4: {  	s25 =	simm.s32 $0x1B8E;
	s24 =	sld [smem:$0x3FFE];
	[sflag:s23] =	ssyncadd.s32 $0xFFFFFFFF  }
0xa5: {  	s26 =	simm.s32 $execute0_lowered;
	[smem:$0x3FD2] =	sst s25  }
0xa6: {  	s5 =	sshll.u32 s26, $0x1;
	_ =	strace $0x8000004C;
	[dreg:$0x1] =	wrdreg $0xFFFFFFFF  }
0xa7: {  	s28 =	simm.s32 $_size_execute0_lowered;
	s3 =	sadd.s32 s3, s5;
	[dreg:$0x0] =	wrdreg $0x0  }
0xa8: {  	s5 =	sshll.u32 s28, $0x1;
	[dreg:$0x2] =	wrdreg s3  }
0xa9: {  	[dreg:$0x3] =	wrdreg s5  }
0xaa: {  	[dreg:$0x4] =	wrdreg $0xC0  }
0xab: {  	_ =	task [dreg:s7], $0x5FFFF  }
0xac: {  	[dreg:$0x1] =	wrdreg $0xFFFFFFFF  }
0xad: {  	[dreg:$0x0] =	wrdreg $0x60  }
0xae: {  	[dreg:$0x2] =	wrdreg s24  }
0xaf: {  	[dreg:$0x3] =	wrdreg s2  }
0xb0: {  	[dreg:$0x4] =	wrdreg $0xA0000  }
0xb1: {  	[dreg:$0x5] =	wrdreg $0x9  }
0xb2: {  	_ =	task.clear_ibuf [dreg:s7], $0x6FFFF;
	_ =	strace $0x9000004C  }
0xb3: {  	s29 =	simm.s32 $0x9;
	_ =	strace $0x8000004E  }
0xb4: {  	_ =	swait.ge [sflag:s29], $0x1  }
0xb5: {  	[sflag:s29] =	ssyncadd.s32 $0xFFFFFFFF  }
0xb6: {  	_ =	strace $0x9000004E  }
0xb7: {  	_ =	sfence  }
0xb8: {  	s30 =	sld [smem:$0x0];
	_ =	sdelay $0x2  }
0xb9: {  	s31 =	sshll.u32 s1, $0xD;
	s1 =	sshrl.u32 s1, $0x2  }
0xba: {  	s3 =	sand.u32 $0x4000, s31;
	s1 =	sadd.s32 s1, s30  }
0xbb: {  	s0 =	sor.u32 s3, s0;
	s1 =	sshll.u32 s1, $0x11  }
0xbc: {  	s0 =	sor.u32 s1, s0  }
0xbd: {  	s0 =	sadd.s32 $0x8F2B, s0  }
0xbe: {  	[sflag:s0] =	ssyncadd.remote.s32 $0x1  }
0xbf: {  	_ =	sfence.sel $0xFFFF  }
0xc0: {  	[dreg:$0x0] =	wrdreg $0xFFFFFFFF;
	(pc) =	sbr.abs _section_cstart, $3  }
0xc1: {  	[dreg:$0x1] =	wrdreg $0xFFFFFFFF  }
0xc2: {  	_ =	task.clear_ibuf [dreg:s7], $0x2FFFF;
	_ =	strace $0x9FFFFFFF  }
0xc3: {  	(tm) =	ssettm $0x7FFFFFFF  }
tec
execute0_lowered:
.L_overlay_start_1:
0x0: {  	(tag) =	ssettag $0x1  }
0x1: {  	s0 =	rddreg [dreg:$0x0]  }
0x2: {  	s3 =	rddreg [dreg:$0x1]  }
0x3: {  	s1 =	rddreg [dreg:$0x2];
	s2 =	simm.s32 $0x0;
	s4 =	srdreg.scid  }
0x4: {  	s22 =	stileid.u32;
	s28 =	simm.s32 $0x80;
	s29 =	simm.s32 $0x1  }
0x5: {  	s30 =	simm.s32 $0x6000;
	s31 =	simm.s32 $0x2;
	s9 =	smul.u32 $0x280, s22  }
0x6: {  	[smem:$0x7FF] =	sst s2;
	s5 =	sand.u32 $0x1, s4;
	s8 =	smul.u32 $0x50000, s22  }
0x7: {  	s4 =	sadd.s32 $0x7BA00, s0;
	s7 =	sadd.s32 $0x2AA00, s0;
	s13 =	smul.u32 $0xA000, s5  }
0x8: {  	_ =	strace $0x8000004D;
	s6 =	smul.u32 $0x28000, s5;
	s5 =	ssub.s32 $0x2, s5  }
0x9: {  	[dreg:$0x4] =	wrdreg s7;
	s10 =	sshrl.u32 s5, $0x1;
	s18 =	sadd.s32 $0x80, s9  }
0xa: {  	s12 =	sshrl.u32 s8, $0x2;
	s19 =	sadd.s32 $0x100, s9;
	s20 =	sadd.s32 $0x180, s9  }
0xb: {  	s21 =	sadd.s32 $0x200, s9;
	s11 =	sadd.s32 s13, s0;
	s0 =	sadd.s32 s6, s0  }
0xc: {  	s5 =	ssub.s32 s5, s10;
	s14 =	sshll.u32 s18, $0x7;
	s6 =	sadd.s32 s12, s1  }
0xd: {  	s15 =	sshll.u32 s19, $0x7;
	s16 =	sshll.u32 s20, $0x7;
	s10 =	sshll.u32 s21, $0x7  }
0xe: {  	s12 =	smul.u32 $0xA00, s22;
	s13 =	sadd.s32 s3, s13;
	s18 =	sshll.u32 s18, $0x4  }
0xf: {  	s23 =	sshll.u32 s19, $0x4;
	s20 =	sshll.u32 s20, $0x4;
	s24 =	sshll.u32 s21, $0x4  }
0x10: {  	s19 =	simm.s32 $0x2000;
	s7 =	sadd.s32 s14, s1;
	s8 =	sadd.s32 s15, s1  }
0x11: {  	s14 =	smul.u32 $0x5000, s22;
	s9 =	sadd.s32 s16, s1;
	s10 =	sadd.s32 s10, s1  }
0x12: {  	s11 =	sadd.s32 $0x16A00, s11;
	s0 =	sadd.s32 $0xCBA00, s0;
	s5 =	smax.u32 s5, $0x1  }
0x13: {  	s22 =	smul.u32 $0x2800, s22;
	[dreg:$0x5] =	wrdreg s5;
	s25 =	sadd.s32 s18, s0  }
0x14: {  	s26 =	sadd.s32 s23, s0;
	s23 =	sadd.s32 s20, s0;
	s24 =	sadd.s32 s24, s0  }
0x15: {  	s5 =	simm.s32 $0x1F80;
	s18 =	simm.s32 $0x0;
	[dreg:$0x7] =	wrdreg s25  }
0x16: {  	s17 =	sshrl.u32 s14, $0x3;
	s3 =	sadd.s32 s22, s0;
	[dreg:$0x8] =	wrdreg s26  }
0x17: {  	s25 =	simm.s32 $0x3;
	s26 =	simm.s32 $0x1000;
	s0 =	simm.s32 $0xF80  }
0x18: {  	s14 =	sadd.s32 $0x200, s17;
	s15 =	sadd.s32 $0x400, s17;
	s16 =	sadd.s32 $0x600, s17  }
0x19: {  	s17 =	sadd.s32 $0x800, s17;
	[dreg:$0x6] =	wrdreg s3;
	s3 =	simm.s32 $0x1F00  }
.LBB2_1:
0x1a: {  	s20 =	rddreg [dreg:$0x4]  }
0x1b: {  	[tilespmem:s19], [sflag:$0x3] =	stream.linear.gather [hbm4b:s20+s2], $0x4000, $0x38;
	[tilespmem:$0x1E000] =	vst v63  }
0x1c: {  	_ =	swait.ge [sflag:s25], $0x4000  }
0x1d: {  	[sflag:s25] =	ssyncset.done $0x0  }
0x1e: {  	[sflag:s25] =	ssyncadd.s32 $0xFFFFC000  }
0x1f: {  	[spmem:s6] =	stream.linear.scatter [tilespmem:s19], [sflag:$0x3], $0x4000, $0x38;
	[tilespmem:$0x1E000] =	vst v63  }
0x20: {  	_ =	swait.ge [sflag:s25], $0x4000  }
0x21: {  	[sflag:s25] =	ssyncset.done $0x0  }
0x22: {  	[sflag:s25] =	ssyncadd.s32 $0xFFFFC000  }
0x23: {  	[spmem:s7] =	stream.linear.scatter [tilespmem:s19], [sflag:$0x3], $0x4000, $0x38;
	[tilespmem:$0x1E000] =	vst v63  }
0x24: {  	_ =	swait.ge [sflag:s25], $0x4000  }
0x25: {  	[sflag:s25] =	ssyncset.done $0x0  }
0x26: {  	[sflag:s25] =	ssyncadd.s32 $0xFFFFC000  }
0x27: {  	[spmem:s8] =	stream.linear.scatter [tilespmem:s19], [sflag:$0x3], $0x4000, $0x38;
	[tilespmem:$0x1E000] =	vst v63  }
0x28: {  	_ =	swait.ge [sflag:s25], $0x4000  }
0x29: {  	[sflag:s25] =	ssyncset.done $0x0  }
0x2a: {  	[sflag:s25] =	ssyncadd.s32 $0xFFFFC000  }
0x2b: {  	[spmem:s9] =	stream.linear.scatter [tilespmem:s19], [sflag:$0x3], $0x4000, $0x38;
	[tilespmem:$0x1E000] =	vst v63  }
0x2c: {  	_ =	swait.ge [sflag:s25], $0x4000  }
0x2d: {  	[sflag:s25] =	ssyncset.done $0x0  }
0x2e: {  	[sflag:s25] =	ssyncadd.s32 $0xFFFFC000  }
0x2f: {  	[spmem:s10] =	stream.linear.scatter [tilespmem:s19], [sflag:$0x3], $0x4000, $0x38;
	[tilespmem:$0x1E000] =	vst v63  }
0x30: {  	_ =	swait.ge [sflag:s25], $0x4000  }
0x31: {  	[sflag:s25] =	ssyncset.done $0x0  }
0x32: {  	[sflag:s25] =	ssyncadd.s32 $0xFFFFC000  }
0x33: {  	s21 =	sadd.s32 s12, s11;
	[bflag:$0x0] =	sbarrier.arrive $0xFFFF  }
0x34: {  	[tilespmem:s2], [sflag:$0x3] =	stream.linear.gather [hbm4b:s21+s2], $0x1000, $0x38;
	[tilespmem:$0x1E000] =	vst v63  }
0x35: {  	_ =	swait.ge [sflag:s25], $0x1000  }
0x36: {  	[sflag:s25] =	ssyncset.done $0x0  }
0x37: {  	s22 =	sadd.s32 s12, s13;
	[sflag:s25] =	ssyncadd.s32 $0xFFFFF000  }
0x38: {  	[tilespmem:s26], [sflag:$0x3] =	stream.linear.gather [hbm4b:s22+s2], $0x1000, $0x38;
	[tilespmem:$0x1E000] =	vst v63  }
0x39: {  	_ =	swait.ge [sflag:s25], $0x1000  }
0x3a: {  	[sflag:s25] =	ssyncset.done $0x0  }
0x3b: {  	[sflag:s25] =	ssyncadd.s32 $0xFFFFF000  }
0x3c: {  	[tilespmem:s19], [sflag:$0x1] =	stream.indirect.gather [hbm4b:s4+s28], $0x80, s2, s28, $0xb8;
	[tilespmem:$0x1E000] =	vst v63  }
0x3d: {  	_ =	swait.ge [sflag:s29], $0x4000  }
0x3e: {  	[sflag:s29] =	ssyncset.done $0x0  }
0x3f: {  	s21 =	simm.s32 $0x80;
	[sflag:s29] =	ssyncadd.s32 $0xFFFFC000  }
0x40: {  	[tilespmem:s30], [sflag:$0x2] =	stream.indirect.gather [hbm4b:s4+s28], $0x80, s21, s28, $0xb8;
	[tilespmem:$0x1E000] =	vst v63  }
0x41: {  	s22 =	simm.s32 $0x1000  }
0x42: {  	[spmem:s1] =	stream.indirect.scatter.add.f32 [tilespmem:s19], [sflag:$0x3], $0x80, s22, s28, $0xb8;
	[tilespmem:$0x1E000] =	vst v63  }
0x43: {  	_ =	swait.ge [sflag:s25], $0x4000  }
0x44: {  	[sflag:s25] =	ssyncset.done $0x0  }
0x45: {  	[sflag:s25] =	ssyncadd.s32 $0xFFFFC000  }
0x46: {  	_ =	swait.ge [sflag:s31], $0x4000  }
0x47: {  	[sflag:s31] =	ssyncset.done $0x0  }
0x48: {  	s21 =	simm.s32 $0x100;
	[sflag:s31] =	ssyncadd.s32 $0xFFFFC000  }
0x49: {  	[tilespmem:s19], [sflag:$0x1] =	stream.indirect.gather [hbm4b:s4+s28], $0x80, s21, s28, $0xb8;
	[tilespmem:$0x1E000] =	vst v63  }
0x4a: {  	s22 =	simm.s32 $0x1080  }
0x4b: {  	[spmem:s1] =	stream.indirect.scatter.add.f32 [tilespmem:s30], [sflag:$0x3], $0x80, s22, s28, $0xb8;
	[tilespmem:$0x1E000] =	vst v63  }
0x4c: {  	_ =	swait.ge [sflag:s25], $0x4000  }
0x4d: {  	s20 =	simm.s32 $0x400;
	[sflag:s25] =	ssyncset.done $0x0  }
.LBB2_2:
0x4e: {  	p0 =	sne.s32 s20, $0x3800  }
0x4f: {  	[sflag:s25] =	ssyncadd.s32 $0xFFFFC000;
	s21 =	smov.u32 s20;
	s20 =	sadd.s32 $0x400, s20  }
0x50: {  	_ = 	snop  }
0x51: {  	_ =	swait.ge [sflag:s29], $0x4000  }
0x52: {  	s21 =	sshra.s32 s21, $0x2;
	[sflag:s29] =	ssyncset.done $0x0  }
0x53: {  	s22 =	sadd.s32 $0x80, s21;
	[sflag:s29] =	ssyncadd.s32 $0xFFFFC000  }
0x54: {  	[tilespmem:s30], [sflag:$0x2] =	stream.indirect.gather [hbm4b:s4+s28], $0x80, s22, s28, $0xb8;
	[tilespmem:$0x1E000] =	vst v63  }
0x55: {  	s22 =	sadd.s32 $0x1000, s21  }
0x56: {  	[spmem:s1] =	stream.indirect.scatter.add.f32 [tilespmem:s19], [sflag:$0x3], $0x80, s22, s28, $0xb8;
	[tilespmem:$0x1E000] =	vst v63  }
0x57: {  	_ =	swait.ge [sflag:s25], $0x4000  }
0x58: {  	[sflag:s25] =	ssyncset.done $0x0  }
0x59: {  	[sflag:s25] =	ssyncadd.s32 $0xFFFFC000  }
0x5a: {  	_ =	swait.ge [sflag:s31], $0x4000  }
0x5b: {  	[sflag:s31] =	ssyncset.done $0x0  }
0x5c: {  	s22 =	sadd.s32 $0x100, s21;
	[sflag:s31] =	ssyncadd.s32 $0xFFFFC000  }
0x5d: {  	[tilespmem:s19], [sflag:$0x1] =	stream.indirect.gather [hbm4b:s4+s28], $0x80, s22, s28, $0xb8;
	[tilespmem:$0x1E000] =	vst v63  }
.Ltmp0:
0x5e: {  	_ = 	snop;
	(pc) =	sbr.rel @p0 .LBB2_2-.Ltmp0, $4  }
0x5f: {  	s21 =	sadd.s32 $0x1080, s21  }
0x60: {  	[spmem:s1] =	stream.indirect.scatter.add.f32 [tilespmem:s30], [sflag:$0x3], $0x80, s21, s28, $0xb8;
	[tilespmem:$0x1E000] =	vst v63  }
0x61: {  	_ =	swait.ge [sflag:s25], $0x4000  }
0x62: {  	[sflag:s25] =	ssyncset.done $0x0  }
0x63: {  	[sflag:s25] =	ssyncadd.s32 $0xFFFFC000  }
0x64: {  	_ =	swait.ge [sflag:s29], $0x4000  }
0x65: {  	[sflag:s29] =	ssyncset.done $0x0  }
0x66: {  	[sflag:s29] =	ssyncadd.s32 $0xFFFFC000  }
0x67: {  	[tilespmem:s30], [sflag:$0x2] =	stream.indirect.gather [hbm4b:s4+s28], $0x80, s0, s28, $0xb8;
	[tilespmem:$0x1E000] =	vst v63  }
0x68: {  	_ = 	snop  }
0x69: {  	[spmem:s1] =	stream.indirect.scatter.add.f32 [tilespmem:s19], [sflag:$0x3], $0x80, s3, s28, $0xb8;
	[tilespmem:$0x1E000] =	vst v63  }
0x6a: {  	_ =	swait.ge [sflag:s25], $0x4000  }
0x6b: {  	[sflag:s25] =	ssyncset.done $0x0  }
0x6c: {  	[sflag:s25] =	ssyncadd.s32 $0xFFFFC000  }
0x6d: {  	_ =	swait.ge [sflag:s31], $0x4000  }
0x6e: {  	[sflag:s31] =	ssyncset.done $0x0  }
0x6f: {  	[sflag:s31] =	ssyncadd.s32 $0xFFFFC000  }
0x70: {  	[spmem:s1] =	stream.indirect.scatter.add.f32 [tilespmem:s30], [sflag:$0x3], $0x80, s5, s28, $0xb8;
	[tilespmem:$0x1E000] =	vst v63  }
0x71: {  	_ =	swait.ge [sflag:s25], $0x4000  }
0x72: {  	[sflag:s25] =	ssyncset.done $0x0  }
0x73: {  	s20 =	sadd.s32 s14, s11;
	s21 =	simm.s32 $0x0;
	[sflag:s25] =	ssyncadd.s32 $0xFFFFC000  }
0x74: {  	[tilespmem:s21], [sflag:$0x3] =	stream.linear.gather [hbm4b:s20+s21], $0x1000, $0x38;
	[tilespmem:$0x1E000] =	vst v63  }
0x75: {  	_ =	swait.ge [sflag:s25], $0x1000  }
0x76: {  	[sflag:s25] =	ssyncset.done $0x0  }
0x77: {  	s22 =	sadd.s32 s14, s13;
	[sflag:s25] =	ssyncadd.s32 $0xFFFFF000  }
0x78: {  	[tilespmem:s26], [sflag:$0x3] =	stream.linear.gather [hbm4b:s22+s21], $0x1000, $0x38;
	[tilespmem:$0x1E000] =	vst v63  }
0x79: {  	_ =	swait.ge [sflag:s25], $0x1000  }
0x7a: {  	[sflag:s25] =	ssyncset.done $0x0  }
0x7b: {  	[sflag:s25] =	ssyncadd.s32 $0xFFFFF000  }
0x7c: {  	[tilespmem:s19], [sflag:$0x1] =	stream.indirect.gather [hbm4b:s4+s28], $0x80, s21, s28, $0xb8;
	[tilespmem:$0x1E000] =	vst v63  }
0x7d: {  	_ =	swait.ge [sflag:s29], $0x4000  }
0x7e: {  	[sflag:s29] =	ssyncset.done $0x0  }
0x7f: {  	s21 =	simm.s32 $0x80;
	[sflag:s29] =	ssyncadd.s32 $0xFFFFC000  }
0x80: {  	[tilespmem:s30], [sflag:$0x2] =	stream.indirect.gather [hbm4b:s4+s28], $0x80, s21, s28, $0xb8;
	[tilespmem:$0x1E000] =	vst v63  }
0x81: {  	s22 =	simm.s32 $0x1000  }
0x82: {  	[spmem:s1] =	stream.indirect.scatter.add.f32 [tilespmem:s19], [sflag:$0x3], $0x80, s22, s28, $0xb8;
	[tilespmem:$0x1E000] =	vst v63  }
0x83: {  	_ =	swait.ge [sflag:s25], $0x4000  }
0x84: {  	[sflag:s25] =	ssyncset.done $0x0  }
0x85: {  	[sflag:s25] =	ssyncadd.s32 $0xFFFFC000  }
0x86: {  	_ =	swait.ge [sflag:s31], $0x4000  }
0x87: {  	[sflag:s31] =	ssyncset.done $0x0  }
0x88: {  	s21 =	simm.s32 $0x100;
	[sflag:s31] =	ssyncadd.s32 $0xFFFFC000  }
0x89: {  	[tilespmem:s19], [sflag:$0x1] =	stream.indirect.gather [hbm4b:s4+s28], $0x80, s21, s28, $0xb8;
	[tilespmem:$0x1E000] =	vst v63  }
0x8a: {  	s22 =	simm.s32 $0x1080  }
0x8b: {  	[spmem:s1] =	stream.indirect.scatter.add.f32 [tilespmem:s30], [sflag:$0x3], $0x80, s22, s28, $0xb8;
	[tilespmem:$0x1E000] =	vst v63  }
0x8c: {  	_ =	swait.ge [sflag:s25], $0x4000  }
0x8d: {  	s20 =	simm.s32 $0x400;
	[sflag:s25] =	ssyncset.done $0x0  }
.LBB2_4:
0x8e: {  	p0 =	sne.s32 s20, $0x3800  }
0x8f: {  	[sflag:s25] =	ssyncadd.s32 $0xFFFFC000;
	s21 =	smov.u32 s20;
	s20 =	sadd.s32 $0x400, s20  }
0x90: {  	_ = 	snop  }
0x91: {  	_ =	swait.ge [sflag:s29], $0x4000  }
0x92: {  	s21 =	sshra.s32 s21, $0x2;
	[sflag:s29] =	ssyncset.done $0x0  }
0x93: {  	s22 =	sadd.s32 $0x80, s21;
	[sflag:s29] =	ssyncadd.s32 $0xFFFFC000  }
0x94: {  	[tilespmem:s30], [sflag:$0x2] =	stream.indirect.gather [hbm4b:s4+s28], $0x80, s22, s28, $0xb8;
	[tilespmem:$0x1E000] =	vst v63  }
0x95: {  	s22 =	sadd.s32 $0x1000, s21  }
0x96: {  	[spmem:s1] =	stream.indirect.scatter.add.f32 [tilespmem:s19], [sflag:$0x3], $0x80, s22, s28, $0xb8;
	[tilespmem:$0x1E000] =	vst v63  }
0x97: {  	_ =	swait.ge [sflag:s25], $0x4000  }
0x98: {  	[sflag:s25] =	ssyncset.done $0x0  }
0x99: {  	[sflag:s25] =	ssyncadd.s32 $0xFFFFC000  }
0x9a: {  	_ =	swait.ge [sflag:s31], $0x4000  }
0x9b: {  	[sflag:s31] =	ssyncset.done $0x0  }
0x9c: {  	s22 =	sadd.s32 $0x100, s21;
	[sflag:s31] =	ssyncadd.s32 $0xFFFFC000  }
0x9d: {  	[tilespmem:s19], [sflag:$0x1] =	stream.indirect.gather [hbm4b:s4+s28], $0x80, s22, s28, $0xb8;
	[tilespmem:$0x1E000] =	vst v63  }
.Ltmp1:
0x9e: {  	_ = 	snop;
	(pc) =	sbr.rel @p0 .LBB2_4-.Ltmp1, $4  }
0x9f: {  	s21 =	sadd.s32 $0x1080, s21  }
0xa0: {  	[spmem:s1] =	stream.indirect.scatter.add.f32 [tilespmem:s30], [sflag:$0x3], $0x80, s21, s28, $0xb8;
	[tilespmem:$0x1E000] =	vst v63  }
0xa1: {  	_ =	swait.ge [sflag:s25], $0x4000  }
0xa2: {  	[sflag:s25] =	ssyncset.done $0x0  }
0xa3: {  	[sflag:s25] =	ssyncadd.s32 $0xFFFFC000  }
0xa4: {  	_ =	swait.ge [sflag:s29], $0x4000  }
0xa5: {  	[sflag:s29] =	ssyncset.done $0x0  }
0xa6: {  	[sflag:s29] =	ssyncadd.s32 $0xFFFFC000  }
0xa7: {  	[tilespmem:s30], [sflag:$0x2] =	stream.indirect.gather [hbm4b:s4+s28], $0x80, s0, s28, $0xb8;
	[tilespmem:$0x1E000] =	vst v63  }
0xa8: {  	_ = 	snop  }
0xa9: {  	[spmem:s1] =	stream.indirect.scatter.add.f32 [tilespmem:s19], [sflag:$0x3], $0x80, s3, s28, $0xb8;
	[tilespmem:$0x1E000] =	vst v63  }
0xaa: {  	_ =	swait.ge [sflag:s25], $0x4000  }
0xab: {  	[sflag:s25] =	ssyncset.done $0x0  }
0xac: {  	[sflag:s25] =	ssyncadd.s32 $0xFFFFC000  }
0xad: {  	_ =	swait.ge [sflag:s31], $0x4000  }
0xae: {  	[sflag:s31] =	ssyncset.done $0x0  }
0xaf: {  	[sflag:s31] =	ssyncadd.s32 $0xFFFFC000  }
0xb0: {  	[spmem:s1] =	stream.indirect.scatter.add.f32 [tilespmem:s30], [sflag:$0x3], $0x80, s5, s28, $0xb8;
	[tilespmem:$0x1E000] =	vst v63  }
0xb1: {  	_ =	swait.ge [sflag:s25], $0x4000  }
0xb2: {  	[sflag:s25] =	ssyncset.done $0x0  }
0xb3: {  	s20 =	sadd.s32 s15, s11;
	s21 =	simm.s32 $0x0;
	[sflag:s25] =	ssyncadd.s32 $0xFFFFC000  }
0xb4: {  	[tilespmem:s21], [sflag:$0x3] =	stream.linear.gather [hbm4b:s20+s21], $0x1000, $0x38;
	[tilespmem:$0x1E000] =	vst v63  }
0xb5: {  	_ =	swait.ge [sflag:s25], $0x1000  }
0xb6: {  	[sflag:s25] =	ssyncset.done $0x0  }
0xb7: {  	s22 =	sadd.s32 s15, s13;
	[sflag:s25] =	ssyncadd.s32 $0xFFFFF000  }
0xb8: {  	[tilespmem:s26], [sflag:$0x3] =	stream.linear.gather [hbm4b:s22+s21], $0x1000, $0x38;
	[tilespmem:$0x1E000] =	vst v63  }
0xb9: {  	_ =	swait.ge [sflag:s25], $0x1000  }
0xba: {  	[sflag:s25] =	ssyncset.done $0x0  }
0xbb: {  	[sflag:s25] =	ssyncadd.s32 $0xFFFFF000  }
0xbc: {  	[tilespmem:s19], [sflag:$0x1] =	stream.indirect.gather [hbm4b:s4+s28], $0x80, s21, s28, $0xb8;
	[tilespmem:$0x1E000] =	vst v63  }
0xbd: {  	_ =	swait.ge [sflag:s29], $0x4000  }
0xbe: {  	[sflag:s29] =	ssyncset.done $0x0  }
0xbf: {  	s21 =	simm.s32 $0x80;
	[sflag:s29] =	ssyncadd.s32 $0xFFFFC000  }
0xc0: {  	[tilespmem:s30], [sflag:$0x2] =	stream.indirect.gather [hbm4b:s4+s28], $0x80, s21, s28, $0xb8;
	[tilespmem:$0x1E000] =	vst v63  }
0xc1: {  	s22 =	simm.s32 $0x1000  }
0xc2: {  	[spmem:s1] =	stream.indirect.scatter.add.f32 [tilespmem:s19], [sflag:$0x3], $0x80, s22, s28, $0xb8;
	[tilespmem:$0x1E000] =	vst v63  }
0xc3: {  	_ =	swait.ge [sflag:s25], $0x4000  }
0xc4: {  	[sflag:s25] =	ssyncset.done $0x0  }
0xc5: {  	[sflag:s25] =	ssyncadd.s32 $0xFFFFC000  }
0xc6: {  	_ =	swait.ge [sflag:s31], $0x4000  }
0xc7: {  	[sflag:s31] =	ssyncset.done $0x0  }
0xc8: {  	s21 =	simm.s32 $0x100;
	[sflag:s31] =	ssyncadd.s32 $0xFFFFC000  }
0xc9: {  	[tilespmem:s19], [sflag:$0x1] =	stream.indirect.gather [hbm4b:s4+s28], $0x80, s21, s28, $0xb8;
	[tilespmem:$0x1E000] =	vst v63  }
0xca: {  	s22 =	simm.s32 $0x1080  }
0xcb: {  	[spmem:s1] =	stream.indirect.scatter.add.f32 [tilespmem:s30], [sflag:$0x3], $0x80, s22, s28, $0xb8;
	[tilespmem:$0x1E000] =	vst v63  }
0xcc: {  	_ =	swait.ge [sflag:s25], $0x4000  }
0xcd: {  	s20 =	simm.s32 $0x400;
	[sflag:s25] =	ssyncset.done $0x0  }
.LBB2_6:
0xce: {  	p0 =	sne.s32 s20, $0x3800  }
0xcf: {  	[sflag:s25] =	ssyncadd.s32 $0xFFFFC000;
	s21 =	smov.u32 s20;
	s20 =	sadd.s32 $0x400, s20  }
0xd0: {  	_ = 	snop  }
0xd1: {  	_ =	swait.ge [sflag:s29], $0x4000  }
0xd2: {  	s21 =	sshra.s32 s21, $0x2;
	[sflag:s29] =	ssyncset.done $0x0  }
0xd3: {  	s22 =	sadd.s32 $0x80, s21;
	[sflag:s29] =	ssyncadd.s32 $0xFFFFC000  }
0xd4: {  	[tilespmem:s30], [sflag:$0x2] =	stream.indirect.gather [hbm4b:s4+s28], $0x80, s22, s28, $0xb8;
	[tilespmem:$0x1E000] =	vst v63  }
0xd5: {  	s22 =	sadd.s32 $0x1000, s21  }
0xd6: {  	[spmem:s1] =	stream.indirect.scatter.add.f32 [tilespmem:s19], [sflag:$0x3], $0x80, s22, s28, $0xb8;
	[tilespmem:$0x1E000] =	vst v63  }
0xd7: {  	_ =	swait.ge [sflag:s25], $0x4000  }
0xd8: {  	[sflag:s25] =	ssyncset.done $0x0  }
0xd9: {  	[sflag:s25] =	ssyncadd.s32 $0xFFFFC000  }
0xda: {  	_ =	swait.ge [sflag:s31], $0x4000  }
0xdb: {  	[sflag:s31] =	ssyncset.done $0x0  }
0xdc: {  	s22 =	sadd.s32 $0x100, s21;
	[sflag:s31] =	ssyncadd.s32 $0xFFFFC000  }
0xdd: {  	[tilespmem:s19], [sflag:$0x1] =	stream.indirect.gather [hbm4b:s4+s28], $0x80, s22, s28, $0xb8;
	[tilespmem:$0x1E000] =	vst v63  }
.Ltmp2:
0xde: {  	_ = 	snop;
	(pc) =	sbr.rel @p0 .LBB2_6-.Ltmp2, $4  }
0xdf: {  	s21 =	sadd.s32 $0x1080, s21  }
0xe0: {  	[spmem:s1] =	stream.indirect.scatter.add.f32 [tilespmem:s30], [sflag:$0x3], $0x80, s21, s28, $0xb8;
	[tilespmem:$0x1E000] =	vst v63  }
0xe1: {  	_ =	swait.ge [sflag:s25], $0x4000  }
0xe2: {  	[sflag:s25] =	ssyncset.done $0x0  }
0xe3: {  	[sflag:s25] =	ssyncadd.s32 $0xFFFFC000  }
0xe4: {  	_ =	swait.ge [sflag:s29], $0x4000  }
0xe5: {  	[sflag:s29] =	ssyncset.done $0x0  }
0xe6: {  	[sflag:s29] =	ssyncadd.s32 $0xFFFFC000  }
0xe7: {  	[tilespmem:s30], [sflag:$0x2] =	stream.indirect.gather [hbm4b:s4+s28], $0x80, s0, s28, $0xb8;
	[tilespmem:$0x1E000] =	vst v63  }
0xe8: {  	_ = 	snop  }
0xe9: {  	[spmem:s1] =	stream.indirect.scatter.add.f32 [tilespmem:s19], [sflag:$0x3], $0x80, s3, s28, $0xb8;
	[tilespmem:$0x1E000] =	vst v63  }
0xea: {  	_ =	swait.ge [sflag:s25], $0x4000  }
0xeb: {  	[sflag:s25] =	ssyncset.done $0x0  }
0xec: {  	[sflag:s25] =	ssyncadd.s32 $0xFFFFC000  }
0xed: {  	_ =	swait.ge [sflag:s31], $0x4000  }
0xee: {  	[sflag:s31] =	ssyncset.done $0x0  }
0xef: {  	[sflag:s31] =	ssyncadd.s32 $0xFFFFC000  }
0xf0: {  	[spmem:s1] =	stream.indirect.scatter.add.f32 [tilespmem:s30], [sflag:$0x3], $0x80, s5, s28, $0xb8;
	[tilespmem:$0x1E000] =	vst v63  }
0xf1: {  	_ =	swait.ge [sflag:s25], $0x4000  }
0xf2: {  	[sflag:s25] =	ssyncset.done $0x0  }
0xf3: {  	s20 =	sadd.s32 s16, s11;
	s21 =	simm.s32 $0x0;
	[sflag:s25] =	ssyncadd.s32 $0xFFFFC000  }
0xf4: {  	[tilespmem:s21], [sflag:$0x3] =	stream.linear.gather [hbm4b:s20+s21], $0x1000, $0x38;
	[tilespmem:$0x1E000] =	vst v63  }
0xf5: {  	_ =	swait.ge [sflag:s25], $0x1000  }
0xf6: {  	[sflag:s25] =	ssyncset.done $0x0  }
0xf7: {  	s22 =	sadd.s32 s16, s13;
	[sflag:s25] =	ssyncadd.s32 $0xFFFFF000  }
0xf8: {  	[tilespmem:s26], [sflag:$0x3] =	stream.linear.gather [hbm4b:s22+s21], $0x1000, $0x38;
	[tilespmem:$0x1E000] =	vst v63  }
0xf9: {  	_ =	swait.ge [sflag:s25], $0x1000  }
0xfa: {  	[sflag:s25] =	ssyncset.done $0x0  }
0xfb: {  	[sflag:s25] =	ssyncadd.s32 $0xFFFFF000  }
0xfc: {  	[tilespmem:s19], [sflag:$0x1] =	stream.indirect.gather [hbm4b:s4+s28], $0x80, s21, s28, $0xb8;
	[tilespmem:$0x1E000] =	vst v63  }
0xfd: {  	_ =	swait.ge [sflag:s29], $0x4000  }
0xfe: {  	[sflag:s29] =	ssyncset.done $0x0  }
0xff: {  	s21 =	simm.s32 $0x80;
	[sflag:s29] =	ssyncadd.s32 $0xFFFFC000  }
0x100: {  	[tilespmem:s30], [sflag:$0x2] =	stream.indirect.gather [hbm4b:s4+s28], $0x80, s21, s28, $0xb8;
	[tilespmem:$0x1E000] =	vst v63  }
0x101: {  	s22 =	simm.s32 $0x1000  }
0x102: {  	[spmem:s1] =	stream.indirect.scatter.add.f32 [tilespmem:s19], [sflag:$0x3], $0x80, s22, s28, $0xb8;
	[tilespmem:$0x1E000] =	vst v63  }
0x103: {  	_ =	swait.ge [sflag:s25], $0x4000  }
0x104: {  	[sflag:s25] =	ssyncset.done $0x0  }
0x105: {  	[sflag:s25] =	ssyncadd.s32 $0xFFFFC000  }
0x106: {  	_ =	swait.ge [sflag:s31], $0x4000  }
0x107: {  	[sflag:s31] =	ssyncset.done $0x0  }
0x108: {  	s21 =	simm.s32 $0x100;
	[sflag:s31] =	ssyncadd.s32 $0xFFFFC000  }
0x109: {  	[tilespmem:s19], [sflag:$0x1] =	stream.indirect.gather [hbm4b:s4+s28], $0x80, s21, s28, $0xb8;
	[tilespmem:$0x1E000] =	vst v63  }
0x10a: {  	s22 =	simm.s32 $0x1080  }
0x10b: {  	[spmem:s1] =	stream.indirect.scatter.add.f32 [tilespmem:s30], [sflag:$0x3], $0x80, s22, s28, $0xb8;
	[tilespmem:$0x1E000] =	vst v63  }
0x10c: {  	_ =	swait.ge [sflag:s25], $0x4000  }
0x10d: {  	s20 =	simm.s32 $0x400;
	[sflag:s25] =	ssyncset.done $0x0  }
.LBB2_8:
0x10e: {  	p0 =	sne.s32 s20, $0x3800  }
0x10f: {  	[sflag:s25] =	ssyncadd.s32 $0xFFFFC000;
	s21 =	smov.u32 s20;
	s20 =	sadd.s32 $0x400, s20  }
0x110: {  	_ = 	snop  }
0x111: {  	_ =	swait.ge [sflag:s29], $0x4000  }
0x112: {  	s21 =	sshra.s32 s21, $0x2;
	[sflag:s29] =	ssyncset.done $0x0  }
0x113: {  	s22 =	sadd.s32 $0x80, s21;
	[sflag:s29] =	ssyncadd.s32 $0xFFFFC000  }
0x114: {  	[tilespmem:s30], [sflag:$0x2] =	stream.indirect.gather [hbm4b:s4+s28], $0x80, s22, s28, $0xb8;
	[tilespmem:$0x1E000] =	vst v63  }
0x115: {  	s22 =	sadd.s32 $0x1000, s21  }
0x116: {  	[spmem:s1] =	stream.indirect.scatter.add.f32 [tilespmem:s19], [sflag:$0x3], $0x80, s22, s28, $0xb8;
	[tilespmem:$0x1E000] =	vst v63  }
0x117: {  	_ =	swait.ge [sflag:s25], $0x4000  }
0x118: {  	[sflag:s25] =	ssyncset.done $0x0  }
0x119: {  	[sflag:s25] =	ssyncadd.s32 $0xFFFFC000  }
0x11a: {  	_ =	swait.ge [sflag:s31], $0x4000  }
0x11b: {  	[sflag:s31] =	ssyncset.done $0x0  }
0x11c: {  	s22 =	sadd.s32 $0x100, s21;
	[sflag:s31] =	ssyncadd.s32 $0xFFFFC000  }
0x11d: {  	[tilespmem:s19], [sflag:$0x1] =	stream.indirect.gather [hbm4b:s4+s28], $0x80, s22, s28, $0xb8;
	[tilespmem:$0x1E000] =	vst v63  }
.Ltmp3:
0x11e: {  	_ = 	snop;
	(pc) =	sbr.rel @p0 .LBB2_8-.Ltmp3, $4  }
0x11f: {  	s21 =	sadd.s32 $0x1080, s21  }
0x120: {  	[spmem:s1] =	stream.indirect.scatter.add.f32 [tilespmem:s30], [sflag:$0x3], $0x80, s21, s28, $0xb8;
	[tilespmem:$0x1E000] =	vst v63  }
0x121: {  	_ =	swait.ge [sflag:s25], $0x4000  }
0x122: {  	[sflag:s25] =	ssyncset.done $0x0  }
0x123: {  	[sflag:s25] =	ssyncadd.s32 $0xFFFFC000  }
0x124: {  	_ =	swait.ge [sflag:s29], $0x4000  }
0x125: {  	[sflag:s29] =	ssyncset.done $0x0  }
0x126: {  	[sflag:s29] =	ssyncadd.s32 $0xFFFFC000  }
0x127: {  	[tilespmem:s30], [sflag:$0x2] =	stream.indirect.gather [hbm4b:s4+s28], $0x80, s0, s28, $0xb8;
	[tilespmem:$0x1E000] =	vst v63  }
0x128: {  	_ = 	snop  }
0x129: {  	[spmem:s1] =	stream.indirect.scatter.add.f32 [tilespmem:s19], [sflag:$0x3], $0x80, s3, s28, $0xb8;
	[tilespmem:$0x1E000] =	vst v63  }
0x12a: {  	_ =	swait.ge [sflag:s25], $0x4000  }
0x12b: {  	[sflag:s25] =	ssyncset.done $0x0  }
0x12c: {  	[sflag:s25] =	ssyncadd.s32 $0xFFFFC000  }
0x12d: {  	_ =	swait.ge [sflag:s31], $0x4000  }
0x12e: {  	[sflag:s31] =	ssyncset.done $0x0  }
0x12f: {  	[sflag:s31] =	ssyncadd.s32 $0xFFFFC000  }
0x130: {  	[spmem:s1] =	stream.indirect.scatter.add.f32 [tilespmem:s30], [sflag:$0x3], $0x80, s5, s28, $0xb8;
	[tilespmem:$0x1E000] =	vst v63  }
0x131: {  	_ =	swait.ge [sflag:s25], $0x4000  }
0x132: {  	[sflag:s25] =	ssyncset.done $0x0  }
0x133: {  	s20 =	sadd.s32 s17, s11;
	s21 =	simm.s32 $0x0;
	[sflag:s25] =	ssyncadd.s32 $0xFFFFC000  }
0x134: {  	[tilespmem:s21], [sflag:$0x3] =	stream.linear.gather [hbm4b:s20+s21], $0x1000, $0x38;
	[tilespmem:$0x1E000] =	vst v63  }
0x135: {  	_ =	swait.ge [sflag:s25], $0x1000  }
0x136: {  	[sflag:s25] =	ssyncset.done $0x0  }
0x137: {  	s22 =	sadd.s32 s17, s13;
	[sflag:s25] =	ssyncadd.s32 $0xFFFFF000  }
0x138: {  	[tilespmem:s26], [sflag:$0x3] =	stream.linear.gather [hbm4b:s22+s21], $0x1000, $0x38;
	[tilespmem:$0x1E000] =	vst v63  }
0x139: {  	_ =	swait.ge [sflag:s25], $0x1000  }
0x13a: {  	[sflag:s25] =	ssyncset.done $0x0  }
0x13b: {  	[sflag:s25] =	ssyncadd.s32 $0xFFFFF000  }
0x13c: {  	[tilespmem:s19], [sflag:$0x1] =	stream.indirect.gather [hbm4b:s4+s28], $0x80, s21, s28, $0xb8;
	[tilespmem:$0x1E000] =	vst v63  }
0x13d: {  	_ =	swait.ge [sflag:s29], $0x4000  }
0x13e: {  	[sflag:s29] =	ssyncset.done $0x0  }
0x13f: {  	s21 =	simm.s32 $0x80;
	[sflag:s29] =	ssyncadd.s32 $0xFFFFC000  }
0x140: {  	[tilespmem:s30], [sflag:$0x2] =	stream.indirect.gather [hbm4b:s4+s28], $0x80, s21, s28, $0xb8;
	[tilespmem:$0x1E000] =	vst v63  }
0x141: {  	s22 =	simm.s32 $0x1000  }
0x142: {  	[spmem:s1] =	stream.indirect.scatter.add.f32 [tilespmem:s19], [sflag:$0x3], $0x80, s22, s28, $0xb8;
	[tilespmem:$0x1E000] =	vst v63  }
0x143: {  	_ =	swait.ge [sflag:s25], $0x4000  }
0x144: {  	[sflag:s25] =	ssyncset.done $0x0  }
0x145: {  	[sflag:s25] =	ssyncadd.s32 $0xFFFFC000  }
0x146: {  	_ =	swait.ge [sflag:s31], $0x4000  }
0x147: {  	[sflag:s31] =	ssyncset.done $0x0  }
0x148: {  	s21 =	simm.s32 $0x100;
	[sflag:s31] =	ssyncadd.s32 $0xFFFFC000  }
0x149: {  	[tilespmem:s19], [sflag:$0x1] =	stream.indirect.gather [hbm4b:s4+s28], $0x80, s21, s28, $0xb8;
	[tilespmem:$0x1E000] =	vst v63  }
0x14a: {  	s22 =	simm.s32 $0x1080  }
0x14b: {  	[spmem:s1] =	stream.indirect.scatter.add.f32 [tilespmem:s30], [sflag:$0x3], $0x80, s22, s28, $0xb8;
	[tilespmem:$0x1E000] =	vst v63  }
0x14c: {  	_ =	swait.ge [sflag:s25], $0x4000  }
0x14d: {  	s20 =	simm.s32 $0x400;
	[sflag:s25] =	ssyncset.done $0x0  }
.LBB2_10:
0x14e: {  	p0 =	sne.s32 s20, $0x3800  }
0x14f: {  	[sflag:s25] =	ssyncadd.s32 $0xFFFFC000;
	s21 =	smov.u32 s20;
	s20 =	sadd.s32 $0x400, s20  }
0x150: {  	_ = 	snop  }
0x151: {  	_ =	swait.ge [sflag:s29], $0x4000  }
0x152: {  	s21 =	sshra.s32 s21, $0x2;
	[sflag:s29] =	ssyncset.done $0x0  }
0x153: {  	s22 =	sadd.s32 $0x80, s21;
	[sflag:s29] =	ssyncadd.s32 $0xFFFFC000  }
0x154: {  	[tilespmem:s30], [sflag:$0x2] =	stream.indirect.gather [hbm4b:s4+s28], $0x80, s22, s28, $0xb8;
	[tilespmem:$0x1E000] =	vst v63  }
0x155: {  	s22 =	sadd.s32 $0x1000, s21  }
0x156: {  	[spmem:s1] =	stream.indirect.scatter.add.f32 [tilespmem:s19], [sflag:$0x3], $0x80, s22, s28, $0xb8;
	[tilespmem:$0x1E000] =	vst v63  }
0x157: {  	_ =	swait.ge [sflag:s25], $0x4000  }
0x158: {  	[sflag:s25] =	ssyncset.done $0x0  }
0x159: {  	[sflag:s25] =	ssyncadd.s32 $0xFFFFC000  }
0x15a: {  	_ =	swait.ge [sflag:s31], $0x4000  }
0x15b: {  	[sflag:s31] =	ssyncset.done $0x0  }
0x15c: {  	s22 =	sadd.s32 $0x100, s21;
	[sflag:s31] =	ssyncadd.s32 $0xFFFFC000  }
0x15d: {  	[tilespmem:s19], [sflag:$0x1] =	stream.indirect.gather [hbm4b:s4+s28], $0x80, s22, s28, $0xb8;
	[tilespmem:$0x1E000] =	vst v63  }
.Ltmp4:
0x15e: {  	_ = 	snop;
	(pc) =	sbr.rel @p0 .LBB2_10-.Ltmp4, $4  }
0x15f: {  	s21 =	sadd.s32 $0x1080, s21  }
0x160: {  	[spmem:s1] =	stream.indirect.scatter.add.f32 [tilespmem:s30], [sflag:$0x3], $0x80, s21, s28, $0xb8;
	[tilespmem:$0x1E000] =	vst v63  }
0x161: {  	_ =	swait.ge [sflag:s25], $0x4000  }
0x162: {  	[sflag:s25] =	ssyncset.done $0x0  }
0x163: {  	[sflag:s25] =	ssyncadd.s32 $0xFFFFC000  }
0x164: {  	_ =	swait.ge [sflag:s29], $0x4000  }
0x165: {  	[sflag:s29] =	ssyncset.done $0x0  }
0x166: {  	[sflag:s29] =	ssyncadd.s32 $0xFFFFC000  }
0x167: {  	[tilespmem:s30], [sflag:$0x2] =	stream.indirect.gather [hbm4b:s4+s28], $0x80, s0, s28, $0xb8;
	[tilespmem:$0x1E000] =	vst v63  }
0x168: {  	_ = 	snop  }
0x169: {  	[spmem:s1] =	stream.indirect.scatter.add.f32 [tilespmem:s19], [sflag:$0x3], $0x80, s3, s28, $0xb8;
	[tilespmem:$0x1E000] =	vst v63  }
0x16a: {  	_ =	swait.ge [sflag:s25], $0x4000  }
0x16b: {  	[sflag:s25] =	ssyncset.done $0x0  }
0x16c: {  	[sflag:s25] =	ssyncadd.s32 $0xFFFFC000  }
0x16d: {  	_ =	swait.ge [sflag:s31], $0x4000  }
0x16e: {  	[sflag:s31] =	ssyncset.done $0x0  }
0x16f: {  	[sflag:s31] =	ssyncadd.s32 $0xFFFFC000  }
0x170: {  	[spmem:s1] =	stream.indirect.scatter.add.f32 [tilespmem:s30], [sflag:$0x3], $0x80, s5, s28, $0xb8;
	[tilespmem:$0x1E000] =	vst v63  }
0x171: {  	_ =	swait.ge [sflag:s25], $0x4000  }
0x172: {  	[sflag:s25] =	ssyncset.done $0x0  }
0x173: {  	[sflag:s25] =	ssyncadd.s32 $0xFFFFC000  }
0x174: {  	[bflag:$0x0] =	sbarrier.arrive $0xFFFF  }
0x175: {  	[tilespmem:s19], [sflag:$0x3] =	stream.linear.gather [spmem:s6], $0x4000, $0x38;
	[tilespmem:$0x1E000] =	vst v63  }
0x176: {  	_ =	swait.ge [sflag:s25], $0x4000  }
0x177: {  	[sflag:s25] =	ssyncset.done $0x0  }
0x178: {  	s20 =	rddreg [dreg:$0x6];
	[sflag:s25] =	ssyncadd.s32 $0xFFFFC000  }
0x179: {  	[hbm4b:s20+s2] =	stream.linear.scatter [tilespmem:s19], [sflag:$0x3], $0x4000, $0x38;
	[tilespmem:$0x1E000] =	vst v63  }
0x17a: {  	_ =	swait.ge [sflag:s25], $0x4000  }
0x17b: {  	[sflag:s25] =	ssyncset.done $0x0  }
0x17c: {  	[sflag:s25] =	ssyncadd.s32 $0xFFFFC000  }
0x17d: {  	[tilespmem:s19], [sflag:$0x3] =	stream.linear.gather [spmem:s7], $0x4000, $0x38;
	[tilespmem:$0x1E000] =	vst v63  }
0x17e: {  	_ =	swait.ge [sflag:s25], $0x4000  }
0x17f: {  	[sflag:s25] =	ssyncset.done $0x0  }
0x180: {  	s22 =	rddreg [dreg:$0x7];
	[sflag:s25] =	ssyncadd.s32 $0xFFFFC000  }
0x181: {  	[hbm4b:s22+s2] =	stream.linear.scatter [tilespmem:s19], [sflag:$0x3], $0x4000, $0x38;
	[tilespmem:$0x1E000] =	vst v63  }
0x182: {  	_ =	swait.ge [sflag:s25], $0x4000  }
0x183: {  	[sflag:s25] =	ssyncset.done $0x0  }
0x184: {  	[sflag:s25] =	ssyncadd.s32 $0xFFFFC000  }
0x185: {  	[tilespmem:s19], [sflag:$0x3] =	stream.linear.gather [spmem:s8], $0x4000, $0x38;
	[tilespmem:$0x1E000] =	vst v63  }
0x186: {  	_ =	swait.ge [sflag:s25], $0x4000  }
0x187: {  	[sflag:s25] =	ssyncset.done $0x0  }
0x188: {  	s21 =	rddreg [dreg:$0x8];
	[sflag:s25] =	ssyncadd.s32 $0xFFFFC000  }
0x189: {  	[hbm4b:s21+s2] =	stream.linear.scatter [tilespmem:s19], [sflag:$0x3], $0x4000, $0x38;
	[tilespmem:$0x1E000] =	vst v63  }
0x18a: {  	_ =	swait.ge [sflag:s25], $0x4000  }
0x18b: {  	[sflag:s25] =	ssyncset.done $0x0  }
0x18c: {  	[sflag:s25] =	ssyncadd.s32 $0xFFFFC000  }
0x18d: {  	[tilespmem:s19], [sflag:$0x3] =	stream.linear.gather [spmem:s9], $0x4000, $0x38;
	[tilespmem:$0x1E000] =	vst v63  }
0x18e: {  	_ =	swait.ge [sflag:s25], $0x4000  }
0x18f: {  	[sflag:s25] =	ssyncset.done $0x0  }
0x190: {  	[sflag:s25] =	ssyncadd.s32 $0xFFFFC000  }
0x191: {  	[hbm4b:s23+s2] =	stream.linear.scatter [tilespmem:s19], [sflag:$0x3], $0x4000, $0x38;
	[tilespmem:$0x1E000] =	vst v63  }
0x192: {  	_ =	swait.ge [sflag:s25], $0x4000  }
0x193: {  	[sflag:s25] =	ssyncset.done $0x0  }
0x194: {  	[sflag:s25] =	ssyncadd.s32 $0xFFFFC000  }
0x195: {  	[tilespmem:s19], [sflag:$0x3] =	stream.linear.gather [spmem:s10], $0x4000, $0x38;
	[tilespmem:$0x1E000] =	vst v63  }
0x196: {  	_ =	swait.ge [sflag:s25], $0x4000  }
0x197: {  	[sflag:s25] =	ssyncset.done $0x0  }
0x198: {  	[sflag:s25] =	ssyncadd.s32 $0xFFFFC000  }
0x199: {  	[hbm4b:s24+s2] =	stream.linear.scatter [tilespmem:s19], [sflag:$0x3], $0x4000, $0x38;
	[tilespmem:$0x1E000] =	vst v63  }
0x19a: {  	_ =	swait.ge [sflag:s25], $0x4000  }
0x19b: {  	s18 =	sadd.s32 $0x1, s18;
	s22 =	rddreg [dreg:$0x5]  }
0x19c: {  	p0 =	sne.s32 s18, s22  }
.Ltmp5:
0x19d: {  	_ = 	snop;
	(pc) =	sbr.rel @p0 .LBB2_1-.Ltmp5, $3  }
0x19e: {  	_ =	sdelay $0x1  }
0x19f: {  	[sflag:s25] =	ssyncset.done $0x0  }
0x1a0: {  	[sflag:s25] =	ssyncadd.s32 $0xFFFFC000  }
0x1a1: {  	_ =	sfence.sel $0x180000  }
0x1a2: {  	[bflag:$0x0] =	sbarrier.arrive $0xFFFF  }
0x1a3: {  	_ =	strace $0x9000004D  }
0x1a4: {  	s0 =	stileid.u32;
	[bflag:$0x2] =	sbarrier.arrive $0xFFFF  }
0x1a5: {  	p0 =	sne.s32 s0, $0x0;
	s0 =	rddreg [dreg:$0x3]  }
0x1a6: {  	s0 =	sadd.s32 @!p0 $0x100000, s0  }
0x1a7: {  	[sflag:s0] =	ssyncadd.tile.s32 @!p0 $0x1;
	_ =	shalt  }
.Lfunc_end2:
_tile_overlayer_lowered:
.L_overlay_start_2:
0x1a8: {  	(tag) =	ssettag $0x2  }
0x1a9: {  	s0 =	rddreg [dreg:$0x0];
	s2 =	stileid.u32  }
0x1aa: {  	s1 =	rddreg [dreg:$0x1];
	p0 =	sne.s32 s2, $0x0  }
0x1ab: {  	s3 =	rddreg [dreg:$0x2];
	[bflag:$0x3] =	sbarrier.arrive $0xFFFF;
	s2 =	simm.s32 @!p0 $0x1C03  }
0x1ac: {  	[timem:s3], [sflag:s2] =	dma.local @!p0 [hbm:s0], s1  }
0x1ad: {  	s0 =	simm.s32 @!p0 $0x3  }
0x1ae: {  	_ =	swait.ge @!p0 [sflag:s0], s1  }
0x1af: {  	s1 =	ssub.s32 @!p0 $0x0, s1;
	[sflag:s0] =	ssyncset.done @!p0 $0x0  }
0x1b0: {  	[sflag:s0] =	ssyncadd.s32 @!p0 s1  }
0x1b1: {  	[bflag:$0x3] =	sbarrier.arrive $0xFFFF  }
0x1b2: {  	_ =	shalt  }

// kernel: kernel.8.cloned.1.call-start
scs
__scs_entry_jumppad:
0x0: {  	(pc) =	sbr.rel $0x88, $3  }
0x1: {  	(tag) =	ssettag $0x0;
	lr =	simm.s32 $0x1  }
0x2: {  	[smem:$0x3F9B] =	sst lr;
	_ =	strace $0xD0000000  }
0x3: {  	_ = 	snop  }
0x4: {  	_ = 	snop  }
0x5: {  	_ = 	snop  }
0x6: {  	_ = 	snop  }
0x7: {  	_ = 	snop  }
__scs_overlays_trampoline_lowered:
0x8: {  	[smem:$0x3FAA] =	sst s0  }
0x9: {  	[smem:$0x3FAB] =	sst s1  }
0xa: {  	[smem:$0x3FAC] =	sst s2  }
0xb: {  	[smem:$0x3FAD] =	sst s3  }
0xc: {  	[smem:$0x3FAE] =	sst s4  }
0xd: {  	[smem:$0x3FAF] =	sst s5  }
0xe: {  	[smem:$0x3FB0] =	sst s6  }
0xf: {  	[smem:$0x3FB1] =	sst s7  }
0x10: {  	[smem:$0x3FB2] =	sst s8  }
0x11: {  	[smem:$0x3FB3] =	sst s9;
	s0 =	simm.s32 @!p0 $0x0  }
0x12: {  	s1 =	sld [smem:$0x3F99];
	s0 =	simm.s32 @p0 $0x1  }
0x13: {  	[smem:$0x3FB4] =	sst s0;
	s0 =	simm.s32 @!p1 $0x0  }
0x14: {  	s2 =	sld [smem:$0x3F98];
	s0 =	simm.s32 @p1 $0x1  }
0x15: {  	[smem:$0x3FB5] =	sst s0;
	s0 =	simm.s32 @!p2 $0x0  }
0x16: {  	s3 =	sld [smem:$0x3FDB];
	s0 =	simm.s32 @p2 $0x1  }
0x17: {  	s4 =	simm.s32 $0x1BF5;
	[smem:$0x3FB7] =	sst s0  }
0x18: {  	s0 =	sld [smem:$0x3F9A];
	_ =	swait.ge [sflag:s4], $0x0  }
0x19: {  	s7 =	sld [smem:$0x3F9B]  }
0x1a: {  	s8 =	sadd.s32 $0xFFFFE003, lr  }
0x1b: {  	s9 =	sadd.s32 $0xFFFFFEF7, lr;
	s5 =	simm.s32 $0xFFFFFFFF;
	p2 =	slt.u32 s8, $0xFFFFF086  }
0x1c: {  	p1 =	slt.u32 s9, $0xF7A;
	s5 =	simm.s32 @!p2 $0x0  }
0x1d: {  	s5 =	simm.s32 @p1 $0x1;
	p0 =	seq.s32 s7, s2  }
0x1e: {  	s7 =	smul.u32 @!p0 $0xF7A, s2;
	p2 =	seq.s32 @!p0 s5, $0x0  }
0x1f: {  	s9 =	smul.u32 $0xF7A, s1;
	s8 =	simm.s32 @!p0 $0x1BF5;
	p2 =	por !p2, p0  }
0x20: {  	[sflag:s8] =	ssyncset.s32 @!p0 $0xFFFFF086;
	s6 =	sadd.s32 @!p0 s3, s7;
	s7 =	simm.s32 @!p0 $0x108  }
0x21: {  	s3 =	sadd.s32 s3, s9;
	s6 =	sadd.s32 @!p0 $0x88, s6;
	s7 =	simm.s32 @p2 $0x1082  }
0x22: {  	[simem:s7], [sflag:s8] =	dma.local @!p0 [hbm:s6], $0xF7A  }
0x23: {  	s9 =	sor.u32 $0xD0000000, s2;
	s6 =	simm.s32 $0x108;
	_ =	swait.ge @!p0 [sflag:s8], $0x0  }
0x24: {  	s3 =	sadd.s32 $0x88, s3;
	s6 =	simm.s32 @!p1 $0x1082;
	[sflag:s4] =	ssyncset.s32 $0xFFFFF086  }
0x25: {  	[simem:s6], [sflag:s4] =	dma.local [hbm:s3], $0xF7A  }
0x26: {  	[smem:$0x3F9B] =	sst s1;
	(tag) =	ssettag s2;
	_ =	strace s9  }
0x27: {  	s1 =	sld [smem:$0x3FAB]  }
0x28: {  	s2 =	sld [smem:$0x3FAC]  }
0x29: {  	s4 =	sld [smem:$0x3FAE]  }
0x2a: {  	p0 =	seq.s32 s5, $0x0;
	s5 =	sld [smem:$0x3FAF]  }
0x2b: {  	s6 =	sld [smem:$0x3FB0]  }
0x2c: {  	s7 =	sld [smem:$0x3FB1]  }
0x2d: {  	s3 =	simm.s32 $0x108;
	s8 =	sld [smem:$0x3FB2]  }
0x2e: {  	s3 =	simm.s32 @!p0 $0x1082;
	s9 =	sld [smem:$0x3FB3]  }
0x2f: {  	lr =	sadd.s32 s0, s3;
	s0 =	sld [smem:$0x3FAA]  }
0x30: {  	s3 =	sld [smem:$0x3FAD]  }
0x31: {  	[smem:$0x3FB6] =	sst s10  }
0x32: {  	s10 =	sld [smem:$0x3FB4];
	_ =	sdelay $0x3  }
0x33: {  	p0 =	seq.s32 s10, $0x1;
	s10 =	sld [smem:$0x3FB6];
	_ =	sdelay $0x3  }
0x34: {  	[smem:$0x3FB6] =	sst s10  }
0x35: {  	s10 =	sld [smem:$0x3FB5];
	_ =	sdelay $0x3  }
0x36: {  	p1 =	seq.s32 s10, $0x1;
	s10 =	sld [smem:$0x3FB6];
	_ =	sdelay $0x3  }
0x37: {  	[smem:$0x3FB6] =	sst s10  }
0x38: {  	s10 =	sld [smem:$0x3FB7]  }
0x39: {  	_ = 	snop;
	(pc) =	sbr.ind lr, $3  }
0x3a: {  	_ = 	snop  }
0x3b: {  	_ = 	snop  }
0x3c: {  	p2 =	seq.s32 s10, $0x1;
	s10 =	sld [smem:$0x3FB6]  }
0x3d: {  	_ =	shalt  }
0x3e: {  	_ =	shalt  }
0x3f: {  	_ =	shalt  }
0x40: {  	_ =	shalt  }
0x41: {  	_ =	shalt  }
0x42: {  	_ =	shalt  }
0x43: {  	_ =	shalt  }
0x44: {  	_ =	shalt  }
0x45: {  	_ =	shalt  }
0x46: {  	_ =	shalt  }
0x47: {  	_ =	shalt  }
0x48: {  	_ =	shalt  }
0x49: {  	_ =	shalt  }
0x4a: {  	_ =	shalt  }
0x4b: {  	_ =	shalt  }
0x4c: {  	_ =	shalt  }
0x4d: {  	_ =	shalt  }
0x4e: {  	_ =	shalt  }
0x4f: {  	_ =	shalt  }
0x50: {  	_ =	shalt  }
0x51: {  	_ =	shalt  }
0x52: {  	_ =	shalt  }
0x53: {  	_ =	shalt  }
0x54: {  	_ =	shalt  }
0x55: {  	_ =	shalt  }
0x56: {  	_ =	shalt  }
0x57: {  	_ =	shalt  }
0x58: {  	_ =	shalt  }
0x59: {  	_ =	shalt  }
0x5a: {  	_ =	shalt  }
0x5b: {  	_ =	shalt  }
0x5c: {  	_ =	shalt  }
0x5d: {  	_ =	shalt  }
0x5e: {  	_ =	shalt  }
0x5f: {  	_ =	shalt  }
0x60: {  	_ =	shalt  }
0x61: {  	_ =	shalt  }
0x62: {  	_ =	shalt  }
0x63: {  	_ =	shalt  }
0x64: {  	_ =	shalt  }
0x65: {  	_ =	shalt  }
0x66: {  	_ =	shalt  }
0x67: {  	_ =	shalt  }
0x68: {  	_ =	shalt  }
0x69: {  	_ =	shalt  }
0x6a: {  	_ =	shalt  }
0x6b: {  	_ =	shalt  }
0x6c: {  	_ =	shalt  }
0x6d: {  	_ =	shalt  }
0x6e: {  	_ =	shalt  }
0x6f: {  	_ =	shalt  }
0x70: {  	_ =	shalt  }
0x71: {  	_ =	shalt  }
0x72: {  	_ =	shalt  }
0x73: {  	_ =	shalt  }
0x74: {  	_ =	shalt  }
0x75: {  	_ =	shalt  }
0x76: {  	_ =	shalt  }
0x77: {  	_ =	shalt  }
0x78: {  	_ =	shalt  }
0x79: {  	_ =	shalt  }
0x7a: {  	_ =	shalt  }
0x7b: {  	_ =	shalt  }
0x7c: {  	_ =	shalt  }
0x7d: {  	_ =	shalt  }
0x7e: {  	_ =	shalt  }
0x7f: {  	_ =	shalt  }
0x80: {  	_ =	shalt  }
0x81: {  	_ =	shalt  }
0x82: {  	_ =	shalt  }
0x83: {  	_ =	shalt  }
0x84: {  	_ =	shalt  }
0x85: {  	_ =	shalt  }
0x86: {  	_ =	shalt  }
0x87: {  	_ =	shalt  }
.Lfunc_end0:
.L_simem_size_0:
called_computation_lowered:
.L_overlay_start_0:
0x88: {  	s2 =	sld [smem:$0x3FD9]  }
0x89: {  	s3 =	sld [smem:$0x3FFE];
	_ =	sdelay $0x1  }
0x8a: {  	s1 =	srdreg.scid  }
0x8b: {  	s0 =	sand.u32 $0x1, s1  }
0x8c: {  	s16 =	sshll.u32 s0, $0xA;
	s2 =	sadd.s32 s3, s2  }
0x8d: {  	s2 =	sadd.s32 s2, s16  }
0x8e: {  	[smem:$0x3FC2] =	sst s2  }
0x8f: {  	_ = 	snop  }
0x90: {  	(tm) =	ssettm $0x1  }
0x91: {  	s17 =	sld [smem:$0x3FFB];
	_ =	sdelay $0x3  }
0x92: {  	_ =	strace s17  }
0x93: {  	s2 =	sld [smem:$0x3FFC];
	_ =	sdelay $0x3  }
0x94: {  	_ =	strace s2  }
0x95: {  	s2 =	sld [smem:$0x3FFD];
	_ =	sdelay $0x3  }
0x96: {  	_ =	strace s2  }
0x97: {  	_ =	strace $0x8FFFFFFF  }
0x98: {  	s18 =	sld [smem:$0x3FDB];
	_ =	sdelay $0x1  }
0x99: {  	s19 =	simm.s32 $_scs_section_size  }
0x9a: {  	s4 =	simm.s32 $_size__tile_overlayer_lowered;
	s5 =	simm.s32 $_tile_overlayer_lowered  }
0x9b: {  	s22 =	simm.s32 $0x1BFF;
	s21 =	sshll.u32 s5, $0x1;
	s2 =	sadd.s32 s19, s18  }
0x9c: {  	s6 =	simm.s32 $0x0;
	s20 =	sshll.u32 s4, $0x1;
	s4 =	sadd.s32 s21, s2  }
0x9d: {  	[timem:s6], [sflag:s22] =	dma.local [hbm:s4], s20  }
0x9e: {  	_ =	swait.ge [sflag:s22], s20  }
0x9f: {  	s3 =	ssub.s32 $0x0, s20;
	[sflag:s22] =	ssyncset.done $0x0  }
0xa0: {  	[sflag:s22] =	ssyncadd.s32 s3;
	_ =	sdelay $0x1  }
0xa1: {  	s23 =	simm.s32 $0x1B8B  }
0xa2: {  	_ =	swait.ge [sflag:s23], $0x1  }
0xa3: {  	[sflag:s23] =	ssyncset.done $0x0  }
0xa4: {  	s25 =	simm.s32 $0x1B8E;
	s24 =	sld [smem:$0x3FFE];
	[sflag:s23] =	ssyncadd.s32 $0xFFFFFFFF  }
0xa5: {  	s26 =	simm.s32 $execute0_lowered;
	[smem:$0x3FD2] =	sst s25  }
0xa6: {  	s4 =	sshll.u32 s26, $0x1;
	_ =	strace $0x80000046;
	[dreg:$0x1] =	wrdreg $0xFFFFFFFF  }
0xa7: {  	s28 =	simm.s32 $_size_execute0_lowered;
	s2 =	sadd.s32 s2, s4;
	[dreg:$0x0] =	wrdreg $0x0  }
0xa8: {  	s4 =	sshll.u32 s28, $0x1;
	[dreg:$0x2] =	wrdreg s2  }
0xa9: {  	[dreg:$0x3] =	wrdreg s4  }
0xaa: {  	[dreg:$0x4] =	wrdreg $0xC0  }
0xab: {  	_ =	task [dreg:s6], $0x5FFFF  }
0xac: {  	[dreg:$0x1] =	wrdreg $0xFFFFFFFF  }
0xad: {  	[dreg:$0x0] =	wrdreg $0x60  }
0xae: {  	[dreg:$0x2] =	wrdreg s24  }
0xaf: {  	[dreg:$0x3] =	wrdreg $0x90000  }
0xb0: {  	[dreg:$0x4] =	wrdreg $0x9  }
0xb1: {  	_ =	task.clear_ibuf [dreg:s6], $0x5FFFF;
	_ =	strace $0x90000046  }
0xb2: {  	s29 =	simm.s32 $0x9;
	_ =	strace $0x80000048  }
0xb3: {  	_ =	swait.ge [sflag:s29], $0x1  }
0xb4: {  	[sflag:s29] =	ssyncadd.s32 $0xFFFFFFFF  }
0xb5: {  	_ =	strace $0x90000048  }
0xb6: {  	_ =	sfence  }
0xb7: {  	s30 =	sld [smem:$0x0];
	_ =	sdelay $0x2  }
0xb8: {  	s31 =	sshll.u32 s1, $0xD;
	s1 =	sshrl.u32 s1, $0x2  }
0xb9: {  	s3 =	sand.u32 $0x4000, s31;
	s1 =	sadd.s32 s1, s30  }
0xba: {  	s0 =	sor.u32 s3, s0;
	s1 =	sshll.u32 s1, $0x11  }
0xbb: {  	s0 =	sor.u32 s1, s0  }
0xbc: {  	s0 =	sadd.s32 $0x8F2B, s0  }
0xbd: {  	[sflag:s0] =	ssyncadd.remote.s32 $0x1  }
0xbe: {  	_ =	sfence.sel $0xFFFF  }
0xbf: {  	[dreg:$0x0] =	wrdreg $0xFFFFFFFF;
	(pc) =	sbr.abs _section_cstart, $3  }
0xc0: {  	[dreg:$0x1] =	wrdreg $0xFFFFFFFF  }
0xc1: {  	_ =	task.clear_ibuf [dreg:s6], $0x2FFFF;
	_ =	strace $0x9FFFFFFF  }
0xc2: {  	(tm) =	ssettm $0x7FFFFFFF  }
0xc3: {  	_ =	shalt  }
tec
execute0_lowered:
.L_overlay_start_1:
0x0: {  	(tag) =	ssettag $0x1  }
0x1: {  	s3 =	srdreg.scid  }
0x2: {  	s6 =	rddreg [dreg:$0x0];
	s5 =	sand.u32 $0x1, s3  }
0x3: {  	s1 =	rddreg [dreg:$0x1];
	s4 =	smul.u32 $0xA000, s5  }
0x4: {  	s2 =	simm.s32 $0x0;
	s3 =	stileid.u32;
	s7 =	smul.u32 $0x28000, s5  }
0x5: {  	[smem:$0x7FF] =	sst s2;
	s8 =	smul.u32 $0x280, s3  }
0x6: {  	s0 =	rddreg [dreg:$0x2];
	_ =	strace $0x80000047;
	s10 =	smul.u32 $0x50000, s3  }
0x7: {  	s9 =	ssub.s32 $0x2, s5;
	s5 =	sadd.s32 $0x2AA00, s6;
	s18 =	smul.u32 $0x5000, s3  }
0x8: {  	s31 =	smul.u32 $0xA00, s3;
	s23 =	sshrl.u32 s9, $0x1;
	s11 =	sadd.s32 s4, s6  }
0x9: {  	s4 =	sadd.s32 $0x2B200, s6;
	s12 =	sadd.s32 s7, s6;
	s13 =	ssub.s32 s9, s23  }
0xa: {  	s24 =	sshrl.u32 s10, $0x2;
	s14 =	sadd.s32 $0x80, s8;
	s15 =	sadd.s32 $0x100, s8  }
0xb: {  	s16 =	sadd.s32 $0x180, s8;
	s17 =	sadd.s32 $0x200, s8;
	s30 =	sshrl.u32 s18, $0x3  }
0xc: {  	s6 =	sadd.s32 s24, s1;
	s25 =	sshll.u32 s14, $0x7;
	s26 =	sshll.u32 s15, $0x7  }
0xd: {  	s28 =	sshll.u32 s16, $0x7;
	s29 =	sshll.u32 s17, $0x7;
	s19 =	sadd.s32 $0x2A00, s11  }
0xe: {  	s20 =	sadd.s32 $0x200, s30;
	s21 =	sadd.s32 $0x400, s30;
	s22 =	sadd.s32 $0x600, s30  }
0xf: {  	s23 =	sadd.s32 $0x800, s30;
	s24 =	sadd.s32 $0x2BA00, s12;
	s30 =	sshll.u32 s17, $0x4  }
0x10: {  	s11 =	smax.u32 s13, $0x1;
	s12 =	simm.s32 $0x5000;
	s13 =	simm.s32 $0x1  }
0x11: {  	s7 =	sadd.s32 s25, s1;
	s8 =	sadd.s32 s26, s1;
	s9 =	sadd.s32 s28, s1  }
0x12: {  	s10 =	sadd.s32 s29, s1;
	s25 =	smul.u32 $0x2800, s3;
	s26 =	sshll.u32 s14, $0x4  }
0x13: {  	s28 =	sshll.u32 s15, $0x4;
	s29 =	sshll.u32 s16, $0x4;
	s14 =	sadd.s32 s31, s19  }
0x14: {  	s15 =	sadd.s32 s20, s19;
	s16 =	sadd.s32 s21, s19;
	s17 =	sadd.s32 s22, s19  }
0x15: {  	s18 =	sadd.s32 s23, s19;
	s19 =	simm.s32 $0x1000;
	s21 =	sadd.s32 s26, s24  }
0x16: {  	s22 =	sadd.s32 s28, s24;
	s23 =	sadd.s32 s29, s24;
	s26 =	simm.s32 $0x0  }
0x17: {  	s20 =	sadd.s32 s25, s24;
	s24 =	sadd.s32 s30, s24;
	s25 =	simm.s32 $0x80  }
.LBB2_1:
0x18: {  	[tilespmem:s12], [sflag:$0x1] =	stream.linear.gather [hbm4b:s5+s2], $0x4000, $0x38;
	[tilespmem:$0x1D000] =	vst v63  }
0x19: {  	_ =	swait.ge [sflag:s13], $0x4000  }
0x1a: {  	[sflag:s13] =	ssyncset.done $0x0  }
0x1b: {  	[sflag:s13] =	ssyncadd.s32 $0xFFFFC000  }
0x1c: {  	[spmem:s6] =	stream.linear.scatter [tilespmem:s12], [sflag:$0x1], $0x4000, $0x38;
	[tilespmem:$0x1D000] =	vst v63  }
0x1d: {  	_ =	swait.ge [sflag:s13], $0x4000  }
0x1e: {  	[sflag:s13] =	ssyncset.done $0x0  }
0x1f: {  	[sflag:s13] =	ssyncadd.s32 $0xFFFFC000  }
0x20: {  	[spmem:s7] =	stream.linear.scatter [tilespmem:s12], [sflag:$0x1], $0x4000, $0x38;
	[tilespmem:$0x1D000] =	vst v63  }
0x21: {  	_ =	swait.ge [sflag:s13], $0x4000  }
0x22: {  	[sflag:s13] =	ssyncset.done $0x0  }
0x23: {  	[sflag:s13] =	ssyncadd.s32 $0xFFFFC000  }
0x24: {  	[spmem:s8] =	stream.linear.scatter [tilespmem:s12], [sflag:$0x1], $0x4000, $0x38;
	[tilespmem:$0x1D000] =	vst v63  }
0x25: {  	_ =	swait.ge [sflag:s13], $0x4000  }
0x26: {  	[sflag:s13] =	ssyncset.done $0x0  }
0x27: {  	[sflag:s13] =	ssyncadd.s32 $0xFFFFC000  }
0x28: {  	[spmem:s9] =	stream.linear.scatter [tilespmem:s12], [sflag:$0x1], $0x4000, $0x38;
	[tilespmem:$0x1D000] =	vst v63  }
0x29: {  	_ =	swait.ge [sflag:s13], $0x4000  }
0x2a: {  	[sflag:s13] =	ssyncset.done $0x0  }
0x2b: {  	[sflag:s13] =	ssyncadd.s32 $0xFFFFC000  }
0x2c: {  	[spmem:s10] =	stream.linear.scatter [tilespmem:s12], [sflag:$0x1], $0x4000, $0x38;
	[tilespmem:$0x1D000] =	vst v63  }
0x2d: {  	_ =	swait.ge [sflag:s13], $0x4000  }
0x2e: {  	[sflag:s13] =	ssyncset.done $0x0  }
0x2f: {  	[sflag:s13] =	ssyncadd.s32 $0xFFFFC000  }
0x30: {  	[tilespmem:s19], [sflag:$0x1] =	stream.linear.gather [hbm4b:s4+s2], $0x4000, $0x38;
	[tilespmem:$0x1D000] =	vst v63  }
0x31: {  	_ =	swait.ge [sflag:s13], $0x4000  }
0x32: {  	[sflag:s13] =	ssyncset.done $0x0  }
0x33: {  	[sflag:s13] =	ssyncadd.s32 $0xFFFFC000  }
0x34: {  	[bflag:$0x0] =	sbarrier.arrive $0xFFFF  }
0x35: {  	[tilespmem:s2], [sflag:$0x1] =	stream.linear.gather [hbm4b:s14+s2], $0x1000, $0x38;
	[tilespmem:$0x1D000] =	vst v63  }
0x36: {  	_ =	swait.ge [sflag:s13], $0x1000  }
0x37: {  	[sflag:s13] =	ssyncset.done $0x0  }
0x38: {  	s28 =	simm.s32 $0x0;
	[sflag:s13] =	ssyncadd.s32 $0xFFFFF000  }
0x39: {  	[spmem:s1] =	stream.indirect.scatter.add.f32 [tilespmem:s19], [sflag:$0x1], $0x80, s28, s25, $0xb8;
	[tilespmem:$0x1D000] =	vst v63  }
0x3a: {  	_ =	swait.ge [sflag:s13], $0x4000  }
0x3b: {  	s28 =	simm.s32 $0x200;
	[sflag:s13] =	ssyncset.done $0x0  }
.LBB2_2:
0x3c: {  	s29 =	sshra.s32 s28, $0x2;
	[sflag:s13] =	ssyncadd.s32 $0xFFFFC000;
	p0 =	sne.s32 s28, $0x3E00  }
0x3d: {  	[spmem:s1] =	stream.indirect.scatter.add.f32 [tilespmem:s19], [sflag:$0x1], $0x80, s29, s25, $0xb8;
	[tilespmem:$0x1D000] =	vst v63  }
.Ltmp0:
0x3e: {  	_ = 	snop;
	(pc) =	sbr.rel @p0 .LBB2_2-.Ltmp0, $4  }
0x3f: {  	_ = 	snop  }
0x40: {  	s28 =	sadd.s32 $0x200, s28  }
0x41: {  	_ =	swait.ge [sflag:s13], $0x4000  }
0x42: {  	[sflag:s13] =	ssyncset.done $0x0  }
0x43: {  	[sflag:s13] =	ssyncadd.s32 $0xFFFFC000;
	s28 =	simm.s32 $0x0  }
0x44: {  	[tilespmem:s28], [sflag:$0x1] =	stream.linear.gather [hbm4b:s15+s28], $0x1000, $0x38;
	[tilespmem:$0x1D000] =	vst v63  }
0x45: {  	_ =	swait.ge [sflag:s13], $0x1000  }
0x46: {  	[sflag:s13] =	ssyncset.done $0x0  }
0x47: {  	s28 =	simm.s32 $0x0;
	[sflag:s13] =	ssyncadd.s32 $0xFFFFF000  }
0x48: {  	[spmem:s1] =	stream.indirect.scatter.add.f32 [tilespmem:s19], [sflag:$0x1], $0x80, s28, s25, $0xb8;
	[tilespmem:$0x1D000] =	vst v63  }
0x49: {  	_ =	swait.ge [sflag:s13], $0x4000  }
0x4a: {  	s28 =	simm.s32 $0x200;
	[sflag:s13] =	ssyncset.done $0x0  }
.LBB2_4:
0x4b: {  	s29 =	sshra.s32 s28, $0x2;
	[sflag:s13] =	ssyncadd.s32 $0xFFFFC000;
	p0 =	sne.s32 s28, $0x3E00  }
0x4c: {  	[spmem:s1] =	stream.indirect.scatter.add.f32 [tilespmem:s19], [sflag:$0x1], $0x80, s29, s25, $0xb8;
	[tilespmem:$0x1D000] =	vst v63  }
.Ltmp1:
0x4d: {  	_ = 	snop;
	(pc) =	sbr.rel @p0 .LBB2_4-.Ltmp1, $4  }
0x4e: {  	_ = 	snop  }
0x4f: {  	s28 =	sadd.s32 $0x200, s28  }
0x50: {  	_ =	swait.ge [sflag:s13], $0x4000  }
0x51: {  	[sflag:s13] =	ssyncset.done $0x0  }
0x52: {  	[sflag:s13] =	ssyncadd.s32 $0xFFFFC000;
	s28 =	simm.s32 $0x0  }
0x53: {  	[tilespmem:s28], [sflag:$0x1] =	stream.linear.gather [hbm4b:s16+s28], $0x1000, $0x38;
	[tilespmem:$0x1D000] =	vst v63  }
0x54: {  	_ =	swait.ge [sflag:s13], $0x1000  }
0x55: {  	[sflag:s13] =	ssyncset.done $0x0  }
0x56: {  	s28 =	simm.s32 $0x0;
	[sflag:s13] =	ssyncadd.s32 $0xFFFFF000  }
0x57: {  	[spmem:s1] =	stream.indirect.scatter.add.f32 [tilespmem:s19], [sflag:$0x1], $0x80, s28, s25, $0xb8;
	[tilespmem:$0x1D000] =	vst v63  }
0x58: {  	_ =	swait.ge [sflag:s13], $0x4000  }
0x59: {  	s28 =	simm.s32 $0x200;
	[sflag:s13] =	ssyncset.done $0x0  }
.LBB2_6:
0x5a: {  	s29 =	sshra.s32 s28, $0x2;
	[sflag:s13] =	ssyncadd.s32 $0xFFFFC000;
	p0 =	sne.s32 s28, $0x3E00  }
0x5b: {  	[spmem:s1] =	stream.indirect.scatter.add.f32 [tilespmem:s19], [sflag:$0x1], $0x80, s29, s25, $0xb8;
	[tilespmem:$0x1D000] =	vst v63  }
.Ltmp2:
0x5c: {  	_ = 	snop;
	(pc) =	sbr.rel @p0 .LBB2_6-.Ltmp2, $4  }
0x5d: {  	_ = 	snop  }
0x5e: {  	s28 =	sadd.s32 $0x200, s28  }
0x5f: {  	_ =	swait.ge [sflag:s13], $0x4000  }
0x60: {  	[sflag:s13] =	ssyncset.done $0x0  }
0x61: {  	[sflag:s13] =	ssyncadd.s32 $0xFFFFC000;
	s28 =	simm.s32 $0x0  }
0x62: {  	[tilespmem:s28], [sflag:$0x1] =	stream.linear.gather [hbm4b:s17+s28], $0x1000, $0x38;
	[tilespmem:$0x1D000] =	vst v63  }
0x63: {  	_ =	swait.ge [sflag:s13], $0x1000  }
0x64: {  	[sflag:s13] =	ssyncset.done $0x0  }
0x65: {  	s28 =	simm.s32 $0x0;
	[sflag:s13] =	ssyncadd.s32 $0xFFFFF000  }
0x66: {  	[spmem:s1] =	stream.indirect.scatter.add.f32 [tilespmem:s19], [sflag:$0x1], $0x80, s28, s25, $0xb8;
	[tilespmem:$0x1D000] =	vst v63  }
0x67: {  	_ =	swait.ge [sflag:s13], $0x4000  }
0x68: {  	s28 =	simm.s32 $0x200;
	[sflag:s13] =	ssyncset.done $0x0  }
.LBB2_8:
0x69: {  	s29 =	sshra.s32 s28, $0x2;
	[sflag:s13] =	ssyncadd.s32 $0xFFFFC000;
	p0 =	sne.s32 s28, $0x3E00  }
0x6a: {  	[spmem:s1] =	stream.indirect.scatter.add.f32 [tilespmem:s19], [sflag:$0x1], $0x80, s29, s25, $0xb8;
	[tilespmem:$0x1D000] =	vst v63  }
.Ltmp3:
0x6b: {  	_ = 	snop;
	(pc) =	sbr.rel @p0 .LBB2_8-.Ltmp3, $4  }
0x6c: {  	_ = 	snop  }
0x6d: {  	s28 =	sadd.s32 $0x200, s28  }
0x6e: {  	_ =	swait.ge [sflag:s13], $0x4000  }
0x6f: {  	[sflag:s13] =	ssyncset.done $0x0  }
0x70: {  	[sflag:s13] =	ssyncadd.s32 $0xFFFFC000;
	s28 =	simm.s32 $0x0  }
0x71: {  	[tilespmem:s28], [sflag:$0x1] =	stream.linear.gather [hbm4b:s18+s28], $0x1000, $0x38;
	[tilespmem:$0x1D000] =	vst v63  }
0x72: {  	_ =	swait.ge [sflag:s13], $0x1000  }
0x73: {  	[sflag:s13] =	ssyncset.done $0x0  }
0x74: {  	s28 =	simm.s32 $0x0;
	[sflag:s13] =	ssyncadd.s32 $0xFFFFF000  }
0x75: {  	[spmem:s1] =	stream.indirect.scatter.add.f32 [tilespmem:s19], [sflag:$0x1], $0x80, s28, s25, $0xb8;
	[tilespmem:$0x1D000] =	vst v63  }
0x76: {  	_ =	swait.ge [sflag:s13], $0x4000  }
0x77: {  	s28 =	simm.s32 $0x200;
	[sflag:s13] =	ssyncset.done $0x0  }
.LBB2_10:
0x78: {  	s29 =	sshra.s32 s28, $0x2;
	[sflag:s13] =	ssyncadd.s32 $0xFFFFC000;
	p0 =	sne.s32 s28, $0x3E00  }
0x79: {  	[spmem:s1] =	stream.indirect.scatter.add.f32 [tilespmem:s19], [sflag:$0x1], $0x80, s29, s25, $0xb8;
	[tilespmem:$0x1D000] =	vst v63  }
.Ltmp4:
0x7a: {  	_ = 	snop;
	(pc) =	sbr.rel @p0 .LBB2_10-.Ltmp4, $4  }
0x7b: {  	_ = 	snop  }
0x7c: {  	s28 =	sadd.s32 $0x200, s28  }
0x7d: {  	_ =	swait.ge [sflag:s13], $0x4000  }
0x7e: {  	[sflag:s13] =	ssyncset.done $0x0  }
0x7f: {  	[sflag:s13] =	ssyncadd.s32 $0xFFFFC000  }
0x80: {  	[bflag:$0x0] =	sbarrier.arrive $0xFFFF  }
0x81: {  	[tilespmem:s12], [sflag:$0x1] =	stream.linear.gather [spmem:s6], $0x4000, $0x38;
	[tilespmem:$0x1D000] =	vst v63  }
0x82: {  	_ =	swait.ge [sflag:s13], $0x4000  }
0x83: {  	[sflag:s13] =	ssyncset.done $0x0  }
0x84: {  	[sflag:s13] =	ssyncadd.s32 $0xFFFFC000  }
0x85: {  	[hbm4b:s20+s2] =	stream.linear.scatter [tilespmem:s12], [sflag:$0x1], $0x4000, $0x38;
	[tilespmem:$0x1D000] =	vst v63  }
0x86: {  	_ =	swait.ge [sflag:s13], $0x4000  }
0x87: {  	[sflag:s13] =	ssyncset.done $0x0  }
0x88: {  	[sflag:s13] =	ssyncadd.s32 $0xFFFFC000  }
0x89: {  	[tilespmem:s12], [sflag:$0x1] =	stream.linear.gather [spmem:s7], $0x4000, $0x38;
	[tilespmem:$0x1D000] =	vst v63  }
0x8a: {  	_ =	swait.ge [sflag:s13], $0x4000  }
0x8b: {  	[sflag:s13] =	ssyncset.done $0x0  }
0x8c: {  	[sflag:s13] =	ssyncadd.s32 $0xFFFFC000  }
0x8d: {  	[hbm4b:s21+s2] =	stream.linear.scatter [tilespmem:s12], [sflag:$0x1], $0x4000, $0x38;
	[tilespmem:$0x1D000] =	vst v63  }
0x8e: {  	_ =	swait.ge [sflag:s13], $0x4000  }
0x8f: {  	[sflag:s13] =	ssyncset.done $0x0  }
0x90: {  	[sflag:s13] =	ssyncadd.s32 $0xFFFFC000  }
0x91: {  	[tilespmem:s12], [sflag:$0x1] =	stream.linear.gather [spmem:s8], $0x4000, $0x38;
	[tilespmem:$0x1D000] =	vst v63  }
0x92: {  	_ =	swait.ge [sflag:s13], $0x4000  }
0x93: {  	[sflag:s13] =	ssyncset.done $0x0  }
0x94: {  	[sflag:s13] =	ssyncadd.s32 $0xFFFFC000  }
0x95: {  	[hbm4b:s22+s2] =	stream.linear.scatter [tilespmem:s12], [sflag:$0x1], $0x4000, $0x38;
	[tilespmem:$0x1D000] =	vst v63  }
0x96: {  	_ =	swait.ge [sflag:s13], $0x4000  }
0x97: {  	[sflag:s13] =	ssyncset.done $0x0  }
0x98: {  	[sflag:s13] =	ssyncadd.s32 $0xFFFFC000  }
0x99: {  	[tilespmem:s12], [sflag:$0x1] =	stream.linear.gather [spmem:s9], $0x4000, $0x38;
	[tilespmem:$0x1D000] =	vst v63  }
0x9a: {  	_ =	swait.ge [sflag:s13], $0x4000  }
0x9b: {  	[sflag:s13] =	ssyncset.done $0x0  }
0x9c: {  	[sflag:s13] =	ssyncadd.s32 $0xFFFFC000  }
0x9d: {  	[hbm4b:s23+s2] =	stream.linear.scatter [tilespmem:s12], [sflag:$0x1], $0x4000, $0x38;
	[tilespmem:$0x1D000] =	vst v63  }
0x9e: {  	_ =	swait.ge [sflag:s13], $0x4000  }
0x9f: {  	[sflag:s13] =	ssyncset.done $0x0  }
0xa0: {  	[sflag:s13] =	ssyncadd.s32 $0xFFFFC000  }
0xa1: {  	[tilespmem:s12], [sflag:$0x1] =	stream.linear.gather [spmem:s10], $0x4000, $0x38;
	[tilespmem:$0x1D000] =	vst v63  }
0xa2: {  	s26 =	sadd.s32 $0x1, s26;
	_ =	swait.ge [sflag:s13], $0x4000  }
0xa3: {  	p0 =	sne.s32 s26, s11;
	[sflag:s13] =	ssyncset.done $0x0  }
.Ltmp5:
0xa4: {  	[sflag:s13] =	ssyncadd.s32 $0xFFFFC000;
	(pc) =	sbr.rel @p0 .LBB2_1-.Ltmp5, $4  }
0xa5: {  	[hbm4b:s24+s2] =	stream.linear.scatter [tilespmem:s12], [sflag:$0x1], $0x4000, $0x38;
	[tilespmem:$0x1D000] =	vst v63  }
0xa6: {  	_ =	swait.ge [sflag:s13], $0x4000  }
0xa7: {  	[sflag:s13] =	ssyncset.done $0x0  }
0xa8: {  	[sflag:s13] =	ssyncadd.s32 $0xFFFFC000  }
0xa9: {  	_ =	sfence.sel $0x180000  }
0xaa: {  	[bflag:$0x0] =	sbarrier.arrive $0xFFFF  }
0xab: {  	p0 =	sne.s32 s3, $0x0;
	_ =	strace $0x90000047  }
0xac: {  	s0 =	sadd.s32 @!p0 $0x100000, s0;
	[bflag:$0x2] =	sbarrier.arrive $0xFFFF  }
0xad: {  	[sflag:s0] =	ssyncadd.tile.s32 @!p0 $0x1;
	_ =	shalt  }
.Lfunc_end2:
_tile_overlayer_lowered:
.L_overlay_start_2:
0xae: {  	(tag) =	ssettag $0x2  }
0xaf: {  	s0 =	rddreg [dreg:$0x0];
	s2 =	stileid.u32  }
0xb0: {  	s1 =	rddreg [dreg:$0x1];
	p0 =	sne.s32 s2, $0x0  }
0xb1: {  	s3 =	rddreg [dreg:$0x2];
	[bflag:$0x3] =	sbarrier.arrive $0xFFFF;
	s2 =	simm.s32 @!p0 $0x1C01  }
0xb2: {  	[timem:s3], [sflag:s2] =	dma.local @!p0 [hbm:s0], s1  }
0xb3: {  	s0 =	simm.s32 @!p0 $0x1  }
0xb4: {  	_ =	swait.ge @!p0 [sflag:s0], s1  }
0xb5: {  	s1 =	ssub.s32 @!p0 $0x0, s1;
	[sflag:s0] =	ssyncset.done @!p0 $0x0  }
0xb6: {  	[sflag:s0] =	ssyncadd.s32 @!p0 s1  }
0xb7: {  	[bflag:$0x3] =	sbarrier.arrive $0xFFFF  }
0xb8: {  	_ =	shalt  }

</sc_bundles>
